<compile_context>
chip_gen: v7x
topology: tpu7x:2x2x1
jax: 0.10.2.dev20260603
libtpu: 0.0.44.dev20260713+nightly
codegen_flags: <defaults>
</compile_context>

<pallas_src>
import functools

import jax
import jax.numpy as jnp
import numpy as np
from jax import lax
from jax.experimental import pallas as pl
from jax.experimental.pallas import tpu as pltpu
from jax.experimental.pallas import tpu_sc as plsc

N, E, D, L = 10000, 320000, 128, 3

NC, NS = 2, 16
NW = NC * NS
CHUNK = 40
CPT = E // (NW * CHUNK)
NB = 6
RPT = 624
RPT_LAST = N - (NS - 1) * RPT


@functools.cache
def _make_sc_agg():
    @functools.partial(
        pl.kernel,
        out_type=jax.ShapeDtypeStruct((NC, N, D), jnp.float32),
        mesh=plsc.VectorSubcoreMesh(core_axis_name="c", subcore_axis_name="s"),
        scratch_types=[
            pltpu.VMEM((CPT, CHUNK), jnp.int32),
            pltpu.VMEM((CPT, CHUNK), jnp.int32),
        ] + [pltpu.VMEM((CHUNK, D), jnp.float32) for _ in range(NB)] + [
            pltpu.VMEM_SHARED((N, D), jnp.float32),
        ] + [pltpu.SemaphoreType.DMA for _ in range(2 * NB + 2)],
        compiler_params=pltpu.CompilerParams(use_tc_tiling_on_sc=False),
    )
    def _sc_agg(src_hbm, dst_hbm, h_hbm, zeros_hbm, out_hbm,
                sidx_v, didx_v, *bufs):
        rows = bufs[:NB]
        agg_sh = bufs[NB]
        gsem = bufs[NB + 1:2 * NB + 1]
        ssem = bufs[2 * NB + 1:3 * NB + 1]
        zsem, isem = bufs[3 * NB + 1], bufs[3 * NB + 2]
        c = lax.axis_index("c")
        s = lax.axis_index("s")
        wid = s * NC + c

        @pl.when(s < NS - 1)
        def _():
            pltpu.async_copy(zeros_hbm.at[pl.ds(0, RPT)],
                             agg_sh.at[pl.ds(s * RPT, RPT)], zsem)

        @pl.when(s == NS - 1)
        def _():
            pltpu.async_copy(zeros_hbm,
                             agg_sh.at[pl.ds((NS - 1) * RPT, RPT_LAST)], zsem)
        pltpu.async_copy(src_hbm.at[wid], sidx_v, isem)
        pltpu.async_copy(dst_hbm.at[wid], didx_v, isem)
        pltpu.make_async_copy(src_hbm.at[wid], sidx_v, isem).wait()
        pltpu.make_async_copy(dst_hbm.at[wid], didx_v, isem).wait()
        for k in range(NB):
            pltpu.async_copy(h_hbm.at[sidx_v.at[k]], rows[k], gsem[k])

        @pl.when(s < NS - 1)
        def _():
            pltpu.make_async_copy(zeros_hbm.at[pl.ds(0, RPT)],
                                  agg_sh.at[pl.ds(s * RPT, RPT)], zsem).wait()

        @pl.when(s == NS - 1)
        def _():
            pltpu.make_async_copy(
                zeros_hbm, agg_sh.at[pl.ds((NS - 1) * RPT, RPT_LAST)],
                zsem).wait()
        plsc.subcore_barrier()

        NFULL = CPT // NB
        REM = CPT - NFULL * NB

        @pl.loop(0, NFULL)
        def _(u):
            t = NB * u
            for k in range(NB):
                pltpu.make_async_copy(
                    h_hbm.at[sidx_v.at[0]], rows[k], gsem[k]).wait()
                pltpu.async_copy(
                    rows[k], agg_sh.at[didx_v.at[t + k]], ssem[k], add=True)
            for k in range(NB):
                pltpu.make_async_copy(
                    rows[k], agg_sh.at[didx_v.at[0]], ssem[k]).wait()

                @pl.when(t + k + NB < CPT)
                def _():
                    pltpu.async_copy(
                        h_hbm.at[sidx_v.at[t + k + NB]], rows[k], gsem[k])

        for k in range(REM):
            pltpu.make_async_copy(
                h_hbm.at[sidx_v.at[0]], rows[k], gsem[k]).wait()
            pltpu.sync_copy(rows[k], agg_sh.at[didx_v.at[CPT - REM + k]],
                            add=True)
        plsc.subcore_barrier()

        @pl.when(s < NS - 1)
        def _():
            pltpu.sync_copy(agg_sh.at[pl.ds(s * RPT, RPT)],
                            out_hbm.at[c, pl.ds(s * RPT, RPT)])

        @pl.when(s == NS - 1)
        def _():
            pltpu.sync_copy(agg_sh.at[pl.ds((NS - 1) * RPT, RPT_LAST)],
                            out_hbm.at[c, pl.ds((NS - 1) * RPT, RPT_LAST)])

    return _sc_agg


_INV_SQRT2 = np.float32(1.0 / np.sqrt(2.0))


def _dot_t(x, w_ref):
    return lax.dot_general(x, w_ref[...], (((1,), (1,)), ((), ())),
                           preferred_element_type=jnp.float32)


def _gin_block(eps, h, p0, p1, w1_ref, b1_ref, w2_ref, b2_ref,
               lnw_ref, lnb_ref):
    z = (1.0 + eps) * h + p0 + p1
    a = jnp.maximum(_dot_t(z, w1_ref) + b1_ref[...], 0.0)
    z2 = _dot_t(a, w2_ref) + b2_ref[...]
    mu = jnp.mean(z2, axis=-1, keepdims=True)
    var = jnp.mean((z2 - mu) ** 2, axis=-1, keepdims=True)
    zn = (z2 - mu) / jnp.sqrt(var + 1e-5) * lnw_ref[...] + lnb_ref[...]
    return zn * 0.5 * (1.0 + lax.erf(zn * _INV_SQRT2))


def _layer_body(eps_ref, h_ref, p_ref, w1_ref, b1_ref, w2_ref, b2_ref,
                lnw_ref, lnb_ref, o_ref):
    h = h_ref[...]
    g = _gin_block(eps_ref[0, 0], h, p_ref[0], p_ref[1], w1_ref, b1_ref,
                   w2_ref, b2_ref, lnw_ref, lnb_ref)
    o_ref[...] = g + h


def _tc_layer(h, p, eps_i, w1t, b1, w2t, b2, lnw_i, lnb_i, block_n):
    grid = (N // block_n,)
    return pl.pallas_call(
        _layer_body,
        grid=grid,
        in_specs=[
            pl.BlockSpec(memory_space=pltpu.SMEM),
            pl.BlockSpec((block_n, D), lambda i: (i, 0)),
            pl.BlockSpec((NC, block_n, D), lambda i: (0, i, 0)),
            pl.BlockSpec((D, D), lambda i: (0, 0)),
            pl.BlockSpec((1, D), lambda i: (0, 0)),
            pl.BlockSpec((D, D), lambda i: (0, 0)),
            pl.BlockSpec((1, D), lambda i: (0, 0)),
            pl.BlockSpec((1, D), lambda i: (0, 0)),
            pl.BlockSpec((1, D), lambda i: (0, 0)),
        ],
        out_specs=pl.BlockSpec((block_n, D), lambda i: (i, 0)),
        out_shape=jax.ShapeDtypeStruct((N, D), jnp.float32),
        compiler_params=pltpu.CompilerParams(
            dimension_semantics=("arbitrary",)),
    )(eps_i, h, p, w1t, b1, w2t, b2, lnw_i, lnb_i)


def _last_body(eps_ref, h1_ref, h_ref, p_ref, w1_ref, b1_ref, w2_ref, b2_ref,
               lnw_ref, lnb_ref, lnwf_ref, lnbf_ref, wp_ref, bp_ref, o_ref):
    h = h_ref[...]
    g = _gin_block(eps_ref[0, 0], h, p_ref[0], p_ref[1], w1_ref, b1_ref,
                   w2_ref, b2_ref, lnw_ref, lnb_ref)
    ssum = h1_ref[...] + 2.0 * h + g
    mu = jnp.mean(ssum, axis=-1, keepdims=True)
    var = jnp.mean((ssum - mu) ** 2, axis=-1, keepdims=True)
    zn = (ssum - mu) / jnp.sqrt(var + 1e-5) * lnwf_ref[...] + lnbf_ref[...]
    o_ref[...] = _dot_t(zn, wp_ref) + bp_ref[...]


def _tc_last(h1, h, p, eps_i, w1, b1, w2, b2, lnw_i, lnb_i,
             lnw_f, lnb_f, wp, bp, block_n):
    grid = (N // block_n,)
    row = pl.BlockSpec((block_n, D), lambda i: (i, 0))
    cst = pl.BlockSpec((1, D), lambda i: (0, 0))
    mat = pl.BlockSpec((D, D), lambda i: (0, 0))
    return pl.pallas_call(
        _last_body,
        grid=grid,
        in_specs=[pl.BlockSpec(memory_space=pltpu.SMEM), row, row,
                  pl.BlockSpec((NC, block_n, D), lambda i: (0, i, 0)),
                  mat, cst, mat, cst, cst, cst, cst, cst, mat, cst],
        out_specs=row,
        out_shape=jax.ShapeDtypeStruct((N, D), jnp.float32),
        compiler_params=pltpu.CompilerParams(
            dimension_semantics=("arbitrary",)),
    )(eps_i, h1, h, p, w1, b1, w2, b2, lnw_i, lnb_i, lnw_f, lnb_f, wp, bp)


def kernel(x, edge_index, W1, b1, W2, b2, eps, lnw, lnb, lnw_f, lnb_f, Wp, bp):
    ei = edge_index.astype(jnp.int32).reshape(2, NW, CPT, CHUNK)
    src3d, dst3d = ei[0], ei[1]
    zeros = jnp.zeros((RPT_LAST, D), jnp.float32)
    b1r = b1.reshape(L, 1, D)
    b2r = b2.reshape(L, 1, D)
    lnwr = lnw.reshape(L, 1, D)
    lnbr = lnb.reshape(L, 1, D)
    epsr = eps.reshape(L, 1, 1)

    block_n = 2000
    h = x
    hs = []
    for i in range(L - 1):
        p = _make_sc_agg()(src3d, dst3d, h, zeros)
        h = _tc_layer(h, p, epsr[i], W1[i], b1r[i], W2[i], b2r[i],
                      lnwr[i], lnbr[i], block_n)
        hs.append(h)
    p = _make_sc_agg()(src3d, dst3d, h, zeros)
    return _tc_last(hs[0], h, p, epsr[2], W1[2], b1r[2], W2[2], b2r[2],
                    lnwr[2], lnbr[2], lnw_f.reshape(1, D),
                    lnb_f.reshape(1, D), Wp, bp.reshape(1, D), block_n)

# --- scband reference (transcript-rebuilt; emitter-appended) ---
"""Pipeline reference for scband-ginencoder-19636590478048 (READ-ONLY COPY).

The authoritative reference and input builder live on the scoring server;
editing this copy changes nothing except your own understanding.
"""

import jax, jax.numpy as jnp
import numpy as np

N, E, D, L = 10000, 320000, 128, 3


def setup_inputs(seed: int = 0) -> dict:
    key = jax.random.key(seed)
    ks = jax.random.split(key, 8)
    scale = 1.0 / np.sqrt(D)
    x = jax.random.normal(ks[0], (N, D), dtype=jnp.float32)
    edge_index = jax.random.randint(ks[1], (2, E), 0, N, dtype=jnp.int64)
    W1 = jax.random.normal(ks[2], (L, D, D), dtype=jnp.float32) * scale
    b1 = jnp.zeros((L, D), dtype=jnp.float32)
    W2 = jax.random.normal(ks[3], (L, D, D), dtype=jnp.float32) * scale
    b2 = jnp.zeros((L, D), dtype=jnp.float32)
    eps = jnp.zeros((L,), dtype=jnp.float32)
    lnw = jnp.ones((L, D), dtype=jnp.float32)
    lnb = jnp.zeros((L, D), dtype=jnp.float32)
    lnw_f = jnp.ones((D,), dtype=jnp.float32)
    lnb_f = jnp.zeros((D,), dtype=jnp.float32)
    Wp = jax.random.normal(ks[4], (D, D), dtype=jnp.float32) * scale
    bp = jnp.zeros((D,), dtype=jnp.float32)
    return {"x": x, "edge_index": edge_index, "W1": W1, "b1": b1, "W2": W2,
            "b2": b2, "eps": eps, "lnw": lnw, "lnb": lnb, "lnw_f": lnw_f,
            "lnb_f": lnb_f, "Wp": Wp, "bp": bp}


def _layernorm(z, w, b):
    mu = jnp.mean(z, axis=-1, keepdims=True)
    var = jnp.mean((z - mu) ** 2, axis=-1, keepdims=True)
    return (z - mu) / jnp.sqrt(var + 1e-5) * w + b


def reference(x, edge_index, W1, b1, W2, b2, eps, lnw, lnb, lnw_f, lnb_f, Wp, bp):
    # GINEncoder forward, batch=None -> LayerNorm path, dropout=0 (eval),
    # residual=True with in_ch==hidden_ch (no input projection), jk_mode='sum'.
    src = edge_index[0]
    dst = edge_index[1]
    h = x
    xs = []
    for i in range(L):
        # GINConv: sum-aggregate neighbor features (scatter-add), then MLP
        agg = jnp.zeros_like(h).at[dst].add(h[src])
        z = (1.0 + eps[i]) * h + agg
        z = jnp.maximum(z @ W1[i].T + b1[i], 0.0) @ W2[i].T + b2[i]
        z = _layernorm(z, lnw[i], lnb[i])
        z = jax.nn.gelu(z, approximate=False)
        h = z + h  # residual
        xs.append(h)
    h_out = xs[0] + xs[1] + xs[2]  # JK 'sum'
    h_out = _layernorm(h_out, lnw_f, lnb_f)
    return h_out @ Wp.T + bp

if __name__ == "__main__":
    import jax
    _d = setup_inputs()
    print(jax.jit(kernel)(*tuple(_d.values())))

</pallas_src>

<mosaic_0001>
#map = affine_map<(d0, d1) -> (0, 0, 0)>
#map1 = affine_map<(d0, d1) -> (0, 0)>
module attributes {stable_mosaic.version = 14 : i64} {
  func.func @_sc_agg(%arg0: i32, %arg1: i32, %arg2: memref<32x250x40xi32, #tpu.memory_space<hbm>>, %arg3: memref<32x250x40xi32, #tpu.memory_space<hbm>>, %arg4: memref<10000x128xf32, #tpu.memory_space<hbm>>, %arg5: memref<640x128xf32, #tpu.memory_space<hbm>>, %arg6: memref<2x10000x128xf32, #tpu.memory_space<hbm>>, %arg7: memref<250x40xi32, #tpu.memory_space<vmem>>, %arg8: memref<250x40xi32, #tpu.memory_space<vmem>>, %arg9: memref<40x128xf32, #tpu.memory_space<vmem>>, %arg10: memref<40x128xf32, #tpu.memory_space<vmem>>, %arg11: memref<40x128xf32, #tpu.memory_space<vmem>>, %arg12: memref<40x128xf32, #tpu.memory_space<vmem>>, %arg13: memref<40x128xf32, #tpu.memory_space<vmem>>, %arg14: memref<40x128xf32, #tpu.memory_space<vmem>>, %arg15: memref<10000x128xf32, #tpu.memory_space<vmem_shared>>, %arg16: memref<!tpu.dma_semaphore, #tpu.memory_space<semaphore_mem>>, %arg17: memref<!tpu.dma_semaphore, #tpu.memory_space<semaphore_mem>>, %arg18: memref<!tpu.dma_semaphore, #tpu.memory_space<semaphore_mem>>, %arg19: memref<!tpu.dma_semaphore, #tpu.memory_space<semaphore_mem>>, %arg20: memref<!tpu.dma_semaphore, #tpu.memory_space<semaphore_mem>>, %arg21: memref<!tpu.dma_semaphore, #tpu.memory_space<semaphore_mem>>, %arg22: memref<!tpu.dma_semaphore, #tpu.memory_space<semaphore_mem>>, %arg23: memref<!tpu.dma_semaphore, #tpu.memory_space<semaphore_mem>>, %arg24: memref<!tpu.dma_semaphore, #tpu.memory_space<semaphore_mem>>, %arg25: memref<!tpu.dma_semaphore, #tpu.memory_space<semaphore_mem>>, %arg26: memref<!tpu.dma_semaphore, #tpu.memory_space<semaphore_mem>>, %arg27: memref<!tpu.dma_semaphore, #tpu.memory_space<semaphore_mem>>, %arg28: memref<!tpu.dma_semaphore, #tpu.memory_space<semaphore_mem>>, %arg29: memref<!tpu.dma_semaphore, #tpu.memory_space<semaphore_mem>>) attributes {dimension_semantics = [#tpu.dimension_semantics<core_parallel>, #tpu.dimension_semantics<subcore_parallel>], iteration_bounds = array<i64: 2, 16>, scalar_prefetch = 0 : i64, scratch_operands = 23 : i64, tpu.core_type = #tpu.core_type<sc_vector_subcore>, window_params = [{transform_indices = #map}, {transform_indices = #map}, {transform_indices = #map1}, {transform_indices = #map1}, {transform_indices = #map}]} {
    %mul3A = arith.constant 2 : i32
    %mul3A_0 = arith.muli %arg1, %mul3A : i32
    %add3A = arith.addi %mul3A_0, %arg0 : i32
    %lt3A = arith.constant 15 : i32
    %lt3A_1 = arith.cmpi slt, %arg1, %lt3A : i32
    %convert_element_type3A = arith.extui %lt3A_1 : i1 to i32
    %cond3A = arith.constant 0 : i32
    %cond3A_2 = arith.cmpi ne, %convert_element_type3A, %cond3A : i32
    scf.if %cond3A_2 {
      %mul3A_135 = arith.constant 624 : i32
      %mul3A_136 = arith.muli %arg1, %mul3A_135 : i32
      %dma_start3A_137 = arith.constant 0 : i32
      %dma_start3A_138 = tpu.memref_slice %arg15[%mul3A_136, %dma_start3A_137] : memref<10000x128xf32, #tpu.memory_space<vmem_shared>> -> memref<624x128xf32, #tpu.memory_space<vmem_shared>>
      %dma_start3A_139 = arith.constant 0 : i32
      %dma_start3A_140 = arith.constant 0 : i32
      %dma_start3A_141 = tpu.memref_slice %arg5[%dma_start3A_139, %dma_start3A_140] : memref<640x128xf32, #tpu.memory_space<hbm>> -> memref<624x128xf32, #tpu.memory_space<hbm>>
      tpu.enqueue_dma source(%dma_start3A_141 : memref<624x128xf32, #tpu.memory_space<hbm>>) target(%dma_start3A_138 : memref<624x128xf32, #tpu.memory_space<vmem_shared>>) target_semaphore(%arg28 : memref<!tpu.dma_semaphore, #tpu.memory_space<semaphore_mem>>)
    } else {
    }
    %eq3A = arith.constant 15 : i32
    %eq3A_3 = arith.cmpi eq, %arg1, %eq3A : i32
    %convert_element_type3A_4 = arith.extui %eq3A_3 : i1 to i32
    %cond3A_5 = arith.constant 0 : i32
    %cond3A_6 = arith.cmpi ne, %convert_element_type3A_4, %cond3A_5 : i32
    scf.if %cond3A_6 {
      %dma_start3A_135 = arith.constant 9360 : i32
      %dma_start3A_136 = arith.constant 0 : i32
      %dma_start3A_137 = tpu.memref_slice %arg15[%dma_start3A_135, %dma_start3A_136] : memref<10000x128xf32, #tpu.memory_space<vmem_shared>> -> memref<640x128xf32, #tpu.memory_space<vmem_shared>>
      tpu.enqueue_dma source(%arg5 : memref<640x128xf32, #tpu.memory_space<hbm>>) target(%dma_start3A_137 : memref<640x128xf32, #tpu.memory_space<vmem_shared>>) target_semaphore(%arg28 : memref<!tpu.dma_semaphore, #tpu.memory_space<semaphore_mem>>)
    } else {
    }
    %dma_start3A = arith.constant 0 : i32
    %dma_start3A_7 = arith.constant 0 : i32
    %dma_start3A_8 = tpu.memref_slice %arg2[%add3A, %dma_start3A, %dma_start3A_7] : memref<32x250x40xi32, #tpu.memory_space<hbm>> -> memref<1x250x40xi32, #tpu.memory_space<hbm>>
    %dma_start3A_9 = tpu.memref_squeeze %dma_start3A_8 : memref<1x250x40xi32, #tpu.memory_space<hbm>> -> memref<250x40xi32, #tpu.memory_space<hbm>>
    %dma_start3A_10 = arith.constant 0 : i32
    %dma_start3A_11 = arith.constant 0 : i32
    %dma_start3A_12 = tpu.memref_slice %arg2[%add3A, %dma_start3A_10, %dma_start3A_11] : memref<32x250x40xi32, #tpu.memory_space<hbm>> -> memref<1x250x40xi32, #tpu.memory_space<hbm>>
    %dma_start3A_13 = tpu.memref_squeeze %dma_start3A_12 : memref<1x250x40xi32, #tpu.memory_space<hbm>> -> memref<250x40xi32, #tpu.memory_space<hbm>>
    tpu.enqueue_dma source(%dma_start3A_13 : memref<250x40xi32, #tpu.memory_space<hbm>>) target(%arg7 : memref<250x40xi32, #tpu.memory_space<vmem>>) target_semaphore(%arg29 : memref<!tpu.dma_semaphore, #tpu.memory_space<semaphore_mem>>)
    %dma_start3A_14 = arith.constant 0 : i32
    %dma_start3A_15 = arith.constant 0 : i32
    %dma_start3A_16 = tpu.memref_slice %arg3[%add3A, %dma_start3A_14, %dma_start3A_15] : memref<32x250x40xi32, #tpu.memory_space<hbm>> -> memref<1x250x40xi32, #tpu.memory_space<hbm>>
    %dma_start3A_17 = tpu.memref_squeeze %dma_start3A_16 : memref<1x250x40xi32, #tpu.memory_space<hbm>> -> memref<250x40xi32, #tpu.memory_space<hbm>>
    %dma_start3A_18 = arith.constant 0 : i32
    %dma_start3A_19 = arith.constant 0 : i32
    %dma_start3A_20 = tpu.memref_slice %arg3[%add3A, %dma_start3A_18, %dma_start3A_19] : memref<32x250x40xi32, #tpu.memory_space<hbm>> -> memref<1x250x40xi32, #tpu.memory_space<hbm>>
    %dma_start3A_21 = tpu.memref_squeeze %dma_start3A_20 : memref<1x250x40xi32, #tpu.memory_space<hbm>> -> memref<250x40xi32, #tpu.memory_space<hbm>>
    tpu.enqueue_dma source(%dma_start3A_21 : memref<250x40xi32, #tpu.memory_space<hbm>>) target(%arg8 : memref<250x40xi32, #tpu.memory_space<vmem>>) target_semaphore(%arg29 : memref<!tpu.dma_semaphore, #tpu.memory_space<semaphore_mem>>)
    %dma_wait3A = arith.constant 0 : i32
    %dma_wait3A_22 = arith.constant 0 : i32
    %dma_wait3A_23 = tpu.memref_slice %arg2[%add3A, %dma_wait3A, %dma_wait3A_22] : memref<32x250x40xi32, #tpu.memory_space<hbm>> -> memref<1x250x40xi32, #tpu.memory_space<hbm>>
    %dma_wait3A_24 = tpu.memref_squeeze %dma_wait3A_23 : memref<1x250x40xi32, #tpu.memory_space<hbm>> -> memref<250x40xi32, #tpu.memory_space<hbm>>
    %dma_wait3A_25 = arith.constant 0 : i32
    %dma_wait3A_26 = arith.constant 0 : i32
    %dma_wait3A_27 = tpu.memref_slice %arg2[%add3A, %dma_wait3A_25, %dma_wait3A_26] : memref<32x250x40xi32, #tpu.memory_space<hbm>> -> memref<1x250x40xi32, #tpu.memory_space<hbm>>
    %dma_wait3A_28 = tpu.memref_squeeze %dma_wait3A_27 : memref<1x250x40xi32, #tpu.memory_space<hbm>> -> memref<250x40xi32, #tpu.memory_space<hbm>>
    tpu.wait_dma2 semaphore(%arg29 : memref<!tpu.dma_semaphore, #tpu.memory_space<semaphore_mem>>) src(%dma_wait3A_28 : memref<250x40xi32, #tpu.memory_space<hbm>>) dst(%arg7 : memref<250x40xi32, #tpu.memory_space<vmem>>)
    %dma_wait3A_29 = arith.constant 0 : i32
    %dma_wait3A_30 = arith.constant 0 : i32
    %dma_wait3A_31 = tpu.memref_slice %arg3[%add3A, %dma_wait3A_29, %dma_wait3A_30] : memref<32x250x40xi32, #tpu.memory_space<hbm>> -> memref<1x250x40xi32, #tpu.memory_space<hbm>>
    %dma_wait3A_32 = tpu.memref_squeeze %dma_wait3A_31 : memref<1x250x40xi32, #tpu.memory_space<hbm>> -> memref<250x40xi32, #tpu.memory_space<hbm>>
    %dma_wait3A_33 = arith.constant 0 : i32
    %dma_wait3A_34 = arith.constant 0 : i32
    %dma_wait3A_35 = tpu.memref_slice %arg3[%add3A, %dma_wait3A_33, %dma_wait3A_34] : memref<32x250x40xi32, #tpu.memory_space<hbm>> -> memref<1x250x40xi32, #tpu.memory_space<hbm>>
    %dma_wait3A_36 = tpu.memref_squeeze %dma_wait3A_35 : memref<1x250x40xi32, #tpu.memory_space<hbm>> -> memref<250x40xi32, #tpu.memory_space<hbm>>
    tpu.wait_dma2 semaphore(%arg29 : memref<!tpu.dma_semaphore, #tpu.memory_space<semaphore_mem>>) src(%dma_wait3A_36 : memref<250x40xi32, #tpu.memory_space<hbm>>) dst(%arg8 : memref<250x40xi32, #tpu.memory_space<vmem>>)
    %dma_start3A_37 = arith.constant 0 : i32
    %dma_start3A_38 = arith.constant 0 : i32
    %dma_start3A_39 = tpu.memref_slice %arg7[%dma_start3A_37, %dma_start3A_38] : memref<250x40xi32, #tpu.memory_space<vmem>> -> memref<1x40xi32, #tpu.memory_space<vmem>>
    %dma_start3A_40 = tpu.memref_squeeze %dma_start3A_39 : memref<1x40xi32, #tpu.memory_space<vmem>> -> memref<40xi32, #tpu.memory_space<vmem>>
    %dma_start3A_41 = arith.constant 0 : i32
    %dma_start3A_42 = arith.constant 0 : i32
    %dma_start3A_43 = tpu.memref_slice %arg4[%dma_start3A_41, %dma_start3A_42] : memref<10000x128xf32, #tpu.memory_space<hbm>> -> memref<10000x128xf32, #tpu.memory_space<hbm>>
    tpu.enqueue_indirect_dma source(%dma_start3A_43 : memref<10000x128xf32, #tpu.memory_space<hbm>>) target(%arg9 : memref<40x128xf32, #tpu.memory_space<vmem>>) offsets(%dma_start3A_40 : memref<40xi32, #tpu.memory_space<vmem>>) semaphore(%arg16 : memref<!tpu.dma_semaphore, #tpu.memory_space<semaphore_mem>>)
    %dma_start3A_44 = arith.constant 1 : i32
    %dma_start3A_45 = arith.constant 0 : i32
    %dma_start3A_46 = tpu.memref_slice %arg7[%dma_start3A_44, %dma_start3A_45] : memref<250x40xi32, #tpu.memory_space<vmem>> -> memref<1x40xi32, #tpu.memory_space<vmem>>
    %dma_start3A_47 = tpu.memref_squeeze %dma_start3A_46 : memref<1x40xi32, #tpu.memory_space<vmem>> -> memref<40xi32, #tpu.memory_space<vmem>>
    %dma_start3A_48 = arith.constant 0 : i32
    %dma_start3A_49 = arith.constant 0 : i32
    %dma_start3A_50 = tpu.memref_slice %arg4[%dma_start3A_48, %dma_start3A_49] : memref<10000x128xf32, #tpu.memory_space<hbm>> -> memref<10000x128xf32, #tpu.memory_space<hbm>>
    tpu.enqueue_indirect_dma source(%dma_start3A_50 : memref<10000x128xf32, #tpu.memory_space<hbm>>) target(%arg10 : memref<40x128xf32, #tpu.memory_space<vmem>>) offsets(%dma_start3A_47 : memref<40xi32, #tpu.memory_space<vmem>>) semaphore(%arg17 : memref<!tpu.dma_semaphore, #tpu.memory_space<semaphore_mem>>)
    %dma_start3A_51 = arith.constant 2 : i32
    %dma_start3A_52 = arith.constant 0 : i32
    %dma_start3A_53 = tpu.memref_slice %arg7[%dma_start3A_51, %dma_start3A_52] : memref<250x40xi32, #tpu.memory_space<vmem>> -> memref<1x40xi32, #tpu.memory_space<vmem>>
    %dma_start3A_54 = tpu.memref_squeeze %dma_start3A_53 : memref<1x40xi32, #tpu.memory_space<vmem>> -> memref<40xi32, #tpu.memory_space<vmem>>
    %dma_start3A_55 = arith.constant 0 : i32
    %dma_start3A_56 = arith.constant 0 : i32
    %dma_start3A_57 = tpu.memref_slice %arg4[%dma_start3A_55, %dma_start3A_56] : memref<10000x128xf32, #tpu.memory_space<hbm>> -> memref<10000x128xf32, #tpu.memory_space<hbm>>
    tpu.enqueue_indirect_dma source(%dma_start3A_57 : memref<10000x128xf32, #tpu.memory_space<hbm>>) target(%arg11 : memref<40x128xf32, #tpu.memory_space<vmem>>) offsets(%dma_start3A_54 : memref<40xi32, #tpu.memory_space<vmem>>) semaphore(%arg18 : memref<!tpu.dma_semaphore, #tpu.memory_space<semaphore_mem>>)
    %dma_start3A_58 = arith.constant 3 : i32
    %dma_start3A_59 = arith.constant 0 : i32
    %dma_start3A_60 = tpu.memref_slice %arg7[%dma_start3A_58, %dma_start3A_59] : memref<250x40xi32, #tpu.memory_space<vmem>> -> memref<1x40xi32, #tpu.memory_space<vmem>>
    %dma_start3A_61 = tpu.memref_squeeze %dma_start3A_60 : memref<1x40xi32, #tpu.memory_space<vmem>> -> memref<40xi32, #tpu.memory_space<vmem>>
    %dma_start3A_62 = arith.constant 0 : i32
    %dma_start3A_63 = arith.constant 0 : i32
    %dma_start3A_64 = tpu.memref_slice %arg4[%dma_start3A_62, %dma_start3A_63] : memref<10000x128xf32, #tpu.memory_space<hbm>> -> memref<10000x128xf32, #tpu.memory_space<hbm>>
    tpu.enqueue_indirect_dma source(%dma_start3A_64 : memref<10000x128xf32, #tpu.memory_space<hbm>>) target(%arg12 : memref<40x128xf32, #tpu.memory_space<vmem>>) offsets(%dma_start3A_61 : memref<40xi32, #tpu.memory_space<vmem>>) semaphore(%arg19 : memref<!tpu.dma_semaphore, #tpu.memory_space<semaphore_mem>>)
    %dma_start3A_65 = arith.constant 4 : i32
    %dma_start3A_66 = arith.constant 0 : i32
    %dma_start3A_67 = tpu.memref_slice %arg7[%dma_start3A_65, %dma_start3A_66] : memref<250x40xi32, #tpu.memory_space<vmem>> -> memref<1x40xi32, #tpu.memory_space<vmem>>
    %dma_start3A_68 = tpu.memref_squeeze %dma_start3A_67 : memref<1x40xi32, #tpu.memory_space<vmem>> -> memref<40xi32, #tpu.memory_space<vmem>>
    %dma_start3A_69 = arith.constant 0 : i32
    %dma_start3A_70 = arith.constant 0 : i32
    %dma_start3A_71 = tpu.memref_slice %arg4[%dma_start3A_69, %dma_start3A_70] : memref<10000x128xf32, #tpu.memory_space<hbm>> -> memref<10000x128xf32, #tpu.memory_space<hbm>>
    tpu.enqueue_indirect_dma source(%dma_start3A_71 : memref<10000x128xf32, #tpu.memory_space<hbm>>) target(%arg13 : memref<40x128xf32, #tpu.memory_space<vmem>>) offsets(%dma_start3A_68 : memref<40xi32, #tpu.memory_space<vmem>>) semaphore(%arg20 : memref<!tpu.dma_semaphore, #tpu.memory_space<semaphore_mem>>)
    %dma_start3A_72 = arith.constant 5 : i32
    %dma_start3A_73 = arith.constant 0 : i32
    %dma_start3A_74 = tpu.memref_slice %arg7[%dma_start3A_72, %dma_start3A_73] : memref<250x40xi32, #tpu.memory_space<vmem>> -> memref<1x40xi32, #tpu.memory_space<vmem>>
    %dma_start3A_75 = tpu.memref_squeeze %dma_start3A_74 : memref<1x40xi32, #tpu.memory_space<vmem>> -> memref<40xi32, #tpu.memory_space<vmem>>
    %dma_start3A_76 = arith.constant 0 : i32
    %dma_start3A_77 = arith.constant 0 : i32
    %dma_start3A_78 = tpu.memref_slice %arg4[%dma_start3A_76, %dma_start3A_77] : memref<10000x128xf32, #tpu.memory_space<hbm>> -> memref<10000x128xf32, #tpu.memory_space<hbm>>
    tpu.enqueue_indirect_dma source(%dma_start3A_78 : memref<10000x128xf32, #tpu.memory_space<hbm>>) target(%arg14 : memref<40x128xf32, #tpu.memory_space<vmem>>) offsets(%dma_start3A_75 : memref<40xi32, #tpu.memory_space<vmem>>) semaphore(%arg21 : memref<!tpu.dma_semaphore, #tpu.memory_space<semaphore_mem>>)
    %lt3A_79 = arith.constant 15 : i32
    %lt3A_80 = arith.cmpi slt, %arg1, %lt3A_79 : i32
    %convert_element_type3A_81 = arith.extui %lt3A_80 : i1 to i32
    %cond3A_82 = arith.constant 0 : i32
    %cond3A_83 = arith.cmpi ne, %convert_element_type3A_81, %cond3A_82 : i32
    scf.if %cond3A_83 {
      %mul3A_135 = arith.constant 624 : i32
      %mul3A_136 = arith.muli %arg1, %mul3A_135 : i32
      %dma_wait3A_137 = arith.constant 0 : i32
      %dma_wait3A_138 = tpu.memref_slice %arg15[%mul3A_136, %dma_wait3A_137] : memref<10000x128xf32, #tpu.memory_space<vmem_shared>> -> memref<624x128xf32, #tpu.memory_space<vmem_shared>>
      %dma_wait3A_139 = arith.constant 0 : i32
      %dma_wait3A_140 = arith.constant 0 : i32
      %dma_wait3A_141 = tpu.memref_slice %arg5[%dma_wait3A_139, %dma_wait3A_140] : memref<640x128xf32, #tpu.memory_space<hbm>> -> memref<624x128xf32, #tpu.memory_space<hbm>>
      tpu.wait_dma2 semaphore(%arg28 : memref<!tpu.dma_semaphore, #tpu.memory_space<semaphore_mem>>) src(%dma_wait3A_141 : memref<624x128xf32, #tpu.memory_space<hbm>>) dst(%dma_wait3A_138 : memref<624x128xf32, #tpu.memory_space<vmem_shared>>)
    } else {
    }
    %eq3A_84 = arith.constant 15 : i32
    %eq3A_85 = arith.cmpi eq, %arg1, %eq3A_84 : i32
    %convert_element_type3A_86 = arith.extui %eq3A_85 : i1 to i32
    %cond3A_87 = arith.constant 0 : i32
    %cond3A_88 = arith.cmpi ne, %convert_element_type3A_86, %cond3A_87 : i32
    scf.if %cond3A_88 {
      %dma_wait3A_135 = arith.constant 9360 : i32
      %dma_wait3A_136 = arith.constant 0 : i32
      %dma_wait3A_137 = tpu.memref_slice %arg15[%dma_wait3A_135, %dma_wait3A_136] : memref<10000x128xf32, #tpu.memory_space<vmem_shared>> -> memref<640x128xf32, #tpu.memory_space<vmem_shared>>
      tpu.wait_dma2 semaphore(%arg28 : memref<!tpu.dma_semaphore, #tpu.memory_space<semaphore_mem>>) src(%arg5 : memref<640x128xf32, #tpu.memory_space<hbm>>) dst(%dma_wait3A_137 : memref<640x128xf32, #tpu.memory_space<vmem_shared>>)
    } else {
    }
    %barrier3A = arith.constant 0 : index
    tpu.barrier barrier_id(%barrier3A)
    %scan3A = arith.constant 0 : i32
    %scan3A_89 = arith.constant 41 : i32
    %scan3A_90 = arith.addi %scan3A, %scan3A_89 : i32
    %scan3A_91 = arith.constant 1 : i32
    scf.for %scan3A_135 = %scan3A to %scan3A_90 step %scan3A_91  : i32 {
      %mul3A_136 = arith.constant 1 : i32
      %mul3A_137 = arith.muli %scan3A_135, %mul3A_136 : i32
      %add3A_138 = arith.constant 0 : i32
      %add3A_139 = arith.addi %add3A_138, %mul3A_137 : i32
      %mul3A_140 = arith.constant 6 : i32
      %mul3A_141 = arith.muli %mul3A_140, %add3A_139 : i32
      %dma_wait3A_142 = arith.constant 0 : i32
      %dma_wait3A_143 = arith.constant 0 : i32
      %dma_wait3A_144 = tpu.memref_slice %arg7[%dma_wait3A_142, %dma_wait3A_143] : memref<250x40xi32, #tpu.memory_space<vmem>> -> memref<1x40xi32, #tpu.memory_space<vmem>>
      %dma_wait3A_145 = tpu.memref_squeeze %dma_wait3A_144 : memref<1x40xi32, #tpu.memory_space<vmem>> -> memref<40xi32, #tpu.memory_space<vmem>>
      %dma_wait3A_146 = arith.constant 0 : i32
      %dma_wait3A_147 = arith.constant 0 : i32
      %dma_wait3A_148 = tpu.memref_slice %arg4[%dma_wait3A_146, %dma_wait3A_147] : memref<10000x128xf32, #tpu.memory_space<hbm>> -> memref<10000x128xf32, #tpu.memory_space<hbm>>
      tpu.wait_indirect_dma semaphore(%arg16 : memref<!tpu.dma_semaphore, #tpu.memory_space<semaphore_mem>>) src(%dma_wait3A_148 : memref<10000x128xf32, #tpu.memory_space<hbm>>) dst(%arg9 : memref<40x128xf32, #tpu.memory_space<vmem>>)
      %add3A_149 = arith.constant 0 : i32
      %add3A_150 = arith.addi %mul3A_141, %add3A_149 : i32
      %dma_start3A_151 = arith.constant 0 : i32
      %dma_start3A_152 = tpu.memref_slice %arg8[%add3A_150, %dma_start3A_151] : memref<250x40xi32, #tpu.memory_space<vmem>> -> memref<1x40xi32, #tpu.memory_space<vmem>>
      %dma_start3A_153 = tpu.memref_squeeze %dma_start3A_152 : memref<1x40xi32, #tpu.memory_space<vmem>> -> memref<40xi32, #tpu.memory_space<vmem>>
      %dma_start3A_154 = arith.constant 0 : i32
      %dma_start3A_155 = arith.constant 0 : i32
      %dma_start3A_156 = tpu.memref_slice %arg15[%dma_start3A_154, %dma_start3A_155] : memref<10000x128xf32, #tpu.memory_space<vmem_shared>> -> memref<10000x128xf32, #tpu.memory_space<vmem_shared>>
      tpu.enqueue_indirect_dma source(%arg9 : memref<40x128xf32, #tpu.memory_space<vmem>>) target(%dma_start3A_156 : memref<10000x128xf32, #tpu.memory_space<vmem_shared>>) offsets(%dma_start3A_153 : memref<40xi32, #tpu.memory_space<vmem>>) semaphore(%arg22 : memref<!tpu.dma_semaphore, #tpu.memory_space<semaphore_mem>>) {add = true}
      %dma_wait3A_157 = arith.constant 0 : i32
      %dma_wait3A_158 = arith.constant 0 : i32
      %dma_wait3A_159 = tpu.memref_slice %arg7[%dma_wait3A_157, %dma_wait3A_158] : memref<250x40xi32, #tpu.memory_space<vmem>> -> memref<1x40xi32, #tpu.memory_space<vmem>>
      %dma_wait3A_160 = tpu.memref_squeeze %dma_wait3A_159 : memref<1x40xi32, #tpu.memory_space<vmem>> -> memref<40xi32, #tpu.memory_space<vmem>>
      %dma_wait3A_161 = arith.constant 0 : i32
      %dma_wait3A_162 = arith.constant 0 : i32
      %dma_wait3A_163 = tpu.memref_slice %arg4[%dma_wait3A_161, %dma_wait3A_162] : memref<10000x128xf32, #tpu.memory_space<hbm>> -> memref<10000x128xf32, #tpu.memory_space<hbm>>
      tpu.wait_indirect_dma semaphore(%arg17 : memref<!tpu.dma_semaphore, #tpu.memory_space<semaphore_mem>>) src(%dma_wait3A_163 : memref<10000x128xf32, #tpu.memory_space<hbm>>) dst(%arg10 : memref<40x128xf32, #tpu.memory_space<vmem>>)
      %add3A_164 = arith.constant 1 : i32
      %add3A_165 = arith.addi %mul3A_141, %add3A_164 : i32
      %dma_start3A_166 = arith.constant 0 : i32
      %dma_start3A_167 = tpu.memref_slice %arg8[%add3A_165, %dma_start3A_166] : memref<250x40xi32, #tpu.memory_space<vmem>> -> memref<1x40xi32, #tpu.memory_space<vmem>>
      %dma_start3A_168 = tpu.memref_squeeze %dma_start3A_167 : memref<1x40xi32, #tpu.memory_space<vmem>> -> memref<40xi32, #tpu.memory_space<vmem>>
      %dma_start3A_169 = arith.constant 0 : i32
      %dma_start3A_170 = arith.constant 0 : i32
      %dma_start3A_171 = tpu.memref_slice %arg15[%dma_start3A_169, %dma_start3A_170] : memref<10000x128xf32, #tpu.memory_space<vmem_shared>> -> memref<10000x128xf32, #tpu.memory_space<vmem_shared>>
      tpu.enqueue_indirect_dma source(%arg10 : memref<40x128xf32, #tpu.memory_space<vmem>>) target(%dma_start3A_171 : memref<10000x128xf32, #tpu.memory_space<vmem_shared>>) offsets(%dma_start3A_168 : memref<40xi32, #tpu.memory_space<vmem>>) semaphore(%arg23 : memref<!tpu.dma_semaphore, #tpu.memory_space<semaphore_mem>>) {add = true}
      %dma_wait3A_172 = arith.constant 0 : i32
      %dma_wait3A_173 = arith.constant 0 : i32
      %dma_wait3A_174 = tpu.memref_slice %arg7[%dma_wait3A_172, %dma_wait3A_173] : memref<250x40xi32, #tpu.memory_space<vmem>> -> memref<1x40xi32, #tpu.memory_space<vmem>>
      %dma_wait3A_175 = tpu.memref_squeeze %dma_wait3A_174 : memref<1x40xi32, #tpu.memory_space<vmem>> -> memref<40xi32, #tpu.memory_space<vmem>>
      %dma_wait3A_176 = arith.constant 0 : i32
      %dma_wait3A_177 = arith.constant 0 : i32
      %dma_wait3A_178 = tpu.memref_slice %arg4[%dma_wait3A_176, %dma_wait3A_177] : memref<10000x128xf32, #tpu.memory_space<hbm>> -> memref<10000x128xf32, #tpu.memory_space<hbm>>
      tpu.wait_indirect_dma semaphore(%arg18 : memref<!tpu.dma_semaphore, #tpu.memory_space<semaphore_mem>>) src(%dma_wait3A_178 : memref<10000x128xf32, #tpu.memory_space<hbm>>) dst(%arg11 : memref<40x128xf32, #tpu.memory_space<vmem>>)
      %add3A_179 = arith.constant 2 : i32
      %add3A_180 = arith.addi %mul3A_141, %add3A_179 : i32
      %dma_start3A_181 = arith.constant 0 : i32
      %dma_start3A_182 = tpu.memref_slice %arg8[%add3A_180, %dma_start3A_181] : memref<250x40xi32, #tpu.memory_space<vmem>> -> memref<1x40xi32, #tpu.memory_space<vmem>>
      %dma_start3A_183 = tpu.memref_squeeze %dma_start3A_182 : memref<1x40xi32, #tpu.memory_space<vmem>> -> memref<40xi32, #tpu.memory_space<vmem>>
      %dma_start3A_184 = arith.constant 0 : i32
      %dma_start3A_185 = arith.constant 0 : i32
      %dma_start3A_186 = tpu.memref_slice %arg15[%dma_start3A_184, %dma_start3A_185] : memref<10000x128xf32, #tpu.memory_space<vmem_shared>> -> memref<10000x128xf32, #tpu.memory_space<vmem_shared>>
      tpu.enqueue_indirect_dma source(%arg11 : memref<40x128xf32, #tpu.memory_space<vmem>>) target(%dma_start3A_186 : memref<10000x128xf32, #tpu.memory_space<vmem_shared>>) offsets(%dma_start3A_183 : memref<40xi32, #tpu.memory_space<vmem>>) semaphore(%arg24 : memref<!tpu.dma_semaphore, #tpu.memory_space<semaphore_mem>>) {add = true}
      %dma_wait3A_187 = arith.constant 0 : i32
      %dma_wait3A_188 = arith.constant 0 : i32
      %dma_wait3A_189 = tpu.memref_slice %arg7[%dma_wait3A_187, %dma_wait3A_188] : memref<250x40xi32, #tpu.memory_space<vmem>> -> memref<1x40xi32, #tpu.memory_space<vmem>>
      %dma_wait3A_190 = tpu.memref_squeeze %dma_wait3A_189 : memref<1x40xi32, #tpu.memory_space<vmem>> -> memref<40xi32, #tpu.memory_space<vmem>>
      %dma_wait3A_191 = arith.constant 0 : i32
      %dma_wait3A_192 = arith.constant 0 : i32
      %dma_wait3A_193 = tpu.memref_slice %arg4[%dma_wait3A_191, %dma_wait3A_192] : memref<10000x128xf32, #tpu.memory_space<hbm>> -> memref<10000x128xf32, #tpu.memory_space<hbm>>
      tpu.wait_indirect_dma semaphore(%arg19 : memref<!tpu.dma_semaphore, #tpu.memory_space<semaphore_mem>>) src(%dma_wait3A_193 : memref<10000x128xf32, #tpu.memory_space<hbm>>) dst(%arg12 : memref<40x128xf32, #tpu.memory_space<vmem>>)
      %add3A_194 = arith.constant 3 : i32
      %add3A_195 = arith.addi %mul3A_141, %add3A_194 : i32
      %dma_start3A_196 = arith.constant 0 : i32
      %dma_start3A_197 = tpu.memref_slice %arg8[%add3A_195, %dma_start3A_196] : memref<250x40xi32, #tpu.memory_space<vmem>> -> memref<1x40xi32, #tpu.memory_space<vmem>>
      %dma_start3A_198 = tpu.memref_squeeze %dma_start3A_197 : memref<1x40xi32, #tpu.memory_space<vmem>> -> memref<40xi32, #tpu.memory_space<vmem>>
      %dma_start3A_199 = arith.constant 0 : i32
      %dma_start3A_200 = arith.constant 0 : i32
      %dma_start3A_201 = tpu.memref_slice %arg15[%dma_start3A_199, %dma_start3A_200] : memref<10000x128xf32, #tpu.memory_space<vmem_shared>> -> memref<10000x128xf32, #tpu.memory_space<vmem_shared>>
      tpu.enqueue_indirect_dma source(%arg12 : memref<40x128xf32, #tpu.memory_space<vmem>>) target(%dma_start3A_201 : memref<10000x128xf32, #tpu.memory_space<vmem_shared>>) offsets(%dma_start3A_198 : memref<40xi32, #tpu.memory_space<vmem>>) semaphore(%arg25 : memref<!tpu.dma_semaphore, #tpu.memory_space<semaphore_mem>>) {add = true}
      %dma_wait3A_202 = arith.constant 0 : i32
      %dma_wait3A_203 = arith.constant 0 : i32
      %dma_wait3A_204 = tpu.memref_slice %arg7[%dma_wait3A_202, %dma_wait3A_203] : memref<250x40xi32, #tpu.memory_space<vmem>> -> memref<1x40xi32, #tpu.memory_space<vmem>>
      %dma_wait3A_205 = tpu.memref_squeeze %dma_wait3A_204 : memref<1x40xi32, #tpu.memory_space<vmem>> -> memref<40xi32, #tpu.memory_space<vmem>>
      %dma_wait3A_206 = arith.constant 0 : i32
      %dma_wait3A_207 = arith.constant 0 : i32
      %dma_wait3A_208 = tpu.memref_slice %arg4[%dma_wait3A_206, %dma_wait3A_207] : memref<10000x128xf32, #tpu.memory_space<hbm>> -> memref<10000x128xf32, #tpu.memory_space<hbm>>
      tpu.wait_indirect_dma semaphore(%arg20 : memref<!tpu.dma_semaphore, #tpu.memory_space<semaphore_mem>>) src(%dma_wait3A_208 : memref<10000x128xf32, #tpu.memory_space<hbm>>) dst(%arg13 : memref<40x128xf32, #tpu.memory_space<vmem>>)
      %add3A_209 = arith.constant 4 : i32
      %add3A_210 = arith.addi %mul3A_141, %add3A_209 : i32
      %dma_start3A_211 = arith.constant 0 : i32
      %dma_start3A_212 = tpu.memref_slice %arg8[%add3A_210, %dma_start3A_211] : memref<250x40xi32, #tpu.memory_space<vmem>> -> memref<1x40xi32, #tpu.memory_space<vmem>>
      %dma_start3A_213 = tpu.memref_squeeze %dma_start3A_212 : memref<1x40xi32, #tpu.memory_space<vmem>> -> memref<40xi32, #tpu.memory_space<vmem>>
      %dma_start3A_214 = arith.constant 0 : i32
      %dma_start3A_215 = arith.constant 0 : i32
      %dma_start3A_216 = tpu.memref_slice %arg15[%dma_start3A_214, %dma_start3A_215] : memref<10000x128xf32, #tpu.memory_space<vmem_shared>> -> memref<10000x128xf32, #tpu.memory_space<vmem_shared>>
      tpu.enqueue_indirect_dma source(%arg13 : memref<40x128xf32, #tpu.memory_space<vmem>>) target(%dma_start3A_216 : memref<10000x128xf32, #tpu.memory_space<vmem_shared>>) offsets(%dma_start3A_213 : memref<40xi32, #tpu.memory_space<vmem>>) semaphore(%arg26 : memref<!tpu.dma_semaphore, #tpu.memory_space<semaphore_mem>>) {add = true}
      %dma_wait3A_217 = arith.constant 0 : i32
      %dma_wait3A_218 = arith.constant 0 : i32
      %dma_wait3A_219 = tpu.memref_slice %arg7[%dma_wait3A_217, %dma_wait3A_218] : memref<250x40xi32, #tpu.memory_space<vmem>> -> memref<1x40xi32, #tpu.memory_space<vmem>>
      %dma_wait3A_220 = tpu.memref_squeeze %dma_wait3A_219 : memref<1x40xi32, #tpu.memory_space<vmem>> -> memref<40xi32, #tpu.memory_space<vmem>>
      %dma_wait3A_221 = arith.constant 0 : i32
      %dma_wait3A_222 = arith.constant 0 : i32
      %dma_wait3A_223 = tpu.memref_slice %arg4[%dma_wait3A_221, %dma_wait3A_222] : memref<10000x128xf32, #tpu.memory_space<hbm>> -> memref<10000x128xf32, #tpu.memory_space<hbm>>
      tpu.wait_indirect_dma semaphore(%arg21 : memref<!tpu.dma_semaphore, #tpu.memory_space<semaphore_mem>>) src(%dma_wait3A_223 : memref<10000x128xf32, #tpu.memory_space<hbm>>) dst(%arg14 : memref<40x128xf32, #tpu.memory_space<vmem>>)
      %add3A_224 = arith.constant 5 : i32
      %add3A_225 = arith.addi %mul3A_141, %add3A_224 : i32
      %dma_start3A_226 = arith.constant 0 : i32
      %dma_start3A_227 = tpu.memref_slice %arg8[%add3A_225, %dma_start3A_226] : memref<250x40xi32, #tpu.memory_space<vmem>> -> memref<1x40xi32, #tpu.memory_space<vmem>>
      %dma_start3A_228 = tpu.memref_squeeze %dma_start3A_227 : memref<1x40xi32, #tpu.memory_space<vmem>> -> memref<40xi32, #tpu.memory_space<vmem>>
      %dma_start3A_229 = arith.constant 0 : i32
      %dma_start3A_230 = arith.constant 0 : i32
      %dma_start3A_231 = tpu.memref_slice %arg15[%dma_start3A_229, %dma_start3A_230] : memref<10000x128xf32, #tpu.memory_space<vmem_shared>> -> memref<10000x128xf32, #tpu.memory_space<vmem_shared>>
      tpu.enqueue_indirect_dma source(%arg14 : memref<40x128xf32, #tpu.memory_space<vmem>>) target(%dma_start3A_231 : memref<10000x128xf32, #tpu.memory_space<vmem_shared>>) offsets(%dma_start3A_228 : memref<40xi32, #tpu.memory_space<vmem>>) semaphore(%arg27 : memref<!tpu.dma_semaphore, #tpu.memory_space<semaphore_mem>>) {add = true}
      %dma_wait3A_232 = arith.constant 0 : i32
      %dma_wait3A_233 = arith.constant 0 : i32
      %dma_wait3A_234 = tpu.memref_slice %arg8[%dma_wait3A_232, %dma_wait3A_233] : memref<250x40xi32, #tpu.memory_space<vmem>> -> memref<1x40xi32, #tpu.memory_space<vmem>>
      %dma_wait3A_235 = tpu.memref_squeeze %dma_wait3A_234 : memref<1x40xi32, #tpu.memory_space<vmem>> -> memref<40xi32, #tpu.memory_space<vmem>>
      %dma_wait3A_236 = arith.constant 0 : i32
      %dma_wait3A_237 = arith.constant 0 : i32
      %dma_wait3A_238 = tpu.memref_slice %arg15[%dma_wait3A_236, %dma_wait3A_237] : memref<10000x128xf32, #tpu.memory_space<vmem_shared>> -> memref<10000x128xf32, #tpu.memory_space<vmem_shared>>
      tpu.wait_indirect_dma semaphore(%arg22 : memref<!tpu.dma_semaphore, #tpu.memory_space<semaphore_mem>>) src(%arg9 : memref<40x128xf32, #tpu.memory_space<vmem>>) dst(%dma_wait3A_238 : memref<10000x128xf32, #tpu.memory_space<vmem_shared>>)
      %add3A_239 = arith.constant 0 : i32
      %add3A_240 = arith.addi %mul3A_141, %add3A_239 : i32
      %add3A_241 = arith.constant 6 : i32
      %add3A_242 = arith.addi %add3A_240, %add3A_241 : i32
      %lt3A_243 = arith.constant 250 : i32
      %lt3A_244 = arith.cmpi slt, %add3A_242, %lt3A_243 : i32
      %convert_element_type3A_245 = arith.extui %lt3A_244 : i1 to i32
      %cond3A_246 = arith.constant 0 : i32
      %cond3A_247 = arith.cmpi ne, %convert_element_type3A_245, %cond3A_246 : i32
      scf.if %cond3A_247 {
        %add3A_328 = arith.constant 0 : i32
        %add3A_329 = arith.addi %mul3A_141, %add3A_328 : i32
        %add3A_330 = arith.constant 6 : i32
        %add3A_331 = arith.addi %add3A_329, %add3A_330 : i32
        %dma_start3A_332 = arith.constant 0 : i32
        %dma_start3A_333 = tpu.memref_slice %arg7[%add3A_331, %dma_start3A_332] : memref<250x40xi32, #tpu.memory_space<vmem>> -> memref<1x40xi32, #tpu.memory_space<vmem>>
        %dma_start3A_334 = tpu.memref_squeeze %dma_start3A_333 : memref<1x40xi32, #tpu.memory_space<vmem>> -> memref<40xi32, #tpu.memory_space<vmem>>
        %dma_start3A_335 = arith.constant 0 : i32
        %dma_start3A_336 = arith.constant 0 : i32
        %dma_start3A_337 = tpu.memref_slice %arg4[%dma_start3A_335, %dma_start3A_336] : memref<10000x128xf32, #tpu.memory_space<hbm>> -> memref<10000x128xf32, #tpu.memory_space<hbm>>
        tpu.enqueue_indirect_dma source(%dma_start3A_337 : memref<10000x128xf32, #tpu.memory_space<hbm>>) target(%arg9 : memref<40x128xf32, #tpu.memory_space<vmem>>) offsets(%dma_start3A_334 : memref<40xi32, #tpu.memory_space<vmem>>) semaphore(%arg16 : memref<!tpu.dma_semaphore, #tpu.memory_space<semaphore_mem>>)
      } else {
      }
      %dma_wait3A_248 = arith.constant 0 : i32
      %dma_wait3A_249 = arith.constant 0 : i32
      %dma_wait3A_250 = tpu.memref_slice %arg8[%dma_wait3A_248, %dma_wait3A_249] : memref<250x40xi32, #tpu.memory_space<vmem>> -> memref<1x40xi32, #tpu.memory_space<vmem>>
      %dma_wait3A_251 = tpu.memref_squeeze %dma_wait3A_250 : memref<1x40xi32, #tpu.memory_space<vmem>> -> memref<40xi32, #tpu.memory_space<vmem>>
      %dma_wait3A_252 = arith.constant 0 : i32
      %dma_wait3A_253 = arith.constant 0 : i32
      %dma_wait3A_254 = tpu.memref_slice %arg15[%dma_wait3A_252, %dma_wait3A_253] : memref<10000x128xf32, #tpu.memory_space<vmem_shared>> -> memref<10000x128xf32, #tpu.memory_space<vmem_shared>>
      tpu.wait_indirect_dma semaphore(%arg23 : memref<!tpu.dma_semaphore, #tpu.memory_space<semaphore_mem>>) src(%arg10 : memref<40x128xf32, #tpu.memory_space<vmem>>) dst(%dma_wait3A_254 : memref<10000x128xf32, #tpu.memory_space<vmem_shared>>)
      %add3A_255 = arith.constant 1 : i32
      %add3A_256 = arith.addi %mul3A_141, %add3A_255 : i32
      %add3A_257 = arith.constant 6 : i32
      %add3A_258 = arith.addi %add3A_256, %add3A_257 : i32
      %lt3A_259 = arith.constant 250 : i32
      %lt3A_260 = arith.cmpi slt, %add3A_258, %lt3A_259 : i32
      %convert_element_type3A_261 = arith.extui %lt3A_260 : i1 to i32
      %cond3A_262 = arith.constant 0 : i32
      %cond3A_263 = arith.cmpi ne, %convert_element_type3A_261, %cond3A_262 : i32
      scf.if %cond3A_263 {
        %add3A_328 = arith.constant 1 : i32
        %add3A_329 = arith.addi %mul3A_141, %add3A_328 : i32
        %add3A_330 = arith.constant 6 : i32
        %add3A_331 = arith.addi %add3A_329, %add3A_330 : i32
        %dma_start3A_332 = arith.constant 0 : i32
        %dma_start3A_333 = tpu.memref_slice %arg7[%add3A_331, %dma_start3A_332] : memref<250x40xi32, #tpu.memory_space<vmem>> -> memref<1x40xi32, #tpu.memory_space<vmem>>
        %dma_start3A_334 = tpu.memref_squeeze %dma_start3A_333 : memref<1x40xi32, #tpu.memory_space<vmem>> -> memref<40xi32, #tpu.memory_space<vmem>>
        %dma_start3A_335 = arith.constant 0 : i32
        %dma_start3A_336 = arith.constant 0 : i32
        %dma_start3A_337 = tpu.memref_slice %arg4[%dma_start3A_335, %dma_start3A_336] : memref<10000x128xf32, #tpu.memory_space<hbm>> -> memref<10000x128xf32, #tpu.memory_space<hbm>>
        tpu.enqueue_indirect_dma source(%dma_start3A_337 : memref<10000x128xf32, #tpu.memory_space<hbm>>) target(%arg10 : memref<40x128xf32, #tpu.memory_space<vmem>>) offsets(%dma_start3A_334 : memref<40xi32, #tpu.memory_space<vmem>>) semaphore(%arg17 : memref<!tpu.dma_semaphore, #tpu.memory_space<semaphore_mem>>)
      } else {
      }
      %dma_wait3A_264 = arith.constant 0 : i32
      %dma_wait3A_265 = arith.constant 0 : i32
      %dma_wait3A_266 = tpu.memref_slice %arg8[%dma_wait3A_264, %dma_wait3A_265] : memref<250x40xi32, #tpu.memory_space<vmem>> -> memref<1x40xi32, #tpu.memory_space<vmem>>
      %dma_wait3A_267 = tpu.memref_squeeze %dma_wait3A_266 : memref<1x40xi32, #tpu.memory_space<vmem>> -> memref<40xi32, #tpu.memory_space<vmem>>
      %dma_wait3A_268 = arith.constant 0 : i32
      %dma_wait3A_269 = arith.constant 0 : i32
      %dma_wait3A_270 = tpu.memref_slice %arg15[%dma_wait3A_268, %dma_wait3A_269] : memref<10000x128xf32, #tpu.memory_space<vmem_shared>> -> memref<10000x128xf32, #tpu.memory_space<vmem_shared>>
      tpu.wait_indirect_dma semaphore(%arg24 : memref<!tpu.dma_semaphore, #tpu.memory_space<semaphore_mem>>) src(%arg11 : memref<40x128xf32, #tpu.memory_space<vmem>>) dst(%dma_wait3A_270 : memref<10000x128xf32, #tpu.memory_space<vmem_shared>>)
      %add3A_271 = arith.constant 2 : i32
      %add3A_272 = arith.addi %mul3A_141, %add3A_271 : i32
      %add3A_273 = arith.constant 6 : i32
      %add3A_274 = arith.addi %add3A_272, %add3A_273 : i32
      %lt3A_275 = arith.constant 250 : i32
      %lt3A_276 = arith.cmpi slt, %add3A_274, %lt3A_275 : i32
      %convert_element_type3A_277 = arith.extui %lt3A_276 : i1 to i32
      %cond3A_278 = arith.constant 0 : i32
      %cond3A_279 = arith.cmpi ne, %convert_element_type3A_277, %cond3A_278 : i32
      scf.if %cond3A_279 {
        %add3A_328 = arith.constant 2 : i32
        %add3A_329 = arith.addi %mul3A_141, %add3A_328 : i32
        %add3A_330 = arith.constant 6 : i32
        %add3A_331 = arith.addi %add3A_329, %add3A_330 : i32
        %dma_start3A_332 = arith.constant 0 : i32
        %dma_start3A_333 = tpu.memref_slice %arg7[%add3A_331, %dma_start3A_332] : memref<250x40xi32, #tpu.memory_space<vmem>> -> memref<1x40xi32, #tpu.memory_space<vmem>>
        %dma_start3A_334 = tpu.memref_squeeze %dma_start3A_333 : memref<1x40xi32, #tpu.memory_space<vmem>> -> memref<40xi32, #tpu.memory_space<vmem>>
        %dma_start3A_335 = arith.constant 0 : i32
        %dma_start3A_336 = arith.constant 0 : i32
        %dma_start3A_337 = tpu.memref_slice %arg4[%dma_start3A_335, %dma_start3A_336] : memref<10000x128xf32, #tpu.memory_space<hbm>> -> memref<10000x128xf32, #tpu.memory_space<hbm>>
        tpu.enqueue_indirect_dma source(%dma_start3A_337 : memref<10000x128xf32, #tpu.memory_space<hbm>>) target(%arg11 : memref<40x128xf32, #tpu.memory_space<vmem>>) offsets(%dma_start3A_334 : memref<40xi32, #tpu.memory_space<vmem>>) semaphore(%arg18 : memref<!tpu.dma_semaphore, #tpu.memory_space<semaphore_mem>>)
      } else {
      }
      %dma_wait3A_280 = arith.constant 0 : i32
      %dma_wait3A_281 = arith.constant 0 : i32
      %dma_wait3A_282 = tpu.memref_slice %arg8[%dma_wait3A_280, %dma_wait3A_281] : memref<250x40xi32, #tpu.memory_space<vmem>> -> memref<1x40xi32, #tpu.memory_space<vmem>>
      %dma_wait3A_283 = tpu.memref_squeeze %dma_wait3A_282 : memref<1x40xi32, #tpu.memory_space<vmem>> -> memref<40xi32, #tpu.memory_space<vmem>>
      %dma_wait3A_284 = arith.constant 0 : i32
      %dma_wait3A_285 = arith.constant 0 : i32
      %dma_wait3A_286 = tpu.memref_slice %arg15[%dma_wait3A_284, %dma_wait3A_285] : memref<10000x128xf32, #tpu.memory_space<vmem_shared>> -> memref<10000x128xf32, #tpu.memory_space<vmem_shared>>
      tpu.wait_indirect_dma semaphore(%arg25 : memref<!tpu.dma_semaphore, #tpu.memory_space<semaphore_mem>>) src(%arg12 : memref<40x128xf32, #tpu.memory_space<vmem>>) dst(%dma_wait3A_286 : memref<10000x128xf32, #tpu.memory_space<vmem_shared>>)
      %add3A_287 = arith.constant 3 : i32
      %add3A_288 = arith.addi %mul3A_141, %add3A_287 : i32
      %add3A_289 = arith.constant 6 : i32
      %add3A_290 = arith.addi %add3A_288, %add3A_289 : i32
      %lt3A_291 = arith.constant 250 : i32
      %lt3A_292 = arith.cmpi slt, %add3A_290, %lt3A_291 : i32
      %convert_element_type3A_293 = arith.extui %lt3A_292 : i1 to i32
      %cond3A_294 = arith.constant 0 : i32
      %cond3A_295 = arith.cmpi ne, %convert_element_type3A_293, %cond3A_294 : i32
      scf.if %cond3A_295 {
        %add3A_328 = arith.constant 3 : i32
        %add3A_329 = arith.addi %mul3A_141, %add3A_328 : i32
        %add3A_330 = arith.constant 6 : i32
        %add3A_331 = arith.addi %add3A_329, %add3A_330 : i32
        %dma_start3A_332 = arith.constant 0 : i32
        %dma_start3A_333 = tpu.memref_slice %arg7[%add3A_331, %dma_start3A_332] : memref<250x40xi32, #tpu.memory_space<vmem>> -> memref<1x40xi32, #tpu.memory_space<vmem>>
        %dma_start3A_334 = tpu.memref_squeeze %dma_start3A_333 : memref<1x40xi32, #tpu.memory_space<vmem>> -> memref<40xi32, #tpu.memory_space<vmem>>
        %dma_start3A_335 = arith.constant 0 : i32
        %dma_start3A_336 = arith.constant 0 : i32
        %dma_start3A_337 = tpu.memref_slice %arg4[%dma_start3A_335, %dma_start3A_336] : memref<10000x128xf32, #tpu.memory_space<hbm>> -> memref<10000x128xf32, #tpu.memory_space<hbm>>
        tpu.enqueue_indirect_dma source(%dma_start3A_337 : memref<10000x128xf32, #tpu.memory_space<hbm>>) target(%arg12 : memref<40x128xf32, #tpu.memory_space<vmem>>) offsets(%dma_start3A_334 : memref<40xi32, #tpu.memory_space<vmem>>) semaphore(%arg19 : memref<!tpu.dma_semaphore, #tpu.memory_space<semaphore_mem>>)
      } else {
      }
      %dma_wait3A_296 = arith.constant 0 : i32
      %dma_wait3A_297 = arith.constant 0 : i32
      %dma_wait3A_298 = tpu.memref_slice %arg8[%dma_wait3A_296, %dma_wait3A_297] : memref<250x40xi32, #tpu.memory_space<vmem>> -> memref<1x40xi32, #tpu.memory_space<vmem>>
      %dma_wait3A_299 = tpu.memref_squeeze %dma_wait3A_298 : memref<1x40xi32, #tpu.memory_space<vmem>> -> memref<40xi32, #tpu.memory_space<vmem>>
      %dma_wait3A_300 = arith.constant 0 : i32
      %dma_wait3A_301 = arith.constant 0 : i32
      %dma_wait3A_302 = tpu.memref_slice %arg15[%dma_wait3A_300, %dma_wait3A_301] : memref<10000x128xf32, #tpu.memory_space<vmem_shared>> -> memref<10000x128xf32, #tpu.memory_space<vmem_shared>>
      tpu.wait_indirect_dma semaphore(%arg26 : memref<!tpu.dma_semaphore, #tpu.memory_space<semaphore_mem>>) src(%arg13 : memref<40x128xf32, #tpu.memory_space<vmem>>) dst(%dma_wait3A_302 : memref<10000x128xf32, #tpu.memory_space<vmem_shared>>)
      %add3A_303 = arith.constant 4 : i32
      %add3A_304 = arith.addi %mul3A_141, %add3A_303 : i32
      %add3A_305 = arith.constant 6 : i32
      %add3A_306 = arith.addi %add3A_304, %add3A_305 : i32
      %lt3A_307 = arith.constant 250 : i32
      %lt3A_308 = arith.cmpi slt, %add3A_306, %lt3A_307 : i32
      %convert_element_type3A_309 = arith.extui %lt3A_308 : i1 to i32
      %cond3A_310 = arith.constant 0 : i32
      %cond3A_311 = arith.cmpi ne, %convert_element_type3A_309, %cond3A_310 : i32
      scf.if %cond3A_311 {
        %add3A_328 = arith.constant 4 : i32
        %add3A_329 = arith.addi %mul3A_141, %add3A_328 : i32
        %add3A_330 = arith.constant 6 : i32
        %add3A_331 = arith.addi %add3A_329, %add3A_330 : i32
        %dma_start3A_332 = arith.constant 0 : i32
        %dma_start3A_333 = tpu.memref_slice %arg7[%add3A_331, %dma_start3A_332] : memref<250x40xi32, #tpu.memory_space<vmem>> -> memref<1x40xi32, #tpu.memory_space<vmem>>
        %dma_start3A_334 = tpu.memref_squeeze %dma_start3A_333 : memref<1x40xi32, #tpu.memory_space<vmem>> -> memref<40xi32, #tpu.memory_space<vmem>>
        %dma_start3A_335 = arith.constant 0 : i32
        %dma_start3A_336 = arith.constant 0 : i32
        %dma_start3A_337 = tpu.memref_slice %arg4[%dma_start3A_335, %dma_start3A_336] : memref<10000x128xf32, #tpu.memory_space<hbm>> -> memref<10000x128xf32, #tpu.memory_space<hbm>>
        tpu.enqueue_indirect_dma source(%dma_start3A_337 : memref<10000x128xf32, #tpu.memory_space<hbm>>) target(%arg13 : memref<40x128xf32, #tpu.memory_space<vmem>>) offsets(%dma_start3A_334 : memref<40xi32, #tpu.memory_space<vmem>>) semaphore(%arg20 : memref<!tpu.dma_semaphore, #tpu.memory_space<semaphore_mem>>)
      } else {
      }
      %dma_wait3A_312 = arith.constant 0 : i32
      %dma_wait3A_313 = arith.constant 0 : i32
      %dma_wait3A_314 = tpu.memref_slice %arg8[%dma_wait3A_312, %dma_wait3A_313] : memref<250x40xi32, #tpu.memory_space<vmem>> -> memref<1x40xi32, #tpu.memory_space<vmem>>
      %dma_wait3A_315 = tpu.memref_squeeze %dma_wait3A_314 : memref<1x40xi32, #tpu.memory_space<vmem>> -> memref<40xi32, #tpu.memory_space<vmem>>
      %dma_wait3A_316 = arith.constant 0 : i32
      %dma_wait3A_317 = arith.constant 0 : i32
      %dma_wait3A_318 = tpu.memref_slice %arg15[%dma_wait3A_316, %dma_wait3A_317] : memref<10000x128xf32, #tpu.memory_space<vmem_shared>> -> memref<10000x128xf32, #tpu.memory_space<vmem_shared>>
      tpu.wait_indirect_dma semaphore(%arg27 : memref<!tpu.dma_semaphore, #tpu.memory_space<semaphore_mem>>) src(%arg14 : memref<40x128xf32, #tpu.memory_space<vmem>>) dst(%dma_wait3A_318 : memref<10000x128xf32, #tpu.memory_space<vmem_shared>>)
      %add3A_319 = arith.constant 5 : i32
      %add3A_320 = arith.addi %mul3A_141, %add3A_319 : i32
      %add3A_321 = arith.constant 6 : i32
      %add3A_322 = arith.addi %add3A_320, %add3A_321 : i32
      %lt3A_323 = arith.constant 250 : i32
      %lt3A_324 = arith.cmpi slt, %add3A_322, %lt3A_323 : i32
      %convert_element_type3A_325 = arith.extui %lt3A_324 : i1 to i32
      %cond3A_326 = arith.constant 0 : i32
      %cond3A_327 = arith.cmpi ne, %convert_element_type3A_325, %cond3A_326 : i32
      scf.if %cond3A_327 {
        %add3A_328 = arith.constant 5 : i32
        %add3A_329 = arith.addi %mul3A_141, %add3A_328 : i32
        %add3A_330 = arith.constant 6 : i32
        %add3A_331 = arith.addi %add3A_329, %add3A_330 : i32
        %dma_start3A_332 = arith.constant 0 : i32
        %dma_start3A_333 = tpu.memref_slice %arg7[%add3A_331, %dma_start3A_332] : memref<250x40xi32, #tpu.memory_space<vmem>> -> memref<1x40xi32, #tpu.memory_space<vmem>>
        %dma_start3A_334 = tpu.memref_squeeze %dma_start3A_333 : memref<1x40xi32, #tpu.memory_space<vmem>> -> memref<40xi32, #tpu.memory_space<vmem>>
        %dma_start3A_335 = arith.constant 0 : i32
        %dma_start3A_336 = arith.constant 0 : i32
        %dma_start3A_337 = tpu.memref_slice %arg4[%dma_start3A_335, %dma_start3A_336] : memref<10000x128xf32, #tpu.memory_space<hbm>> -> memref<10000x128xf32, #tpu.memory_space<hbm>>
        tpu.enqueue_indirect_dma source(%dma_start3A_337 : memref<10000x128xf32, #tpu.memory_space<hbm>>) target(%arg14 : memref<40x128xf32, #tpu.memory_space<vmem>>) offsets(%dma_start3A_334 : memref<40xi32, #tpu.memory_space<vmem>>) semaphore(%arg21 : memref<!tpu.dma_semaphore, #tpu.memory_space<semaphore_mem>>)
      } else {
      }
    }
    %scan3A_92 = arith.constant 41 : i32
    %dma_wait3A_93 = arith.constant 0 : i32
    %dma_wait3A_94 = arith.constant 0 : i32
    %dma_wait3A_95 = tpu.memref_slice %arg7[%dma_wait3A_93, %dma_wait3A_94] : memref<250x40xi32, #tpu.memory_space<vmem>> -> memref<1x40xi32, #tpu.memory_space<vmem>>
    %dma_wait3A_96 = tpu.memref_squeeze %dma_wait3A_95 : memref<1x40xi32, #tpu.memory_space<vmem>> -> memref<40xi32, #tpu.memory_space<vmem>>
    %dma_wait3A_97 = arith.constant 0 : i32
    %dma_wait3A_98 = arith.constant 0 : i32
    %dma_wait3A_99 = tpu.memref_slice %arg4[%dma_wait3A_97, %dma_wait3A_98] : memref<10000x128xf32, #tpu.memory_space<hbm>> -> memref<10000x128xf32, #tpu.memory_space<hbm>>
    tpu.wait_indirect_dma semaphore(%arg16 : memref<!tpu.dma_semaphore, #tpu.memory_space<semaphore_mem>>) src(%dma_wait3A_99 : memref<10000x128xf32, #tpu.memory_space<hbm>>) dst(%arg9 : memref<40x128xf32, #tpu.memory_space<vmem>>)
    %run_scoped3A = arith.constant 246 : i32
    "tpu.region"() ({
      %run_scoped3A_135 = tpu.sem_alloc : memref<!tpu.dma_semaphore, #tpu.memory_space<semaphore_mem>>
      %dma_start3A_136 = arith.constant 0 : i32
      %dma_start3A_137 = tpu.memref_slice %arg8[%run_scoped3A, %dma_start3A_136] : memref<250x40xi32, #tpu.memory_space<vmem>> -> memref<1x40xi32, #tpu.memory_space<vmem>>
      %dma_start3A_138 = tpu.memref_squeeze %dma_start3A_137 : memref<1x40xi32, #tpu.memory_space<vmem>> -> memref<40xi32, #tpu.memory_space<vmem>>
      %dma_start3A_139 = arith.constant 0 : i32
      %dma_start3A_140 = arith.constant 0 : i32
      %dma_start3A_141 = tpu.memref_slice %arg15[%dma_start3A_139, %dma_start3A_140] : memref<10000x128xf32, #tpu.memory_space<vmem_shared>> -> memref<10000x128xf32, #tpu.memory_space<vmem_shared>>
      tpu.enqueue_indirect_dma source(%arg9 : memref<40x128xf32, #tpu.memory_space<vmem>>) target(%dma_start3A_141 : memref<10000x128xf32, #tpu.memory_space<vmem_shared>>) offsets(%dma_start3A_138 : memref<40xi32, #tpu.memory_space<vmem>>) semaphore(%run_scoped3A_135 : memref<!tpu.dma_semaphore, #tpu.memory_space<semaphore_mem>>) {add = true}
      %dma_wait3A_142 = arith.constant 0 : i32
      %dma_wait3A_143 = tpu.memref_slice %arg8[%run_scoped3A, %dma_wait3A_142] : memref<250x40xi32, #tpu.memory_space<vmem>> -> memref<1x40xi32, #tpu.memory_space<vmem>>
      %dma_wait3A_144 = tpu.memref_squeeze %dma_wait3A_143 : memref<1x40xi32, #tpu.memory_space<vmem>> -> memref<40xi32, #tpu.memory_space<vmem>>
      %dma_wait3A_145 = arith.constant 0 : i32
      %dma_wait3A_146 = arith.constant 0 : i32
      %dma_wait3A_147 = tpu.memref_slice %arg15[%dma_wait3A_145, %dma_wait3A_146] : memref<10000x128xf32, #tpu.memory_space<vmem_shared>> -> memref<10000x128xf32, #tpu.memory_space<vmem_shared>>
      tpu.wait_indirect_dma semaphore(%run_scoped3A_135 : memref<!tpu.dma_semaphore, #tpu.memory_space<semaphore_mem>>) src(%arg9 : memref<40x128xf32, #tpu.memory_space<vmem>>) dst(%dma_wait3A_147 : memref<10000x128xf32, #tpu.memory_space<vmem_shared>>)
      tpu.yield
    }) : () -> ()
    %dma_wait3A_100 = arith.constant 0 : i32
    %dma_wait3A_101 = arith.constant 0 : i32
    %dma_wait3A_102 = tpu.memref_slice %arg7[%dma_wait3A_100, %dma_wait3A_101] : memref<250x40xi32, #tpu.memory_space<vmem>> -> memref<1x40xi32, #tpu.memory_space<vmem>>
    %dma_wait3A_103 = tpu.memref_squeeze %dma_wait3A_102 : memref<1x40xi32, #tpu.memory_space<vmem>> -> memref<40xi32, #tpu.memory_space<vmem>>
    %dma_wait3A_104 = arith.constant 0 : i32
    %dma_wait3A_105 = arith.constant 0 : i32
    %dma_wait3A_106 = tpu.memref_slice %arg4[%dma_wait3A_104, %dma_wait3A_105] : memref<10000x128xf32, #tpu.memory_space<hbm>> -> memref<10000x128xf32, #tpu.memory_space<hbm>>
    tpu.wait_indirect_dma semaphore(%arg17 : memref<!tpu.dma_semaphore, #tpu.memory_space<semaphore_mem>>) src(%dma_wait3A_106 : memref<10000x128xf32, #tpu.memory_space<hbm>>) dst(%arg10 : memref<40x128xf32, #tpu.memory_space<vmem>>)
    %run_scoped3A_107 = arith.constant 247 : i32
    "tpu.region"() ({
      %run_scoped3A_135 = tpu.sem_alloc : memref<!tpu.dma_semaphore, #tpu.memory_space<semaphore_mem>>
      %dma_start3A_136 = arith.constant 0 : i32
      %dma_start3A_137 = tpu.memref_slice %arg8[%run_scoped3A_107, %dma_start3A_136] : memref<250x40xi32, #tpu.memory_space<vmem>> -> memref<1x40xi32, #tpu.memory_space<vmem>>
      %dma_start3A_138 = tpu.memref_squeeze %dma_start3A_137 : memref<1x40xi32, #tpu.memory_space<vmem>> -> memref<40xi32, #tpu.memory_space<vmem>>
      %dma_start3A_139 = arith.constant 0 : i32
      %dma_start3A_140 = arith.constant 0 : i32
      %dma_start3A_141 = tpu.memref_slice %arg15[%dma_start3A_139, %dma_start3A_140] : memref<10000x128xf32, #tpu.memory_space<vmem_shared>> -> memref<10000x128xf32, #tpu.memory_space<vmem_shared>>
      tpu.enqueue_indirect_dma source(%arg10 : memref<40x128xf32, #tpu.memory_space<vmem>>) target(%dma_start3A_141 : memref<10000x128xf32, #tpu.memory_space<vmem_shared>>) offsets(%dma_start3A_138 : memref<40xi32, #tpu.memory_space<vmem>>) semaphore(%run_scoped3A_135 : memref<!tpu.dma_semaphore, #tpu.memory_space<semaphore_mem>>) {add = true}
      %dma_wait3A_142 = arith.constant 0 : i32
      %dma_wait3A_143 = tpu.memref_slice %arg8[%run_scoped3A_107, %dma_wait3A_142] : memref<250x40xi32, #tpu.memory_space<vmem>> -> memref<1x40xi32, #tpu.memory_space<vmem>>
      %dma_wait3A_144 = tpu.memref_squeeze %dma_wait3A_143 : memref<1x40xi32, #tpu.memory_space<vmem>> -> memref<40xi32, #tpu.memory_space<vmem>>
      %dma_wait3A_145 = arith.constant 0 : i32
      %dma_wait3A_146 = arith.constant 0 : i32
      %dma_wait3A_147 = tpu.memref_slice %arg15[%dma_wait3A_145, %dma_wait3A_146] : memref<10000x128xf32, #tpu.memory_space<vmem_shared>> -> memref<10000x128xf32, #tpu.memory_space<vmem_shared>>
      tpu.wait_indirect_dma semaphore(%run_scoped3A_135 : memref<!tpu.dma_semaphore, #tpu.memory_space<semaphore_mem>>) src(%arg10 : memref<40x128xf32, #tpu.memory_space<vmem>>) dst(%dma_wait3A_147 : memref<10000x128xf32, #tpu.memory_space<vmem_shared>>)
      tpu.yield
    }) : () -> ()
    %dma_wait3A_108 = arith.constant 0 : i32
    %dma_wait3A_109 = arith.constant 0 : i32
    %dma_wait3A_110 = tpu.memref_slice %arg7[%dma_wait3A_108, %dma_wait3A_109] : memref<250x40xi32, #tpu.memory_space<vmem>> -> memref<1x40xi32, #tpu.memory_space<vmem>>
    %dma_wait3A_111 = tpu.memref_squeeze %dma_wait3A_110 : memref<1x40xi32, #tpu.memory_space<vmem>> -> memref<40xi32, #tpu.memory_space<vmem>>
    %dma_wait3A_112 = arith.constant 0 : i32
    %dma_wait3A_113 = arith.constant 0 : i32
    %dma_wait3A_114 = tpu.memref_slice %arg4[%dma_wait3A_112, %dma_wait3A_113] : memref<10000x128xf32, #tpu.memory_space<hbm>> -> memref<10000x128xf32, #tpu.memory_space<hbm>>
    tpu.wait_indirect_dma semaphore(%arg18 : memref<!tpu.dma_semaphore, #tpu.memory_space<semaphore_mem>>) src(%dma_wait3A_114 : memref<10000x128xf32, #tpu.memory_space<hbm>>) dst(%arg11 : memref<40x128xf32, #tpu.memory_space<vmem>>)
    %run_scoped3A_115 = arith.constant 248 : i32
    "tpu.region"() ({
      %run_scoped3A_135 = tpu.sem_alloc : memref<!tpu.dma_semaphore, #tpu.memory_space<semaphore_mem>>
      %dma_start3A_136 = arith.constant 0 : i32
      %dma_start3A_137 = tpu.memref_slice %arg8[%run_scoped3A_115, %dma_start3A_136] : memref<250x40xi32, #tpu.memory_space<vmem>> -> memref<1x40xi32, #tpu.memory_space<vmem>>
      %dma_start3A_138 = tpu.memref_squeeze %dma_start3A_137 : memref<1x40xi32, #tpu.memory_space<vmem>> -> memref<40xi32, #tpu.memory_space<vmem>>
      %dma_start3A_139 = arith.constant 0 : i32
      %dma_start3A_140 = arith.constant 0 : i32
      %dma_start3A_141 = tpu.memref_slice %arg15[%dma_start3A_139, %dma_start3A_140] : memref<10000x128xf32, #tpu.memory_space<vmem_shared>> -> memref<10000x128xf32, #tpu.memory_space<vmem_shared>>
      tpu.enqueue_indirect_dma source(%arg11 : memref<40x128xf32, #tpu.memory_space<vmem>>) target(%dma_start3A_141 : memref<10000x128xf32, #tpu.memory_space<vmem_shared>>) offsets(%dma_start3A_138 : memref<40xi32, #tpu.memory_space<vmem>>) semaphore(%run_scoped3A_135 : memref<!tpu.dma_semaphore, #tpu.memory_space<semaphore_mem>>) {add = true}
      %dma_wait3A_142 = arith.constant 0 : i32
      %dma_wait3A_143 = tpu.memref_slice %arg8[%run_scoped3A_115, %dma_wait3A_142] : memref<250x40xi32, #tpu.memory_space<vmem>> -> memref<1x40xi32, #tpu.memory_space<vmem>>
      %dma_wait3A_144 = tpu.memref_squeeze %dma_wait3A_143 : memref<1x40xi32, #tpu.memory_space<vmem>> -> memref<40xi32, #tpu.memory_space<vmem>>
      %dma_wait3A_145 = arith.constant 0 : i32
      %dma_wait3A_146 = arith.constant 0 : i32
      %dma_wait3A_147 = tpu.memref_slice %arg15[%dma_wait3A_145, %dma_wait3A_146] : memref<10000x128xf32, #tpu.memory_space<vmem_shared>> -> memref<10000x128xf32, #tpu.memory_space<vmem_shared>>
      tpu.wait_indirect_dma semaphore(%run_scoped3A_135 : memref<!tpu.dma_semaphore, #tpu.memory_space<semaphore_mem>>) src(%arg11 : memref<40x128xf32, #tpu.memory_space<vmem>>) dst(%dma_wait3A_147 : memref<10000x128xf32, #tpu.memory_space<vmem_shared>>)
      tpu.yield
    }) : () -> ()
    %dma_wait3A_116 = arith.constant 0 : i32
    %dma_wait3A_117 = arith.constant 0 : i32
    %dma_wait3A_118 = tpu.memref_slice %arg7[%dma_wait3A_116, %dma_wait3A_117] : memref<250x40xi32, #tpu.memory_space<vmem>> -> memref<1x40xi32, #tpu.memory_space<vmem>>
    %dma_wait3A_119 = tpu.memref_squeeze %dma_wait3A_118 : memref<1x40xi32, #tpu.memory_space<vmem>> -> memref<40xi32, #tpu.memory_space<vmem>>
    %dma_wait3A_120 = arith.constant 0 : i32
    %dma_wait3A_121 = arith.constant 0 : i32
    %dma_wait3A_122 = tpu.memref_slice %arg4[%dma_wait3A_120, %dma_wait3A_121] : memref<10000x128xf32, #tpu.memory_space<hbm>> -> memref<10000x128xf32, #tpu.memory_space<hbm>>
    tpu.wait_indirect_dma semaphore(%arg19 : memref<!tpu.dma_semaphore, #tpu.memory_space<semaphore_mem>>) src(%dma_wait3A_122 : memref<10000x128xf32, #tpu.memory_space<hbm>>) dst(%arg12 : memref<40x128xf32, #tpu.memory_space<vmem>>)
    %run_scoped3A_123 = arith.constant 249 : i32
    "tpu.region"() ({
      %run_scoped3A_135 = tpu.sem_alloc : memref<!tpu.dma_semaphore, #tpu.memory_space<semaphore_mem>>
      %dma_start3A_136 = arith.constant 0 : i32
      %dma_start3A_137 = tpu.memref_slice %arg8[%run_scoped3A_123, %dma_start3A_136] : memref<250x40xi32, #tpu.memory_space<vmem>> -> memref<1x40xi32, #tpu.memory_space<vmem>>
      %dma_start3A_138 = tpu.memref_squeeze %dma_start3A_137 : memref<1x40xi32, #tpu.memory_space<vmem>> -> memref<40xi32, #tpu.memory_space<vmem>>
      %dma_start3A_139 = arith.constant 0 : i32
      %dma_start3A_140 = arith.constant 0 : i32
      %dma_start3A_141 = tpu.memref_slice %arg15[%dma_start3A_139, %dma_start3A_140] : memref<10000x128xf32, #tpu.memory_space<vmem_shared>> -> memref<10000x128xf32, #tpu.memory_space<vmem_shared>>
      tpu.enqueue_indirect_dma source(%arg12 : memref<40x128xf32, #tpu.memory_space<vmem>>) target(%dma_start3A_141 : memref<10000x128xf32, #tpu.memory_space<vmem_shared>>) offsets(%dma_start3A_138 : memref<40xi32, #tpu.memory_space<vmem>>) semaphore(%run_scoped3A_135 : memref<!tpu.dma_semaphore, #tpu.memory_space<semaphore_mem>>) {add = true}
      %dma_wait3A_142 = arith.constant 0 : i32
      %dma_wait3A_143 = tpu.memref_slice %arg8[%run_scoped3A_123, %dma_wait3A_142] : memref<250x40xi32, #tpu.memory_space<vmem>> -> memref<1x40xi32, #tpu.memory_space<vmem>>
      %dma_wait3A_144 = tpu.memref_squeeze %dma_wait3A_143 : memref<1x40xi32, #tpu.memory_space<vmem>> -> memref<40xi32, #tpu.memory_space<vmem>>
      %dma_wait3A_145 = arith.constant 0 : i32
      %dma_wait3A_146 = arith.constant 0 : i32
      %dma_wait3A_147 = tpu.memref_slice %arg15[%dma_wait3A_145, %dma_wait3A_146] : memref<10000x128xf32, #tpu.memory_space<vmem_shared>> -> memref<10000x128xf32, #tpu.memory_space<vmem_shared>>
      tpu.wait_indirect_dma semaphore(%run_scoped3A_135 : memref<!tpu.dma_semaphore, #tpu.memory_space<semaphore_mem>>) src(%arg12 : memref<40x128xf32, #tpu.memory_space<vmem>>) dst(%dma_wait3A_147 : memref<10000x128xf32, #tpu.memory_space<vmem_shared>>)
      tpu.yield
    }) : () -> ()
    %barrier3A_124 = arith.constant 0 : index
    tpu.barrier barrier_id(%barrier3A_124)
    %lt3A_125 = arith.constant 15 : i32
    %lt3A_126 = arith.cmpi slt, %arg1, %lt3A_125 : i32
    %convert_element_type3A_127 = arith.extui %lt3A_126 : i1 to i32
    %cond3A_128 = arith.constant 0 : i32
    %cond3A_129 = arith.cmpi ne, %convert_element_type3A_127, %cond3A_128 : i32
    scf.if %cond3A_129 {
      %mul3A_135 = arith.constant 624 : i32
      %mul3A_136 = arith.muli %arg1, %mul3A_135 : i32
      %mul3A_137 = arith.constant 624 : i32
      %mul3A_138 = arith.muli %arg1, %mul3A_137 : i32
      "tpu.region"() ({
        %run_scoped3A_139 = tpu.sem_alloc : memref<!tpu.dma_semaphore, #tpu.memory_space<semaphore_mem>>
        %dma_start3A_140 = arith.constant 0 : i32
        %dma_start3A_141 = tpu.memref_slice %arg6[%arg0, %mul3A_138, %dma_start3A_140] : memref<2x10000x128xf32, #tpu.memory_space<hbm>> -> memref<1x624x128xf32, #tpu.memory_space<hbm>>
        %dma_start3A_142 = tpu.memref_squeeze %dma_start3A_141 : memref<1x624x128xf32, #tpu.memory_space<hbm>> -> memref<624x128xf32, #tpu.memory_space<hbm>>
        %dma_start3A_143 = arith.constant 0 : i32
        %dma_start3A_144 = tpu.memref_slice %arg15[%mul3A_136, %dma_start3A_143] : memref<10000x128xf32, #tpu.memory_space<vmem_shared>> -> memref<624x128xf32, #tpu.memory_space<vmem_shared>>
        tpu.enqueue_dma source(%dma_start3A_144 : memref<624x128xf32, #tpu.memory_space<vmem_shared>>) target(%dma_start3A_142 : memref<624x128xf32, #tpu.memory_space<hbm>>) target_semaphore(%run_scoped3A_139 : memref<!tpu.dma_semaphore, #tpu.memory_space<semaphore_mem>>)
        %dma_wait3A_145 = arith.constant 0 : i32
        %dma_wait3A_146 = tpu.memref_slice %arg6[%arg0, %mul3A_138, %dma_wait3A_145] : memref<2x10000x128xf32, #tpu.memory_space<hbm>> -> memref<1x624x128xf32, #tpu.memory_space<hbm>>
        %dma_wait3A_147 = tpu.memref_squeeze %dma_wait3A_146 : memref<1x624x128xf32, #tpu.memory_space<hbm>> -> memref<624x128xf32, #tpu.memory_space<hbm>>
        %dma_wait3A_148 = arith.constant 0 : i32
        %dma_wait3A_149 = tpu.memref_slice %arg15[%mul3A_136, %dma_wait3A_148] : memref<10000x128xf32, #tpu.memory_space<vmem_shared>> -> memref<624x128xf32, #tpu.memory_space<vmem_shared>>
        tpu.wait_dma2 semaphore(%run_scoped3A_139 : memref<!tpu.dma_semaphore, #tpu.memory_space<semaphore_mem>>) src(%dma_wait3A_149 : memref<624x128xf32, #tpu.memory_space<vmem_shared>>) dst(%dma_wait3A_147 : memref<624x128xf32, #tpu.memory_space<hbm>>)
        tpu.yield
      }) : () -> ()
    } else {
    }
    %eq3A_130 = arith.constant 15 : i32
    %eq3A_131 = arith.cmpi eq, %arg1, %eq3A_130 : i32
    %convert_element_type3A_132 = arith.extui %eq3A_131 : i1 to i32
    %cond3A_133 = arith.constant 0 : i32
    %cond3A_134 = arith.cmpi ne, %convert_element_type3A_132, %cond3A_133 : i32
    scf.if %cond3A_134 {
      "tpu.region"() ({
        %run_scoped3A_135 = tpu.sem_alloc : memref<!tpu.dma_semaphore, #tpu.memory_space<semaphore_mem>>
        %dma_start3A_136 = arith.constant 9360 : i32
        %dma_start3A_137 = arith.constant 0 : i32
        %dma_start3A_138 = tpu.memref_slice %arg6[%arg0, %dma_start3A_136, %dma_start3A_137] : memref<2x10000x128xf32, #tpu.memory_space<hbm>> -> memref<1x640x128xf32, #tpu.memory_space<hbm>>
        %dma_start3A_139 = tpu.memref_squeeze %dma_start3A_138 : memref<1x640x128xf32, #tpu.memory_space<hbm>> -> memref<640x128xf32, #tpu.memory_space<hbm>>
        %dma_start3A_140 = arith.constant 9360 : i32
        %dma_start3A_141 = arith.constant 0 : i32
        %dma_start3A_142 = tpu.memref_slice %arg15[%dma_start3A_140, %dma_start3A_141] : memref<10000x128xf32, #tpu.memory_space<vmem_shared>> -> memref<640x128xf32, #tpu.memory_space<vmem_shared>>
        tpu.enqueue_dma source(%dma_start3A_142 : memref<640x128xf32, #tpu.memory_space<vmem_shared>>) target(%dma_start3A_139 : memref<640x128xf32, #tpu.memory_space<hbm>>) target_semaphore(%run_scoped3A_135 : memref<!tpu.dma_semaphore, #tpu.memory_space<semaphore_mem>>)
        %dma_wait3A_143 = arith.constant 9360 : i32
        %dma_wait3A_144 = arith.constant 0 : i32
        %dma_wait3A_145 = tpu.memref_slice %arg6[%arg0, %dma_wait3A_143, %dma_wait3A_144] : memref<2x10000x128xf32, #tpu.memory_space<hbm>> -> memref<1x640x128xf32, #tpu.memory_space<hbm>>
        %dma_wait3A_146 = tpu.memref_squeeze %dma_wait3A_145 : memref<1x640x128xf32, #tpu.memory_space<hbm>> -> memref<640x128xf32, #tpu.memory_space<hbm>>
        %dma_wait3A_147 = arith.constant 9360 : i32
        %dma_wait3A_148 = arith.constant 0 : i32
        %dma_wait3A_149 = tpu.memref_slice %arg15[%dma_wait3A_147, %dma_wait3A_148] : memref<10000x128xf32, #tpu.memory_space<vmem_shared>> -> memref<640x128xf32, #tpu.memory_space<vmem_shared>>
        tpu.wait_dma2 semaphore(%run_scoped3A_135 : memref<!tpu.dma_semaphore, #tpu.memory_space<semaphore_mem>>) src(%dma_wait3A_149 : memref<640x128xf32, #tpu.memory_space<vmem_shared>>) dst(%dma_wait3A_146 : memref<640x128xf32, #tpu.memory_space<hbm>>)
        tpu.yield
      }) : () -> ()
    } else {
    }
    return
  }
}

#map = affine_map<(d0, d1) -> (0, 0, 0)>
#map1 = affine_map<(d0, d1) -> (0, 0)>
module attributes {stable_mosaic.version = 14 : i64} {
  func.func @_sc_agg(%arg0: i32, %arg1: i32, %arg2: memref<32x250x40xi32, #tpu.memory_space<hbm>>, %arg3: memref<32x250x40xi32, #tpu.memory_space<hbm>>, %arg4: memref<10000x128xf32, #tpu.memory_space<hbm>>, %arg5: memref<640x128xf32, #tpu.memory_space<hbm>>, %arg6: memref<2x10000x128xf32, #tpu.memory_space<hbm>>, %arg7: memref<250x40xi32, #tpu.memory_space<vmem>>, %arg8: memref<250x40xi32, #tpu.memory_space<vmem>>, %arg9: memref<40x128xf32, #tpu.memory_space<vmem>>, %arg10: memref<40x128xf32, #tpu.memory_space<vmem>>, %arg11: memref<40x128xf32, #tpu.memory_space<vmem>>, %arg12: memref<40x128xf32, #tpu.memory_space<vmem>>, %arg13: memref<40x128xf32, #tpu.memory_space<vmem>>, %arg14: memref<40x128xf32, #tpu.memory_space<vmem>>, %arg15: memref<10000x128xf32, #tpu.memory_space<vmem_shared>>, %arg16: memref<!tpu.dma_semaphore, #tpu.memory_space<semaphore_mem>>, %arg17: memref<!tpu.dma_semaphore, #tpu.memory_space<semaphore_mem>>, %arg18: memref<!tpu.dma_semaphore, #tpu.memory_space<semaphore_mem>>, %arg19: memref<!tpu.dma_semaphore, #tpu.memory_space<semaphore_mem>>, %arg20: memref<!tpu.dma_semaphore, #tpu.memory_space<semaphore_mem>>, %arg21: memref<!tpu.dma_semaphore, #tpu.memory_space<semaphore_mem>>, %arg22: memref<!tpu.dma_semaphore, #tpu.memory_space<semaphore_mem>>, %arg23: memref<!tpu.dma_semaphore, #tpu.memory_space<semaphore_mem>>, %arg24: memref<!tpu.dma_semaphore, #tpu.memory_space<semaphore_mem>>, %arg25: memref<!tpu.dma_semaphore, #tpu.memory_space<semaphore_mem>>, %arg26: memref<!tpu.dma_semaphore, #tpu.memory_space<semaphore_mem>>, %arg27: memref<!tpu.dma_semaphore, #tpu.memory_space<semaphore_mem>>, %arg28: memref<!tpu.dma_semaphore, #tpu.memory_space<semaphore_mem>>, %arg29: memref<!tpu.dma_semaphore, #tpu.memory_space<semaphore_mem>>) attributes {dimension_semantics = [#tpu.dimension_semantics<core_parallel>, #tpu.dimension_semantics<subcore_parallel>], iteration_bounds = array<i64: 2, 16>, scalar_prefetch = 0 : i64, scratch_operands = 23 : i64, tpu.core_type = #tpu.core_type<sc_vector_subcore>, window_params = [{transform_indices = #map}, {transform_indices = #map}, {transform_indices = #map1}, {transform_indices = #map1}, {transform_indices = #map}]} {
    %mul3A = arith.constant 2 : i32
    %mul3A_0 = arith.muli %arg1, %mul3A : i32
    %add3A = arith.addi %mul3A_0, %arg0 : i32
    %lt3A = arith.constant 15 : i32
    %lt3A_1 = arith.cmpi slt, %arg1, %lt3A : i32
    %convert_element_type3A = arith.extui %lt3A_1 : i1 to i32
    %cond3A = arith.constant 0 : i32
    %cond3A_2 = arith.cmpi ne, %convert_element_type3A, %cond3A : i32
    scf.if %cond3A_2 {
      %mul3A_135 = arith.constant 624 : i32
      %mul3A_136 = arith.muli %arg1, %mul3A_135 : i32
      %dma_start3A_137 = arith.constant 0 : i32
      %dma_start3A_138 = tpu.memref_slice %arg15[%mul3A_136, %dma_start3A_137] : memref<10000x128xf32, #tpu.memory_space<vmem_shared>> -> memref<624x128xf32, #tpu.memory_space<vmem_shared>>
      %dma_start3A_139 = arith.constant 0 : i32
      %dma_start3A_140 = arith.constant 0 : i32
      %dma_start3A_141 = tpu.memref_slice %arg5[%dma_start3A_139, %dma_start3A_140] : memref<640x128xf32, #tpu.memory_space<hbm>> -> memref<624x128xf32, #tpu.memory_space<hbm>>
      tpu.enqueue_dma source(%dma_start3A_141 : memref<624x128xf32, #tpu.memory_space<hbm>>) target(%dma_start3A_138 : memref<624x128xf32, #tpu.memory_space<vmem_shared>>) target_semaphore(%arg28 : memref<!tpu.dma_semaphore, #tpu.memory_space<semaphore_mem>>)
    } else {
    }
    %eq3A = arith.constant 15 : i32
    %eq3A_3 = arith.cmpi eq, %arg1, %eq3A : i32
    %convert_element_type3A_4 = arith.extui %eq3A_3 : i1 to i32
    %cond3A_5 = arith.constant 0 : i32
    %cond3A_6 = arith.cmpi ne, %convert_element_type3A_4, %cond3A_5 : i32
    scf.if %cond3A_6 {
      %dma_start3A_135 = arith.constant 9360 : i32
      %dma_start3A_136 = arith.constant 0 : i32
      %dma_start3A_137 = tpu.memref_slice %arg15[%dma_start3A_135, %dma_start3A_136] : memref<10000x128xf32, #tpu.memory_space<vmem_shared>> -> memref<640x128xf32, #tpu.memory_space<vmem_shared>>
      tpu.enqueue_dma source(%arg5 : memref<640x128xf32, #tpu.memory_space<hbm>>) target(%dma_start3A_137 : memref<640x128xf32, #tpu.memory_space<vmem_shared>>) target_semaphore(%arg28 : memref<!tpu.dma_semaphore, #tpu.memory_space<semaphore_mem>>)
    } else {
    }
    %dma_start3A = arith.constant 0 : i32
    %dma_start3A_7 = arith.constant 0 : i32
    %dma_start3A_8 = tpu.memref_slice %arg2[%add3A, %dma_start3A, %dma_start3A_7] : memref<32x250x40xi32, #tpu.memory_space<hbm>> -> memref<1x250x40xi32, #tpu.memory_space<hbm>>
    %dma_start3A_9 = tpu.memref_squeeze %dma_start3A_8 : memref<1x250x40xi32, #tpu.memory_space<hbm>> -> memref<250x40xi32, #tpu.memory_space<hbm>>
    %dma_start3A_10 = arith.constant 0 : i32
    %dma_start3A_11 = arith.constant 0 : i32
    %dma_start3A_12 = tpu.memref_slice %arg2[%add3A, %dma_start3A_10, %dma_start3A_11] : memref<32x250x40xi32, #tpu.memory_space<hbm>> -> memref<1x250x40xi32, #tpu.memory_space<hbm>>
    %dma_start3A_13 = tpu.memref_squeeze %dma_start3A_12 : memref<1x250x40xi32, #tpu.memory_space<hbm>> -> memref<250x40xi32, #tpu.memory_space<hbm>>
    tpu.enqueue_dma source(%dma_start3A_13 : memref<250x40xi32, #tpu.memory_space<hbm>>) target(%arg7 : memref<250x40xi32, #tpu.memory_space<vmem>>) target_semaphore(%arg29 : memref<!tpu.dma_semaphore, #tpu.memory_space<semaphore_mem>>)
    %dma_start3A_14 = arith.constant 0 : i32
    %dma_start3A_15 = arith.constant 0 : i32
    %dma_start3A_16 = tpu.memref_slice %arg3[%add3A, %dma_start3A_14, %dma_start3A_15] : memref<32x250x40xi32, #tpu.memory_space<hbm>> -> memref<1x250x40xi32, #tpu.memory_space<hbm>>
    %dma_start3A_17 = tpu.memref_squeeze %dma_start3A_16 : memref<1x250x40xi32, #tpu.memory_space<hbm>> -> memref<250x40xi32, #tpu.memory_space<hbm>>
    %dma_start3A_18 = arith.constant 0 : i32
    %dma_start3A_19 = arith.constant 0 : i32
    %dma_start3A_20 = tpu.memref_slice %arg3[%add3A, %dma_start3A_18, %dma_start3A_19] : memref<32x250x40xi32, #tpu.memory_space<hbm>> -> memref<1x250x40xi32, #tpu.memory_space<hbm>>
    %dma_start3A_21 = tpu.memref_squeeze %dma_start3A_20 : memref<1x250x40xi32, #tpu.memory_space<hbm>> -> memref<250x40xi32, #tpu.memory_space<hbm>>
    tpu.enqueue_dma source(%dma_start3A_21 : memref<250x40xi32, #tpu.memory_space<hbm>>) target(%arg8 : memref<250x40xi32, #tpu.memory_space<vmem>>) target_semaphore(%arg29 : memref<!tpu.dma_semaphore, #tpu.memory_space<semaphore_mem>>)
    %dma_wait3A = arith.constant 0 : i32
    %dma_wait3A_22 = arith.constant 0 : i32
    %dma_wait3A_23 = tpu.memref_slice %arg2[%add3A, %dma_wait3A, %dma_wait3A_22] : memref<32x250x40xi32, #tpu.memory_space<hbm>> -> memref<1x250x40xi32, #tpu.memory_space<hbm>>
    %dma_wait3A_24 = tpu.memref_squeeze %dma_wait3A_23 : memref<1x250x40xi32, #tpu.memory_space<hbm>> -> memref<250x40xi32, #tpu.memory_space<hbm>>
    %dma_wait3A_25 = arith.constant 0 : i32
    %dma_wait3A_26 = arith.constant 0 : i32
    %dma_wait3A_27 = tpu.memref_slice %arg2[%add3A, %dma_wait3A_25, %dma_wait3A_26] : memref<32x250x40xi32, #tpu.memory_space<hbm>> -> memref<1x250x40xi32, #tpu.memory_space<hbm>>
    %dma_wait3A_28 = tpu.memref_squeeze %dma_wait3A_27 : memref<1x250x40xi32, #tpu.memory_space<hbm>> -> memref<250x40xi32, #tpu.memory_space<hbm>>
    tpu.wait_dma2 semaphore(%arg29 : memref<!tpu.dma_semaphore, #tpu.memory_space<semaphore_mem>>) src(%dma_wait3A_28 : memref<250x40xi32, #tpu.memory_space<hbm>>) dst(%arg7 : memref<250x40xi32, #tpu.memory_space<vmem>>)
    %dma_wait3A_29 = arith.constant 0 : i32
    %dma_wait3A_30 = arith.constant 0 : i32
    %dma_wait3A_31 = tpu.memref_slice %arg3[%add3A, %dma_wait3A_29, %dma_wait3A_30] : memref<32x250x40xi32, #tpu.memory_space<hbm>> -> memref<1x250x40xi32, #tpu.memory_space<hbm>>
    %dma_wait3A_32 = tpu.memref_squeeze %dma_wait3A_31 : memref<1x250x40xi32, #tpu.memory_space<hbm>> -> memref<250x40xi32, #tpu.memory_space<hbm>>
    %dma_wait3A_33 = arith.constant 0 : i32
    %dma_wait3A_34 = arith.constant 0 : i32
    %dma_wait3A_35 = tpu.memref_slice %arg3[%add3A, %dma_wait3A_33, %dma_wait3A_34] : memref<32x250x40xi32, #tpu.memory_space<hbm>> -> memref<1x250x40xi32, #tpu.memory_space<hbm>>
    %dma_wait3A_36 = tpu.memref_squeeze %dma_wait3A_35 : memref<1x250x40xi32, #tpu.memory_space<hbm>> -> memref<250x40xi32, #tpu.memory_space<hbm>>
    tpu.wait_dma2 semaphore(%arg29 : memref<!tpu.dma_semaphore, #tpu.memory_space<semaphore_mem>>) src(%dma_wait3A_36 : memref<250x40xi32, #tpu.memory_space<hbm>>) dst(%arg8 : memref<250x40xi32, #tpu.memory_space<vmem>>)
    %dma_start3A_37 = arith.constant 0 : i32
    %dma_start3A_38 = arith.constant 0 : i32
    %dma_start3A_39 = tpu.memref_slice %arg7[%dma_start3A_37, %dma_start3A_38] : memref<250x40xi32, #tpu.memory_space<vmem>> -> memref<1x40xi32, #tpu.memory_space<vmem>>
    %dma_start3A_40 = tpu.memref_squeeze %dma_start3A_39 : memref<1x40xi32, #tpu.memory_space<vmem>> -> memref<40xi32, #tpu.memory_space<vmem>>
    %dma_start3A_41 = arith.constant 0 : i32
    %dma_start3A_42 = arith.constant 0 : i32
    %dma_start3A_43 = tpu.memref_slice %arg4[%dma_start3A_41, %dma_start3A_42] : memref<10000x128xf32, #tpu.memory_space<hbm>> -> memref<10000x128xf32, #tpu.memory_space<hbm>>
    tpu.enqueue_indirect_dma source(%dma_start3A_43 : memref<10000x128xf32, #tpu.memory_space<hbm>>) target(%arg9 : memref<40x128xf32, #tpu.memory_space<vmem>>) offsets(%dma_start3A_40 : memref<40xi32, #tpu.memory_space<vmem>>) semaphore(%arg16 : memref<!tpu.dma_semaphore, #tpu.memory_space<semaphore_mem>>)
    %dma_start3A_44 = arith.constant 1 : i32
    %dma_start3A_45 = arith.constant 0 : i32
    %dma_start3A_46 = tpu.memref_slice %arg7[%dma_start3A_44, %dma_start3A_45] : memref<250x40xi32, #tpu.memory_space<vmem>> -> memref<1x40xi32, #tpu.memory_space<vmem>>
    %dma_start3A_47 = tpu.memref_squeeze %dma_start3A_46 : memref<1x40xi32, #tpu.memory_space<vmem>> -> memref<40xi32, #tpu.memory_space<vmem>>
    %dma_start3A_48 = arith.constant 0 : i32
    %dma_start3A_49 = arith.constant 0 : i32
    %dma_start3A_50 = tpu.memref_slice %arg4[%dma_start3A_48, %dma_start3A_49] : memref<10000x128xf32, #tpu.memory_space<hbm>> -> memref<10000x128xf32, #tpu.memory_space<hbm>>
    tpu.enqueue_indirect_dma source(%dma_start3A_50 : memref<10000x128xf32, #tpu.memory_space<hbm>>) target(%arg10 : memref<40x128xf32, #tpu.memory_space<vmem>>) offsets(%dma_start3A_47 : memref<40xi32, #tpu.memory_space<vmem>>) semaphore(%arg17 : memref<!tpu.dma_semaphore, #tpu.memory_space<semaphore_mem>>)
    %dma_start3A_51 = arith.constant 2 : i32
    %dma_start3A_52 = arith.constant 0 : i32
    %dma_start3A_53 = tpu.memref_slice %arg7[%dma_start3A_51, %dma_start3A_52] : memref<250x40xi32, #tpu.memory_space<vmem>> -> memref<1x40xi32, #tpu.memory_space<vmem>>
    %dma_start3A_54 = tpu.memref_squeeze %dma_start3A_53 : memref<1x40xi32, #tpu.memory_space<vmem>> -> memref<40xi32, #tpu.memory_space<vmem>>
    %dma_start3A_55 = arith.constant 0 : i32
    %dma_start3A_56 = arith.constant 0 : i32
    %dma_start3A_57 = tpu.memref_slice %arg4[%dma_start3A_55, %dma_start3A_56] : memref<10000x128xf32, #tpu.memory_space<hbm>> -> memref<10000x128xf32, #tpu.memory_space<hbm>>
    tpu.enqueue_indirect_dma source(%dma_start3A_57 : memref<10000x128xf32, #tpu.memory_space<hbm>>) target(%arg11 : memref<40x128xf32, #tpu.memory_space<vmem>>) offsets(%dma_start3A_54 : memref<40xi32, #tpu.memory_space<vmem>>) semaphore(%arg18 : memref<!tpu.dma_semaphore, #tpu.memory_space<semaphore_mem>>)
    %dma_start3A_58 = arith.constant 3 : i32
    %dma_start3A_59 = arith.constant 0 : i32
    %dma_start3A_60 = tpu.memref_slice %arg7[%dma_start3A_58, %dma_start3A_59] : memref<250x40xi32, #tpu.memory_space<vmem>> -> memref<1x40xi32, #tpu.memory_space<vmem>>
    %dma_start3A_61 = tpu.memref_squeeze %dma_start3A_60 : memref<1x40xi32, #tpu.memory_space<vmem>> -> memref<40xi32, #tpu.memory_space<vmem>>
    %dma_start3A_62 = arith.constant 0 : i32
    %dma_start3A_63 = arith.constant 0 : i32
    %dma_start3A_64 = tpu.memref_slice %arg4[%dma_start3A_62, %dma_start3A_63] : memref<10000x128xf32, #tpu.memory_space<hbm>> -> memref<10000x128xf32, #tpu.memory_space<hbm>>
    tpu.enqueue_indirect_dma source(%dma_start3A_64 : memref<10000x128xf32, #tpu.memory_space<hbm>>) target(%arg12 : memref<40x128xf32, #tpu.memory_space<vmem>>) offsets(%dma_start3A_61 : memref<40xi32, #tpu.memory_space<vmem>>) semaphore(%arg19 : memref<!tpu.dma_semaphore, #tpu.memory_space<semaphore_mem>>)
    %dma_start3A_65 = arith.constant 4 : i32
    %dma_start3A_66 = arith.constant 0 : i32
    %dma_start3A_67 = tpu.memref_slice %arg7[%dma_start3A_65, %dma_start3A_66] : memref<250x40xi32, #tpu.memory_space<vmem>> -> memref<1x40xi32, #tpu.memory_space<vmem>>
    %dma_start3A_68 = tpu.memref_squeeze %dma_start3A_67 : memref<1x40xi32, #tpu.memory_space<vmem>> -> memref<40xi32, #tpu.memory_space<vmem>>
    %dma_start3A_69 = arith.constant 0 : i32
    %dma_start3A_70 = arith.constant 0 : i32
    %dma_start3A_71 = tpu.memref_slice %arg4[%dma_start3A_69, %dma_start3A_70] : memref<10000x128xf32, #tpu.memory_space<hbm>> -> memref<10000x128xf32, #tpu.memory_space<hbm>>
    tpu.enqueue_indirect_dma source(%dma_start3A_71 : memref<10000x128xf32, #tpu.memory_space<hbm>>) target(%arg13 : memref<40x128xf32, #tpu.memory_space<vmem>>) offsets(%dma_start3A_68 : memref<40xi32, #tpu.memory_space<vmem>>) semaphore(%arg20 : memref<!tpu.dma_semaphore, #tpu.memory_space<semaphore_mem>>)
    %dma_start3A_72 = arith.constant 5 : i32
    %dma_start3A_73 = arith.constant 0 : i32
    %dma_start3A_74 = tpu.memref_slice %arg7[%dma_start3A_72, %dma_start3A_73] : memref<250x40xi32, #tpu.memory_space<vmem>> -> memref<1x40xi32, #tpu.memory_space<vmem>>
    %dma_start3A_75 = tpu.memref_squeeze %dma_start3A_74 : memref<1x40xi32, #tpu.memory_space<vmem>> -> memref<40xi32, #tpu.memory_space<vmem>>
    %dma_start3A_76 = arith.constant 0 : i32
    %dma_start3A_77 = arith.constant 0 : i32
    %dma_start3A_78 = tpu.memref_slice %arg4[%dma_start3A_76, %dma_start3A_77] : memref<10000x128xf32, #tpu.memory_space<hbm>> -> memref<10000x128xf32, #tpu.memory_space<hbm>>
    tpu.enqueue_indirect_dma source(%dma_start3A_78 : memref<10000x128xf32, #tpu.memory_space<hbm>>) target(%arg14 : memref<40x128xf32, #tpu.memory_space<vmem>>) offsets(%dma_start3A_75 : memref<40xi32, #tpu.memory_space<vmem>>) semaphore(%arg21 : memref<!tpu.dma_semaphore, #tpu.memory_space<semaphore_mem>>)
    %lt3A_79 = arith.constant 15 : i32
    %lt3A_80 = arith.cmpi slt, %arg1, %lt3A_79 : i32
    %convert_element_type3A_81 = arith.extui %lt3A_80 : i1 to i32
    %cond3A_82 = arith.constant 0 : i32
    %cond3A_83 = arith.cmpi ne, %convert_element_type3A_81, %cond3A_82 : i32
    scf.if %cond3A_83 {
      %mul3A_135 = arith.constant 624 : i32
      %mul3A_136 = arith.muli %arg1, %mul3A_135 : i32
      %dma_wait3A_137 = arith.constant 0 : i32
      %dma_wait3A_138 = tpu.memref_slice %arg15[%mul3A_136, %dma_wait3A_137] : memref<10000x128xf32, #tpu.memory_space<vmem_shared>> -> memref<624x128xf32, #tpu.memory_space<vmem_shared>>
      %dma_wait3A_139 = arith.constant 0 : i32
      %dma_wait3A_140 = arith.constant 0 : i32
      %dma_wait3A_141 = tpu.memref_slice %arg5[%dma_wait3A_139, %dma_wait3A_140] : memref<640x128xf32, #tpu.memory_space<hbm>> -> memref<624x128xf32, #tpu.memory_space<hbm>>
      tpu.wait_dma2 semaphore(%arg28 : memref<!tpu.dma_semaphore, #tpu.memory_space<semaphore_mem>>) src(%dma_wait3A_141 : memref<624x128xf32, #tpu.memory_space<hbm>>) dst(%dma_wait3A_138 : memref<624x128xf32, #tpu.memory_space<vmem_shared>>)
    } else {
    }
    %eq3A_84 = arith.constant 15 : i32
    %eq3A_85 = arith.cmpi eq, %arg1, %eq3A_84 : i32
    %convert_element_type3A_86 = arith.extui %eq3A_85 : i1 to i32
    %cond3A_87 = arith.constant 0 : i32
    %cond3A_88 = arith.cmpi ne, %convert_element_type3A_86, %cond3A_87 : i32
    scf.if %cond3A_88 {
      %dma_wait3A_135 = arith.constant 9360 : i32
      %dma_wait3A_136 = arith.constant 0 : i32
      %dma_wait3A_137 = tpu.memref_slice %arg15[%dma_wait3A_135, %dma_wait3A_136] : memref<10000x128xf32, #tpu.memory_space<vmem_shared>> -> memref<640x128xf32, #tpu.memory_space<vmem_shared>>
      tpu.wait_dma2 semaphore(%arg28 : memref<!tpu.dma_semaphore, #tpu.memory_space<semaphore_mem>>) src(%arg5 : memref<640x128xf32, #tpu.memory_space<hbm>>) dst(%dma_wait3A_137 : memref<640x128xf32, #tpu.memory_space<vmem_shared>>)
    } else {
    }
    %barrier3A = arith.constant 0 : index
    tpu.barrier barrier_id(%barrier3A)
    %scan3A = arith.constant 0 : i32
    %scan3A_89 = arith.constant 41 : i32
    %scan3A_90 = arith.addi %scan3A, %scan3A_89 : i32
    %scan3A_91 = arith.constant 1 : i32
    scf.for %scan3A_135 = %scan3A to %scan3A_90 step %scan3A_91  : i32 {
      %mul3A_136 = arith.constant 1 : i32
      %mul3A_137 = arith.muli %scan3A_135, %mul3A_136 : i32
      %add3A_138 = arith.constant 0 : i32
      %add3A_139 = arith.addi %add3A_138, %mul3A_137 : i32
      %mul3A_140 = arith.constant 6 : i32
      %mul3A_141 = arith.muli %mul3A_140, %add3A_139 : i32
      %dma_wait3A_142 = arith.constant 0 : i32
      %dma_wait3A_143 = arith.constant 0 : i32
      %dma_wait3A_144 = tpu.memref_slice %arg7[%dma_wait3A_142, %dma_wait3A_143] : memref<250x40xi32, #tpu.memory_space<vmem>> -> memref<1x40xi32, #tpu.memory_space<vmem>>
      %dma_wait3A_145 = tpu.memref_squeeze %dma_wait3A_144 : memref<1x40xi32, #tpu.memory_space<vmem>> -> memref<40xi32, #tpu.memory_space<vmem>>
      %dma_wait3A_146 = arith.constant 0 : i32
      %dma_wait3A_147 = arith.constant 0 : i32
      %dma_wait3A_148 = tpu.memref_slice %arg4[%dma_wait3A_146, %dma_wait3A_147] : memref<10000x128xf32, #tpu.memory_space<hbm>> -> memref<10000x128xf32, #tpu.memory_space<hbm>>
      tpu.wait_indirect_dma semaphore(%arg16 : memref<!tpu.dma_semaphore, #tpu.memory_space<semaphore_mem>>) src(%dma_wait3A_148 : memref<10000x128xf32, #tpu.memory_space<hbm>>) dst(%arg9 : memref<40x128xf32, #tpu.memory_space<vmem>>)
      %add3A_149 = arith.constant 0 : i32
      %add3A_150 = arith.addi %mul3A_141, %add3A_149 : i32
      %dma_start3A_151 = arith.constant 0 : i32
      %dma_start3A_152 = tpu.memref_slice %arg8[%add3A_150, %dma_start3A_151] : memref<250x40xi32, #tpu.memory_space<vmem>> -> memref<1x40xi32, #tpu.memory_space<vmem>>
      %dma_start3A_153 = tpu.memref_squeeze %dma_start3A_152 : memref<1x40xi32, #tpu.memory_space<vmem>> -> memref<40xi32, #tpu.memory_space<vmem>>
      %dma_start3A_154 = arith.constant 0 : i32
      %dma_start3A_155 = arith.constant 0 : i32
      %dma_start3A_156 = tpu.memref_slice %arg15[%dma_start3A_154, %dma_start3A_155] : memref<10000x128xf32, #tpu.memory_space<vmem_shared>> -> memref<10000x128xf32, #tpu.memory_space<vmem_shared>>
      tpu.enqueue_indirect_dma source(%arg9 : memref<40x128xf32, #tpu.memory_space<vmem>>) target(%dma_start3A_156 : memref<10000x128xf32, #tpu.memory_space<vmem_shared>>) offsets(%dma_start3A_153 : memref<40xi32, #tpu.memory_space<vmem>>) semaphore(%arg22 : memref<!tpu.dma_semaphore, #tpu.memory_space<semaphore_mem>>) {add = true}
      %dma_wait3A_157 = arith.constant 0 : i32
      %dma_wait3A_158 = arith.constant 0 : i32
      %dma_wait3A_159 = tpu.memref_slice %arg7[%dma_wait3A_157, %dma_wait3A_158] : memref<250x40xi32, #tpu.memory_space<vmem>> -> memref<1x40xi32, #tpu.memory_space<vmem>>
      %dma_wait3A_160 = tpu.memref_squeeze %dma_wait3A_159 : memref<1x40xi32, #tpu.memory_space<vmem>> -> memref<40xi32, #tpu.memory_space<vmem>>
      %dma_wait3A_161 = arith.constant 0 : i32
      %dma_wait3A_162 = arith.constant 0 : i32
      %dma_wait3A_163 = tpu.memref_slice %arg4[%dma_wait3A_161, %dma_wait3A_162] : memref<10000x128xf32, #tpu.memory_space<hbm>> -> memref<10000x128xf32, #tpu.memory_space<hbm>>
      tpu.wait_indirect_dma semaphore(%arg17 : memref<!tpu.dma_semaphore, #tpu.memory_space<semaphore_mem>>) src(%dma_wait3A_163 : memref<10000x128xf32, #tpu.memory_space<hbm>>) dst(%arg10 : memref<40x128xf32, #tpu.memory_space<vmem>>)
      %add3A_164 = arith.constant 1 : i32
      %add3A_165 = arith.addi %mul3A_141, %add3A_164 : i32
      %dma_start3A_166 = arith.constant 0 : i32
      %dma_start3A_167 = tpu.memref_slice %arg8[%add3A_165, %dma_start3A_166] : memref<250x40xi32, #tpu.memory_space<vmem>> -> memref<1x40xi32, #tpu.memory_space<vmem>>
      %dma_start3A_168 = tpu.memref_squeeze %dma_start3A_167 : memref<1x40xi32, #tpu.memory_space<vmem>> -> memref<40xi32, #tpu.memory_space<vmem>>
      %dma_start3A_169 = arith.constant 0 : i32
      %dma_start3A_170 = arith.constant 0 : i32
      %dma_start3A_171 = tpu.memref_slice %arg15[%dma_start3A_169, %dma_start3A_170] : memref<10000x128xf32, #tpu.memory_space<vmem_shared>> -> memref<10000x128xf32, #tpu.memory_space<vmem_shared>>
      tpu.enqueue_indirect_dma source(%arg10 : memref<40x128xf32, #tpu.memory_space<vmem>>) target(%dma_start3A_171 : memref<10000x128xf32, #tpu.memory_space<vmem_shared>>) offsets(%dma_start3A_168 : memref<40xi32, #tpu.memory_space<vmem>>) semaphore(%arg23 : memref<!tpu.dma_semaphore, #tpu.memory_space<semaphore_mem>>) {add = true}
      %dma_wait3A_172 = arith.constant 0 : i32
      %dma_wait3A_173 = arith.constant 0 : i32
      %dma_wait3A_174 = tpu.memref_slice %arg7[%dma_wait3A_172, %dma_wait3A_173] : memref<250x40xi32, #tpu.memory_space<vmem>> -> memref<1x40xi32, #tpu.memory_space<vmem>>
      %dma_wait3A_175 = tpu.memref_squeeze %dma_wait3A_174 : memref<1x40xi32, #tpu.memory_space<vmem>> -> memref<40xi32, #tpu.memory_space<vmem>>
      %dma_wait3A_176 = arith.constant 0 : i32
      %dma_wait3A_177 = arith.constant 0 : i32
      %dma_wait3A_178 = tpu.memref_slice %arg4[%dma_wait3A_176, %dma_wait3A_177] : memref<10000x128xf32, #tpu.memory_space<hbm>> -> memref<10000x128xf32, #tpu.memory_space<hbm>>
      tpu.wait_indirect_dma semaphore(%arg18 : memref<!tpu.dma_semaphore, #tpu.memory_space<semaphore_mem>>) src(%dma_wait3A_178 : memref<10000x128xf32, #tpu.memory_space<hbm>>) dst(%arg11 : memref<40x128xf32, #tpu.memory_space<vmem>>)
      %add3A_179 = arith.constant 2 : i32
      %add3A_180 = arith.addi %mul3A_141, %add3A_179 : i32
      %dma_start3A_181 = arith.constant 0 : i32
      %dma_start3A_182 = tpu.memref_slice %arg8[%add3A_180, %dma_start3A_181] : memref<250x40xi32, #tpu.memory_space<vmem>> -> memref<1x40xi32, #tpu.memory_space<vmem>>
      %dma_start3A_183 = tpu.memref_squeeze %dma_start3A_182 : memref<1x40xi32, #tpu.memory_space<vmem>> -> memref<40xi32, #tpu.memory_space<vmem>>
      %dma_start3A_184 = arith.constant 0 : i32
      %dma_start3A_185 = arith.constant 0 : i32
      %dma_start3A_186 = tpu.memref_slice %arg15[%dma_start3A_184, %dma_start3A_185] : memref<10000x128xf32, #tpu.memory_space<vmem_shared>> -> memref<10000x128xf32, #tpu.memory_space<vmem_shared>>
      tpu.enqueue_indirect_dma source(%arg11 : memref<40x128xf32, #tpu.memory_space<vmem>>) target(%dma_start3A_186 : memref<10000x128xf32, #tpu.memory_space<vmem_shared>>) offsets(%dma_start3A_183 : memref<40xi32, #tpu.memory_space<vmem>>) semaphore(%arg24 : memref<!tpu.dma_semaphore, #tpu.memory_space<semaphore_mem>>) {add = true}
      %dma_wait3A_187 = arith.constant 0 : i32
      %dma_wait3A_188 = arith.constant 0 : i32
      %dma_wait3A_189 = tpu.memref_slice %arg7[%dma_wait3A_187, %dma_wait3A_188] : memref<250x40xi32, #tpu.memory_space<vmem>> -> memref<1x40xi32, #tpu.memory_space<vmem>>
      %dma_wait3A_190 = tpu.memref_squeeze %dma_wait3A_189 : memref<1x40xi32, #tpu.memory_space<vmem>> -> memref<40xi32, #tpu.memory_space<vmem>>
      %dma_wait3A_191 = arith.constant 0 : i32
      %dma_wait3A_192 = arith.constant 0 : i32
      %dma_wait3A_193 = tpu.memref_slice %arg4[%dma_wait3A_191, %dma_wait3A_192] : memref<10000x128xf32, #tpu.memory_space<hbm>> -> memref<10000x128xf32, #tpu.memory_space<hbm>>
      tpu.wait_indirect_dma semaphore(%arg19 : memref<!tpu.dma_semaphore, #tpu.memory_space<semaphore_mem>>) src(%dma_wait3A_193 : memref<10000x128xf32, #tpu.memory_space<hbm>>) dst(%arg12 : memref<40x128xf32, #tpu.memory_space<vmem>>)
      %add3A_194 = arith.constant 3 : i32
      %add3A_195 = arith.addi %mul3A_141, %add3A_194 : i32
      %dma_start3A_196 = arith.constant 0 : i32
      %dma_start3A_197 = tpu.memref_slice %arg8[%add3A_195, %dma_start3A_196] : memref<250x40xi32, #tpu.memory_space<vmem>> -> memref<1x40xi32, #tpu.memory_space<vmem>>
      %dma_start3A_198 = tpu.memref_squeeze %dma_start3A_197 : memref<1x40xi32, #tpu.memory_space<vmem>> -> memref<40xi32, #tpu.memory_space<vmem>>
      %dma_start3A_199 = arith.constant 0 : i32
      %dma_start3A_200 = arith.constant 0 : i32
      %dma_start3A_201 = tpu.memref_slice %arg15[%dma_start3A_199, %dma_start3A_200] : memref<10000x128xf32, #tpu.memory_space<vmem_shared>> -> memref<10000x128xf32, #tpu.memory_space<vmem_shared>>
      tpu.enqueue_indirect_dma source(%arg12 : memref<40x128xf32, #tpu.memory_space<vmem>>) target(%dma_start3A_201 : memref<10000x128xf32, #tpu.memory_space<vmem_shared>>) offsets(%dma_start3A_198 : memref<40xi32, #tpu.memory_space<vmem>>) semaphore(%arg25 : memref<!tpu.dma_semaphore, #tpu.memory_space<semaphore_mem>>) {add = true}
      %dma_wait3A_202 = arith.constant 0 : i32
      %dma_wait3A_203 = arith.constant 0 : i32
      %dma_wait3A_204 = tpu.memref_slice %arg7[%dma_wait3A_202, %dma_wait3A_203] : memref<250x40xi32, #tpu.memory_space<vmem>> -> memref<1x40xi32, #tpu.memory_space<vmem>>
      %dma_wait3A_205 = tpu.memref_squeeze %dma_wait3A_204 : memref<1x40xi32, #tpu.memory_space<vmem>> -> memref<40xi32, #tpu.memory_space<vmem>>
      %dma_wait3A_206 = arith.constant 0 : i32
      %dma_wait3A_207 = arith.constant 0 : i32
      %dma_wait3A_208 = tpu.memref_slice %arg4[%dma_wait3A_206, %dma_wait3A_207] : memref<10000x128xf32, #tpu.memory_space<hbm>> -> memref<10000x128xf32, #tpu.memory_space<hbm>>
      tpu.wait_indirect_dma semaphore(%arg20 : memref<!tpu.dma_semaphore, #tpu.memory_space<semaphore_mem>>) src(%dma_wait3A_208 : memref<10000x128xf32, #tpu.memory_space<hbm>>) dst(%arg13 : memref<40x128xf32, #tpu.memory_space<vmem>>)
      %add3A_209 = arith.constant 4 : i32
      %add3A_210 = arith.addi %mul3A_141, %add3A_209 : i32
      %dma_start3A_211 = arith.constant 0 : i32
      %dma_start3A_212 = tpu.memref_slice %arg8[%add3A_210, %dma_start3A_211] : memref<250x40xi32, #tpu.memory_space<vmem>> -> memref<1x40xi32, #tpu.memory_space<vmem>>
      %dma_start3A_213 = tpu.memref_squeeze %dma_start3A_212 : memref<1x40xi32, #tpu.memory_space<vmem>> -> memref<40xi32, #tpu.memory_space<vmem>>
      %dma_start3A_214 = arith.constant 0 : i32
      %dma_start3A_215 = arith.constant 0 : i32
      %dma_start3A_216 = tpu.memref_slice %arg15[%dma_start3A_214, %dma_start3A_215] : memref<10000x128xf32, #tpu.memory_space<vmem_shared>> -> memref<10000x128xf32, #tpu.memory_space<vmem_shared>>
      tpu.enqueue_indirect_dma source(%arg13 : memref<40x128xf32, #tpu.memory_space<vmem>>) target(%dma_start3A_216 : memref<10000x128xf32, #tpu.memory_space<vmem_shared>>) offsets(%dma_start3A_213 : memref<40xi32, #tpu.memory_space<vmem>>) semaphore(%arg26 : memref<!tpu.dma_semaphore, #tpu.memory_space<semaphore_mem>>) {add = true}
      %dma_wait3A_217 = arith.constant 0 : i32
      %dma_wait3A_218 = arith.constant 0 : i32
      %dma_wait3A_219 = tpu.memref_slice %arg7[%dma_wait3A_217, %dma_wait3A_218] : memref<250x40xi32, #tpu.memory_space<vmem>> -> memref<1x40xi32, #tpu.memory_space<vmem>>
      %dma_wait3A_220 = tpu.memref_squeeze %dma_wait3A_219 : memref<1x40xi32, #tpu.memory_space<vmem>> -> memref<40xi32, #tpu.memory_space<vmem>>
      %dma_wait3A_221 = arith.constant 0 : i32
      %dma_wait3A_222 = arith.constant 0 : i32
      %dma_wait3A_223 = tpu.memref_slice %arg4[%dma_wait3A_221, %dma_wait3A_222] : memref<10000x128xf32, #tpu.memory_space<hbm>> -> memref<10000x128xf32, #tpu.memory_space<hbm>>
      tpu.wait_indirect_dma semaphore(%arg21 : memref<!tpu.dma_semaphore, #tpu.memory_space<semaphore_mem>>) src(%dma_wait3A_223 : memref<10000x128xf32, #tpu.memory_space<hbm>>) dst(%arg14 : memref<40x128xf32, #tpu.memory_space<vmem>>)
      %add3A_224 = arith.constant 5 : i32
      %add3A_225 = arith.addi %mul3A_141, %add3A_224 : i32
      %dma_start3A_226 = arith.constant 0 : i32
      %dma_start3A_227 = tpu.memref_slice %arg8[%add3A_225, %dma_start3A_226] : memref<250x40xi32, #tpu.memory_space<vmem>> -> memref<1x40xi32, #tpu.memory_space<vmem>>
      %dma_start3A_228 = tpu.memref_squeeze %dma_start3A_227 : memref<1x40xi32, #tpu.memory_space<vmem>> -> memref<40xi32, #tpu.memory_space<vmem>>
      %dma_start3A_229 = arith.constant 0 : i32
      %dma_start3A_230 = arith.constant 0 : i32
      %dma_start3A_231 = tpu.memref_slice %arg15[%dma_start3A_229, %dma_start3A_230] : memref<10000x128xf32, #tpu.memory_space<vmem_shared>> -> memref<10000x128xf32, #tpu.memory_space<vmem_shared>>
      tpu.enqueue_indirect_dma source(%arg14 : memref<40x128xf32, #tpu.memory_space<vmem>>) target(%dma_start3A_231 : memref<10000x128xf32, #tpu.memory_space<vmem_shared>>) offsets(%dma_start3A_228 : memref<40xi32, #tpu.memory_space<vmem>>) semaphore(%arg27 : memref<!tpu.dma_semaphore, #tpu.memory_space<semaphore_mem>>) {add = true}
      %dma_wait3A_232 = arith.constant 0 : i32
      %dma_wait3A_233 = arith.constant 0 : i32
      %dma_wait3A_234 = tpu.memref_slice %arg8[%dma_wait3A_232, %dma_wait3A_233] : memref<250x40xi32, #tpu.memory_space<vmem>> -> memref<1x40xi32, #tpu.memory_space<vmem>>
      %dma_wait3A_235 = tpu.memref_squeeze %dma_wait3A_234 : memref<1x40xi32, #tpu.memory_space<vmem>> -> memref<40xi32, #tpu.memory_space<vmem>>
      %dma_wait3A_236 = arith.constant 0 : i32
      %dma_wait3A_237 = arith.constant 0 : i32
      %dma_wait3A_238 = tpu.memref_slice %arg15[%dma_wait3A_236, %dma_wait3A_237] : memref<10000x128xf32, #tpu.memory_space<vmem_shared>> -> memref<10000x128xf32, #tpu.memory_space<vmem_shared>>
      tpu.wait_indirect_dma semaphore(%arg22 : memref<!tpu.dma_semaphore, #tpu.memory_space<semaphore_mem>>) src(%arg9 : memref<40x128xf32, #tpu.memory_space<vmem>>) dst(%dma_wait3A_238 : memref<10000x128xf32, #tpu.memory_space<vmem_shared>>)
      %add3A_239 = arith.constant 0 : i32
      %add3A_240 = arith.addi %mul3A_141, %add3A_239 : i32
      %add3A_241 = arith.constant 6 : i32
      %add3A_242 = arith.addi %add3A_240, %add3A_241 : i32
      %lt3A_243 = arith.constant 250 : i32
      %lt3A_244 = arith.cmpi slt, %add3A_242, %lt3A_243 : i32
      %convert_element_type3A_245 = arith.extui %lt3A_244 : i1 to i32
      %cond3A_246 = arith.constant 0 : i32
      %cond3A_247 = arith.cmpi ne, %convert_element_type3A_245, %cond3A_246 : i32
      scf.if %cond3A_247 {
        %add3A_328 = arith.constant 0 : i32
        %add3A_329 = arith.addi %mul3A_141, %add3A_328 : i32
        %add3A_330 = arith.constant 6 : i32
        %add3A_331 = arith.addi %add3A_329, %add3A_330 : i32
        %dma_start3A_332 = arith.constant 0 : i32
        %dma_start3A_333 = tpu.memref_slice %arg7[%add3A_331, %dma_start3A_332] : memref<250x40xi32, #tpu.memory_space<vmem>> -> memref<1x40xi32, #tpu.memory_space<vmem>>
        %dma_start3A_334 = tpu.memref_squeeze %dma_start3A_333 : memref<1x40xi32, #tpu.memory_space<vmem>> -> memref<40xi32, #tpu.memory_space<vmem>>
        %dma_start3A_335 = arith.constant 0 : i32
        %dma_start3A_336 = arith.constant 0 : i32
        %dma_start3A_337 = tpu.memref_slice %arg4[%dma_start3A_335, %dma_start3A_336] : memref<10000x128xf32, #tpu.memory_space<hbm>> -> memref<10000x128xf32, #tpu.memory_space<hbm>>
        tpu.enqueue_indirect_dma source(%dma_start3A_337 : memref<10000x128xf32, #tpu.memory_space<hbm>>) target(%arg9 : memref<40x128xf32, #tpu.memory_space<vmem>>) offsets(%dma_start3A_334 : memref<40xi32, #tpu.memory_space<vmem>>) semaphore(%arg16 : memref<!tpu.dma_semaphore, #tpu.memory_space<semaphore_mem>>)
      } else {
      }
      %dma_wait3A_248 = arith.constant 0 : i32
      %dma_wait3A_249 = arith.constant 0 : i32
      %dma_wait3A_250 = tpu.memref_slice %arg8[%dma_wait3A_248, %dma_wait3A_249] : memref<250x40xi32, #tpu.memory_space<vmem>> -> memref<1x40xi32, #tpu.memory_space<vmem>>
      %dma_wait3A_251 = tpu.memref_squeeze %dma_wait3A_250 : memref<1x40xi32, #tpu.memory_space<vmem>> -> memref<40xi32, #tpu.memory_space<vmem>>
      %dma_wait3A_252 = arith.constant 0 : i32
      %dma_wait3A_253 = arith.constant 0 : i32
      %dma_wait3A_254 = tpu.memref_slice %arg15[%dma_wait3A_252, %dma_wait3A_253] : memref<10000x128xf32, #tpu.memory_space<vmem_shared>> -> memref<10000x128xf32, #tpu.memory_space<vmem_shared>>
      tpu.wait_indirect_dma semaphore(%arg23 : memref<!tpu.dma_semaphore, #tpu.memory_space<semaphore_mem>>) src(%arg10 : memref<40x128xf32, #tpu.memory_space<vmem>>) dst(%dma_wait3A_254 : memref<10000x128xf32, #tpu.memory_space<vmem_shared>>)
      %add3A_255 = arith.constant 1 : i32
      %add3A_256 = arith.addi %mul3A_141, %add3A_255 : i32
      %add3A_257 = arith.constant 6 : i32
      %add3A_258 = arith.addi %add3A_256, %add3A_257 : i32
      %lt3A_259 = arith.constant 250 : i32
      %lt3A_260 = arith.cmpi slt, %add3A_258, %lt3A_259 : i32
      %convert_element_type3A_261 = arith.extui %lt3A_260 : i1 to i32
      %cond3A_262 = arith.constant 0 : i32
      %cond3A_263 = arith.cmpi ne, %convert_element_type3A_261, %cond3A_262 : i32
      scf.if %cond3A_263 {
        %add3A_328 = arith.constant 1 : i32
        %add3A_329 = arith.addi %mul3A_141, %add3A_328 : i32
        %add3A_330 = arith.constant 6 : i32
        %add3A_331 = arith.addi %add3A_329, %add3A_330 : i32
        %dma_start3A_332 = arith.constant 0 : i32
        %dma_start3A_333 = tpu.memref_slice %arg7[%add3A_331, %dma_start3A_332] : memref<250x40xi32, #tpu.memory_space<vmem>> -> memref<1x40xi32, #tpu.memory_space<vmem>>
        %dma_start3A_334 = tpu.memref_squeeze %dma_start3A_333 : memref<1x40xi32, #tpu.memory_space<vmem>> -> memref<40xi32, #tpu.memory_space<vmem>>
        %dma_start3A_335 = arith.constant 0 : i32
        %dma_start3A_336 = arith.constant 0 : i32
        %dma_start3A_337 = tpu.memref_slice %arg4[%dma_start3A_335, %dma_start3A_336] : memref<10000x128xf32, #tpu.memory_space<hbm>> -> memref<10000x128xf32, #tpu.memory_space<hbm>>
        tpu.enqueue_indirect_dma source(%dma_start3A_337 : memref<10000x128xf32, #tpu.memory_space<hbm>>) target(%arg10 : memref<40x128xf32, #tpu.memory_space<vmem>>) offsets(%dma_start3A_334 : memref<40xi32, #tpu.memory_space<vmem>>) semaphore(%arg17 : memref<!tpu.dma_semaphore, #tpu.memory_space<semaphore_mem>>)
      } else {
      }
      %dma_wait3A_264 = arith.constant 0 : i32
      %dma_wait3A_265 = arith.constant 0 : i32
      %dma_wait3A_266 = tpu.memref_slice %arg8[%dma_wait3A_264, %dma_wait3A_265] : memref<250x40xi32, #tpu.memory_space<vmem>> -> memref<1x40xi32, #tpu.memory_space<vmem>>
      %dma_wait3A_267 = tpu.memref_squeeze %dma_wait3A_266 : memref<1x40xi32, #tpu.memory_space<vmem>> -> memref<40xi32, #tpu.memory_space<vmem>>
      %dma_wait3A_268 = arith.constant 0 : i32
      %dma_wait3A_269 = arith.constant 0 : i32
      %dma_wait3A_270 = tpu.memref_slice %arg15[%dma_wait3A_268, %dma_wait3A_269] : memref<10000x128xf32, #tpu.memory_space<vmem_shared>> -> memref<10000x128xf32, #tpu.memory_space<vmem_shared>>
      tpu.wait_indirect_dma semaphore(%arg24 : memref<!tpu.dma_semaphore, #tpu.memory_space<semaphore_mem>>) src(%arg11 : memref<40x128xf32, #tpu.memory_space<vmem>>) dst(%dma_wait3A_270 : memref<10000x128xf32, #tpu.memory_space<vmem_shared>>)
      %add3A_271 = arith.constant 2 : i32
      %add3A_272 = arith.addi %mul3A_141, %add3A_271 : i32
      %add3A_273 = arith.constant 6 : i32
      %add3A_274 = arith.addi %add3A_272, %add3A_273 : i32
      %lt3A_275 = arith.constant 250 : i32
      %lt3A_276 = arith.cmpi slt, %add3A_274, %lt3A_275 : i32
      %convert_element_type3A_277 = arith.extui %lt3A_276 : i1 to i32
      %cond3A_278 = arith.constant 0 : i32
      %cond3A_279 = arith.cmpi ne, %convert_element_type3A_277, %cond3A_278 : i32
      scf.if %cond3A_279 {
        %add3A_328 = arith.constant 2 : i32
        %add3A_329 = arith.addi %mul3A_141, %add3A_328 : i32
        %add3A_330 = arith.constant 6 : i32
        %add3A_331 = arith.addi %add3A_329, %add3A_330 : i32
        %dma_start3A_332 = arith.constant 0 : i32
        %dma_start3A_333 = tpu.memref_slice %arg7[%add3A_331, %dma_start3A_332] : memref<250x40xi32, #tpu.memory_space<vmem>> -> memref<1x40xi32, #tpu.memory_space<vmem>>
        %dma_start3A_334 = tpu.memref_squeeze %dma_start3A_333 : memref<1x40xi32, #tpu.memory_space<vmem>> -> memref<40xi32, #tpu.memory_space<vmem>>
        %dma_start3A_335 = arith.constant 0 : i32
        %dma_start3A_336 = arith.constant 0 : i32
        %dma_start3A_337 = tpu.memref_slice %arg4[%dma_start3A_335, %dma_start3A_336] : memref<10000x128xf32, #tpu.memory_space<hbm>> -> memref<10000x128xf32, #tpu.memory_space<hbm>>
        tpu.enqueue_indirect_dma source(%dma_start3A_337 : memref<10000x128xf32, #tpu.memory_space<hbm>>) target(%arg11 : memref<40x128xf32, #tpu.memory_space<vmem>>) offsets(%dma_start3A_334 : memref<40xi32, #tpu.memory_space<vmem>>) semaphore(%arg18 : memref<!tpu.dma_semaphore, #tpu.memory_space<semaphore_mem>>)
      } else {
      }
      %dma_wait3A_280 = arith.constant 0 : i32
      %dma_wait3A_281 = arith.constant 0 : i32
      %dma_wait3A_282 = tpu.memref_slice %arg8[%dma_wait3A_280, %dma_wait3A_281] : memref<250x40xi32, #tpu.memory_space<vmem>> -> memref<1x40xi32, #tpu.memory_space<vmem>>
      %dma_wait3A_283 = tpu.memref_squeeze %dma_wait3A_282 : memref<1x40xi32, #tpu.memory_space<vmem>> -> memref<40xi32, #tpu.memory_space<vmem>>
      %dma_wait3A_284 = arith.constant 0 : i32
      %dma_wait3A_285 = arith.constant 0 : i32
      %dma_wait3A_286 = tpu.memref_slice %arg15[%dma_wait3A_284, %dma_wait3A_285] : memref<10000x128xf32, #tpu.memory_space<vmem_shared>> -> memref<10000x128xf32, #tpu.memory_space<vmem_shared>>
      tpu.wait_indirect_dma semaphore(%arg25 : memref<!tpu.dma_semaphore, #tpu.memory_space<semaphore_mem>>) src(%arg12 : memref<40x128xf32, #tpu.memory_space<vmem>>) dst(%dma_wait3A_286 : memref<10000x128xf32, #tpu.memory_space<vmem_shared>>)
      %add3A_287 = arith.constant 3 : i32
      %add3A_288 = arith.addi %mul3A_141, %add3A_287 : i32
      %add3A_289 = arith.constant 6 : i32
      %add3A_290 = arith.addi %add3A_288, %add3A_289 : i32
      %lt3A_291 = arith.constant 250 : i32
      %lt3A_292 = arith.cmpi slt, %add3A_290, %lt3A_291 : i32
      %convert_element_type3A_293 = arith.extui %lt3A_292 : i1 to i32
      %cond3A_294 = arith.constant 0 : i32
      %cond3A_295 = arith.cmpi ne, %convert_element_type3A_293, %cond3A_294 : i32
      scf.if %cond3A_295 {
        %add3A_328 = arith.constant 3 : i32
        %add3A_329 = arith.addi %mul3A_141, %add3A_328 : i32
        %add3A_330 = arith.constant 6 : i32
        %add3A_331 = arith.addi %add3A_329, %add3A_330 : i32
        %dma_start3A_332 = arith.constant 0 : i32
        %dma_start3A_333 = tpu.memref_slice %arg7[%add3A_331, %dma_start3A_332] : memref<250x40xi32, #tpu.memory_space<vmem>> -> memref<1x40xi32, #tpu.memory_space<vmem>>
        %dma_start3A_334 = tpu.memref_squeeze %dma_start3A_333 : memref<1x40xi32, #tpu.memory_space<vmem>> -> memref<40xi32, #tpu.memory_space<vmem>>
        %dma_start3A_335 = arith.constant 0 : i32
        %dma_start3A_336 = arith.constant 0 : i32
        %dma_start3A_337 = tpu.memref_slice %arg4[%dma_start3A_335, %dma_start3A_336] : memref<10000x128xf32, #tpu.memory_space<hbm>> -> memref<10000x128xf32, #tpu.memory_space<hbm>>
        tpu.enqueue_indirect_dma source(%dma_start3A_337 : memref<10000x128xf32, #tpu.memory_space<hbm>>) target(%arg12 : memref<40x128xf32, #tpu.memory_space<vmem>>) offsets(%dma_start3A_334 : memref<40xi32, #tpu.memory_space<vmem>>) semaphore(%arg19 : memref<!tpu.dma_semaphore, #tpu.memory_space<semaphore_mem>>)
      } else {
      }
      %dma_wait3A_296 = arith.constant 0 : i32
      %dma_wait3A_297 = arith.constant 0 : i32
      %dma_wait3A_298 = tpu.memref_slice %arg8[%dma_wait3A_296, %dma_wait3A_297] : memref<250x40xi32, #tpu.memory_space<vmem>> -> memref<1x40xi32, #tpu.memory_space<vmem>>
      %dma_wait3A_299 = tpu.memref_squeeze %dma_wait3A_298 : memref<1x40xi32, #tpu.memory_space<vmem>> -> memref<40xi32, #tpu.memory_space<vmem>>
      %dma_wait3A_300 = arith.constant 0 : i32
      %dma_wait3A_301 = arith.constant 0 : i32
      %dma_wait3A_302 = tpu.memref_slice %arg15[%dma_wait3A_300, %dma_wait3A_301] : memref<10000x128xf32, #tpu.memory_space<vmem_shared>> -> memref<10000x128xf32, #tpu.memory_space<vmem_shared>>
      tpu.wait_indirect_dma semaphore(%arg26 : memref<!tpu.dma_semaphore, #tpu.memory_space<semaphore_mem>>) src(%arg13 : memref<40x128xf32, #tpu.memory_space<vmem>>) dst(%dma_wait3A_302 : memref<10000x128xf32, #tpu.memory_space<vmem_shared>>)
      %add3A_303 = arith.constant 4 : i32
      %add3A_304 = arith.addi %mul3A_141, %add3A_303 : i32
      %add3A_305 = arith.constant 6 : i32
      %add3A_306 = arith.addi %add3A_304, %add3A_305 : i32
      %lt3A_307 = arith.constant 250 : i32
      %lt3A_308 = arith.cmpi slt, %add3A_306, %lt3A_307 : i32
      %convert_element_type3A_309 = arith.extui %lt3A_308 : i1 to i32
      %cond3A_310 = arith.constant 0 : i32
      %cond3A_311 = arith.cmpi ne, %convert_element_type3A_309, %cond3A_310 : i32
      scf.if %cond3A_311 {
        %add3A_328 = arith.constant 4 : i32
        %add3A_329 = arith.addi %mul3A_141, %add3A_328 : i32
        %add3A_330 = arith.constant 6 : i32
        %add3A_331 = arith.addi %add3A_329, %add3A_330 : i32
        %dma_start3A_332 = arith.constant 0 : i32
        %dma_start3A_333 = tpu.memref_slice %arg7[%add3A_331, %dma_start3A_332] : memref<250x40xi32, #tpu.memory_space<vmem>> -> memref<1x40xi32, #tpu.memory_space<vmem>>
        %dma_start3A_334 = tpu.memref_squeeze %dma_start3A_333 : memref<1x40xi32, #tpu.memory_space<vmem>> -> memref<40xi32, #tpu.memory_space<vmem>>
        %dma_start3A_335 = arith.constant 0 : i32
        %dma_start3A_336 = arith.constant 0 : i32
        %dma_start3A_337 = tpu.memref_slice %arg4[%dma_start3A_335, %dma_start3A_336] : memref<10000x128xf32, #tpu.memory_space<hbm>> -> memref<10000x128xf32, #tpu.memory_space<hbm>>
        tpu.enqueue_indirect_dma source(%dma_start3A_337 : memref<10000x128xf32, #tpu.memory_space<hbm>>) target(%arg13 : memref<40x128xf32, #tpu.memory_space<vmem>>) offsets(%dma_start3A_334 : memref<40xi32, #tpu.memory_space<vmem>>) semaphore(%arg20 : memref<!tpu.dma_semaphore, #tpu.memory_space<semaphore_mem>>)
      } else {
      }
      %dma_wait3A_312 = arith.constant 0 : i32
      %dma_wait3A_313 = arith.constant 0 : i32
      %dma_wait3A_314 = tpu.memref_slice %arg8[%dma_wait3A_312, %dma_wait3A_313] : memref<250x40xi32, #tpu.memory_space<vmem>> -> memref<1x40xi32, #tpu.memory_space<vmem>>
      %dma_wait3A_315 = tpu.memref_squeeze %dma_wait3A_314 : memref<1x40xi32, #tpu.memory_space<vmem>> -> memref<40xi32, #tpu.memory_space<vmem>>
      %dma_wait3A_316 = arith.constant 0 : i32
      %dma_wait3A_317 = arith.constant 0 : i32
      %dma_wait3A_318 = tpu.memref_slice %arg15[%dma_wait3A_316, %dma_wait3A_317] : memref<10000x128xf32, #tpu.memory_space<vmem_shared>> -> memref<10000x128xf32, #tpu.memory_space<vmem_shared>>
      tpu.wait_indirect_dma semaphore(%arg27 : memref<!tpu.dma_semaphore, #tpu.memory_space<semaphore_mem>>) src(%arg14 : memref<40x128xf32, #tpu.memory_space<vmem>>) dst(%dma_wait3A_318 : memref<10000x128xf32, #tpu.memory_space<vmem_shared>>)
      %add3A_319 = arith.constant 5 : i32
      %add3A_320 = arith.addi %mul3A_141, %add3A_319 : i32
      %add3A_321 = arith.constant 6 : i32
      %add3A_322 = arith.addi %add3A_320, %add3A_321 : i32
      %lt3A_323 = arith.constant 250 : i32
      %lt3A_324 = arith.cmpi slt, %add3A_322, %lt3A_323 : i32
      %convert_element_type3A_325 = arith.extui %lt3A_324 : i1 to i32
      %cond3A_326 = arith.constant 0 : i32
      %cond3A_327 = arith.cmpi ne, %convert_element_type3A_325, %cond3A_326 : i32
      scf.if %cond3A_327 {
        %add3A_328 = arith.constant 5 : i32
        %add3A_329 = arith.addi %mul3A_141, %add3A_328 : i32
        %add3A_330 = arith.constant 6 : i32
        %add3A_331 = arith.addi %add3A_329, %add3A_330 : i32
        %dma_start3A_332 = arith.constant 0 : i32
        %dma_start3A_333 = tpu.memref_slice %arg7[%add3A_331, %dma_start3A_332] : memref<250x40xi32, #tpu.memory_space<vmem>> -> memref<1x40xi32, #tpu.memory_space<vmem>>
        %dma_start3A_334 = tpu.memref_squeeze %dma_start3A_333 : memref<1x40xi32, #tpu.memory_space<vmem>> -> memref<40xi32, #tpu.memory_space<vmem>>
        %dma_start3A_335 = arith.constant 0 : i32
        %dma_start3A_336 = arith.constant 0 : i32
        %dma_start3A_337 = tpu.memref_slice %arg4[%dma_start3A_335, %dma_start3A_336] : memref<10000x128xf32, #tpu.memory_space<hbm>> -> memref<10000x128xf32, #tpu.memory_space<hbm>>
        tpu.enqueue_indirect_dma source(%dma_start3A_337 : memref<10000x128xf32, #tpu.memory_space<hbm>>) target(%arg14 : memref<40x128xf32, #tpu.memory_space<vmem>>) offsets(%dma_start3A_334 : memref<40xi32, #tpu.memory_space<vmem>>) semaphore(%arg21 : memref<!tpu.dma_semaphore, #tpu.memory_space<semaphore_mem>>)
      } else {
      }
    }
    %scan3A_92 = arith.constant 41 : i32
    %dma_wait3A_93 = arith.constant 0 : i32
    %dma_wait3A_94 = arith.constant 0 : i32
    %dma_wait3A_95 = tpu.memref_slice %arg7[%dma_wait3A_93, %dma_wait3A_94] : memref<250x40xi32, #tpu.memory_space<vmem>> -> memref<1x40xi32, #tpu.memory_space<vmem>>
    %dma_wait3A_96 = tpu.memref_squeeze %dma_wait3A_95 : memref<1x40xi32, #tpu.memory_space<vmem>> -> memref<40xi32, #tpu.memory_space<vmem>>
    %dma_wait3A_97 = arith.constant 0 : i32
    %dma_wait3A_98 = arith.constant 0 : i32
    %dma_wait3A_99 = tpu.memref_slice %arg4[%dma_wait3A_97, %dma_wait3A_98] : memref<10000x128xf32, #tpu.memory_space<hbm>> -> memref<10000x128xf32, #tpu.memory_space<hbm>>
    tpu.wait_indirect_dma semaphore(%arg16 : memref<!tpu.dma_semaphore, #tpu.memory_space<semaphore_mem>>) src(%dma_wait3A_99 : memref<10000x128xf32, #tpu.memory_space<hbm>>) dst(%arg9 : memref<40x128xf32, #tpu.memory_space<vmem>>)
    %run_scoped3A = arith.constant 246 : i32
    "tpu.region"() ({
      %run_scoped3A_135 = tpu.sem_alloc : memref<!tpu.dma_semaphore, #tpu.memory_space<semaphore_mem>>
      %dma_start3A_136 = arith.constant 0 : i32
      %dma_start3A_137 = tpu.memref_slice %arg8[%run_scoped3A, %dma_start3A_136] : memref<250x40xi32, #tpu.memory_space<vmem>> -> memref<1x40xi32, #tpu.memory_space<vmem>>
      %dma_start3A_138 = tpu.memref_squeeze %dma_start3A_137 : memref<1x40xi32, #tpu.memory_space<vmem>> -> memref<40xi32, #tpu.memory_space<vmem>>
      %dma_start3A_139 = arith.constant 0 : i32
      %dma_start3A_140 = arith.constant 0 : i32
      %dma_start3A_141 = tpu.memref_slice %arg15[%dma_start3A_139, %dma_start3A_140] : memref<10000x128xf32, #tpu.memory_space<vmem_shared>> -> memref<10000x128xf32, #tpu.memory_space<vmem_shared>>
      tpu.enqueue_indirect_dma source(%arg9 : memref<40x128xf32, #tpu.memory_space<vmem>>) target(%dma_start3A_141 : memref<10000x128xf32, #tpu.memory_space<vmem_shared>>) offsets(%dma_start3A_138 : memref<40xi32, #tpu.memory_space<vmem>>) semaphore(%run_scoped3A_135 : memref<!tpu.dma_semaphore, #tpu.memory_space<semaphore_mem>>) {add = true}
      %dma_wait3A_142 = arith.constant 0 : i32
      %dma_wait3A_143 = tpu.memref_slice %arg8[%run_scoped3A, %dma_wait3A_142] : memref<250x40xi32, #tpu.memory_space<vmem>> -> memref<1x40xi32, #tpu.memory_space<vmem>>
      %dma_wait3A_144 = tpu.memref_squeeze %dma_wait3A_143 : memref<1x40xi32, #tpu.memory_space<vmem>> -> memref<40xi32, #tpu.memory_space<vmem>>
      %dma_wait3A_145 = arith.constant 0 : i32
      %dma_wait3A_146 = arith.constant 0 : i32
      %dma_wait3A_147 = tpu.memref_slice %arg15[%dma_wait3A_145, %dma_wait3A_146] : memref<10000x128xf32, #tpu.memory_space<vmem_shared>> -> memref<10000x128xf32, #tpu.memory_space<vmem_shared>>
      tpu.wait_indirect_dma semaphore(%run_scoped3A_135 : memref<!tpu.dma_semaphore, #tpu.memory_space<semaphore_mem>>) src(%arg9 : memref<40x128xf32, #tpu.memory_space<vmem>>) dst(%dma_wait3A_147 : memref<10000x128xf32, #tpu.memory_space<vmem_shared>>)
      tpu.yield
    }) : () -> ()
    %dma_wait3A_100 = arith.constant 0 : i32
    %dma_wait3A_101 = arith.constant 0 : i32
    %dma_wait3A_102 = tpu.memref_slice %arg7[%dma_wait3A_100, %dma_wait3A_101] : memref<250x40xi32, #tpu.memory_space<vmem>> -> memref<1x40xi32, #tpu.memory_space<vmem>>
    %dma_wait3A_103 = tpu.memref_squeeze %dma_wait3A_102 : memref<1x40xi32, #tpu.memory_space<vmem>> -> memref<40xi32, #tpu.memory_space<vmem>>
    %dma_wait3A_104 = arith.constant 0 : i32
    %dma_wait3A_105 = arith.constant 0 : i32
    %dma_wait3A_106 = tpu.memref_slice %arg4[%dma_wait3A_104, %dma_wait3A_105] : memref<10000x128xf32, #tpu.memory_space<hbm>> -> memref<10000x128xf32, #tpu.memory_space<hbm>>
    tpu.wait_indirect_dma semaphore(%arg17 : memref<!tpu.dma_semaphore, #tpu.memory_space<semaphore_mem>>) src(%dma_wait3A_106 : memref<10000x128xf32, #tpu.memory_space<hbm>>) dst(%arg10 : memref<40x128xf32, #tpu.memory_space<vmem>>)
    %run_scoped3A_107 = arith.constant 247 : i32
    "tpu.region"() ({
      %run_scoped3A_135 = tpu.sem_alloc : memref<!tpu.dma_semaphore, #tpu.memory_space<semaphore_mem>>
      %dma_start3A_136 = arith.constant 0 : i32
      %dma_start3A_137 = tpu.memref_slice %arg8[%run_scoped3A_107, %dma_start3A_136] : memref<250x40xi32, #tpu.memory_space<vmem>> -> memref<1x40xi32, #tpu.memory_space<vmem>>
      %dma_start3A_138 = tpu.memref_squeeze %dma_start3A_137 : memref<1x40xi32, #tpu.memory_space<vmem>> -> memref<40xi32, #tpu.memory_space<vmem>>
      %dma_start3A_139 = arith.constant 0 : i32
      %dma_start3A_140 = arith.constant 0 : i32
      %dma_start3A_141 = tpu.memref_slice %arg15[%dma_start3A_139, %dma_start3A_140] : memref<10000x128xf32, #tpu.memory_space<vmem_shared>> -> memref<10000x128xf32, #tpu.memory_space<vmem_shared>>
      tpu.enqueue_indirect_dma source(%arg10 : memref<40x128xf32, #tpu.memory_space<vmem>>) target(%dma_start3A_141 : memref<10000x128xf32, #tpu.memory_space<vmem_shared>>) offsets(%dma_start3A_138 : memref<40xi32, #tpu.memory_space<vmem>>) semaphore(%run_scoped3A_135 : memref<!tpu.dma_semaphore, #tpu.memory_space<semaphore_mem>>) {add = true}
      %dma_wait3A_142 = arith.constant 0 : i32
      %dma_wait3A_143 = tpu.memref_slice %arg8[%run_scoped3A_107, %dma_wait3A_142] : memref<250x40xi32, #tpu.memory_space<vmem>> -> memref<1x40xi32, #tpu.memory_space<vmem>>
      %dma_wait3A_144 = tpu.memref_squeeze %dma_wait3A_143 : memref<1x40xi32, #tpu.memory_space<vmem>> -> memref<40xi32, #tpu.memory_space<vmem>>
      %dma_wait3A_145 = arith.constant 0 : i32
      %dma_wait3A_146 = arith.constant 0 : i32
      %dma_wait3A_147 = tpu.memref_slice %arg15[%dma_wait3A_145, %dma_wait3A_146] : memref<10000x128xf32, #tpu.memory_space<vmem_shared>> -> memref<10000x128xf32, #tpu.memory_space<vmem_shared>>
      tpu.wait_indirect_dma semaphore(%run_scoped3A_135 : memref<!tpu.dma_semaphore, #tpu.memory_space<semaphore_mem>>) src(%arg10 : memref<40x128xf32, #tpu.memory_space<vmem>>) dst(%dma_wait3A_147 : memref<10000x128xf32, #tpu.memory_space<vmem_shared>>)
      tpu.yield
    }) : () -> ()
    %dma_wait3A_108 = arith.constant 0 : i32
    %dma_wait3A_109 = arith.constant 0 : i32
    %dma_wait3A_110 = tpu.memref_slice %arg7[%dma_wait3A_108, %dma_wait3A_109] : memref<250x40xi32, #tpu.memory_space<vmem>> -> memref<1x40xi32, #tpu.memory_space<vmem>>
    %dma_wait3A_111 = tpu.memref_squeeze %dma_wait3A_110 : memref<1x40xi32, #tpu.memory_space<vmem>> -> memref<40xi32, #tpu.memory_space<vmem>>
    %dma_wait3A_112 = arith.constant 0 : i32
    %dma_wait3A_113 = arith.constant 0 : i32
    %dma_wait3A_114 = tpu.memref_slice %arg4[%dma_wait3A_112, %dma_wait3A_113] : memref<10000x128xf32, #tpu.memory_space<hbm>> -> memref<10000x128xf32, #tpu.memory_space<hbm>>
    tpu.wait_indirect_dma semaphore(%arg18 : memref<!tpu.dma_semaphore, #tpu.memory_space<semaphore_mem>>) src(%dma_wait3A_114 : memref<10000x128xf32, #tpu.memory_space<hbm>>) dst(%arg11 : memref<40x128xf32, #tpu.memory_space<vmem>>)
    %run_scoped3A_115 = arith.constant 248 : i32
    "tpu.region"() ({
      %run_scoped3A_135 = tpu.sem_alloc : memref<!tpu.dma_semaphore, #tpu.memory_space<semaphore_mem>>
      %dma_start3A_136 = arith.constant 0 : i32
      %dma_start3A_137 = tpu.memref_slice %arg8[%run_scoped3A_115, %dma_start3A_136] : memref<250x40xi32, #tpu.memory_space<vmem>> -> memref<1x40xi32, #tpu.memory_space<vmem>>
      %dma_start3A_138 = tpu.memref_squeeze %dma_start3A_137 : memref<1x40xi32, #tpu.memory_space<vmem>> -> memref<40xi32, #tpu.memory_space<vmem>>
      %dma_start3A_139 = arith.constant 0 : i32
      %dma_start3A_140 = arith.constant 0 : i32
      %dma_start3A_141 = tpu.memref_slice %arg15[%dma_start3A_139, %dma_start3A_140] : memref<10000x128xf32, #tpu.memory_space<vmem_shared>> -> memref<10000x128xf32, #tpu.memory_space<vmem_shared>>
      tpu.enqueue_indirect_dma source(%arg11 : memref<40x128xf32, #tpu.memory_space<vmem>>) target(%dma_start3A_141 : memref<10000x128xf32, #tpu.memory_space<vmem_shared>>) offsets(%dma_start3A_138 : memref<40xi32, #tpu.memory_space<vmem>>) semaphore(%run_scoped3A_135 : memref<!tpu.dma_semaphore, #tpu.memory_space<semaphore_mem>>) {add = true}
      %dma_wait3A_142 = arith.constant 0 : i32
      %dma_wait3A_143 = tpu.memref_slice %arg8[%run_scoped3A_115, %dma_wait3A_142] : memref<250x40xi32, #tpu.memory_space<vmem>> -> memref<1x40xi32, #tpu.memory_space<vmem>>
      %dma_wait3A_144 = tpu.memref_squeeze %dma_wait3A_143 : memref<1x40xi32, #tpu.memory_space<vmem>> -> memref<40xi32, #tpu.memory_space<vmem>>
      %dma_wait3A_145 = arith.constant 0 : i32
      %dma_wait3A_146 = arith.constant 0 : i32
      %dma_wait3A_147 = tpu.memref_slice %arg15[%dma_wait3A_145, %dma_wait3A_146] : memref<10000x128xf32, #tpu.memory_space<vmem_shared>> -> memref<10000x128xf32, #tpu.memory_space<vmem_shared>>
      tpu.wait_indirect_dma semaphore(%run_scoped3A_135 : memref<!tpu.dma_semaphore, #tpu.memory_space<semaphore_mem>>) src(%arg11 : memref<40x128xf32, #tpu.memory_space<vmem>>) dst(%dma_wait3A_147 : memref<10000x128xf32, #tpu.memory_space<vmem_shared>>)
      tpu.yield
    }) : () -> ()
    %dma_wait3A_116 = arith.constant 0 : i32
    %dma_wait3A_117 = arith.constant 0 : i32
    %dma_wait3A_118 = tpu.memref_slice %arg7[%dma_wait3A_116, %dma_wait3A_117] : memref<250x40xi32, #tpu.memory_space<vmem>> -> memref<1x40xi32, #tpu.memory_space<vmem>>
    %dma_wait3A_119 = tpu.memref_squeeze %dma_wait3A_118 : memref<1x40xi32, #tpu.memory_space<vmem>> -> memref<40xi32, #tpu.memory_space<vmem>>
    %dma_wait3A_120 = arith.constant 0 : i32
    %dma_wait3A_121 = arith.constant 0 : i32
    %dma_wait3A_122 = tpu.memref_slice %arg4[%dma_wait3A_120, %dma_wait3A_121] : memref<10000x128xf32, #tpu.memory_space<hbm>> -> memref<10000x128xf32, #tpu.memory_space<hbm>>
    tpu.wait_indirect_dma semaphore(%arg19 : memref<!tpu.dma_semaphore, #tpu.memory_space<semaphore_mem>>) src(%dma_wait3A_122 : memref<10000x128xf32, #tpu.memory_space<hbm>>) dst(%arg12 : memref<40x128xf32, #tpu.memory_space<vmem>>)
    %run_scoped3A_123 = arith.constant 249 : i32
    "tpu.region"() ({
      %run_scoped3A_135 = tpu.sem_alloc : memref<!tpu.dma_semaphore, #tpu.memory_space<semaphore_mem>>
      %dma_start3A_136 = arith.constant 0 : i32
      %dma_start3A_137 = tpu.memref_slice %arg8[%run_scoped3A_123, %dma_start3A_136] : memref<250x40xi32, #tpu.memory_space<vmem>> -> memref<1x40xi32, #tpu.memory_space<vmem>>
      %dma_start3A_138 = tpu.memref_squeeze %dma_start3A_137 : memref<1x40xi32, #tpu.memory_space<vmem>> -> memref<40xi32, #tpu.memory_space<vmem>>
      %dma_start3A_139 = arith.constant 0 : i32
      %dma_start3A_140 = arith.constant 0 : i32
      %dma_start3A_141 = tpu.memref_slice %arg15[%dma_start3A_139, %dma_start3A_140] : memref<10000x128xf32, #tpu.memory_space<vmem_shared>> -> memref<10000x128xf32, #tpu.memory_space<vmem_shared>>
      tpu.enqueue_indirect_dma source(%arg12 : memref<40x128xf32, #tpu.memory_space<vmem>>) target(%dma_start3A_141 : memref<10000x128xf32, #tpu.memory_space<vmem_shared>>) offsets(%dma_start3A_138 : memref<40xi32, #tpu.memory_space<vmem>>) semaphore(%run_scoped3A_135 : memref<!tpu.dma_semaphore, #tpu.memory_space<semaphore_mem>>) {add = true}
      %dma_wait3A_142 = arith.constant 0 : i32
      %dma_wait3A_143 = tpu.memref_slice %arg8[%run_scoped3A_123, %dma_wait3A_142] : memref<250x40xi32, #tpu.memory_space<vmem>> -> memref<1x40xi32, #tpu.memory_space<vmem>>
      %dma_wait3A_144 = tpu.memref_squeeze %dma_wait3A_143 : memref<1x40xi32, #tpu.memory_space<vmem>> -> memref<40xi32, #tpu.memory_space<vmem>>
      %dma_wait3A_145 = arith.constant 0 : i32
      %dma_wait3A_146 = arith.constant 0 : i32
      %dma_wait3A_147 = tpu.memref_slice %arg15[%dma_wait3A_145, %dma_wait3A_146] : memref<10000x128xf32, #tpu.memory_space<vmem_shared>> -> memref<10000x128xf32, #tpu.memory_space<vmem_shared>>
      tpu.wait_indirect_dma semaphore(%run_scoped3A_135 : memref<!tpu.dma_semaphore, #tpu.memory_space<semaphore_mem>>) src(%arg12 : memref<40x128xf32, #tpu.memory_space<vmem>>) dst(%dma_wait3A_147 : memref<10000x128xf32, #tpu.memory_space<vmem_shared>>)
      tpu.yield
    }) : () -> ()
    %barrier3A_124 = arith.constant 0 : index
    tpu.barrier barrier_id(%barrier3A_124)
    %lt3A_125 = arith.constant 15 : i32
    %lt3A_126 = arith.cmpi slt, %arg1, %lt3A_125 : i32
    %convert_element_type3A_127 = arith.extui %lt3A_126 : i1 to i32
    %cond3A_128 = arith.constant 0 : i32
    %cond3A_129 = arith.cmpi ne, %convert_element_type3A_127, %cond3A_128 : i32
    scf.if %cond3A_129 {
      %mul3A_135 = arith.constant 624 : i32
      %mul3A_136 = arith.muli %arg1, %mul3A_135 : i32
      %mul3A_137 = arith.constant 624 : i32
      %mul3A_138 = arith.muli %arg1, %mul3A_137 : i32
      "tpu.region"() ({
        %run_scoped3A_139 = tpu.sem_alloc : memref<!tpu.dma_semaphore, #tpu.memory_space<semaphore_mem>>
        %dma_start3A_140 = arith.constant 0 : i32
        %dma_start3A_141 = tpu.memref_slice %arg6[%arg0, %mul3A_138, %dma_start3A_140] : memref<2x10000x128xf32, #tpu.memory_space<hbm>> -> memref<1x624x128xf32, #tpu.memory_space<hbm>>
        %dma_start3A_142 = tpu.memref_squeeze %dma_start3A_141 : memref<1x624x128xf32, #tpu.memory_space<hbm>> -> memref<624x128xf32, #tpu.memory_space<hbm>>
        %dma_start3A_143 = arith.constant 0 : i32
        %dma_start3A_144 = tpu.memref_slice %arg15[%mul3A_136, %dma_start3A_143] : memref<10000x128xf32, #tpu.memory_space<vmem_shared>> -> memref<624x128xf32, #tpu.memory_space<vmem_shared>>
        tpu.enqueue_dma source(%dma_start3A_144 : memref<624x128xf32, #tpu.memory_space<vmem_shared>>) target(%dma_start3A_142 : memref<624x128xf32, #tpu.memory_space<hbm>>) target_semaphore(%run_scoped3A_139 : memref<!tpu.dma_semaphore, #tpu.memory_space<semaphore_mem>>)
        %dma_wait3A_145 = arith.constant 0 : i32
        %dma_wait3A_146 = tpu.memref_slice %arg6[%arg0, %mul3A_138, %dma_wait3A_145] : memref<2x10000x128xf32, #tpu.memory_space<hbm>> -> memref<1x624x128xf32, #tpu.memory_space<hbm>>
        %dma_wait3A_147 = tpu.memref_squeeze %dma_wait3A_146 : memref<1x624x128xf32, #tpu.memory_space<hbm>> -> memref<624x128xf32, #tpu.memory_space<hbm>>
        %dma_wait3A_148 = arith.constant 0 : i32
        %dma_wait3A_149 = tpu.memref_slice %arg15[%mul3A_136, %dma_wait3A_148] : memref<10000x128xf32, #tpu.memory_space<vmem_shared>> -> memref<624x128xf32, #tpu.memory_space<vmem_shared>>
        tpu.wait_dma2 semaphore(%run_scoped3A_139 : memref<!tpu.dma_semaphore, #tpu.memory_space<semaphore_mem>>) src(%dma_wait3A_149 : memref<624x128xf32, #tpu.memory_space<vmem_shared>>) dst(%dma_wait3A_147 : memref<624x128xf32, #tpu.memory_space<hbm>>)
        tpu.yield
      }) : () -> ()
    } else {
    }
    %eq3A_130 = arith.constant 15 : i32
    %eq3A_131 = arith.cmpi eq, %arg1, %eq3A_130 : i32
    %convert_element_type3A_132 = arith.extui %eq3A_131 : i1 to i32
    %cond3A_133 = arith.constant 0 : i32
    %cond3A_134 = arith.cmpi ne, %convert_element_type3A_132, %cond3A_133 : i32
    scf.if %cond3A_134 {
      "tpu.region"() ({
        %run_scoped3A_135 = tpu.sem_alloc : memref<!tpu.dma_semaphore, #tpu.memory_space<semaphore_mem>>
        %dma_start3A_136 = arith.constant 9360 : i32
        %dma_start3A_137 = arith.constant 0 : i32
        %dma_start3A_138 = tpu.memref_slice %arg6[%arg0, %dma_start3A_136, %dma_start3A_137] : memref<2x10000x128xf32, #tpu.memory_space<hbm>> -> memref<1x640x128xf32, #tpu.memory_space<hbm>>
        %dma_start3A_139 = tpu.memref_squeeze %dma_start3A_138 : memref<1x640x128xf32, #tpu.memory_space<hbm>> -> memref<640x128xf32, #tpu.memory_space<hbm>>
        %dma_start3A_140 = arith.constant 9360 : i32
        %dma_start3A_141 = arith.constant 0 : i32
        %dma_start3A_142 = tpu.memref_slice %arg15[%dma_start3A_140, %dma_start3A_141] : memref<10000x128xf32, #tpu.memory_space<vmem_shared>> -> memref<640x128xf32, #tpu.memory_space<vmem_shared>>
        tpu.enqueue_dma source(%dma_start3A_142 : memref<640x128xf32, #tpu.memory_space<vmem_shared>>) target(%dma_start3A_139 : memref<640x128xf32, #tpu.memory_space<hbm>>) target_semaphore(%run_scoped3A_135 : memref<!tpu.dma_semaphore, #tpu.memory_space<semaphore_mem>>)
        %dma_wait3A_143 = arith.constant 9360 : i32
        %dma_wait3A_144 = arith.constant 0 : i32
        %dma_wait3A_145 = tpu.memref_slice %arg6[%arg0, %dma_wait3A_143, %dma_wait3A_144] : memref<2x10000x128xf32, #tpu.memory_space<hbm>> -> memref<1x640x128xf32, #tpu.memory_space<hbm>>
        %dma_wait3A_146 = tpu.memref_squeeze %dma_wait3A_145 : memref<1x640x128xf32, #tpu.memory_space<hbm>> -> memref<640x128xf32, #tpu.memory_space<hbm>>
        %dma_wait3A_147 = arith.constant 9360 : i32
        %dma_wait3A_148 = arith.constant 0 : i32
        %dma_wait3A_149 = tpu.memref_slice %arg15[%dma_wait3A_147, %dma_wait3A_148] : memref<10000x128xf32, #tpu.memory_space<vmem_shared>> -> memref<640x128xf32, #tpu.memory_space<vmem_shared>>
        tpu.wait_dma2 semaphore(%run_scoped3A_135 : memref<!tpu.dma_semaphore, #tpu.memory_space<semaphore_mem>>) src(%dma_wait3A_149 : memref<640x128xf32, #tpu.memory_space<vmem_shared>>) dst(%dma_wait3A_146 : memref<640x128xf32, #tpu.memory_space<hbm>>)
        tpu.yield
      }) : () -> ()
    } else {
    }
    return
  }
}

#map = affine_map<(d0, d1) -> (0, 0, 0)>
#map1 = affine_map<(d0, d1) -> (0, 0)>
module attributes {stable_mosaic.version = 14 : i64} {
  func.func @_sc_agg(%arg0: i32, %arg1: i32, %arg2: memref<32x250x40xi32, #tpu.memory_space<hbm>>, %arg3: memref<32x250x40xi32, #tpu.memory_space<hbm>>, %arg4: memref<10000x128xf32, #tpu.memory_space<hbm>>, %arg5: memref<640x128xf32, #tpu.memory_space<hbm>>, %arg6: memref<2x10000x128xf32, #tpu.memory_space<hbm>>, %arg7: memref<250x40xi32, #tpu.memory_space<vmem>>, %arg8: memref<250x40xi32, #tpu.memory_space<vmem>>, %arg9: memref<40x128xf32, #tpu.memory_space<vmem>>, %arg10: memref<40x128xf32, #tpu.memory_space<vmem>>, %arg11: memref<40x128xf32, #tpu.memory_space<vmem>>, %arg12: memref<40x128xf32, #tpu.memory_space<vmem>>, %arg13: memref<40x128xf32, #tpu.memory_space<vmem>>, %arg14: memref<40x128xf32, #tpu.memory_space<vmem>>, %arg15: memref<10000x128xf32, #tpu.memory_space<vmem_shared>>, %arg16: memref<!tpu.dma_semaphore, #tpu.memory_space<semaphore_mem>>, %arg17: memref<!tpu.dma_semaphore, #tpu.memory_space<semaphore_mem>>, %arg18: memref<!tpu.dma_semaphore, #tpu.memory_space<semaphore_mem>>, %arg19: memref<!tpu.dma_semaphore, #tpu.memory_space<semaphore_mem>>, %arg20: memref<!tpu.dma_semaphore, #tpu.memory_space<semaphore_mem>>, %arg21: memref<!tpu.dma_semaphore, #tpu.memory_space<semaphore_mem>>, %arg22: memref<!tpu.dma_semaphore, #tpu.memory_space<semaphore_mem>>, %arg23: memref<!tpu.dma_semaphore, #tpu.memory_space<semaphore_mem>>, %arg24: memref<!tpu.dma_semaphore, #tpu.memory_space<semaphore_mem>>, %arg25: memref<!tpu.dma_semaphore, #tpu.memory_space<semaphore_mem>>, %arg26: memref<!tpu.dma_semaphore, #tpu.memory_space<semaphore_mem>>, %arg27: memref<!tpu.dma_semaphore, #tpu.memory_space<semaphore_mem>>, %arg28: memref<!tpu.dma_semaphore, #tpu.memory_space<semaphore_mem>>, %arg29: memref<!tpu.dma_semaphore, #tpu.memory_space<semaphore_mem>>) attributes {dimension_semantics = [#tpu.dimension_semantics<core_parallel>, #tpu.dimension_semantics<subcore_parallel>], iteration_bounds = array<i64: 2, 16>, scalar_prefetch = 0 : i64, scratch_operands = 23 : i64, tpu.core_type = #tpu.core_type<sc_vector_subcore>, window_params = [{transform_indices = #map}, {transform_indices = #map}, {transform_indices = #map1}, {transform_indices = #map1}, {transform_indices = #map}]} {
    %mul3A = arith.constant 2 : i32
    %mul3A_0 = arith.muli %arg1, %mul3A : i32
    %add3A = arith.addi %mul3A_0, %arg0 : i32
    %lt3A = arith.constant 15 : i32
    %lt3A_1 = arith.cmpi slt, %arg1, %lt3A : i32
    %convert_element_type3A = arith.extui %lt3A_1 : i1 to i32
    %cond3A = arith.constant 0 : i32
    %cond3A_2 = arith.cmpi ne, %convert_element_type3A, %cond3A : i32
    scf.if %cond3A_2 {
      %mul3A_135 = arith.constant 624 : i32
      %mul3A_136 = arith.muli %arg1, %mul3A_135 : i32
      %dma_start3A_137 = arith.constant 0 : i32
      %dma_start3A_138 = tpu.memref_slice %arg15[%mul3A_136, %dma_start3A_137] : memref<10000x128xf32, #tpu.memory_space<vmem_shared>> -> memref<624x128xf32, #tpu.memory_space<vmem_shared>>
      %dma_start3A_139 = arith.constant 0 : i32
      %dma_start3A_140 = arith.constant 0 : i32
      %dma_start3A_141 = tpu.memref_slice %arg5[%dma_start3A_139, %dma_start3A_140] : memref<640x128xf32, #tpu.memory_space<hbm>> -> memref<624x128xf32, #tpu.memory_space<hbm>>
      tpu.enqueue_dma source(%dma_start3A_141 : memref<624x128xf32, #tpu.memory_space<hbm>>) target(%dma_start3A_138 : memref<624x128xf32, #tpu.memory_space<vmem_shared>>) target_semaphore(%arg28 : memref<!tpu.dma_semaphore, #tpu.memory_space<semaphore_mem>>)
    } else {
    }
    %eq3A = arith.constant 15 : i32
    %eq3A_3 = arith.cmpi eq, %arg1, %eq3A : i32
    %convert_element_type3A_4 = arith.extui %eq3A_3 : i1 to i32
    %cond3A_5 = arith.constant 0 : i32
    %cond3A_6 = arith.cmpi ne, %convert_element_type3A_4, %cond3A_5 : i32
    scf.if %cond3A_6 {
      %dma_start3A_135 = arith.constant 9360 : i32
      %dma_start3A_136 = arith.constant 0 : i32
      %dma_start3A_137 = tpu.memref_slice %arg15[%dma_start3A_135, %dma_start3A_136] : memref<10000x128xf32, #tpu.memory_space<vmem_shared>> -> memref<640x128xf32, #tpu.memory_space<vmem_shared>>
      tpu.enqueue_dma source(%arg5 : memref<640x128xf32, #tpu.memory_space<hbm>>) target(%dma_start3A_137 : memref<640x128xf32, #tpu.memory_space<vmem_shared>>) target_semaphore(%arg28 : memref<!tpu.dma_semaphore, #tpu.memory_space<semaphore_mem>>)
    } else {
    }
    %dma_start3A = arith.constant 0 : i32
    %dma_start3A_7 = arith.constant 0 : i32
    %dma_start3A_8 = tpu.memref_slice %arg2[%add3A, %dma_start3A, %dma_start3A_7] : memref<32x250x40xi32, #tpu.memory_space<hbm>> -> memref<1x250x40xi32, #tpu.memory_space<hbm>>
    %dma_start3A_9 = tpu.memref_squeeze %dma_start3A_8 : memref<1x250x40xi32, #tpu.memory_space<hbm>> -> memref<250x40xi32, #tpu.memory_space<hbm>>
    %dma_start3A_10 = arith.constant 0 : i32
    %dma_start3A_11 = arith.constant 0 : i32
    %dma_start3A_12 = tpu.memref_slice %arg2[%add3A, %dma_start3A_10, %dma_start3A_11] : memref<32x250x40xi32, #tpu.memory_space<hbm>> -> memref<1x250x40xi32, #tpu.memory_space<hbm>>
    %dma_start3A_13 = tpu.memref_squeeze %dma_start3A_12 : memref<1x250x40xi32, #tpu.memory_space<hbm>> -> memref<250x40xi32, #tpu.memory_space<hbm>>
    tpu.enqueue_dma source(%dma_start3A_13 : memref<250x40xi32, #tpu.memory_space<hbm>>) target(%arg7 : memref<250x40xi32, #tpu.memory_space<vmem>>) target_semaphore(%arg29 : memref<!tpu.dma_semaphore, #tpu.memory_space<semaphore_mem>>)
    %dma_start3A_14 = arith.constant 0 : i32
    %dma_start3A_15 = arith.constant 0 : i32
    %dma_start3A_16 = tpu.memref_slice %arg3[%add3A, %dma_start3A_14, %dma_start3A_15] : memref<32x250x40xi32, #tpu.memory_space<hbm>> -> memref<1x250x40xi32, #tpu.memory_space<hbm>>
    %dma_start3A_17 = tpu.memref_squeeze %dma_start3A_16 : memref<1x250x40xi32, #tpu.memory_space<hbm>> -> memref<250x40xi32, #tpu.memory_space<hbm>>
    %dma_start3A_18 = arith.constant 0 : i32
    %dma_start3A_19 = arith.constant 0 : i32
    %dma_start3A_20 = tpu.memref_slice %arg3[%add3A, %dma_start3A_18, %dma_start3A_19] : memref<32x250x40xi32, #tpu.memory_space<hbm>> -> memref<1x250x40xi32, #tpu.memory_space<hbm>>
    %dma_start3A_21 = tpu.memref_squeeze %dma_start3A_20 : memref<1x250x40xi32, #tpu.memory_space<hbm>> -> memref<250x40xi32, #tpu.memory_space<hbm>>
    tpu.enqueue_dma source(%dma_start3A_21 : memref<250x40xi32, #tpu.memory_space<hbm>>) target(%arg8 : memref<250x40xi32, #tpu.memory_space<vmem>>) target_semaphore(%arg29 : memref<!tpu.dma_semaphore, #tpu.memory_space<semaphore_mem>>)
    %dma_wait3A = arith.constant 0 : i32
    %dma_wait3A_22 = arith.constant 0 : i32
    %dma_wait3A_23 = tpu.memref_slice %arg2[%add3A, %dma_wait3A, %dma_wait3A_22] : memref<32x250x40xi32, #tpu.memory_space<hbm>> -> memref<1x250x40xi32, #tpu.memory_space<hbm>>
    %dma_wait3A_24 = tpu.memref_squeeze %dma_wait3A_23 : memref<1x250x40xi32, #tpu.memory_space<hbm>> -> memref<250x40xi32, #tpu.memory_space<hbm>>
    %dma_wait3A_25 = arith.constant 0 : i32
    %dma_wait3A_26 = arith.constant 0 : i32
    %dma_wait3A_27 = tpu.memref_slice %arg2[%add3A, %dma_wait3A_25, %dma_wait3A_26] : memref<32x250x40xi32, #tpu.memory_space<hbm>> -> memref<1x250x40xi32, #tpu.memory_space<hbm>>
    %dma_wait3A_28 = tpu.memref_squeeze %dma_wait3A_27 : memref<1x250x40xi32, #tpu.memory_space<hbm>> -> memref<250x40xi32, #tpu.memory_space<hbm>>
    tpu.wait_dma2 semaphore(%arg29 : memref<!tpu.dma_semaphore, #tpu.memory_space<semaphore_mem>>) src(%dma_wait3A_28 : memref<250x40xi32, #tpu.memory_space<hbm>>) dst(%arg7 : memref<250x40xi32, #tpu.memory_space<vmem>>)
    %dma_wait3A_29 = arith.constant 0 : i32
    %dma_wait3A_30 = arith.constant 0 : i32
    %dma_wait3A_31 = tpu.memref_slice %arg3[%add3A, %dma_wait3A_29, %dma_wait3A_30] : memref<32x250x40xi32, #tpu.memory_space<hbm>> -> memref<1x250x40xi32, #tpu.memory_space<hbm>>
    %dma_wait3A_32 = tpu.memref_squeeze %dma_wait3A_31 : memref<1x250x40xi32, #tpu.memory_space<hbm>> -> memref<250x40xi32, #tpu.memory_space<hbm>>
    %dma_wait3A_33 = arith.constant 0 : i32
    %dma_wait3A_34 = arith.constant 0 : i32
    %dma_wait3A_35 = tpu.memref_slice %arg3[%add3A, %dma_wait3A_33, %dma_wait3A_34] : memref<32x250x40xi32, #tpu.memory_space<hbm>> -> memref<1x250x40xi32, #tpu.memory_space<hbm>>
    %dma_wait3A_36 = tpu.memref_squeeze %dma_wait3A_35 : memref<1x250x40xi32, #tpu.memory_space<hbm>> -> memref<250x40xi32, #tpu.memory_space<hbm>>
    tpu.wait_dma2 semaphore(%arg29 : memref<!tpu.dma_semaphore, #tpu.memory_space<semaphore_mem>>) src(%dma_wait3A_36 : memref<250x40xi32, #tpu.memory_space<hbm>>) dst(%arg8 : memref<250x40xi32, #tpu.memory_space<vmem>>)
    %dma_start3A_37 = arith.constant 0 : i32
    %dma_start3A_38 = arith.constant 0 : i32
    %dma_start3A_39 = tpu.memref_slice %arg7[%dma_start3A_37, %dma_start3A_38] : memref<250x40xi32, #tpu.memory_space<vmem>> -> memref<1x40xi32, #tpu.memory_space<vmem>>
    %dma_start3A_40 = tpu.memref_squeeze %dma_start3A_39 : memref<1x40xi32, #tpu.memory_space<vmem>> -> memref<40xi32, #tpu.memory_space<vmem>>
    %dma_start3A_41 = arith.constant 0 : i32
    %dma_start3A_42 = arith.constant 0 : i32
    %dma_start3A_43 = tpu.memref_slice %arg4[%dma_start3A_41, %dma_start3A_42] : memref<10000x128xf32, #tpu.memory_space<hbm>> -> memref<10000x128xf32, #tpu.memory_space<hbm>>
    tpu.enqueue_indirect_dma source(%dma_start3A_43 : memref<10000x128xf32, #tpu.memory_space<hbm>>) target(%arg9 : memref<40x128xf32, #tpu.memory_space<vmem>>) offsets(%dma_start3A_40 : memref<40xi32, #tpu.memory_space<vmem>>) semaphore(%arg16 : memref<!tpu.dma_semaphore, #tpu.memory_space<semaphore_mem>>)
    %dma_start3A_44 = arith.constant 1 : i32
    %dma_start3A_45 = arith.constant 0 : i32
    %dma_start3A_46 = tpu.memref_slice %arg7[%dma_start3A_44, %dma_start3A_45] : memref<250x40xi32, #tpu.memory_space<vmem>> -> memref<1x40xi32, #tpu.memory_space<vmem>>
    %dma_start3A_47 = tpu.memref_squeeze %dma_start3A_46 : memref<1x40xi32, #tpu.memory_space<vmem>> -> memref<40xi32, #tpu.memory_space<vmem>>
    %dma_start3A_48 = arith.constant 0 : i32
    %dma_start3A_49 = arith.constant 0 : i32
    %dma_start3A_50 = tpu.memref_slice %arg4[%dma_start3A_48, %dma_start3A_49] : memref<10000x128xf32, #tpu.memory_space<hbm>> -> memref<10000x128xf32, #tpu.memory_space<hbm>>
    tpu.enqueue_indirect_dma source(%dma_start3A_50 : memref<10000x128xf32, #tpu.memory_space<hbm>>) target(%arg10 : memref<40x128xf32, #tpu.memory_space<vmem>>) offsets(%dma_start3A_47 : memref<40xi32, #tpu.memory_space<vmem>>) semaphore(%arg17 : memref<!tpu.dma_semaphore, #tpu.memory_space<semaphore_mem>>)
    %dma_start3A_51 = arith.constant 2 : i32
    %dma_start3A_52 = arith.constant 0 : i32
    %dma_start3A_53 = tpu.memref_slice %arg7[%dma_start3A_51, %dma_start3A_52] : memref<250x40xi32, #tpu.memory_space<vmem>> -> memref<1x40xi32, #tpu.memory_space<vmem>>
    %dma_start3A_54 = tpu.memref_squeeze %dma_start3A_53 : memref<1x40xi32, #tpu.memory_space<vmem>> -> memref<40xi32, #tpu.memory_space<vmem>>
    %dma_start3A_55 = arith.constant 0 : i32
    %dma_start3A_56 = arith.constant 0 : i32
    %dma_start3A_57 = tpu.memref_slice %arg4[%dma_start3A_55, %dma_start3A_56] : memref<10000x128xf32, #tpu.memory_space<hbm>> -> memref<10000x128xf32, #tpu.memory_space<hbm>>
    tpu.enqueue_indirect_dma source(%dma_start3A_57 : memref<10000x128xf32, #tpu.memory_space<hbm>>) target(%arg11 : memref<40x128xf32, #tpu.memory_space<vmem>>) offsets(%dma_start3A_54 : memref<40xi32, #tpu.memory_space<vmem>>) semaphore(%arg18 : memref<!tpu.dma_semaphore, #tpu.memory_space<semaphore_mem>>)
    %dma_start3A_58 = arith.constant 3 : i32
    %dma_start3A_59 = arith.constant 0 : i32
    %dma_start3A_60 = tpu.memref_slice %arg7[%dma_start3A_58, %dma_start3A_59] : memref<250x40xi32, #tpu.memory_space<vmem>> -> memref<1x40xi32, #tpu.memory_space<vmem>>
    %dma_start3A_61 = tpu.memref_squeeze %dma_start3A_60 : memref<1x40xi32, #tpu.memory_space<vmem>> -> memref<40xi32, #tpu.memory_space<vmem>>
    %dma_start3A_62 = arith.constant 0 : i32
    %dma_start3A_63 = arith.constant 0 : i32
    %dma_start3A_64 = tpu.memref_slice %arg4[%dma_start3A_62, %dma_start3A_63] : memref<10000x128xf32, #tpu.memory_space<hbm>> -> memref<10000x128xf32, #tpu.memory_space<hbm>>
    tpu.enqueue_indirect_dma source(%dma_start3A_64 : memref<10000x128xf32, #tpu.memory_space<hbm>>) target(%arg12 : memref<40x128xf32, #tpu.memory_space<vmem>>) offsets(%dma_start3A_61 : memref<40xi32, #tpu.memory_space<vmem>>) semaphore(%arg19 : memref<!tpu.dma_semaphore, #tpu.memory_space<semaphore_mem>>)
    %dma_start3A_65 = arith.constant 4 : i32
    %dma_start3A_66 = arith.constant 0 : i32
    %dma_start3A_67 = tpu.memref_slice %arg7[%dma_start3A_65, %dma_start3A_66] : memref<250x40xi32, #tpu.memory_space<vmem>> -> memref<1x40xi32, #tpu.memory_space<vmem>>
    %dma_start3A_68 = tpu.memref_squeeze %dma_start3A_67 : memref<1x40xi32, #tpu.memory_space<vmem>> -> memref<40xi32, #tpu.memory_space<vmem>>
    %dma_start3A_69 = arith.constant 0 : i32
    %dma_start3A_70 = arith.constant 0 : i32
    %dma_start3A_71 = tpu.memref_slice %arg4[%dma_start3A_69, %dma_start3A_70] : memref<10000x128xf32, #tpu.memory_space<hbm>> -> memref<10000x128xf32, #tpu.memory_space<hbm>>
    tpu.enqueue_indirect_dma source(%dma_start3A_71 : memref<10000x128xf32, #tpu.memory_space<hbm>>) target(%arg13 : memref<40x128xf32, #tpu.memory_space<vmem>>) offsets(%dma_start3A_68 : memref<40xi32, #tpu.memory_space<vmem>>) semaphore(%arg20 : memref<!tpu.dma_semaphore, #tpu.memory_space<semaphore_mem>>)
    %dma_start3A_72 = arith.constant 5 : i32
    %dma_start3A_73 = arith.constant 0 : i32
    %dma_start3A_74 = tpu.memref_slice %arg7[%dma_start3A_72, %dma_start3A_73] : memref<250x40xi32, #tpu.memory_space<vmem>> -> memref<1x40xi32, #tpu.memory_space<vmem>>
    %dma_start3A_75 = tpu.memref_squeeze %dma_start3A_74 : memref<1x40xi32, #tpu.memory_space<vmem>> -> memref<40xi32, #tpu.memory_space<vmem>>
    %dma_start3A_76 = arith.constant 0 : i32
    %dma_start3A_77 = arith.constant 0 : i32
    %dma_start3A_78 = tpu.memref_slice %arg4[%dma_start3A_76, %dma_start3A_77] : memref<10000x128xf32, #tpu.memory_space<hbm>> -> memref<10000x128xf32, #tpu.memory_space<hbm>>
    tpu.enqueue_indirect_dma source(%dma_start3A_78 : memref<10000x128xf32, #tpu.memory_space<hbm>>) target(%arg14 : memref<40x128xf32, #tpu.memory_space<vmem>>) offsets(%dma_start3A_75 : memref<40xi32, #tpu.memory_space<vmem>>) semaphore(%arg21 : memref<!tpu.dma_semaphore, #tpu.memory_space<semaphore_mem>>)
    %lt3A_79 = arith.constant 15 : i32
    %lt3A_80 = arith.cmpi slt, %arg1, %lt3A_79 : i32
    %convert_element_type3A_81 = arith.extui %lt3A_80 : i1 to i32
    %cond3A_82 = arith.constant 0 : i32
    %cond3A_83 = arith.cmpi ne, %convert_element_type3A_81, %cond3A_82 : i32
    scf.if %cond3A_83 {
      %mul3A_135 = arith.constant 624 : i32
      %mul3A_136 = arith.muli %arg1, %mul3A_135 : i32
      %dma_wait3A_137 = arith.constant 0 : i32
      %dma_wait3A_138 = tpu.memref_slice %arg15[%mul3A_136, %dma_wait3A_137] : memref<10000x128xf32, #tpu.memory_space<vmem_shared>> -> memref<624x128xf32, #tpu.memory_space<vmem_shared>>
      %dma_wait3A_139 = arith.constant 0 : i32
      %dma_wait3A_140 = arith.constant 0 : i32
      %dma_wait3A_141 = tpu.memref_slice %arg5[%dma_wait3A_139, %dma_wait3A_140] : memref<640x128xf32, #tpu.memory_space<hbm>> -> memref<624x128xf32, #tpu.memory_space<hbm>>
      tpu.wait_dma2 semaphore(%arg28 : memref<!tpu.dma_semaphore, #tpu.memory_space<semaphore_mem>>) src(%dma_wait3A_141 : memref<624x128xf32, #tpu.memory_space<hbm>>) dst(%dma_wait3A_138 : memref<624x128xf32, #tpu.memory_space<vmem_shared>>)
    } else {
    }
    %eq3A_84 = arith.constant 15 : i32
    %eq3A_85 = arith.cmpi eq, %arg1, %eq3A_84 : i32
    %convert_element_type3A_86 = arith.extui %eq3A_85 : i1 to i32
    %cond3A_87 = arith.constant 0 : i32
    %cond3A_88 = arith.cmpi ne, %convert_element_type3A_86, %cond3A_87 : i32
    scf.if %cond3A_88 {
      %dma_wait3A_135 = arith.constant 9360 : i32
      %dma_wait3A_136 = arith.constant 0 : i32
      %dma_wait3A_137 = tpu.memref_slice %arg15[%dma_wait3A_135, %dma_wait3A_136] : memref<10000x128xf32, #tpu.memory_space<vmem_shared>> -> memref<640x128xf32, #tpu.memory_space<vmem_shared>>
      tpu.wait_dma2 semaphore(%arg28 : memref<!tpu.dma_semaphore, #tpu.memory_space<semaphore_mem>>) src(%arg5 : memref<640x128xf32, #tpu.memory_space<hbm>>) dst(%dma_wait3A_137 : memref<640x128xf32, #tpu.memory_space<vmem_shared>>)
    } else {
    }
    %barrier3A = arith.constant 0 : index
    tpu.barrier barrier_id(%barrier3A)
    %scan3A = arith.constant 0 : i32
    %scan3A_89 = arith.constant 41 : i32
    %scan3A_90 = arith.addi %scan3A, %scan3A_89 : i32
    %scan3A_91 = arith.constant 1 : i32
    scf.for %scan3A_135 = %scan3A to %scan3A_90 step %scan3A_91  : i32 {
      %mul3A_136 = arith.constant 1 : i32
      %mul3A_137 = arith.muli %scan3A_135, %mul3A_136 : i32
      %add3A_138 = arith.constant 0 : i32
      %add3A_139 = arith.addi %add3A_138, %mul3A_137 : i32
      %mul3A_140 = arith.constant 6 : i32
      %mul3A_141 = arith.muli %mul3A_140, %add3A_139 : i32
      %dma_wait3A_142 = arith.constant 0 : i32
      %dma_wait3A_143 = arith.constant 0 : i32
      %dma_wait3A_144 = tpu.memref_slice %arg7[%dma_wait3A_142, %dma_wait3A_143] : memref<250x40xi32, #tpu.memory_space<vmem>> -> memref<1x40xi32, #tpu.memory_space<vmem>>
      %dma_wait3A_145 = tpu.memref_squeeze %dma_wait3A_144 : memref<1x40xi32, #tpu.memory_space<vmem>> -> memref<40xi32, #tpu.memory_space<vmem>>
      %dma_wait3A_146 = arith.constant 0 : i32
      %dma_wait3A_147 = arith.constant 0 : i32
      %dma_wait3A_148 = tpu.memref_slice %arg4[%dma_wait3A_146, %dma_wait3A_147] : memref<10000x128xf32, #tpu.memory_space<hbm>> -> memref<10000x128xf32, #tpu.memory_space<hbm>>
      tpu.wait_indirect_dma semaphore(%arg16 : memref<!tpu.dma_semaphore, #tpu.memory_space<semaphore_mem>>) src(%dma_wait3A_148 : memref<10000x128xf32, #tpu.memory_space<hbm>>) dst(%arg9 : memref<40x128xf32, #tpu.memory_space<vmem>>)
      %add3A_149 = arith.constant 0 : i32
      %add3A_150 = arith.addi %mul3A_141, %add3A_149 : i32
      %dma_start3A_151 = arith.constant 0 : i32
      %dma_start3A_152 = tpu.memref_slice %arg8[%add3A_150, %dma_start3A_151] : memref<250x40xi32, #tpu.memory_space<vmem>> -> memref<1x40xi32, #tpu.memory_space<vmem>>
      %dma_start3A_153 = tpu.memref_squeeze %dma_start3A_152 : memref<1x40xi32, #tpu.memory_space<vmem>> -> memref<40xi32, #tpu.memory_space<vmem>>
      %dma_start3A_154 = arith.constant 0 : i32
      %dma_start3A_155 = arith.constant 0 : i32
      %dma_start3A_156 = tpu.memref_slice %arg15[%dma_start3A_154, %dma_start3A_155] : memref<10000x128xf32, #tpu.memory_space<vmem_shared>> -> memref<10000x128xf32, #tpu.memory_space<vmem_shared>>
      tpu.enqueue_indirect_dma source(%arg9 : memref<40x128xf32, #tpu.memory_space<vmem>>) target(%dma_start3A_156 : memref<10000x128xf32, #tpu.memory_space<vmem_shared>>) offsets(%dma_start3A_153 : memref<40xi32, #tpu.memory_space<vmem>>) semaphore(%arg22 : memref<!tpu.dma_semaphore, #tpu.memory_space<semaphore_mem>>) {add = true}
      %dma_wait3A_157 = arith.constant 0 : i32
      %dma_wait3A_158 = arith.constant 0 : i32
      %dma_wait3A_159 = tpu.memref_slice %arg7[%dma_wait3A_157, %dma_wait3A_158] : memref<250x40xi32, #tpu.memory_space<vmem>> -> memref<1x40xi32, #tpu.memory_space<vmem>>
      %dma_wait3A_160 = tpu.memref_squeeze %dma_wait3A_159 : memref<1x40xi32, #tpu.memory_space<vmem>> -> memref<40xi32, #tpu.memory_space<vmem>>
      %dma_wait3A_161 = arith.constant 0 : i32
      %dma_wait3A_162 = arith.constant 0 : i32
      %dma_wait3A_163 = tpu.memref_slice %arg4[%dma_wait3A_161, %dma_wait3A_162] : memref<10000x128xf32, #tpu.memory_space<hbm>> -> memref<10000x128xf32, #tpu.memory_space<hbm>>
      tpu.wait_indirect_dma semaphore(%arg17 : memref<!tpu.dma_semaphore, #tpu.memory_space<semaphore_mem>>) src(%dma_wait3A_163 : memref<10000x128xf32, #tpu.memory_space<hbm>>) dst(%arg10 : memref<40x128xf32, #tpu.memory_space<vmem>>)
      %add3A_164 = arith.constant 1 : i32
      %add3A_165 = arith.addi %mul3A_141, %add3A_164 : i32
      %dma_start3A_166 = arith.constant 0 : i32
      %dma_start3A_167 = tpu.memref_slice %arg8[%add3A_165, %dma_start3A_166] : memref<250x40xi32, #tpu.memory_space<vmem>> -> memref<1x40xi32, #tpu.memory_space<vmem>>
      %dma_start3A_168 = tpu.memref_squeeze %dma_start3A_167 : memref<1x40xi32, #tpu.memory_space<vmem>> -> memref<40xi32, #tpu.memory_space<vmem>>
      %dma_start3A_169 = arith.constant 0 : i32
      %dma_start3A_170 = arith.constant 0 : i32
      %dma_start3A_171 = tpu.memref_slice %arg15[%dma_start3A_169, %dma_start3A_170] : memref<10000x128xf32, #tpu.memory_space<vmem_shared>> -> memref<10000x128xf32, #tpu.memory_space<vmem_shared>>
      tpu.enqueue_indirect_dma source(%arg10 : memref<40x128xf32, #tpu.memory_space<vmem>>) target(%dma_start3A_171 : memref<10000x128xf32, #tpu.memory_space<vmem_shared>>) offsets(%dma_start3A_168 : memref<40xi32, #tpu.memory_space<vmem>>) semaphore(%arg23 : memref<!tpu.dma_semaphore, #tpu.memory_space<semaphore_mem>>) {add = true}
      %dma_wait3A_172 = arith.constant 0 : i32
      %dma_wait3A_173 = arith.constant 0 : i32
      %dma_wait3A_174 = tpu.memref_slice %arg7[%dma_wait3A_172, %dma_wait3A_173] : memref<250x40xi32, #tpu.memory_space<vmem>> -> memref<1x40xi32, #tpu.memory_space<vmem>>
      %dma_wait3A_175 = tpu.memref_squeeze %dma_wait3A_174 : memref<1x40xi32, #tpu.memory_space<vmem>> -> memref<40xi32, #tpu.memory_space<vmem>>
      %dma_wait3A_176 = arith.constant 0 : i32
      %dma_wait3A_177 = arith.constant 0 : i32
      %dma_wait3A_178 = tpu.memref_slice %arg4[%dma_wait3A_176, %dma_wait3A_177] : memref<10000x128xf32, #tpu.memory_space<hbm>> -> memref<10000x128xf32, #tpu.memory_space<hbm>>
      tpu.wait_indirect_dma semaphore(%arg18 : memref<!tpu.dma_semaphore, #tpu.memory_space<semaphore_mem>>) src(%dma_wait3A_178 : memref<10000x128xf32, #tpu.memory_space<hbm>>) dst(%arg11 : memref<40x128xf32, #tpu.memory_space<vmem>>)
      %add3A_179 = arith.constant 2 : i32
      %add3A_180 = arith.addi %mul3A_141, %add3A_179 : i32
      %dma_start3A_181 = arith.constant 0 : i32
      %dma_start3A_182 = tpu.memref_slice %arg8[%add3A_180, %dma_start3A_181] : memref<250x40xi32, #tpu.memory_space<vmem>> -> memref<1x40xi32, #tpu.memory_space<vmem>>
      %dma_start3A_183 = tpu.memref_squeeze %dma_start3A_182 : memref<1x40xi32, #tpu.memory_space<vmem>> -> memref<40xi32, #tpu.memory_space<vmem>>
      %dma_start3A_184 = arith.constant 0 : i32
      %dma_start3A_185 = arith.constant 0 : i32
      %dma_start3A_186 = tpu.memref_slice %arg15[%dma_start3A_184, %dma_start3A_185] : memref<10000x128xf32, #tpu.memory_space<vmem_shared>> -> memref<10000x128xf32, #tpu.memory_space<vmem_shared>>
      tpu.enqueue_indirect_dma source(%arg11 : memref<40x128xf32, #tpu.memory_space<vmem>>) target(%dma_start3A_186 : memref<10000x128xf32, #tpu.memory_space<vmem_shared>>) offsets(%dma_start3A_183 : memref<40xi32, #tpu.memory_space<vmem>>) semaphore(%arg24 : memref<!tpu.dma_semaphore, #tpu.memory_space<semaphore_mem>>) {add = true}
      %dma_wait3A_187 = arith.constant 0 : i32
      %dma_wait3A_188 = arith.constant 0 : i32
      %dma_wait3A_189 = tpu.memref_slice %arg7[%dma_wait3A_187, %dma_wait3A_188] : memref<250x40xi32, #tpu.memory_space<vmem>> -> memref<1x40xi32, #tpu.memory_space<vmem>>
      %dma_wait3A_190 = tpu.memref_squeeze %dma_wait3A_189 : memref<1x40xi32, #tpu.memory_space<vmem>> -> memref<40xi32, #tpu.memory_space<vmem>>
      %dma_wait3A_191 = arith.constant 0 : i32
      %dma_wait3A_192 = arith.constant 0 : i32
      %dma_wait3A_193 = tpu.memref_slice %arg4[%dma_wait3A_191, %dma_wait3A_192] : memref<10000x128xf32, #tpu.memory_space<hbm>> -> memref<10000x128xf32, #tpu.memory_space<hbm>>
      tpu.wait_indirect_dma semaphore(%arg19 : memref<!tpu.dma_semaphore, #tpu.memory_space<semaphore_mem>>) src(%dma_wait3A_193 : memref<10000x128xf32, #tpu.memory_space<hbm>>) dst(%arg12 : memref<40x128xf32, #tpu.memory_space<vmem>>)
      %add3A_194 = arith.constant 3 : i32
      %add3A_195 = arith.addi %mul3A_141, %add3A_194 : i32
      %dma_start3A_196 = arith.constant 0 : i32
      %dma_start3A_197 = tpu.memref_slice %arg8[%add3A_195, %dma_start3A_196] : memref<250x40xi32, #tpu.memory_space<vmem>> -> memref<1x40xi32, #tpu.memory_space<vmem>>
      %dma_start3A_198 = tpu.memref_squeeze %dma_start3A_197 : memref<1x40xi32, #tpu.memory_space<vmem>> -> memref<40xi32, #tpu.memory_space<vmem>>
      %dma_start3A_199 = arith.constant 0 : i32
      %dma_start3A_200 = arith.constant 0 : i32
      %dma_start3A_201 = tpu.memref_slice %arg15[%dma_start3A_199, %dma_start3A_200] : memref<10000x128xf32, #tpu.memory_space<vmem_shared>> -> memref<10000x128xf32, #tpu.memory_space<vmem_shared>>
      tpu.enqueue_indirect_dma source(%arg12 : memref<40x128xf32, #tpu.memory_space<vmem>>) target(%dma_start3A_201 : memref<10000x128xf32, #tpu.memory_space<vmem_shared>>) offsets(%dma_start3A_198 : memref<40xi32, #tpu.memory_space<vmem>>) semaphore(%arg25 : memref<!tpu.dma_semaphore, #tpu.memory_space<semaphore_mem>>) {add = true}
      %dma_wait3A_202 = arith.constant 0 : i32
      %dma_wait3A_203 = arith.constant 0 : i32
      %dma_wait3A_204 = tpu.memref_slice %arg7[%dma_wait3A_202, %dma_wait3A_203] : memref<250x40xi32, #tpu.memory_space<vmem>> -> memref<1x40xi32, #tpu.memory_space<vmem>>
      %dma_wait3A_205 = tpu.memref_squeeze %dma_wait3A_204 : memref<1x40xi32, #tpu.memory_space<vmem>> -> memref<40xi32, #tpu.memory_space<vmem>>
      %dma_wait3A_206 = arith.constant 0 : i32
      %dma_wait3A_207 = arith.constant 0 : i32
      %dma_wait3A_208 = tpu.memref_slice %arg4[%dma_wait3A_206, %dma_wait3A_207] : memref<10000x128xf32, #tpu.memory_space<hbm>> -> memref<10000x128xf32, #tpu.memory_space<hbm>>
      tpu.wait_indirect_dma semaphore(%arg20 : memref<!tpu.dma_semaphore, #tpu.memory_space<semaphore_mem>>) src(%dma_wait3A_208 : memref<10000x128xf32, #tpu.memory_space<hbm>>) dst(%arg13 : memref<40x128xf32, #tpu.memory_space<vmem>>)
      %add3A_209 = arith.constant 4 : i32
      %add3A_210 = arith.addi %mul3A_141, %add3A_209 : i32
      %dma_start3A_211 = arith.constant 0 : i32
      %dma_start3A_212 = tpu.memref_slice %arg8[%add3A_210, %dma_start3A_211] : memref<250x40xi32, #tpu.memory_space<vmem>> -> memref<1x40xi32, #tpu.memory_space<vmem>>
      %dma_start3A_213 = tpu.memref_squeeze %dma_start3A_212 : memref<1x40xi32, #tpu.memory_space<vmem>> -> memref<40xi32, #tpu.memory_space<vmem>>
      %dma_start3A_214 = arith.constant 0 : i32
      %dma_start3A_215 = arith.constant 0 : i32
      %dma_start3A_216 = tpu.memref_slice %arg15[%dma_start3A_214, %dma_start3A_215] : memref<10000x128xf32, #tpu.memory_space<vmem_shared>> -> memref<10000x128xf32, #tpu.memory_space<vmem_shared>>
      tpu.enqueue_indirect_dma source(%arg13 : memref<40x128xf32, #tpu.memory_space<vmem>>) target(%dma_start3A_216 : memref<10000x128xf32, #tpu.memory_space<vmem_shared>>) offsets(%dma_start3A_213 : memref<40xi32, #tpu.memory_space<vmem>>) semaphore(%arg26 : memref<!tpu.dma_semaphore, #tpu.memory_space<semaphore_mem>>) {add = true}
      %dma_wait3A_217 = arith.constant 0 : i32
      %dma_wait3A_218 = arith.constant 0 : i32
      %dma_wait3A_219 = tpu.memref_slice %arg7[%dma_wait3A_217, %dma_wait3A_218] : memref<250x40xi32, #tpu.memory_space<vmem>> -> memref<1x40xi32, #tpu.memory_space<vmem>>
      %dma_wait3A_220 = tpu.memref_squeeze %dma_wait3A_219 : memref<1x40xi32, #tpu.memory_space<vmem>> -> memref<40xi32, #tpu.memory_space<vmem>>
      %dma_wait3A_221 = arith.constant 0 : i32
      %dma_wait3A_222 = arith.constant 0 : i32
      %dma_wait3A_223 = tpu.memref_slice %arg4[%dma_wait3A_221, %dma_wait3A_222] : memref<10000x128xf32, #tpu.memory_space<hbm>> -> memref<10000x128xf32, #tpu.memory_space<hbm>>
      tpu.wait_indirect_dma semaphore(%arg21 : memref<!tpu.dma_semaphore, #tpu.memory_space<semaphore_mem>>) src(%dma_wait3A_223 : memref<10000x128xf32, #tpu.memory_space<hbm>>) dst(%arg14 : memref<40x128xf32, #tpu.memory_space<vmem>>)
      %add3A_224 = arith.constant 5 : i32
      %add3A_225 = arith.addi %mul3A_141, %add3A_224 : i32
      %dma_start3A_226 = arith.constant 0 : i32
      %dma_start3A_227 = tpu.memref_slice %arg8[%add3A_225, %dma_start3A_226] : memref<250x40xi32, #tpu.memory_space<vmem>> -> memref<1x40xi32, #tpu.memory_space<vmem>>
      %dma_start3A_228 = tpu.memref_squeeze %dma_start3A_227 : memref<1x40xi32, #tpu.memory_space<vmem>> -> memref<40xi32, #tpu.memory_space<vmem>>
      %dma_start3A_229 = arith.constant 0 : i32
      %dma_start3A_230 = arith.constant 0 : i32
      %dma_start3A_231 = tpu.memref_slice %arg15[%dma_start3A_229, %dma_start3A_230] : memref<10000x128xf32, #tpu.memory_space<vmem_shared>> -> memref<10000x128xf32, #tpu.memory_space<vmem_shared>>
      tpu.enqueue_indirect_dma source(%arg14 : memref<40x128xf32, #tpu.memory_space<vmem>>) target(%dma_start3A_231 : memref<10000x128xf32, #tpu.memory_space<vmem_shared>>) offsets(%dma_start3A_228 : memref<40xi32, #tpu.memory_space<vmem>>) semaphore(%arg27 : memref<!tpu.dma_semaphore, #tpu.memory_space<semaphore_mem>>) {add = true}
      %dma_wait3A_232 = arith.constant 0 : i32
      %dma_wait3A_233 = arith.constant 0 : i32
      %dma_wait3A_234 = tpu.memref_slice %arg8[%dma_wait3A_232, %dma_wait3A_233] : memref<250x40xi32, #tpu.memory_space<vmem>> -> memref<1x40xi32, #tpu.memory_space<vmem>>
      %dma_wait3A_235 = tpu.memref_squeeze %dma_wait3A_234 : memref<1x40xi32, #tpu.memory_space<vmem>> -> memref<40xi32, #tpu.memory_space<vmem>>
      %dma_wait3A_236 = arith.constant 0 : i32
      %dma_wait3A_237 = arith.constant 0 : i32
      %dma_wait3A_238 = tpu.memref_slice %arg15[%dma_wait3A_236, %dma_wait3A_237] : memref<10000x128xf32, #tpu.memory_space<vmem_shared>> -> memref<10000x128xf32, #tpu.memory_space<vmem_shared>>
      tpu.wait_indirect_dma semaphore(%arg22 : memref<!tpu.dma_semaphore, #tpu.memory_space<semaphore_mem>>) src(%arg9 : memref<40x128xf32, #tpu.memory_space<vmem>>) dst(%dma_wait3A_238 : memref<10000x128xf32, #tpu.memory_space<vmem_shared>>)
      %add3A_239 = arith.constant 0 : i32
      %add3A_240 = arith.addi %mul3A_141, %add3A_239 : i32
      %add3A_241 = arith.constant 6 : i32
      %add3A_242 = arith.addi %add3A_240, %add3A_241 : i32
      %lt3A_243 = arith.constant 250 : i32
      %lt3A_244 = arith.cmpi slt, %add3A_242, %lt3A_243 : i32
      %convert_element_type3A_245 = arith.extui %lt3A_244 : i1 to i32
      %cond3A_246 = arith.constant 0 : i32
      %cond3A_247 = arith.cmpi ne, %convert_element_type3A_245, %cond3A_246 : i32
      scf.if %cond3A_247 {
        %add3A_328 = arith.constant 0 : i32
        %add3A_329 = arith.addi %mul3A_141, %add3A_328 : i32
        %add3A_330 = arith.constant 6 : i32
        %add3A_331 = arith.addi %add3A_329, %add3A_330 : i32
        %dma_start3A_332 = arith.constant 0 : i32
        %dma_start3A_333 = tpu.memref_slice %arg7[%add3A_331, %dma_start3A_332] : memref<250x40xi32, #tpu.memory_space<vmem>> -> memref<1x40xi32, #tpu.memory_space<vmem>>
        %dma_start3A_334 = tpu.memref_squeeze %dma_start3A_333 : memref<1x40xi32, #tpu.memory_space<vmem>> -> memref<40xi32, #tpu.memory_space<vmem>>
        %dma_start3A_335 = arith.constant 0 : i32
        %dma_start3A_336 = arith.constant 0 : i32
        %dma_start3A_337 = tpu.memref_slice %arg4[%dma_start3A_335, %dma_start3A_336] : memref<10000x128xf32, #tpu.memory_space<hbm>> -> memref<10000x128xf32, #tpu.memory_space<hbm>>
        tpu.enqueue_indirect_dma source(%dma_start3A_337 : memref<10000x128xf32, #tpu.memory_space<hbm>>) target(%arg9 : memref<40x128xf32, #tpu.memory_space<vmem>>) offsets(%dma_start3A_334 : memref<40xi32, #tpu.memory_space<vmem>>) semaphore(%arg16 : memref<!tpu.dma_semaphore, #tpu.memory_space<semaphore_mem>>)
      } else {
      }
      %dma_wait3A_248 = arith.constant 0 : i32
      %dma_wait3A_249 = arith.constant 0 : i32
      %dma_wait3A_250 = tpu.memref_slice %arg8[%dma_wait3A_248, %dma_wait3A_249] : memref<250x40xi32, #tpu.memory_space<vmem>> -> memref<1x40xi32, #tpu.memory_space<vmem>>
      %dma_wait3A_251 = tpu.memref_squeeze %dma_wait3A_250 : memref<1x40xi32, #tpu.memory_space<vmem>> -> memref<40xi32, #tpu.memory_space<vmem>>
      %dma_wait3A_252 = arith.constant 0 : i32
      %dma_wait3A_253 = arith.constant 0 : i32
      %dma_wait3A_254 = tpu.memref_slice %arg15[%dma_wait3A_252, %dma_wait3A_253] : memref<10000x128xf32, #tpu.memory_space<vmem_shared>> -> memref<10000x128xf32, #tpu.memory_space<vmem_shared>>
      tpu.wait_indirect_dma semaphore(%arg23 : memref<!tpu.dma_semaphore, #tpu.memory_space<semaphore_mem>>) src(%arg10 : memref<40x128xf32, #tpu.memory_space<vmem>>) dst(%dma_wait3A_254 : memref<10000x128xf32, #tpu.memory_space<vmem_shared>>)
      %add3A_255 = arith.constant 1 : i32
      %add3A_256 = arith.addi %mul3A_141, %add3A_255 : i32
      %add3A_257 = arith.constant 6 : i32
      %add3A_258 = arith.addi %add3A_256, %add3A_257 : i32
      %lt3A_259 = arith.constant 250 : i32
      %lt3A_260 = arith.cmpi slt, %add3A_258, %lt3A_259 : i32
      %convert_element_type3A_261 = arith.extui %lt3A_260 : i1 to i32
      %cond3A_262 = arith.constant 0 : i32
      %cond3A_263 = arith.cmpi ne, %convert_element_type3A_261, %cond3A_262 : i32
      scf.if %cond3A_263 {
        %add3A_328 = arith.constant 1 : i32
        %add3A_329 = arith.addi %mul3A_141, %add3A_328 : i32
        %add3A_330 = arith.constant 6 : i32
        %add3A_331 = arith.addi %add3A_329, %add3A_330 : i32
        %dma_start3A_332 = arith.constant 0 : i32
        %dma_start3A_333 = tpu.memref_slice %arg7[%add3A_331, %dma_start3A_332] : memref<250x40xi32, #tpu.memory_space<vmem>> -> memref<1x40xi32, #tpu.memory_space<vmem>>
        %dma_start3A_334 = tpu.memref_squeeze %dma_start3A_333 : memref<1x40xi32, #tpu.memory_space<vmem>> -> memref<40xi32, #tpu.memory_space<vmem>>
        %dma_start3A_335 = arith.constant 0 : i32
        %dma_start3A_336 = arith.constant 0 : i32
        %dma_start3A_337 = tpu.memref_slice %arg4[%dma_start3A_335, %dma_start3A_336] : memref<10000x128xf32, #tpu.memory_space<hbm>> -> memref<10000x128xf32, #tpu.memory_space<hbm>>
        tpu.enqueue_indirect_dma source(%dma_start3A_337 : memref<10000x128xf32, #tpu.memory_space<hbm>>) target(%arg10 : memref<40x128xf32, #tpu.memory_space<vmem>>) offsets(%dma_start3A_334 : memref<40xi32, #tpu.memory_space<vmem>>) semaphore(%arg17 : memref<!tpu.dma_semaphore, #tpu.memory_space<semaphore_mem>>)
      } else {
      }
      %dma_wait3A_264 = arith.constant 0 : i32
      %dma_wait3A_265 = arith.constant 0 : i32
      %dma_wait3A_266 = tpu.memref_slice %arg8[%dma_wait3A_264, %dma_wait3A_265] : memref<250x40xi32, #tpu.memory_space<vmem>> -> memref<1x40xi32, #tpu.memory_space<vmem>>
      %dma_wait3A_267 = tpu.memref_squeeze %dma_wait3A_266 : memref<1x40xi32, #tpu.memory_space<vmem>> -> memref<40xi32, #tpu.memory_space<vmem>>
      %dma_wait3A_268 = arith.constant 0 : i32
      %dma_wait3A_269 = arith.constant 0 : i32
      %dma_wait3A_270 = tpu.memref_slice %arg15[%dma_wait3A_268, %dma_wait3A_269] : memref<10000x128xf32, #tpu.memory_space<vmem_shared>> -> memref<10000x128xf32, #tpu.memory_space<vmem_shared>>
      tpu.wait_indirect_dma semaphore(%arg24 : memref<!tpu.dma_semaphore, #tpu.memory_space<semaphore_mem>>) src(%arg11 : memref<40x128xf32, #tpu.memory_space<vmem>>) dst(%dma_wait3A_270 : memref<10000x128xf32, #tpu.memory_space<vmem_shared>>)
      %add3A_271 = arith.constant 2 : i32
      %add3A_272 = arith.addi %mul3A_141, %add3A_271 : i32
      %add3A_273 = arith.constant 6 : i32
      %add3A_274 = arith.addi %add3A_272, %add3A_273 : i32
      %lt3A_275 = arith.constant 250 : i32
      %lt3A_276 = arith.cmpi slt, %add3A_274, %lt3A_275 : i32
      %convert_element_type3A_277 = arith.extui %lt3A_276 : i1 to i32
      %cond3A_278 = arith.constant 0 : i32
      %cond3A_279 = arith.cmpi ne, %convert_element_type3A_277, %cond3A_278 : i32
      scf.if %cond3A_279 {
        %add3A_328 = arith.constant 2 : i32
        %add3A_329 = arith.addi %mul3A_141, %add3A_328 : i32
        %add3A_330 = arith.constant 6 : i32
        %add3A_331 = arith.addi %add3A_329, %add3A_330 : i32
        %dma_start3A_332 = arith.constant 0 : i32
        %dma_start3A_333 = tpu.memref_slice %arg7[%add3A_331, %dma_start3A_332] : memref<250x40xi32, #tpu.memory_space<vmem>> -> memref<1x40xi32, #tpu.memory_space<vmem>>
        %dma_start3A_334 = tpu.memref_squeeze %dma_start3A_333 : memref<1x40xi32, #tpu.memory_space<vmem>> -> memref<40xi32, #tpu.memory_space<vmem>>
        %dma_start3A_335 = arith.constant 0 : i32
        %dma_start3A_336 = arith.constant 0 : i32
        %dma_start3A_337 = tpu.memref_slice %arg4[%dma_start3A_335, %dma_start3A_336] : memref<10000x128xf32, #tpu.memory_space<hbm>> -> memref<10000x128xf32, #tpu.memory_space<hbm>>
        tpu.enqueue_indirect_dma source(%dma_start3A_337 : memref<10000x128xf32, #tpu.memory_space<hbm>>) target(%arg11 : memref<40x128xf32, #tpu.memory_space<vmem>>) offsets(%dma_start3A_334 : memref<40xi32, #tpu.memory_space<vmem>>) semaphore(%arg18 : memref<!tpu.dma_semaphore, #tpu.memory_space<semaphore_mem>>)
      } else {
      }
      %dma_wait3A_280 = arith.constant 0 : i32
      %dma_wait3A_281 = arith.constant 0 : i32
      %dma_wait3A_282 = tpu.memref_slice %arg8[%dma_wait3A_280, %dma_wait3A_281] : memref<250x40xi32, #tpu.memory_space<vmem>> -> memref<1x40xi32, #tpu.memory_space<vmem>>
      %dma_wait3A_283 = tpu.memref_squeeze %dma_wait3A_282 : memref<1x40xi32, #tpu.memory_space<vmem>> -> memref<40xi32, #tpu.memory_space<vmem>>
      %dma_wait3A_284 = arith.constant 0 : i32
      %dma_wait3A_285 = arith.constant 0 : i32
      %dma_wait3A_286 = tpu.memref_slice %arg15[%dma_wait3A_284, %dma_wait3A_285] : memref<10000x128xf32, #tpu.memory_space<vmem_shared>> -> memref<10000x128xf32, #tpu.memory_space<vmem_shared>>
      tpu.wait_indirect_dma semaphore(%arg25 : memref<!tpu.dma_semaphore, #tpu.memory_space<semaphore_mem>>) src(%arg12 : memref<40x128xf32, #tpu.memory_space<vmem>>) dst(%dma_wait3A_286 : memref<10000x128xf32, #tpu.memory_space<vmem_shared>>)
      %add3A_287 = arith.constant 3 : i32
      %add3A_288 = arith.addi %mul3A_141, %add3A_287 : i32
      %add3A_289 = arith.constant 6 : i32
      %add3A_290 = arith.addi %add3A_288, %add3A_289 : i32
      %lt3A_291 = arith.constant 250 : i32
      %lt3A_292 = arith.cmpi slt, %add3A_290, %lt3A_291 : i32
      %convert_element_type3A_293 = arith.extui %lt3A_292 : i1 to i32
      %cond3A_294 = arith.constant 0 : i32
      %cond3A_295 = arith.cmpi ne, %convert_element_type3A_293, %cond3A_294 : i32
      scf.if %cond3A_295 {
        %add3A_328 = arith.constant 3 : i32
        %add3A_329 = arith.addi %mul3A_141, %add3A_328 : i32
        %add3A_330 = arith.constant 6 : i32
        %add3A_331 = arith.addi %add3A_329, %add3A_330 : i32
        %dma_start3A_332 = arith.constant 0 : i32
        %dma_start3A_333 = tpu.memref_slice %arg7[%add3A_331, %dma_start3A_332] : memref<250x40xi32, #tpu.memory_space<vmem>> -> memref<1x40xi32, #tpu.memory_space<vmem>>
        %dma_start3A_334 = tpu.memref_squeeze %dma_start3A_333 : memref<1x40xi32, #tpu.memory_space<vmem>> -> memref<40xi32, #tpu.memory_space<vmem>>
        %dma_start3A_335 = arith.constant 0 : i32
        %dma_start3A_336 = arith.constant 0 : i32
        %dma_start3A_337 = tpu.memref_slice %arg4[%dma_start3A_335, %dma_start3A_336] : memref<10000x128xf32, #tpu.memory_space<hbm>> -> memref<10000x128xf32, #tpu.memory_space<hbm>>
        tpu.enqueue_indirect_dma source(%dma_start3A_337 : memref<10000x128xf32, #tpu.memory_space<hbm>>) target(%arg12 : memref<40x128xf32, #tpu.memory_space<vmem>>) offsets(%dma_start3A_334 : memref<40xi32, #tpu.memory_space<vmem>>) semaphore(%arg19 : memref<!tpu.dma_semaphore, #tpu.memory_space<semaphore_mem>>)
      } else {
      }
      %dma_wait3A_296 = arith.constant 0 : i32
      %dma_wait3A_297 = arith.constant 0 : i32
      %dma_wait3A_298 = tpu.memref_slice %arg8[%dma_wait3A_296, %dma_wait3A_297] : memref<250x40xi32, #tpu.memory_space<vmem>> -> memref<1x40xi32, #tpu.memory_space<vmem>>
      %dma_wait3A_299 = tpu.memref_squeeze %dma_wait3A_298 : memref<1x40xi32, #tpu.memory_space<vmem>> -> memref<40xi32, #tpu.memory_space<vmem>>
      %dma_wait3A_300 = arith.constant 0 : i32
      %dma_wait3A_301 = arith.constant 0 : i32
      %dma_wait3A_302 = tpu.memref_slice %arg15[%dma_wait3A_300, %dma_wait3A_301] : memref<10000x128xf32, #tpu.memory_space<vmem_shared>> -> memref<10000x128xf32, #tpu.memory_space<vmem_shared>>
      tpu.wait_indirect_dma semaphore(%arg26 : memref<!tpu.dma_semaphore, #tpu.memory_space<semaphore_mem>>) src(%arg13 : memref<40x128xf32, #tpu.memory_space<vmem>>) dst(%dma_wait3A_302 : memref<10000x128xf32, #tpu.memory_space<vmem_shared>>)
      %add3A_303 = arith.constant 4 : i32
      %add3A_304 = arith.addi %mul3A_141, %add3A_303 : i32
      %add3A_305 = arith.constant 6 : i32
      %add3A_306 = arith.addi %add3A_304, %add3A_305 : i32
      %lt3A_307 = arith.constant 250 : i32
      %lt3A_308 = arith.cmpi slt, %add3A_306, %lt3A_307 : i32
      %convert_element_type3A_309 = arith.extui %lt3A_308 : i1 to i32
      %cond3A_310 = arith.constant 0 : i32
      %cond3A_311 = arith.cmpi ne, %convert_element_type3A_309, %cond3A_310 : i32
      scf.if %cond3A_311 {
        %add3A_328 = arith.constant 4 : i32
        %add3A_329 = arith.addi %mul3A_141, %add3A_328 : i32
        %add3A_330 = arith.constant 6 : i32
        %add3A_331 = arith.addi %add3A_329, %add3A_330 : i32
        %dma_start3A_332 = arith.constant 0 : i32
        %dma_start3A_333 = tpu.memref_slice %arg7[%add3A_331, %dma_start3A_332] : memref<250x40xi32, #tpu.memory_space<vmem>> -> memref<1x40xi32, #tpu.memory_space<vmem>>
        %dma_start3A_334 = tpu.memref_squeeze %dma_start3A_333 : memref<1x40xi32, #tpu.memory_space<vmem>> -> memref<40xi32, #tpu.memory_space<vmem>>
        %dma_start3A_335 = arith.constant 0 : i32
        %dma_start3A_336 = arith.constant 0 : i32
        %dma_start3A_337 = tpu.memref_slice %arg4[%dma_start3A_335, %dma_start3A_336] : memref<10000x128xf32, #tpu.memory_space<hbm>> -> memref<10000x128xf32, #tpu.memory_space<hbm>>
        tpu.enqueue_indirect_dma source(%dma_start3A_337 : memref<10000x128xf32, #tpu.memory_space<hbm>>) target(%arg13 : memref<40x128xf32, #tpu.memory_space<vmem>>) offsets(%dma_start3A_334 : memref<40xi32, #tpu.memory_space<vmem>>) semaphore(%arg20 : memref<!tpu.dma_semaphore, #tpu.memory_space<semaphore_mem>>)
      } else {
      }
      %dma_wait3A_312 = arith.constant 0 : i32
      %dma_wait3A_313 = arith.constant 0 : i32
      %dma_wait3A_314 = tpu.memref_slice %arg8[%dma_wait3A_312, %dma_wait3A_313] : memref<250x40xi32, #tpu.memory_space<vmem>> -> memref<1x40xi32, #tpu.memory_space<vmem>>
      %dma_wait3A_315 = tpu.memref_squeeze %dma_wait3A_314 : memref<1x40xi32, #tpu.memory_space<vmem>> -> memref<40xi32, #tpu.memory_space<vmem>>
      %dma_wait3A_316 = arith.constant 0 : i32
      %dma_wait3A_317 = arith.constant 0 : i32
      %dma_wait3A_318 = tpu.memref_slice %arg15[%dma_wait3A_316, %dma_wait3A_317] : memref<10000x128xf32, #tpu.memory_space<vmem_shared>> -> memref<10000x128xf32, #tpu.memory_space<vmem_shared>>
      tpu.wait_indirect_dma semaphore(%arg27 : memref<!tpu.dma_semaphore, #tpu.memory_space<semaphore_mem>>) src(%arg14 : memref<40x128xf32, #tpu.memory_space<vmem>>) dst(%dma_wait3A_318 : memref<10000x128xf32, #tpu.memory_space<vmem_shared>>)
      %add3A_319 = arith.constant 5 : i32
      %add3A_320 = arith.addi %mul3A_141, %add3A_319 : i32
      %add3A_321 = arith.constant 6 : i32
      %add3A_322 = arith.addi %add3A_320, %add3A_321 : i32
      %lt3A_323 = arith.constant 250 : i32
      %lt3A_324 = arith.cmpi slt, %add3A_322, %lt3A_323 : i32
      %convert_element_type3A_325 = arith.extui %lt3A_324 : i1 to i32
      %cond3A_326 = arith.constant 0 : i32
      %cond3A_327 = arith.cmpi ne, %convert_element_type3A_325, %cond3A_326 : i32
      scf.if %cond3A_327 {
        %add3A_328 = arith.constant 5 : i32
        %add3A_329 = arith.addi %mul3A_141, %add3A_328 : i32
        %add3A_330 = arith.constant 6 : i32
        %add3A_331 = arith.addi %add3A_329, %add3A_330 : i32
        %dma_start3A_332 = arith.constant 0 : i32
        %dma_start3A_333 = tpu.memref_slice %arg7[%add3A_331, %dma_start3A_332] : memref<250x40xi32, #tpu.memory_space<vmem>> -> memref<1x40xi32, #tpu.memory_space<vmem>>
        %dma_start3A_334 = tpu.memref_squeeze %dma_start3A_333 : memref<1x40xi32, #tpu.memory_space<vmem>> -> memref<40xi32, #tpu.memory_space<vmem>>
        %dma_start3A_335 = arith.constant 0 : i32
        %dma_start3A_336 = arith.constant 0 : i32
        %dma_start3A_337 = tpu.memref_slice %arg4[%dma_start3A_335, %dma_start3A_336] : memref<10000x128xf32, #tpu.memory_space<hbm>> -> memref<10000x128xf32, #tpu.memory_space<hbm>>
        tpu.enqueue_indirect_dma source(%dma_start3A_337 : memref<10000x128xf32, #tpu.memory_space<hbm>>) target(%arg14 : memref<40x128xf32, #tpu.memory_space<vmem>>) offsets(%dma_start3A_334 : memref<40xi32, #tpu.memory_space<vmem>>) semaphore(%arg21 : memref<!tpu.dma_semaphore, #tpu.memory_space<semaphore_mem>>)
      } else {
      }
    }
    %scan3A_92 = arith.constant 41 : i32
    %dma_wait3A_93 = arith.constant 0 : i32
    %dma_wait3A_94 = arith.constant 0 : i32
    %dma_wait3A_95 = tpu.memref_slice %arg7[%dma_wait3A_93, %dma_wait3A_94] : memref<250x40xi32, #tpu.memory_space<vmem>> -> memref<1x40xi32, #tpu.memory_space<vmem>>
    %dma_wait3A_96 = tpu.memref_squeeze %dma_wait3A_95 : memref<1x40xi32, #tpu.memory_space<vmem>> -> memref<40xi32, #tpu.memory_space<vmem>>
    %dma_wait3A_97 = arith.constant 0 : i32
    %dma_wait3A_98 = arith.constant 0 : i32
    %dma_wait3A_99 = tpu.memref_slice %arg4[%dma_wait3A_97, %dma_wait3A_98] : memref<10000x128xf32, #tpu.memory_space<hbm>> -> memref<10000x128xf32, #tpu.memory_space<hbm>>
    tpu.wait_indirect_dma semaphore(%arg16 : memref<!tpu.dma_semaphore, #tpu.memory_space<semaphore_mem>>) src(%dma_wait3A_99 : memref<10000x128xf32, #tpu.memory_space<hbm>>) dst(%arg9 : memref<40x128xf32, #tpu.memory_space<vmem>>)
    %run_scoped3A = arith.constant 246 : i32
    "tpu.region"() ({
      %run_scoped3A_135 = tpu.sem_alloc : memref<!tpu.dma_semaphore, #tpu.memory_space<semaphore_mem>>
      %dma_start3A_136 = arith.constant 0 : i32
      %dma_start3A_137 = tpu.memref_slice %arg8[%run_scoped3A, %dma_start3A_136] : memref<250x40xi32, #tpu.memory_space<vmem>> -> memref<1x40xi32, #tpu.memory_space<vmem>>
      %dma_start3A_138 = tpu.memref_squeeze %dma_start3A_137 : memref<1x40xi32, #tpu.memory_space<vmem>> -> memref<40xi32, #tpu.memory_space<vmem>>
      %dma_start3A_139 = arith.constant 0 : i32
      %dma_start3A_140 = arith.constant 0 : i32
      %dma_start3A_141 = tpu.memref_slice %arg15[%dma_start3A_139, %dma_start3A_140] : memref<10000x128xf32, #tpu.memory_space<vmem_shared>> -> memref<10000x128xf32, #tpu.memory_space<vmem_shared>>
      tpu.enqueue_indirect_dma source(%arg9 : memref<40x128xf32, #tpu.memory_space<vmem>>) target(%dma_start3A_141 : memref<10000x128xf32, #tpu.memory_space<vmem_shared>>) offsets(%dma_start3A_138 : memref<40xi32, #tpu.memory_space<vmem>>) semaphore(%run_scoped3A_135 : memref<!tpu.dma_semaphore, #tpu.memory_space<semaphore_mem>>) {add = true}
      %dma_wait3A_142 = arith.constant 0 : i32
      %dma_wait3A_143 = tpu.memref_slice %arg8[%run_scoped3A, %dma_wait3A_142] : memref<250x40xi32, #tpu.memory_space<vmem>> -> memref<1x40xi32, #tpu.memory_space<vmem>>
      %dma_wait3A_144 = tpu.memref_squeeze %dma_wait3A_143 : memref<1x40xi32, #tpu.memory_space<vmem>> -> memref<40xi32, #tpu.memory_space<vmem>>
      %dma_wait3A_145 = arith.constant 0 : i32
      %dma_wait3A_146 = arith.constant 0 : i32
      %dma_wait3A_147 = tpu.memref_slice %arg15[%dma_wait3A_145, %dma_wait3A_146] : memref<10000x128xf32, #tpu.memory_space<vmem_shared>> -> memref<10000x128xf32, #tpu.memory_space<vmem_shared>>
      tpu.wait_indirect_dma semaphore(%run_scoped3A_135 : memref<!tpu.dma_semaphore, #tpu.memory_space<semaphore_mem>>) src(%arg9 : memref<40x128xf32, #tpu.memory_space<vmem>>) dst(%dma_wait3A_147 : memref<10000x128xf32, #tpu.memory_space<vmem_shared>>)
      tpu.yield
    }) : () -> ()
    %dma_wait3A_100 = arith.constant 0 : i32
    %dma_wait3A_101 = arith.constant 0 : i32
    %dma_wait3A_102 = tpu.memref_slice %arg7[%dma_wait3A_100, %dma_wait3A_101] : memref<250x40xi32, #tpu.memory_space<vmem>> -> memref<1x40xi32, #tpu.memory_space<vmem>>
    %dma_wait3A_103 = tpu.memref_squeeze %dma_wait3A_102 : memref<1x40xi32, #tpu.memory_space<vmem>> -> memref<40xi32, #tpu.memory_space<vmem>>
    %dma_wait3A_104 = arith.constant 0 : i32
    %dma_wait3A_105 = arith.constant 0 : i32
    %dma_wait3A_106 = tpu.memref_slice %arg4[%dma_wait3A_104, %dma_wait3A_105] : memref<10000x128xf32, #tpu.memory_space<hbm>> -> memref<10000x128xf32, #tpu.memory_space<hbm>>
    tpu.wait_indirect_dma semaphore(%arg17 : memref<!tpu.dma_semaphore, #tpu.memory_space<semaphore_mem>>) src(%dma_wait3A_106 : memref<10000x128xf32, #tpu.memory_space<hbm>>) dst(%arg10 : memref<40x128xf32, #tpu.memory_space<vmem>>)
    %run_scoped3A_107 = arith.constant 247 : i32
    "tpu.region"() ({
      %run_scoped3A_135 = tpu.sem_alloc : memref<!tpu.dma_semaphore, #tpu.memory_space<semaphore_mem>>
      %dma_start3A_136 = arith.constant 0 : i32
      %dma_start3A_137 = tpu.memref_slice %arg8[%run_scoped3A_107, %dma_start3A_136] : memref<250x40xi32, #tpu.memory_space<vmem>> -> memref<1x40xi32, #tpu.memory_space<vmem>>
      %dma_start3A_138 = tpu.memref_squeeze %dma_start3A_137 : memref<1x40xi32, #tpu.memory_space<vmem>> -> memref<40xi32, #tpu.memory_space<vmem>>
      %dma_start3A_139 = arith.constant 0 : i32
      %dma_start3A_140 = arith.constant 0 : i32
      %dma_start3A_141 = tpu.memref_slice %arg15[%dma_start3A_139, %dma_start3A_140] : memref<10000x128xf32, #tpu.memory_space<vmem_shared>> -> memref<10000x128xf32, #tpu.memory_space<vmem_shared>>
      tpu.enqueue_indirect_dma source(%arg10 : memref<40x128xf32, #tpu.memory_space<vmem>>) target(%dma_start3A_141 : memref<10000x128xf32, #tpu.memory_space<vmem_shared>>) offsets(%dma_start3A_138 : memref<40xi32, #tpu.memory_space<vmem>>) semaphore(%run_scoped3A_135 : memref<!tpu.dma_semaphore, #tpu.memory_space<semaphore_mem>>) {add = true}
      %dma_wait3A_142 = arith.constant 0 : i32
      %dma_wait3A_143 = tpu.memref_slice %arg8[%run_scoped3A_107, %dma_wait3A_142] : memref<250x40xi32, #tpu.memory_space<vmem>> -> memref<1x40xi32, #tpu.memory_space<vmem>>
      %dma_wait3A_144 = tpu.memref_squeeze %dma_wait3A_143 : memref<1x40xi32, #tpu.memory_space<vmem>> -> memref<40xi32, #tpu.memory_space<vmem>>
      %dma_wait3A_145 = arith.constant 0 : i32
      %dma_wait3A_146 = arith.constant 0 : i32
      %dma_wait3A_147 = tpu.memref_slice %arg15[%dma_wait3A_145, %dma_wait3A_146] : memref<10000x128xf32, #tpu.memory_space<vmem_shared>> -> memref<10000x128xf32, #tpu.memory_space<vmem_shared>>
      tpu.wait_indirect_dma semaphore(%run_scoped3A_135 : memref<!tpu.dma_semaphore, #tpu.memory_space<semaphore_mem>>) src(%arg10 : memref<40x128xf32, #tpu.memory_space<vmem>>) dst(%dma_wait3A_147 : memref<10000x128xf32, #tpu.memory_space<vmem_shared>>)
      tpu.yield
    }) : () -> ()
    %dma_wait3A_108 = arith.constant 0 : i32
    %dma_wait3A_109 = arith.constant 0 : i32
    %dma_wait3A_110 = tpu.memref_slice %arg7[%dma_wait3A_108, %dma_wait3A_109] : memref<250x40xi32, #tpu.memory_space<vmem>> -> memref<1x40xi32, #tpu.memory_space<vmem>>
    %dma_wait3A_111 = tpu.memref_squeeze %dma_wait3A_110 : memref<1x40xi32, #tpu.memory_space<vmem>> -> memref<40xi32, #tpu.memory_space<vmem>>
    %dma_wait3A_112 = arith.constant 0 : i32
    %dma_wait3A_113 = arith.constant 0 : i32
    %dma_wait3A_114 = tpu.memref_slice %arg4[%dma_wait3A_112, %dma_wait3A_113] : memref<10000x128xf32, #tpu.memory_space<hbm>> -> memref<10000x128xf32, #tpu.memory_space<hbm>>
    tpu.wait_indirect_dma semaphore(%arg18 : memref<!tpu.dma_semaphore, #tpu.memory_space<semaphore_mem>>) src(%dma_wait3A_114 : memref<10000x128xf32, #tpu.memory_space<hbm>>) dst(%arg11 : memref<40x128xf32, #tpu.memory_space<vmem>>)
    %run_scoped3A_115 = arith.constant 248 : i32
    "tpu.region"() ({
      %run_scoped3A_135 = tpu.sem_alloc : memref<!tpu.dma_semaphore, #tpu.memory_space<semaphore_mem>>
      %dma_start3A_136 = arith.constant 0 : i32
      %dma_start3A_137 = tpu.memref_slice %arg8[%run_scoped3A_115, %dma_start3A_136] : memref<250x40xi32, #tpu.memory_space<vmem>> -> memref<1x40xi32, #tpu.memory_space<vmem>>
      %dma_start3A_138 = tpu.memref_squeeze %dma_start3A_137 : memref<1x40xi32, #tpu.memory_space<vmem>> -> memref<40xi32, #tpu.memory_space<vmem>>
      %dma_start3A_139 = arith.constant 0 : i32
      %dma_start3A_140 = arith.constant 0 : i32
      %dma_start3A_141 = tpu.memref_slice %arg15[%dma_start3A_139, %dma_start3A_140] : memref<10000x128xf32, #tpu.memory_space<vmem_shared>> -> memref<10000x128xf32, #tpu.memory_space<vmem_shared>>
      tpu.enqueue_indirect_dma source(%arg11 : memref<40x128xf32, #tpu.memory_space<vmem>>) target(%dma_start3A_141 : memref<10000x128xf32, #tpu.memory_space<vmem_shared>>) offsets(%dma_start3A_138 : memref<40xi32, #tpu.memory_space<vmem>>) semaphore(%run_scoped3A_135 : memref<!tpu.dma_semaphore, #tpu.memory_space<semaphore_mem>>) {add = true}
      %dma_wait3A_142 = arith.constant 0 : i32
      %dma_wait3A_143 = tpu.memref_slice %arg8[%run_scoped3A_115, %dma_wait3A_142] : memref<250x40xi32, #tpu.memory_space<vmem>> -> memref<1x40xi32, #tpu.memory_space<vmem>>
      %dma_wait3A_144 = tpu.memref_squeeze %dma_wait3A_143 : memref<1x40xi32, #tpu.memory_space<vmem>> -> memref<40xi32, #tpu.memory_space<vmem>>
      %dma_wait3A_145 = arith.constant 0 : i32
      %dma_wait3A_146 = arith.constant 0 : i32
      %dma_wait3A_147 = tpu.memref_slice %arg15[%dma_wait3A_145, %dma_wait3A_146] : memref<10000x128xf32, #tpu.memory_space<vmem_shared>> -> memref<10000x128xf32, #tpu.memory_space<vmem_shared>>
      tpu.wait_indirect_dma semaphore(%run_scoped3A_135 : memref<!tpu.dma_semaphore, #tpu.memory_space<semaphore_mem>>) src(%arg11 : memref<40x128xf32, #tpu.memory_space<vmem>>) dst(%dma_wait3A_147 : memref<10000x128xf32, #tpu.memory_space<vmem_shared>>)
      tpu.yield
    }) : () -> ()
    %dma_wait3A_116 = arith.constant 0 : i32
    %dma_wait3A_117 = arith.constant 0 : i32
    %dma_wait3A_118 = tpu.memref_slice %arg7[%dma_wait3A_116, %dma_wait3A_117] : memref<250x40xi32, #tpu.memory_space<vmem>> -> memref<1x40xi32, #tpu.memory_space<vmem>>
    %dma_wait3A_119 = tpu.memref_squeeze %dma_wait3A_118 : memref<1x40xi32, #tpu.memory_space<vmem>> -> memref<40xi32, #tpu.memory_space<vmem>>
    %dma_wait3A_120 = arith.constant 0 : i32
    %dma_wait3A_121 = arith.constant 0 : i32
    %dma_wait3A_122 = tpu.memref_slice %arg4[%dma_wait3A_120, %dma_wait3A_121] : memref<10000x128xf32, #tpu.memory_space<hbm>> -> memref<10000x128xf32, #tpu.memory_space<hbm>>
    tpu.wait_indirect_dma semaphore(%arg19 : memref<!tpu.dma_semaphore, #tpu.memory_space<semaphore_mem>>) src(%dma_wait3A_122 : memref<10000x128xf32, #tpu.memory_space<hbm>>) dst(%arg12 : memref<40x128xf32, #tpu.memory_space<vmem>>)
    %run_scoped3A_123 = arith.constant 249 : i32
    "tpu.region"() ({
      %run_scoped3A_135 = tpu.sem_alloc : memref<!tpu.dma_semaphore, #tpu.memory_space<semaphore_mem>>
      %dma_start3A_136 = arith.constant 0 : i32
      %dma_start3A_137 = tpu.memref_slice %arg8[%run_scoped3A_123, %dma_start3A_136] : memref<250x40xi32, #tpu.memory_space<vmem>> -> memref<1x40xi32, #tpu.memory_space<vmem>>
      %dma_start3A_138 = tpu.memref_squeeze %dma_start3A_137 : memref<1x40xi32, #tpu.memory_space<vmem>> -> memref<40xi32, #tpu.memory_space<vmem>>
      %dma_start3A_139 = arith.constant 0 : i32
      %dma_start3A_140 = arith.constant 0 : i32
      %dma_start3A_141 = tpu.memref_slice %arg15[%dma_start3A_139, %dma_start3A_140] : memref<10000x128xf32, #tpu.memory_space<vmem_shared>> -> memref<10000x128xf32, #tpu.memory_space<vmem_shared>>
      tpu.enqueue_indirect_dma source(%arg12 : memref<40x128xf32, #tpu.memory_space<vmem>>) target(%dma_start3A_141 : memref<10000x128xf32, #tpu.memory_space<vmem_shared>>) offsets(%dma_start3A_138 : memref<40xi32, #tpu.memory_space<vmem>>) semaphore(%run_scoped3A_135 : memref<!tpu.dma_semaphore, #tpu.memory_space<semaphore_mem>>) {add = true}
      %dma_wait3A_142 = arith.constant 0 : i32
      %dma_wait3A_143 = tpu.memref_slice %arg8[%run_scoped3A_123, %dma_wait3A_142] : memref<250x40xi32, #tpu.memory_space<vmem>> -> memref<1x40xi32, #tpu.memory_space<vmem>>
      %dma_wait3A_144 = tpu.memref_squeeze %dma_wait3A_143 : memref<1x40xi32, #tpu.memory_space<vmem>> -> memref<40xi32, #tpu.memory_space<vmem>>
      %dma_wait3A_145 = arith.constant 0 : i32
      %dma_wait3A_146 = arith.constant 0 : i32
      %dma_wait3A_147 = tpu.memref_slice %arg15[%dma_wait3A_145, %dma_wait3A_146] : memref<10000x128xf32, #tpu.memory_space<vmem_shared>> -> memref<10000x128xf32, #tpu.memory_space<vmem_shared>>
      tpu.wait_indirect_dma semaphore(%run_scoped3A_135 : memref<!tpu.dma_semaphore, #tpu.memory_space<semaphore_mem>>) src(%arg12 : memref<40x128xf32, #tpu.memory_space<vmem>>) dst(%dma_wait3A_147 : memref<10000x128xf32, #tpu.memory_space<vmem_shared>>)
      tpu.yield
    }) : () -> ()
    %barrier3A_124 = arith.constant 0 : index
    tpu.barrier barrier_id(%barrier3A_124)
    %lt3A_125 = arith.constant 15 : i32
    %lt3A_126 = arith.cmpi slt, %arg1, %lt3A_125 : i32
    %convert_element_type3A_127 = arith.extui %lt3A_126 : i1 to i32
    %cond3A_128 = arith.constant 0 : i32
    %cond3A_129 = arith.cmpi ne, %convert_element_type3A_127, %cond3A_128 : i32
    scf.if %cond3A_129 {
      %mul3A_135 = arith.constant 624 : i32
      %mul3A_136 = arith.muli %arg1, %mul3A_135 : i32
      %mul3A_137 = arith.constant 624 : i32
      %mul3A_138 = arith.muli %arg1, %mul3A_137 : i32
      "tpu.region"() ({
        %run_scoped3A_139 = tpu.sem_alloc : memref<!tpu.dma_semaphore, #tpu.memory_space<semaphore_mem>>
        %dma_start3A_140 = arith.constant 0 : i32
        %dma_start3A_141 = tpu.memref_slice %arg6[%arg0, %mul3A_138, %dma_start3A_140] : memref<2x10000x128xf32, #tpu.memory_space<hbm>> -> memref<1x624x128xf32, #tpu.memory_space<hbm>>
        %dma_start3A_142 = tpu.memref_squeeze %dma_start3A_141 : memref<1x624x128xf32, #tpu.memory_space<hbm>> -> memref<624x128xf32, #tpu.memory_space<hbm>>
        %dma_start3A_143 = arith.constant 0 : i32
        %dma_start3A_144 = tpu.memref_slice %arg15[%mul3A_136, %dma_start3A_143] : memref<10000x128xf32, #tpu.memory_space<vmem_shared>> -> memref<624x128xf32, #tpu.memory_space<vmem_shared>>
        tpu.enqueue_dma source(%dma_start3A_144 : memref<624x128xf32, #tpu.memory_space<vmem_shared>>) target(%dma_start3A_142 : memref<624x128xf32, #tpu.memory_space<hbm>>) target_semaphore(%run_scoped3A_139 : memref<!tpu.dma_semaphore, #tpu.memory_space<semaphore_mem>>)
        %dma_wait3A_145 = arith.constant 0 : i32
        %dma_wait3A_146 = tpu.memref_slice %arg6[%arg0, %mul3A_138, %dma_wait3A_145] : memref<2x10000x128xf32, #tpu.memory_space<hbm>> -> memref<1x624x128xf32, #tpu.memory_space<hbm>>
        %dma_wait3A_147 = tpu.memref_squeeze %dma_wait3A_146 : memref<1x624x128xf32, #tpu.memory_space<hbm>> -> memref<624x128xf32, #tpu.memory_space<hbm>>
        %dma_wait3A_148 = arith.constant 0 : i32
        %dma_wait3A_149 = tpu.memref_slice %arg15[%mul3A_136, %dma_wait3A_148] : memref<10000x128xf32, #tpu.memory_space<vmem_shared>> -> memref<624x128xf32, #tpu.memory_space<vmem_shared>>
        tpu.wait_dma2 semaphore(%run_scoped3A_139 : memref<!tpu.dma_semaphore, #tpu.memory_space<semaphore_mem>>) src(%dma_wait3A_149 : memref<624x128xf32, #tpu.memory_space<vmem_shared>>) dst(%dma_wait3A_147 : memref<624x128xf32, #tpu.memory_space<hbm>>)
        tpu.yield
      }) : () -> ()
    } else {
    }
    %eq3A_130 = arith.constant 15 : i32
    %eq3A_131 = arith.cmpi eq, %arg1, %eq3A_130 : i32
    %convert_element_type3A_132 = arith.extui %eq3A_131 : i1 to i32
    %cond3A_133 = arith.constant 0 : i32
    %cond3A_134 = arith.cmpi ne, %convert_element_type3A_132, %cond3A_133 : i32
    scf.if %cond3A_134 {
      "tpu.region"() ({
        %run_scoped3A_135 = tpu.sem_alloc : memref<!tpu.dma_semaphore, #tpu.memory_space<semaphore_mem>>
        %dma_start3A_136 = arith.constant 9360 : i32
        %dma_start3A_137 = arith.constant 0 : i32
        %dma_start3A_138 = tpu.memref_slice %arg6[%arg0, %dma_start3A_136, %dma_start3A_137] : memref<2x10000x128xf32, #tpu.memory_space<hbm>> -> memref<1x640x128xf32, #tpu.memory_space<hbm>>
        %dma_start3A_139 = tpu.memref_squeeze %dma_start3A_138 : memref<1x640x128xf32, #tpu.memory_space<hbm>> -> memref<640x128xf32, #tpu.memory_space<hbm>>
        %dma_start3A_140 = arith.constant 9360 : i32
        %dma_start3A_141 = arith.constant 0 : i32
        %dma_start3A_142 = tpu.memref_slice %arg15[%dma_start3A_140, %dma_start3A_141] : memref<10000x128xf32, #tpu.memory_space<vmem_shared>> -> memref<640x128xf32, #tpu.memory_space<vmem_shared>>
        tpu.enqueue_dma source(%dma_start3A_142 : memref<640x128xf32, #tpu.memory_space<vmem_shared>>) target(%dma_start3A_139 : memref<640x128xf32, #tpu.memory_space<hbm>>) target_semaphore(%run_scoped3A_135 : memref<!tpu.dma_semaphore, #tpu.memory_space<semaphore_mem>>)
        %dma_wait3A_143 = arith.constant 9360 : i32
        %dma_wait3A_144 = arith.constant 0 : i32
        %dma_wait3A_145 = tpu.memref_slice %arg6[%arg0, %dma_wait3A_143, %dma_wait3A_144] : memref<2x10000x128xf32, #tpu.memory_space<hbm>> -> memref<1x640x128xf32, #tpu.memory_space<hbm>>
        %dma_wait3A_146 = tpu.memref_squeeze %dma_wait3A_145 : memref<1x640x128xf32, #tpu.memory_space<hbm>> -> memref<640x128xf32, #tpu.memory_space<hbm>>
        %dma_wait3A_147 = arith.constant 9360 : i32
        %dma_wait3A_148 = arith.constant 0 : i32
        %dma_wait3A_149 = tpu.memref_slice %arg15[%dma_wait3A_147, %dma_wait3A_148] : memref<10000x128xf32, #tpu.memory_space<vmem_shared>> -> memref<640x128xf32, #tpu.memory_space<vmem_shared>>
        tpu.wait_dma2 semaphore(%run_scoped3A_135 : memref<!tpu.dma_semaphore, #tpu.memory_space<semaphore_mem>>) src(%dma_wait3A_149 : memref<640x128xf32, #tpu.memory_space<vmem_shared>>) dst(%dma_wait3A_146 : memref<640x128xf32, #tpu.memory_space<hbm>>)
        tpu.yield
      }) : () -> ()
    } else {
    }
    return
  }
}

module attributes {stable_mosaic.version = 14 : i64} {
  func.func @_layer_body(%arg0: i32, %arg1: memref<1x1xf32, #tpu.memory_space<smem>>, %arg2: memref<2000x128xf32, #tpu.memory_space<vmem>>, %arg3: memref<2x2000x128xf32, #tpu.memory_space<vmem>>, %arg4: memref<128x128xf32, #tpu.memory_space<vmem>>, %arg5: memref<1x128xf32, #tpu.memory_space<vmem>>, %arg6: memref<128x128xf32, #tpu.memory_space<vmem>>, %arg7: memref<1x128xf32, #tpu.memory_space<vmem>>, %arg8: memref<1x128xf32, #tpu.memory_space<vmem>>, %arg9: memref<1x128xf32, #tpu.memory_space<vmem>>, %arg10: memref<2000x128xf32, #tpu.memory_space<vmem>>) attributes {dimension_semantics = [#tpu.dimension_semantics<arbitrary>], iteration_bounds = array<i64: 5>, scalar_prefetch = 0 : i64, scratch_operands = 0 : i64, tpu.core_type = #tpu.core_type<tc>, window_params = [{transform_indices = @transform_0, window_bounds = array<i64: 1, 1>}, {transform_indices = @transform_1, window_bounds = array<i64: 2000, 128>}, {transform_indices = @transform_2, window_bounds = array<i64: 2, 2000, 128>}, {pipeline_mode = #tpu.pipeline_mode<synchronous>, transform_indices = @transform_3, window_bounds = array<i64: 128, 128>}, {pipeline_mode = #tpu.pipeline_mode<synchronous>, transform_indices = @transform_4, window_bounds = array<i64: 1, 128>}, {pipeline_mode = #tpu.pipeline_mode<synchronous>, transform_indices = @transform_5, window_bounds = array<i64: 128, 128>}, {pipeline_mode = #tpu.pipeline_mode<synchronous>, transform_indices = @transform_6, window_bounds = array<i64: 1, 128>}, {pipeline_mode = #tpu.pipeline_mode<synchronous>, transform_indices = @transform_7, window_bounds = array<i64: 1, 128>}, {pipeline_mode = #tpu.pipeline_mode<synchronous>, transform_indices = @transform_8, window_bounds = array<i64: 1, 128>}, {transform_indices = @transform_9, window_bounds = array<i64: 2000, 128>}]} {
    %get3A = arith.constant 0 : index
    %get3A_0 = arith.constant 0 : index
    %get3A_1 = vector.load %arg2[%get3A, %get3A_0] : memref<2000x128xf32, #tpu.memory_space<vmem>>, vector<2000x128xf32>
    %get3A_2 = arith.constant 0 : index
    %get3A_3 = arith.constant 0 : index
    %get3A_4 = memref.load %arg1[%get3A_2, %get3A_3] : memref<1x1xf32, #tpu.memory_space<smem>>
    %get3A_5 = arith.constant 0 : index
    %get3A_6 = arith.constant 0 : index
    %get3A_7 = arith.constant 0 : index
    %get3A_8 = vector.load %arg3[%get3A_5, %get3A_6, %get3A_7] : memref<2x2000x128xf32, #tpu.memory_space<vmem>>, vector<1x2000x128xf32>
    %get3A_9 = vector.shape_cast %get3A_8 : vector<1x2000x128xf32> to vector<2000x128xf32>
    %get3A_10 = arith.constant 1 : index
    %get3A_11 = arith.constant 0 : index
    %get3A_12 = arith.constant 0 : index
    %get3A_13 = vector.load %arg3[%get3A_10, %get3A_11, %get3A_12] : memref<2x2000x128xf32, #tpu.memory_space<vmem>>, vector<1x2000x128xf32>
    %get3A_14 = vector.shape_cast %get3A_13 : vector<1x2000x128xf32> to vector<2000x128xf32>
    %add3A = arith.constant 1.000000e+00 : f32
    %add3A_15 = arith.addf %add3A, %get3A_4 : f32
    %mul3A = vector.broadcast %add3A_15 : f32 to vector<2000x128xf32>
    %mul3A_16 = arith.mulf %mul3A, %get3A_1 : vector<2000x128xf32>
    %add3A_17 = arith.addf %mul3A_16, %get3A_9 : vector<2000x128xf32>
    %add3A_18 = arith.addf %add3A_17, %get3A_14 : vector<2000x128xf32>
    %get3A_19 = arith.constant 0 : index
    %get3A_20 = arith.constant 0 : index
    %get3A_21 = vector.load %arg4[%get3A_19, %get3A_20] : memref<128x128xf32, #tpu.memory_space<vmem>>, vector<128x128xf32>
    %dot_general3A = arith.constant dense<0.000000e+00> : vector<2000x128xf32>
    %dot_general3A_22 = tpu.matmul %add3A_18, %get3A_21, %dot_general3A {dimension_numbers = #tpu.dot_dimension_numbers<[1], [1], [0], [0], [0, 0, 1, 0], [], []>, transpose_lhs_hint = false} : vector<2000x128xf32>, vector<128x128xf32>, vector<2000x128xf32> -> vector<2000x128xf32>
    %get3A_23 = arith.constant 0 : index
    %get3A_24 = arith.constant 0 : index
    %get3A_25 = vector.load %arg5[%get3A_23, %get3A_24] : memref<1x128xf32, #tpu.memory_space<vmem>>, vector<1x128xf32>
    %add3A_26 = vector.broadcast %get3A_25 : vector<1x128xf32> to vector<2000x128xf32>
    %add3A_27 = arith.addf %dot_general3A_22, %add3A_26 : vector<2000x128xf32>
    %max3A = arith.constant 0.000000e+00 : f32
    %max3A_28 = vector.broadcast %max3A : f32 to vector<2000x128xf32>
    %max3A_29 = arith.maximumf %add3A_27, %max3A_28 : vector<2000x128xf32>
    %get3A_30 = arith.constant 0 : index
    %get3A_31 = arith.constant 0 : index
    %get3A_32 = vector.load %arg6[%get3A_30, %get3A_31] : memref<128x128xf32, #tpu.memory_space<vmem>>, vector<128x128xf32>
    %dot_general3A_33 = arith.constant dense<0.000000e+00> : vector<2000x128xf32>
    %dot_general3A_34 = tpu.matmul %max3A_29, %get3A_32, %dot_general3A_33 {dimension_numbers = #tpu.dot_dimension_numbers<[1], [1], [0], [0], [0, 0, 1, 0], [], []>, transpose_lhs_hint = false} : vector<2000x128xf32>, vector<128x128xf32>, vector<2000x128xf32> -> vector<2000x128xf32>
    %get3A_35 = arith.constant 0 : index
    %get3A_36 = arith.constant 0 : index
    %get3A_37 = vector.load %arg7[%get3A_35, %get3A_36] : memref<1x128xf32, #tpu.memory_space<vmem>>, vector<1x128xf32>
    %add3A_38 = vector.broadcast %get3A_37 : vector<1x128xf32> to vector<2000x128xf32>
    %add3A_39 = arith.addf %dot_general3A_34, %add3A_38 : vector<2000x128xf32>
    %reduce_sum3A = arith.constant dense<0.000000e+00> : vector<2000xf32>
    %reduce_sum3A_40 = vector.multi_reduction <add>, %add3A_39, %reduce_sum3A [1] : vector<2000x128xf32> to vector<2000xf32>
    %broadcast_in_dim3A = vector.shape_cast %reduce_sum3A_40 : vector<2000xf32> to vector<2000x1xf32>
    %div3A = arith.constant 1.280000e+02 : f32
    %div3A_41 = vector.broadcast %div3A : f32 to vector<2000x1xf32>
    %div3A_42 = arith.divf %broadcast_in_dim3A, %div3A_41 : vector<2000x1xf32>
    %sub3A = vector.broadcast %div3A_42 : vector<2000x1xf32> to vector<2000x128xf32>
    %sub3A_43 = arith.subf %add3A_39, %sub3A : vector<2000x128xf32>
    %integer_pow3A = arith.mulf %sub3A_43, %sub3A_43 : vector<2000x128xf32>
    %reduce_sum3A_44 = arith.constant dense<0.000000e+00> : vector<2000xf32>
    %reduce_sum3A_45 = vector.multi_reduction <add>, %integer_pow3A, %reduce_sum3A_44 [1] : vector<2000x128xf32> to vector<2000xf32>
    %broadcast_in_dim3A_46 = vector.shape_cast %reduce_sum3A_45 : vector<2000xf32> to vector<2000x1xf32>
    %div3A_47 = arith.constant 1.280000e+02 : f32
    %div3A_48 = vector.broadcast %div3A_47 : f32 to vector<2000x1xf32>
    %div3A_49 = arith.divf %broadcast_in_dim3A_46, %div3A_48 : vector<2000x1xf32>
    %sub3A_50 = vector.broadcast %div3A_42 : vector<2000x1xf32> to vector<2000x128xf32>
    %sub3A_51 = arith.subf %add3A_39, %sub3A_50 : vector<2000x128xf32>
    %add3A_52 = arith.constant 9.99999974E-6 : f32
    %add3A_53 = vector.broadcast %add3A_52 : f32 to vector<2000x1xf32>
    %add3A_54 = arith.addf %div3A_49, %add3A_53 : vector<2000x1xf32>
    %sqrt3A = math.sqrt %add3A_54 : vector<2000x1xf32>
    %div3A_55 = vector.broadcast %sqrt3A : vector<2000x1xf32> to vector<2000x128xf32>
    %div3A_56 = arith.divf %sub3A_51, %div3A_55 : vector<2000x128xf32>
    %get3A_57 = arith.constant 0 : index
    %get3A_58 = arith.constant 0 : index
    %get3A_59 = vector.load %arg8[%get3A_57, %get3A_58] : memref<1x128xf32, #tpu.memory_space<vmem>>, vector<1x128xf32>
    %mul3A_60 = vector.broadcast %get3A_59 : vector<1x128xf32> to vector<2000x128xf32>
    %mul3A_61 = arith.mulf %div3A_56, %mul3A_60 : vector<2000x128xf32>
    %get3A_62 = arith.constant 0 : index
    %get3A_63 = arith.constant 0 : index
    %get3A_64 = vector.load %arg9[%get3A_62, %get3A_63] : memref<1x128xf32, #tpu.memory_space<vmem>>, vector<1x128xf32>
    %add3A_65 = vector.broadcast %get3A_64 : vector<1x128xf32> to vector<2000x128xf32>
    %add3A_66 = arith.addf %mul3A_61, %add3A_65 : vector<2000x128xf32>
    %mul3A_67 = arith.constant 5.000000e-01 : f32
    %mul3A_68 = vector.broadcast %mul3A_67 : f32 to vector<2000x128xf32>
    %mul3A_69 = arith.mulf %add3A_66, %mul3A_68 : vector<2000x128xf32>
    %mul3A_70 = arith.constant 0.707106769 : f32
    %mul3A_71 = vector.broadcast %mul3A_70 : f32 to vector<2000x128xf32>
    %mul3A_72 = arith.mulf %add3A_66, %mul3A_71 : vector<2000x128xf32>
    %erf3A = math.erf %mul3A_72 : vector<2000x128xf32>
    %add3A_73 = arith.constant 1.000000e+00 : f32
    %add3A_74 = vector.broadcast %add3A_73 : f32 to vector<2000x128xf32>
    %add3A_75 = arith.addf %add3A_74, %erf3A : vector<2000x128xf32>
    %mul3A_76 = arith.mulf %mul3A_69, %add3A_75 : vector<2000x128xf32>
    %add3A_77 = arith.addf %mul3A_76, %get3A_1 : vector<2000x128xf32>
    %swap3A = arith.constant 0 : index
    %swap3A_78 = arith.constant 0 : index
    %swap3A_79 = vector.load %arg10[%swap3A, %swap3A_78] : memref<2000x128xf32, #tpu.memory_space<vmem>>, vector<2000x128xf32>
    tpu.vector_store %arg10[%swap3A, %swap3A_78], %add3A_77 {strides = array<i32>} : memref<2000x128xf32, #tpu.memory_space<vmem>>, vector<2000x128xf32>,
    return
  }
  func.func @transform_0(%arg0: i32) -> (i32, i32) {
    %c0_i32 = arith.constant 0 : i32
    %c0_i32_0 = arith.constant 0 : i32
    %c0_i32_1 = arith.constant 0 : i32
    return %c0_i32, %c0_i32_0 : i32, i32
  }
  func.func @transform_1(%arg0: i32) -> (i32, i32) {
    %c0_i32 = arith.constant 0 : i32
    %c0_i32_0 = arith.constant 0 : i32
    return %arg0, %c0_i32 : i32, i32
  }
  func.func @transform_2(%arg0: i32) -> (i32, i32, i32) {
    %c0_i32 = arith.constant 0 : i32
    %c0_i32_0 = arith.constant 0 : i32
    %c0_i32_1 = arith.constant 0 : i32
    return %c0_i32, %arg0, %c0_i32_0 : i32, i32, i32
  }
  func.func @transform_3(%arg0: i32) -> (i32, i32) {
    %c0_i32 = arith.constant 0 : i32
    %c0_i32_0 = arith.constant 0 : i32
    %c0_i32_1 = arith.constant 0 : i32
    return %c0_i32, %c0_i32_0 : i32, i32
  }
  func.func @transform_4(%arg0: i32) -> (i32, i32) {
    %c0_i32 = arith.constant 0 : i32
    %c0_i32_0 = arith.constant 0 : i32
    %c0_i32_1 = arith.constant 0 : i32
    return %c0_i32, %c0_i32_0 : i32, i32
  }
  func.func @transform_5(%arg0: i32) -> (i32, i32) {
    %c0_i32 = arith.constant 0 : i32
    %c0_i32_0 = arith.constant 0 : i32
    %c0_i32_1 = arith.constant 0 : i32
    return %c0_i32, %c0_i32_0 : i32, i32
  }
  func.func @transform_6(%arg0: i32) -> (i32, i32) {
    %c0_i32 = arith.constant 0 : i32
    %c0_i32_0 = arith.constant 0 : i32
    %c0_i32_1 = arith.constant 0 : i32
    return %c0_i32, %c0_i32_0 : i32, i32
  }
  func.func @transform_7(%arg0: i32) -> (i32, i32) {
    %c0_i32 = arith.constant 0 : i32
    %c0_i32_0 = arith.constant 0 : i32
    %c0_i32_1 = arith.constant 0 : i32
    return %c0_i32, %c0_i32_0 : i32, i32
  }
  func.func @transform_8(%arg0: i32) -> (i32, i32) {
    %c0_i32 = arith.constant 0 : i32
    %c0_i32_0 = arith.constant 0 : i32
    %c0_i32_1 = arith.constant 0 : i32
    return %c0_i32, %c0_i32_0 : i32, i32
  }
  func.func @transform_9(%arg0: i32) -> (i32, i32) {
    %c0_i32 = arith.constant 0 : i32
    %c0_i32_0 = arith.constant 0 : i32
    return %arg0, %c0_i32 : i32, i32
  }
}

module attributes {stable_mosaic.version = 14 : i64} {
  func.func @_layer_body(%arg0: i32, %arg1: memref<1x1xf32, #tpu.memory_space<smem>>, %arg2: memref<2000x128xf32, #tpu.memory_space<vmem>>, %arg3: memref<2x2000x128xf32, #tpu.memory_space<vmem>>, %arg4: memref<128x128xf32, #tpu.memory_space<vmem>>, %arg5: memref<1x128xf32, #tpu.memory_space<vmem>>, %arg6: memref<128x128xf32, #tpu.memory_space<vmem>>, %arg7: memref<1x128xf32, #tpu.memory_space<vmem>>, %arg8: memref<1x128xf32, #tpu.memory_space<vmem>>, %arg9: memref<1x128xf32, #tpu.memory_space<vmem>>, %arg10: memref<2000x128xf32, #tpu.memory_space<vmem>>) attributes {dimension_semantics = [#tpu.dimension_semantics<arbitrary>], iteration_bounds = array<i64: 5>, scalar_prefetch = 0 : i64, scratch_operands = 0 : i64, tpu.core_type = #tpu.core_type<tc>, window_params = [{transform_indices = @transform_0, window_bounds = array<i64: 1, 1>}, {transform_indices = @transform_1, window_bounds = array<i64: 2000, 128>}, {transform_indices = @transform_2, window_bounds = array<i64: 2, 2000, 128>}, {pipeline_mode = #tpu.pipeline_mode<synchronous>, transform_indices = @transform_3, window_bounds = array<i64: 128, 128>}, {pipeline_mode = #tpu.pipeline_mode<synchronous>, transform_indices = @transform_4, window_bounds = array<i64: 1, 128>}, {pipeline_mode = #tpu.pipeline_mode<synchronous>, transform_indices = @transform_5, window_bounds = array<i64: 128, 128>}, {pipeline_mode = #tpu.pipeline_mode<synchronous>, transform_indices = @transform_6, window_bounds = array<i64: 1, 128>}, {pipeline_mode = #tpu.pipeline_mode<synchronous>, transform_indices = @transform_7, window_bounds = array<i64: 1, 128>}, {pipeline_mode = #tpu.pipeline_mode<synchronous>, transform_indices = @transform_8, window_bounds = array<i64: 1, 128>}, {transform_indices = @transform_9, window_bounds = array<i64: 2000, 128>}]} {
    %get3A = arith.constant 0 : index
    %get3A_0 = arith.constant 0 : index
    %get3A_1 = vector.load %arg2[%get3A, %get3A_0] : memref<2000x128xf32, #tpu.memory_space<vmem>>, vector<2000x128xf32>
    %get3A_2 = arith.constant 0 : index
    %get3A_3 = arith.constant 0 : index
    %get3A_4 = memref.load %arg1[%get3A_2, %get3A_3] : memref<1x1xf32, #tpu.memory_space<smem>>
    %get3A_5 = arith.constant 0 : index
    %get3A_6 = arith.constant 0 : index
    %get3A_7 = arith.constant 0 : index
    %get3A_8 = vector.load %arg3[%get3A_5, %get3A_6, %get3A_7] : memref<2x2000x128xf32, #tpu.memory_space<vmem>>, vector<1x2000x128xf32>
    %get3A_9 = vector.shape_cast %get3A_8 : vector<1x2000x128xf32> to vector<2000x128xf32>
    %get3A_10 = arith.constant 1 : index
    %get3A_11 = arith.constant 0 : index
    %get3A_12 = arith.constant 0 : index
    %get3A_13 = vector.load %arg3[%get3A_10, %get3A_11, %get3A_12] : memref<2x2000x128xf32, #tpu.memory_space<vmem>>, vector<1x2000x128xf32>
    %get3A_14 = vector.shape_cast %get3A_13 : vector<1x2000x128xf32> to vector<2000x128xf32>
    %add3A = arith.constant 1.000000e+00 : f32
    %add3A_15 = arith.addf %add3A, %get3A_4 : f32
    %mul3A = vector.broadcast %add3A_15 : f32 to vector<2000x128xf32>
    %mul3A_16 = arith.mulf %mul3A, %get3A_1 : vector<2000x128xf32>
    %add3A_17 = arith.addf %mul3A_16, %get3A_9 : vector<2000x128xf32>
    %add3A_18 = arith.addf %add3A_17, %get3A_14 : vector<2000x128xf32>
    %get3A_19 = arith.constant 0 : index
    %get3A_20 = arith.constant 0 : index
    %get3A_21 = vector.load %arg4[%get3A_19, %get3A_20] : memref<128x128xf32, #tpu.memory_space<vmem>>, vector<128x128xf32>
    %dot_general3A = arith.constant dense<0.000000e+00> : vector<2000x128xf32>
    %dot_general3A_22 = tpu.matmul %add3A_18, %get3A_21, %dot_general3A {dimension_numbers = #tpu.dot_dimension_numbers<[1], [1], [0], [0], [0, 0, 1, 0], [], []>, transpose_lhs_hint = false} : vector<2000x128xf32>, vector<128x128xf32>, vector<2000x128xf32> -> vector<2000x128xf32>
    %get3A_23 = arith.constant 0 : index
    %get3A_24 = arith.constant 0 : index
    %get3A_25 = vector.load %arg5[%get3A_23, %get3A_24] : memref<1x128xf32, #tpu.memory_space<vmem>>, vector<1x128xf32>
    %add3A_26 = vector.broadcast %get3A_25 : vector<1x128xf32> to vector<2000x128xf32>
    %add3A_27 = arith.addf %dot_general3A_22, %add3A_26 : vector<2000x128xf32>
    %max3A = arith.constant 0.000000e+00 : f32
    %max3A_28 = vector.broadcast %max3A : f32 to vector<2000x128xf32>
    %max3A_29 = arith.maximumf %add3A_27, %max3A_28 : vector<2000x128xf32>
    %get3A_30 = arith.constant 0 : index
    %get3A_31 = arith.constant 0 : index
    %get3A_32 = vector.load %arg6[%get3A_30, %get3A_31] : memref<128x128xf32, #tpu.memory_space<vmem>>, vector<128x128xf32>
    %dot_general3A_33 = arith.constant dense<0.000000e+00> : vector<2000x128xf32>
    %dot_general3A_34 = tpu.matmul %max3A_29, %get3A_32, %dot_general3A_33 {dimension_numbers = #tpu.dot_dimension_numbers<[1], [1], [0], [0], [0, 0, 1, 0], [], []>, transpose_lhs_hint = false} : vector<2000x128xf32>, vector<128x128xf32>, vector<2000x128xf32> -> vector<2000x128xf32>
    %get3A_35 = arith.constant 0 : index
    %get3A_36 = arith.constant 0 : index
    %get3A_37 = vector.load %arg7[%get3A_35, %get3A_36] : memref<1x128xf32, #tpu.memory_space<vmem>>, vector<1x128xf32>
    %add3A_38 = vector.broadcast %get3A_37 : vector<1x128xf32> to vector<2000x128xf32>
    %add3A_39 = arith.addf %dot_general3A_34, %add3A_38 : vector<2000x128xf32>
    %reduce_sum3A = arith.constant dense<0.000000e+00> : vector<2000xf32>
    %reduce_sum3A_40 = vector.multi_reduction <add>, %add3A_39, %reduce_sum3A [1] : vector<2000x128xf32> to vector<2000xf32>
    %broadcast_in_dim3A = vector.shape_cast %reduce_sum3A_40 : vector<2000xf32> to vector<2000x1xf32>
    %div3A = arith.constant 1.280000e+02 : f32
    %div3A_41 = vector.broadcast %div3A : f32 to vector<2000x1xf32>
    %div3A_42 = arith.divf %broadcast_in_dim3A, %div3A_41 : vector<2000x1xf32>
    %sub3A = vector.broadcast %div3A_42 : vector<2000x1xf32> to vector<2000x128xf32>
    %sub3A_43 = arith.subf %add3A_39, %sub3A : vector<2000x128xf32>
    %integer_pow3A = arith.mulf %sub3A_43, %sub3A_43 : vector<2000x128xf32>
    %reduce_sum3A_44 = arith.constant dense<0.000000e+00> : vector<2000xf32>
    %reduce_sum3A_45 = vector.multi_reduction <add>, %integer_pow3A, %reduce_sum3A_44 [1] : vector<2000x128xf32> to vector<2000xf32>
    %broadcast_in_dim3A_46 = vector.shape_cast %reduce_sum3A_45 : vector<2000xf32> to vector<2000x1xf32>
    %div3A_47 = arith.constant 1.280000e+02 : f32
    %div3A_48 = vector.broadcast %div3A_47 : f32 to vector<2000x1xf32>
    %div3A_49 = arith.divf %broadcast_in_dim3A_46, %div3A_48 : vector<2000x1xf32>
    %sub3A_50 = vector.broadcast %div3A_42 : vector<2000x1xf32> to vector<2000x128xf32>
    %sub3A_51 = arith.subf %add3A_39, %sub3A_50 : vector<2000x128xf32>
    %add3A_52 = arith.constant 9.99999974E-6 : f32
    %add3A_53 = vector.broadcast %add3A_52 : f32 to vector<2000x1xf32>
    %add3A_54 = arith.addf %div3A_49, %add3A_53 : vector<2000x1xf32>
    %sqrt3A = math.sqrt %add3A_54 : vector<2000x1xf32>
    %div3A_55 = vector.broadcast %sqrt3A : vector<2000x1xf32> to vector<2000x128xf32>
    %div3A_56 = arith.divf %sub3A_51, %div3A_55 : vector<2000x128xf32>
    %get3A_57 = arith.constant 0 : index
    %get3A_58 = arith.constant 0 : index
    %get3A_59 = vector.load %arg8[%get3A_57, %get3A_58] : memref<1x128xf32, #tpu.memory_space<vmem>>, vector<1x128xf32>
    %mul3A_60 = vector.broadcast %get3A_59 : vector<1x128xf32> to vector<2000x128xf32>
    %mul3A_61 = arith.mulf %div3A_56, %mul3A_60 : vector<2000x128xf32>
    %get3A_62 = arith.constant 0 : index
    %get3A_63 = arith.constant 0 : index
    %get3A_64 = vector.load %arg9[%get3A_62, %get3A_63] : memref<1x128xf32, #tpu.memory_space<vmem>>, vector<1x128xf32>
    %add3A_65 = vector.broadcast %get3A_64 : vector<1x128xf32> to vector<2000x128xf32>
    %add3A_66 = arith.addf %mul3A_61, %add3A_65 : vector<2000x128xf32>
    %mul3A_67 = arith.constant 5.000000e-01 : f32
    %mul3A_68 = vector.broadcast %mul3A_67 : f32 to vector<2000x128xf32>
    %mul3A_69 = arith.mulf %add3A_66, %mul3A_68 : vector<2000x128xf32>
    %mul3A_70 = arith.constant 0.707106769 : f32
    %mul3A_71 = vector.broadcast %mul3A_70 : f32 to vector<2000x128xf32>
    %mul3A_72 = arith.mulf %add3A_66, %mul3A_71 : vector<2000x128xf32>
    %erf3A = math.erf %mul3A_72 : vector<2000x128xf32>
    %add3A_73 = arith.constant 1.000000e+00 : f32
    %add3A_74 = vector.broadcast %add3A_73 : f32 to vector<2000x128xf32>
    %add3A_75 = arith.addf %add3A_74, %erf3A : vector<2000x128xf32>
    %mul3A_76 = arith.mulf %mul3A_69, %add3A_75 : vector<2000x128xf32>
    %add3A_77 = arith.addf %mul3A_76, %get3A_1 : vector<2000x128xf32>
    %swap3A = arith.constant 0 : index
    %swap3A_78 = arith.constant 0 : index
    %swap3A_79 = vector.load %arg10[%swap3A, %swap3A_78] : memref<2000x128xf32, #tpu.memory_space<vmem>>, vector<2000x128xf32>
    tpu.vector_store %arg10[%swap3A, %swap3A_78], %add3A_77 {strides = array<i32>} : memref<2000x128xf32, #tpu.memory_space<vmem>>, vector<2000x128xf32>,
    return
  }
  func.func @transform_0(%arg0: i32) -> (i32, i32) {
    %c0_i32 = arith.constant 0 : i32
    %c0_i32_0 = arith.constant 0 : i32
    %c0_i32_1 = arith.constant 0 : i32
    return %c0_i32, %c0_i32_0 : i32, i32
  }
  func.func @transform_1(%arg0: i32) -> (i32, i32) {
    %c0_i32 = arith.constant 0 : i32
    %c0_i32_0 = arith.constant 0 : i32
    return %arg0, %c0_i32 : i32, i32
  }
  func.func @transform_2(%arg0: i32) -> (i32, i32, i32) {
    %c0_i32 = arith.constant 0 : i32
    %c0_i32_0 = arith.constant 0 : i32
    %c0_i32_1 = arith.constant 0 : i32
    return %c0_i32, %arg0, %c0_i32_0 : i32, i32, i32
  }
  func.func @transform_3(%arg0: i32) -> (i32, i32) {
    %c0_i32 = arith.constant 0 : i32
    %c0_i32_0 = arith.constant 0 : i32
    %c0_i32_1 = arith.constant 0 : i32
    return %c0_i32, %c0_i32_0 : i32, i32
  }
  func.func @transform_4(%arg0: i32) -> (i32, i32) {
    %c0_i32 = arith.constant 0 : i32
    %c0_i32_0 = arith.constant 0 : i32
    %c0_i32_1 = arith.constant 0 : i32
    return %c0_i32, %c0_i32_0 : i32, i32
  }
  func.func @transform_5(%arg0: i32) -> (i32, i32) {
    %c0_i32 = arith.constant 0 : i32
    %c0_i32_0 = arith.constant 0 : i32
    %c0_i32_1 = arith.constant 0 : i32
    return %c0_i32, %c0_i32_0 : i32, i32
  }
  func.func @transform_6(%arg0: i32) -> (i32, i32) {
    %c0_i32 = arith.constant 0 : i32
    %c0_i32_0 = arith.constant 0 : i32
    %c0_i32_1 = arith.constant 0 : i32
    return %c0_i32, %c0_i32_0 : i32, i32
  }
  func.func @transform_7(%arg0: i32) -> (i32, i32) {
    %c0_i32 = arith.constant 0 : i32
    %c0_i32_0 = arith.constant 0 : i32
    %c0_i32_1 = arith.constant 0 : i32
    return %c0_i32, %c0_i32_0 : i32, i32
  }
  func.func @transform_8(%arg0: i32) -> (i32, i32) {
    %c0_i32 = arith.constant 0 : i32
    %c0_i32_0 = arith.constant 0 : i32
    %c0_i32_1 = arith.constant 0 : i32
    return %c0_i32, %c0_i32_0 : i32, i32
  }
  func.func @transform_9(%arg0: i32) -> (i32, i32) {
    %c0_i32 = arith.constant 0 : i32
    %c0_i32_0 = arith.constant 0 : i32
    return %arg0, %c0_i32 : i32, i32
  }
}

module attributes {stable_mosaic.version = 14 : i64} {
  func.func @_last_body(%arg0: i32, %arg1: memref<1x1xf32, #tpu.memory_space<smem>>, %arg2: memref<2000x128xf32, #tpu.memory_space<vmem>>, %arg3: memref<2000x128xf32, #tpu.memory_space<vmem>>, %arg4: memref<2x2000x128xf32, #tpu.memory_space<vmem>>, %arg5: memref<128x128xf32, #tpu.memory_space<vmem>>, %arg6: memref<1x128xf32, #tpu.memory_space<vmem>>, %arg7: memref<128x128xf32, #tpu.memory_space<vmem>>, %arg8: memref<1x128xf32, #tpu.memory_space<vmem>>, %arg9: memref<1x128xf32, #tpu.memory_space<vmem>>, %arg10: memref<1x128xf32, #tpu.memory_space<vmem>>, %arg11: memref<1x128xf32, #tpu.memory_space<vmem>>, %arg12: memref<1x128xf32, #tpu.memory_space<vmem>>, %arg13: memref<128x128xf32, #tpu.memory_space<vmem>>, %arg14: memref<1x128xf32, #tpu.memory_space<vmem>>, %arg15: memref<2000x128xf32, #tpu.memory_space<vmem>>) attributes {dimension_semantics = [#tpu.dimension_semantics<arbitrary>], iteration_bounds = array<i64: 5>, scalar_prefetch = 0 : i64, scratch_operands = 0 : i64, tpu.core_type = #tpu.core_type<tc>, window_params = [{transform_indices = @transform_0, window_bounds = array<i64: 1, 1>}, {transform_indices = @transform_1, window_bounds = array<i64: 2000, 128>}, {transform_indices = @transform_2, window_bounds = array<i64: 2000, 128>}, {transform_indices = @transform_3, window_bounds = array<i64: 2, 2000, 128>}, {pipeline_mode = #tpu.pipeline_mode<synchronous>, transform_indices = @transform_4, window_bounds = array<i64: 128, 128>}, {pipeline_mode = #tpu.pipeline_mode<synchronous>, transform_indices = @transform_5, window_bounds = array<i64: 1, 128>}, {pipeline_mode = #tpu.pipeline_mode<synchronous>, transform_indices = @transform_6, window_bounds = array<i64: 128, 128>}, {pipeline_mode = #tpu.pipeline_mode<synchronous>, transform_indices = @transform_7, window_bounds = array<i64: 1, 128>}, {pipeline_mode = #tpu.pipeline_mode<synchronous>, transform_indices = @transform_8, window_bounds = array<i64: 1, 128>}, {pipeline_mode = #tpu.pipeline_mode<synchronous>, transform_indices = @transform_9, window_bounds = array<i64: 1, 128>}, {pipeline_mode = #tpu.pipeline_mode<synchronous>, transform_indices = @transform_10, window_bounds = array<i64: 1, 128>}, {pipeline_mode = #tpu.pipeline_mode<synchronous>, transform_indices = @transform_11, window_bounds = array<i64: 1, 128>}, {pipeline_mode = #tpu.pipeline_mode<synchronous>, transform_indices = @transform_12, window_bounds = array<i64: 128, 128>}, {pipeline_mode = #tpu.pipeline_mode<synchronous>, transform_indices = @transform_13, window_bounds = array<i64: 1, 128>}, {transform_indices = @transform_14, window_bounds = array<i64: 2000, 128>}]} {
    %get3A = arith.constant 0 : index
    %get3A_0 = arith.constant 0 : index
    %get3A_1 = vector.load %arg3[%get3A, %get3A_0] : memref<2000x128xf32, #tpu.memory_space<vmem>>, vector<2000x128xf32>
    %get3A_2 = arith.constant 0 : index
    %get3A_3 = arith.constant 0 : index
    %get3A_4 = memref.load %arg1[%get3A_2, %get3A_3] : memref<1x1xf32, #tpu.memory_space<smem>>
    %get3A_5 = arith.constant 0 : index
    %get3A_6 = arith.constant 0 : index
    %get3A_7 = arith.constant 0 : index
    %get3A_8 = vector.load %arg4[%get3A_5, %get3A_6, %get3A_7] : memref<2x2000x128xf32, #tpu.memory_space<vmem>>, vector<1x2000x128xf32>
    %get3A_9 = vector.shape_cast %get3A_8 : vector<1x2000x128xf32> to vector<2000x128xf32>
    %get3A_10 = arith.constant 1 : index
    %get3A_11 = arith.constant 0 : index
    %get3A_12 = arith.constant 0 : index
    %get3A_13 = vector.load %arg4[%get3A_10, %get3A_11, %get3A_12] : memref<2x2000x128xf32, #tpu.memory_space<vmem>>, vector<1x2000x128xf32>
    %get3A_14 = vector.shape_cast %get3A_13 : vector<1x2000x128xf32> to vector<2000x128xf32>
    %add3A = arith.constant 1.000000e+00 : f32
    %add3A_15 = arith.addf %add3A, %get3A_4 : f32
    %mul3A = vector.broadcast %add3A_15 : f32 to vector<2000x128xf32>
    %mul3A_16 = arith.mulf %mul3A, %get3A_1 : vector<2000x128xf32>
    %add3A_17 = arith.addf %mul3A_16, %get3A_9 : vector<2000x128xf32>
    %add3A_18 = arith.addf %add3A_17, %get3A_14 : vector<2000x128xf32>
    %get3A_19 = arith.constant 0 : index
    %get3A_20 = arith.constant 0 : index
    %get3A_21 = vector.load %arg5[%get3A_19, %get3A_20] : memref<128x128xf32, #tpu.memory_space<vmem>>, vector<128x128xf32>
    %dot_general3A = arith.constant dense<0.000000e+00> : vector<2000x128xf32>
    %dot_general3A_22 = tpu.matmul %add3A_18, %get3A_21, %dot_general3A {dimension_numbers = #tpu.dot_dimension_numbers<[1], [1], [0], [0], [0, 0, 1, 0], [], []>, transpose_lhs_hint = false} : vector<2000x128xf32>, vector<128x128xf32>, vector<2000x128xf32> -> vector<2000x128xf32>
    %get3A_23 = arith.constant 0 : index
    %get3A_24 = arith.constant 0 : index
    %get3A_25 = vector.load %arg6[%get3A_23, %get3A_24] : memref<1x128xf32, #tpu.memory_space<vmem>>, vector<1x128xf32>
    %add3A_26 = vector.broadcast %get3A_25 : vector<1x128xf32> to vector<2000x128xf32>
    %add3A_27 = arith.addf %dot_general3A_22, %add3A_26 : vector<2000x128xf32>
    %max3A = arith.constant 0.000000e+00 : f32
    %max3A_28 = vector.broadcast %max3A : f32 to vector<2000x128xf32>
    %max3A_29 = arith.maximumf %add3A_27, %max3A_28 : vector<2000x128xf32>
    %get3A_30 = arith.constant 0 : index
    %get3A_31 = arith.constant 0 : index
    %get3A_32 = vector.load %arg7[%get3A_30, %get3A_31] : memref<128x128xf32, #tpu.memory_space<vmem>>, vector<128x128xf32>
    %dot_general3A_33 = arith.constant dense<0.000000e+00> : vector<2000x128xf32>
    %dot_general3A_34 = tpu.matmul %max3A_29, %get3A_32, %dot_general3A_33 {dimension_numbers = #tpu.dot_dimension_numbers<[1], [1], [0], [0], [0, 0, 1, 0], [], []>, transpose_lhs_hint = false} : vector<2000x128xf32>, vector<128x128xf32>, vector<2000x128xf32> -> vector<2000x128xf32>
    %get3A_35 = arith.constant 0 : index
    %get3A_36 = arith.constant 0 : index
    %get3A_37 = vector.load %arg8[%get3A_35, %get3A_36] : memref<1x128xf32, #tpu.memory_space<vmem>>, vector<1x128xf32>
    %add3A_38 = vector.broadcast %get3A_37 : vector<1x128xf32> to vector<2000x128xf32>
    %add3A_39 = arith.addf %dot_general3A_34, %add3A_38 : vector<2000x128xf32>
    %reduce_sum3A = arith.constant dense<0.000000e+00> : vector<2000xf32>
    %reduce_sum3A_40 = vector.multi_reduction <add>, %add3A_39, %reduce_sum3A [1] : vector<2000x128xf32> to vector<2000xf32>
    %broadcast_in_dim3A = vector.shape_cast %reduce_sum3A_40 : vector<2000xf32> to vector<2000x1xf32>
    %div3A = arith.constant 1.280000e+02 : f32
    %div3A_41 = vector.broadcast %div3A : f32 to vector<2000x1xf32>
    %div3A_42 = arith.divf %broadcast_in_dim3A, %div3A_41 : vector<2000x1xf32>
    %sub3A = vector.broadcast %div3A_42 : vector<2000x1xf32> to vector<2000x128xf32>
    %sub3A_43 = arith.subf %add3A_39, %sub3A : vector<2000x128xf32>
    %integer_pow3A = arith.mulf %sub3A_43, %sub3A_43 : vector<2000x128xf32>
    %reduce_sum3A_44 = arith.constant dense<0.000000e+00> : vector<2000xf32>
    %reduce_sum3A_45 = vector.multi_reduction <add>, %integer_pow3A, %reduce_sum3A_44 [1] : vector<2000x128xf32> to vector<2000xf32>
    %broadcast_in_dim3A_46 = vector.shape_cast %reduce_sum3A_45 : vector<2000xf32> to vector<2000x1xf32>
    %div3A_47 = arith.constant 1.280000e+02 : f32
    %div3A_48 = vector.broadcast %div3A_47 : f32 to vector<2000x1xf32>
    %div3A_49 = arith.divf %broadcast_in_dim3A_46, %div3A_48 : vector<2000x1xf32>
    %sub3A_50 = vector.broadcast %div3A_42 : vector<2000x1xf32> to vector<2000x128xf32>
    %sub3A_51 = arith.subf %add3A_39, %sub3A_50 : vector<2000x128xf32>
    %add3A_52 = arith.constant 9.99999974E-6 : f32
    %add3A_53 = vector.broadcast %add3A_52 : f32 to vector<2000x1xf32>
    %add3A_54 = arith.addf %div3A_49, %add3A_53 : vector<2000x1xf32>
    %sqrt3A = math.sqrt %add3A_54 : vector<2000x1xf32>
    %div3A_55 = vector.broadcast %sqrt3A : vector<2000x1xf32> to vector<2000x128xf32>
    %div3A_56 = arith.divf %sub3A_51, %div3A_55 : vector<2000x128xf32>
    %get3A_57 = arith.constant 0 : index
    %get3A_58 = arith.constant 0 : index
    %get3A_59 = vector.load %arg9[%get3A_57, %get3A_58] : memref<1x128xf32, #tpu.memory_space<vmem>>, vector<1x128xf32>
    %mul3A_60 = vector.broadcast %get3A_59 : vector<1x128xf32> to vector<2000x128xf32>
    %mul3A_61 = arith.mulf %div3A_56, %mul3A_60 : vector<2000x128xf32>
    %get3A_62 = arith.constant 0 : index
    %get3A_63 = arith.constant 0 : index
    %get3A_64 = vector.load %arg10[%get3A_62, %get3A_63] : memref<1x128xf32, #tpu.memory_space<vmem>>, vector<1x128xf32>
    %add3A_65 = vector.broadcast %get3A_64 : vector<1x128xf32> to vector<2000x128xf32>
    %add3A_66 = arith.addf %mul3A_61, %add3A_65 : vector<2000x128xf32>
    %mul3A_67 = arith.constant 5.000000e-01 : f32
    %mul3A_68 = vector.broadcast %mul3A_67 : f32 to vector<2000x128xf32>
    %mul3A_69 = arith.mulf %add3A_66, %mul3A_68 : vector<2000x128xf32>
    %mul3A_70 = arith.constant 0.707106769 : f32
    %mul3A_71 = vector.broadcast %mul3A_70 : f32 to vector<2000x128xf32>
    %mul3A_72 = arith.mulf %add3A_66, %mul3A_71 : vector<2000x128xf32>
    %erf3A = math.erf %mul3A_72 : vector<2000x128xf32>
    %add3A_73 = arith.constant 1.000000e+00 : f32
    %add3A_74 = vector.broadcast %add3A_73 : f32 to vector<2000x128xf32>
    %add3A_75 = arith.addf %add3A_74, %erf3A : vector<2000x128xf32>
    %mul3A_76 = arith.mulf %mul3A_69, %add3A_75 : vector<2000x128xf32>
    %get3A_77 = arith.constant 0 : index
    %get3A_78 = arith.constant 0 : index
    %get3A_79 = vector.load %arg2[%get3A_77, %get3A_78] : memref<2000x128xf32, #tpu.memory_space<vmem>>, vector<2000x128xf32>
    %mul3A_80 = arith.constant 2.000000e+00 : f32
    %mul3A_81 = vector.broadcast %mul3A_80 : f32 to vector<2000x128xf32>
    %mul3A_82 = arith.mulf %mul3A_81, %get3A_1 : vector<2000x128xf32>
    %add3A_83 = arith.addf %get3A_79, %mul3A_82 : vector<2000x128xf32>
    %add3A_84 = arith.addf %add3A_83, %mul3A_76 : vector<2000x128xf32>
    %reduce_sum3A_85 = arith.constant dense<0.000000e+00> : vector<2000xf32>
    %reduce_sum3A_86 = vector.multi_reduction <add>, %add3A_84, %reduce_sum3A_85 [1] : vector<2000x128xf32> to vector<2000xf32>
    %broadcast_in_dim3A_87 = vector.shape_cast %reduce_sum3A_86 : vector<2000xf32> to vector<2000x1xf32>
    %div3A_88 = arith.constant 1.280000e+02 : f32
    %div3A_89 = vector.broadcast %div3A_88 : f32 to vector<2000x1xf32>
    %div3A_90 = arith.divf %broadcast_in_dim3A_87, %div3A_89 : vector<2000x1xf32>
    %sub3A_91 = vector.broadcast %div3A_90 : vector<2000x1xf32> to vector<2000x128xf32>
    %sub3A_92 = arith.subf %add3A_84, %sub3A_91 : vector<2000x128xf32>
    %integer_pow3A_93 = arith.mulf %sub3A_92, %sub3A_92 : vector<2000x128xf32>
    %reduce_sum3A_94 = arith.constant dense<0.000000e+00> : vector<2000xf32>
    %reduce_sum3A_95 = vector.multi_reduction <add>, %integer_pow3A_93, %reduce_sum3A_94 [1] : vector<2000x128xf32> to vector<2000xf32>
    %broadcast_in_dim3A_96 = vector.shape_cast %reduce_sum3A_95 : vector<2000xf32> to vector<2000x1xf32>
    %div3A_97 = arith.constant 1.280000e+02 : f32
    %div3A_98 = vector.broadcast %div3A_97 : f32 to vector<2000x1xf32>
    %div3A_99 = arith.divf %broadcast_in_dim3A_96, %div3A_98 : vector<2000x1xf32>
    %sub3A_100 = vector.broadcast %div3A_90 : vector<2000x1xf32> to vector<2000x128xf32>
    %sub3A_101 = arith.subf %add3A_84, %sub3A_100 : vector<2000x128xf32>
    %add3A_102 = arith.constant 9.99999974E-6 : f32
    %add3A_103 = vector.broadcast %add3A_102 : f32 to vector<2000x1xf32>
    %add3A_104 = arith.addf %div3A_99, %add3A_103 : vector<2000x1xf32>
    %sqrt3A_105 = math.sqrt %add3A_104 : vector<2000x1xf32>
    %div3A_106 = vector.broadcast %sqrt3A_105 : vector<2000x1xf32> to vector<2000x128xf32>
    %div3A_107 = arith.divf %sub3A_101, %div3A_106 : vector<2000x128xf32>
    %get3A_108 = arith.constant 0 : index
    %get3A_109 = arith.constant 0 : index
    %get3A_110 = vector.load %arg11[%get3A_108, %get3A_109] : memref<1x128xf32, #tpu.memory_space<vmem>>, vector<1x128xf32>
    %mul3A_111 = vector.broadcast %get3A_110 : vector<1x128xf32> to vector<2000x128xf32>
    %mul3A_112 = arith.mulf %div3A_107, %mul3A_111 : vector<2000x128xf32>
    %get3A_113 = arith.constant 0 : index
    %get3A_114 = arith.constant 0 : index
    %get3A_115 = vector.load %arg12[%get3A_113, %get3A_114] : memref<1x128xf32, #tpu.memory_space<vmem>>, vector<1x128xf32>
    %add3A_116 = vector.broadcast %get3A_115 : vector<1x128xf32> to vector<2000x128xf32>
    %add3A_117 = arith.addf %mul3A_112, %add3A_116 : vector<2000x128xf32>
    %get3A_118 = arith.constant 0 : index
    %get3A_119 = arith.constant 0 : index
    %get3A_120 = vector.load %arg13[%get3A_118, %get3A_119] : memref<128x128xf32, #tpu.memory_space<vmem>>, vector<128x128xf32>
    %dot_general3A_121 = arith.constant dense<0.000000e+00> : vector<2000x128xf32>
    %dot_general3A_122 = tpu.matmul %add3A_117, %get3A_120, %dot_general3A_121 {dimension_numbers = #tpu.dot_dimension_numbers<[1], [1], [0], [0], [0, 0, 1, 0], [], []>, transpose_lhs_hint = false} : vector<2000x128xf32>, vector<128x128xf32>, vector<2000x128xf32> -> vector<2000x128xf32>
    %get3A_123 = arith.constant 0 : index
    %get3A_124 = arith.constant 0 : index
    %get3A_125 = vector.load %arg14[%get3A_123, %get3A_124] : memref<1x128xf32, #tpu.memory_space<vmem>>, vector<1x128xf32>
    %add3A_126 = vector.broadcast %get3A_125 : vector<1x128xf32> to vector<2000x128xf32>
    %add3A_127 = arith.addf %dot_general3A_122, %add3A_126 : vector<2000x128xf32>
    %swap3A = arith.constant 0 : index
    %swap3A_128 = arith.constant 0 : index
    %swap3A_129 = vector.load %arg15[%swap3A, %swap3A_128] : memref<2000x128xf32, #tpu.memory_space<vmem>>, vector<2000x128xf32>
    tpu.vector_store %arg15[%swap3A, %swap3A_128], %add3A_127 {strides = array<i32>} : memref<2000x128xf32, #tpu.memory_space<vmem>>, vector<2000x128xf32>,
    return
  }
  func.func @transform_0(%arg0: i32) -> (i32, i32) {
    %c0_i32 = arith.constant 0 : i32
    %c0_i32_0 = arith.constant 0 : i32
    %c0_i32_1 = arith.constant 0 : i32
    return %c0_i32, %c0_i32_0 : i32, i32
  }
  func.func @transform_1(%arg0: i32) -> (i32, i32) {
    %c0_i32 = arith.constant 0 : i32
    %c0_i32_0 = arith.constant 0 : i32
    return %arg0, %c0_i32 : i32, i32
  }
  func.func @transform_2(%arg0: i32) -> (i32, i32) {
    %c0_i32 = arith.constant 0 : i32
    %c0_i32_0 = arith.constant 0 : i32
    return %arg0, %c0_i32 : i32, i32
  }
  func.func @transform_3(%arg0: i32) -> (i32, i32, i32) {
    %c0_i32 = arith.constant 0 : i32
    %c0_i32_0 = arith.constant 0 : i32
    %c0_i32_1 = arith.constant 0 : i32
    return %c0_i32, %arg0, %c0_i32_0 : i32, i32, i32
  }
  func.func @transform_4(%arg0: i32) -> (i32, i32) {
    %c0_i32 = arith.constant 0 : i32
    %c0_i32_0 = arith.constant 0 : i32
    %c0_i32_1 = arith.constant 0 : i32
    return %c0_i32, %c0_i32_0 : i32, i32
  }
  func.func @transform_5(%arg0: i32) -> (i32, i32) {
    %c0_i32 = arith.constant 0 : i32
    %c0_i32_0 = arith.constant 0 : i32
    %c0_i32_1 = arith.constant 0 : i32
    return %c0_i32, %c0_i32_0 : i32, i32
  }
  func.func @transform_6(%arg0: i32) -> (i32, i32) {
    %c0_i32 = arith.constant 0 : i32
    %c0_i32_0 = arith.constant 0 : i32
    %c0_i32_1 = arith.constant 0 : i32
    return %c0_i32, %c0_i32_0 : i32, i32
  }
  func.func @transform_7(%arg0: i32) -> (i32, i32) {
    %c0_i32 = arith.constant 0 : i32
    %c0_i32_0 = arith.constant 0 : i32
    %c0_i32_1 = arith.constant 0 : i32
    return %c0_i32, %c0_i32_0 : i32, i32
  }
  func.func @transform_8(%arg0: i32) -> (i32, i32) {
    %c0_i32 = arith.constant 0 : i32
    %c0_i32_0 = arith.constant 0 : i32
    %c0_i32_1 = arith.constant 0 : i32
    return %c0_i32, %c0_i32_0 : i32, i32
  }
  func.func @transform_9(%arg0: i32) -> (i32, i32) {
    %c0_i32 = arith.constant 0 : i32
    %c0_i32_0 = arith.constant 0 : i32
    %c0_i32_1 = arith.constant 0 : i32
    return %c0_i32, %c0_i32_0 : i32, i32
  }
  func.func @transform_10(%arg0: i32) -> (i32, i32) {
    %c0_i32 = arith.constant 0 : i32
    %c0_i32_0 = arith.constant 0 : i32
    %c0_i32_1 = arith.constant 0 : i32
    return %c0_i32, %c0_i32_0 : i32, i32
  }
  func.func @transform_11(%arg0: i32) -> (i32, i32) {
    %c0_i32 = arith.constant 0 : i32
    %c0_i32_0 = arith.constant 0 : i32
    %c0_i32_1 = arith.constant 0 : i32
    return %c0_i32, %c0_i32_0 : i32, i32
  }
  func.func @transform_12(%arg0: i32) -> (i32, i32) {
    %c0_i32 = arith.constant 0 : i32
    %c0_i32_0 = arith.constant 0 : i32
    %c0_i32_1 = arith.constant 0 : i32
    return %c0_i32, %c0_i32_0 : i32, i32
  }
  func.func @transform_13(%arg0: i32) -> (i32, i32) {
    %c0_i32 = arith.constant 0 : i32
    %c0_i32_0 = arith.constant 0 : i32
    %c0_i32_1 = arith.constant 0 : i32
    return %c0_i32, %c0_i32_0 : i32, i32
  }
  func.func @transform_14(%arg0: i32) -> (i32, i32) {
    %c0_i32 = arith.constant 0 : i32
    %c0_i32_0 = arith.constant 0 : i32
    return %arg0, %c0_i32 : i32, i32
  }
}

</mosaic_0001>

<sc_bundles>
// kernel: kernel.11.cloned.1.call-start
scs
__scs_entry_jumppad:
0x0: {  	(pc) =	sbr.rel $0x88, $3  }
0x1: {  	(tag) =	ssettag $0x0;
	lr =	simm.s32 $0x1  }
0x2: {  	[smem:$0x3F94] =	sst lr;
	_ =	strace $0xD0000000  }
0x3: {  	_ = 	snop  }
0x4: {  	_ = 	snop  }
0x5: {  	_ = 	snop  }
0x6: {  	_ = 	snop  }
0x7: {  	_ = 	snop  }
__scs_overlays_trampoline_lowered:
0x8: {  	[smem:$0x3FA3] =	sst s0  }
0x9: {  	[smem:$0x3FA4] =	sst s1  }
0xa: {  	[smem:$0x3FA5] =	sst s2  }
0xb: {  	[smem:$0x3FA6] =	sst s3  }
0xc: {  	[smem:$0x3FA7] =	sst s4  }
0xd: {  	[smem:$0x3FA8] =	sst s5  }
0xe: {  	[smem:$0x3FA9] =	sst s6  }
0xf: {  	[smem:$0x3FAA] =	sst s7  }
0x10: {  	[smem:$0x3FAB] =	sst s8  }
0x11: {  	[smem:$0x3FAC] =	sst s9;
	s0 =	simm.s32 @!p0 $0x0  }
0x12: {  	s1 =	sld [smem:$0x3F92];
	s0 =	simm.s32 @p0 $0x1  }
0x13: {  	[smem:$0x3FAD] =	sst s0;
	s0 =	simm.s32 @!p1 $0x0  }
0x14: {  	s2 =	sld [smem:$0x3F91];
	s0 =	simm.s32 @p1 $0x1  }
0x15: {  	[smem:$0x3FAE] =	sst s0;
	s0 =	simm.s32 @!p2 $0x0  }
0x16: {  	s3 =	sld [smem:$0x3FDB];
	s0 =	simm.s32 @p2 $0x1  }
0x17: {  	s4 =	simm.s32 $0x1BF5;
	[smem:$0x3FB0] =	sst s0  }
0x18: {  	s0 =	sld [smem:$0x3F93];
	_ =	swait.ge [sflag:s4], $0x0  }
0x19: {  	s7 =	sld [smem:$0x3F94]  }
0x1a: {  	s8 =	sadd.s32 $0xFFFFE003, lr  }
0x1b: {  	s9 =	sadd.s32 $0xFFFFFEF7, lr;
	s5 =	simm.s32 $0xFFFFFFFF;
	p2 =	slt.u32 s8, $0xFFFFF086  }
0x1c: {  	p1 =	slt.u32 s9, $0xF7A;
	s5 =	simm.s32 @!p2 $0x0  }
0x1d: {  	s5 =	simm.s32 @p1 $0x1;
	p0 =	seq.s32 s7, s2  }
0x1e: {  	s7 =	smul.u32 @!p0 $0xF7A, s2;
	p2 =	seq.s32 @!p0 s5, $0x0  }
0x1f: {  	s9 =	smul.u32 $0xF7A, s1;
	s8 =	simm.s32 @!p0 $0x1BF5;
	p2 =	por !p2, p0  }
0x20: {  	[sflag:s8] =	ssyncset.s32 @!p0 $0xFFFFF086;
	s6 =	sadd.s32 @!p0 s3, s7;
	s7 =	simm.s32 @!p0 $0x108  }
0x21: {  	s3 =	sadd.s32 s3, s9;
	s6 =	sadd.s32 @!p0 $0x88, s6;
	s7 =	simm.s32 @p2 $0x1082  }
0x22: {  	[simem:s7], [sflag:s8] =	dma.local @!p0 [hbm:s6], $0xF7A  }
0x23: {  	s9 =	sor.u32 $0xD0000000, s2;
	s6 =	simm.s32 $0x108;
	_ =	swait.ge @!p0 [sflag:s8], $0x0  }
0x24: {  	s3 =	sadd.s32 $0x88, s3;
	s6 =	simm.s32 @!p1 $0x1082;
	[sflag:s4] =	ssyncset.s32 $0xFFFFF086  }
0x25: {  	[simem:s6], [sflag:s4] =	dma.local [hbm:s3], $0xF7A  }
0x26: {  	[smem:$0x3F94] =	sst s1;
	(tag) =	ssettag s2;
	_ =	strace s9  }
0x27: {  	s1 =	sld [smem:$0x3FA4]  }
0x28: {  	s2 =	sld [smem:$0x3FA5]  }
0x29: {  	s4 =	sld [smem:$0x3FA7]  }
0x2a: {  	p0 =	seq.s32 s5, $0x0;
	s5 =	sld [smem:$0x3FA8]  }
0x2b: {  	s6 =	sld [smem:$0x3FA9]  }
0x2c: {  	s7 =	sld [smem:$0x3FAA]  }
0x2d: {  	s3 =	simm.s32 $0x108;
	s8 =	sld [smem:$0x3FAB]  }
0x2e: {  	s3 =	simm.s32 @!p0 $0x1082;
	s9 =	sld [smem:$0x3FAC]  }
0x2f: {  	lr =	sadd.s32 s0, s3;
	s0 =	sld [smem:$0x3FA3]  }
0x30: {  	s3 =	sld [smem:$0x3FA6]  }
0x31: {  	[smem:$0x3FAF] =	sst s10  }
0x32: {  	s10 =	sld [smem:$0x3FAD];
	_ =	sdelay $0x3  }
0x33: {  	p0 =	seq.s32 s10, $0x1;
	s10 =	sld [smem:$0x3FAF];
	_ =	sdelay $0x3  }
0x34: {  	[smem:$0x3FAF] =	sst s10  }
0x35: {  	s10 =	sld [smem:$0x3FAE];
	_ =	sdelay $0x3  }
0x36: {  	p1 =	seq.s32 s10, $0x1;
	s10 =	sld [smem:$0x3FAF];
	_ =	sdelay $0x3  }
0x37: {  	[smem:$0x3FAF] =	sst s10  }
0x38: {  	s10 =	sld [smem:$0x3FB0]  }
0x39: {  	_ = 	snop;
	(pc) =	sbr.ind lr, $3  }
0x3a: {  	_ = 	snop  }
0x3b: {  	_ = 	snop  }
0x3c: {  	p2 =	seq.s32 s10, $0x1;
	s10 =	sld [smem:$0x3FAF]  }
0x3d: {  	_ =	shalt  }
0x3e: {  	_ =	shalt  }
0x3f: {  	_ =	shalt  }
0x40: {  	_ =	shalt  }
0x41: {  	_ =	shalt  }
0x42: {  	_ =	shalt  }
0x43: {  	_ =	shalt  }
0x44: {  	_ =	shalt  }
0x45: {  	_ =	shalt  }
0x46: {  	_ =	shalt  }
0x47: {  	_ =	shalt  }
0x48: {  	_ =	shalt  }
0x49: {  	_ =	shalt  }
0x4a: {  	_ =	shalt  }
0x4b: {  	_ =	shalt  }
0x4c: {  	_ =	shalt  }
0x4d: {  	_ =	shalt  }
0x4e: {  	_ =	shalt  }
0x4f: {  	_ =	shalt  }
0x50: {  	_ =	shalt  }
0x51: {  	_ =	shalt  }
0x52: {  	_ =	shalt  }
0x53: {  	_ =	shalt  }
0x54: {  	_ =	shalt  }
0x55: {  	_ =	shalt  }
0x56: {  	_ =	shalt  }
0x57: {  	_ =	shalt  }
0x58: {  	_ =	shalt  }
0x59: {  	_ =	shalt  }
0x5a: {  	_ =	shalt  }
0x5b: {  	_ =	shalt  }
0x5c: {  	_ =	shalt  }
0x5d: {  	_ =	shalt  }
0x5e: {  	_ =	shalt  }
0x5f: {  	_ =	shalt  }
0x60: {  	_ =	shalt  }
0x61: {  	_ =	shalt  }
0x62: {  	_ =	shalt  }
0x63: {  	_ =	shalt  }
0x64: {  	_ =	shalt  }
0x65: {  	_ =	shalt  }
0x66: {  	_ =	shalt  }
0x67: {  	_ =	shalt  }
0x68: {  	_ =	shalt  }
0x69: {  	_ =	shalt  }
0x6a: {  	_ =	shalt  }
0x6b: {  	_ =	shalt  }
0x6c: {  	_ =	shalt  }
0x6d: {  	_ =	shalt  }
0x6e: {  	_ =	shalt  }
0x6f: {  	_ =	shalt  }
0x70: {  	_ =	shalt  }
0x71: {  	_ =	shalt  }
0x72: {  	_ =	shalt  }
0x73: {  	_ =	shalt  }
0x74: {  	_ =	shalt  }
0x75: {  	_ =	shalt  }
0x76: {  	_ =	shalt  }
0x77: {  	_ =	shalt  }
0x78: {  	_ =	shalt  }
0x79: {  	_ =	shalt  }
0x7a: {  	_ =	shalt  }
0x7b: {  	_ =	shalt  }
0x7c: {  	_ =	shalt  }
0x7d: {  	_ =	shalt  }
0x7e: {  	_ =	shalt  }
0x7f: {  	_ =	shalt  }
0x80: {  	_ =	shalt  }
0x81: {  	_ =	shalt  }
0x82: {  	_ =	shalt  }
0x83: {  	_ =	shalt  }
0x84: {  	_ =	shalt  }
0x85: {  	_ =	shalt  }
0x86: {  	_ =	shalt  }
0x87: {  	_ =	shalt  }
.Lfunc_end0:
.L_simem_size_0:
called_computation.1_lowered:
.L_overlay_start_0:
0x88: {  	s2 =	sld [smem:$0x3FD9]  }
0x89: {  	s3 =	sld [smem:$0x3FFE];
	_ =	sdelay $0x1  }
0x8a: {  	s1 =	srdreg.scid  }
0x8b: {  	s0 =	sand.u32 $0x1, s1  }
0x8c: {  	s17 =	sshll.u32 s0, $0xA;
	s2 =	sadd.s32 s3, s2  }
0x8d: {  	s2 =	sadd.s32 s2, s17  }
0x8e: {  	[smem:$0x3FBB] =	sst s2  }
0x8f: {  	_ = 	snop  }
0x90: {  	s2 =	sld [smem:$0x3FD0];
	(tm) =	ssettm $0x1  }
0x91: {  	s18 =	sld [smem:$0x3FFB];
	_ =	sdelay $0x3  }
0x92: {  	_ =	strace s18  }
0x93: {  	s3 =	sld [smem:$0x3FFC];
	_ =	sdelay $0x3  }
0x94: {  	_ =	strace s3  }
0x95: {  	s3 =	sld [smem:$0x3FFD];
	_ =	sdelay $0x3  }
0x96: {  	_ =	strace s3  }
0x97: {  	_ =	strace $0x8FFFFFFF  }
0x98: {  	s19 =	sld [smem:$0x3FDB];
	_ =	sdelay $0x1  }
0x99: {  	s4 =	simm.s32 $_scs_section_size  }
0x9a: {  	s5 =	simm.s32 $_size__tile_overlayer_lowered;
	s6 =	simm.s32 $_tile_overlayer_lowered  }
0x9b: {  	s22 =	simm.s32 $0x1BFF;
	s21 =	sshll.u32 s6, $0x1;
	s3 =	sadd.s32 s4, s19  }
0x9c: {  	s7 =	simm.s32 $0x0;
	s20 =	sshll.u32 s5, $0x1;
	s5 =	sadd.s32 s21, s3  }
0x9d: {  	[timem:s7], [sflag:s22] =	dma.local [hbm:s5], s20  }
0x9e: {  	_ =	swait.ge [sflag:s22], s20  }
0x9f: {  	s4 =	ssub.s32 $0x0, s20;
	[sflag:s22] =	ssyncset.done $0x0  }
0xa0: {  	[sflag:s22] =	ssyncadd.s32 s4;
	_ =	sdelay $0x1  }
0xa1: {  	s23 =	simm.s32 $0x1B8B  }
0xa2: {  	_ =	swait.ge [sflag:s23], $0x1  }
0xa3: {  	[sflag:s23] =	ssyncset.done $0x0  }
0xa4: {  	s25 =	simm.s32 $0x1B8E;
	s24 =	sld [smem:$0x3FFE];
	[sflag:s23] =	ssyncadd.s32 $0xFFFFFFFF  }
0xa5: {  	s26 =	simm.s32 $execute0_lowered;
	[smem:$0x3FD2] =	sst s25  }
0xa6: {  	s5 =	sshll.u32 s26, $0x1;
	_ =	strace $0x80000049;
	[dreg:$0x1] =	wrdreg $0xFFFFFFFF  }
0xa7: {  	s28 =	simm.s32 $_size_execute0_lowered;
	s3 =	sadd.s32 s3, s5;
	[dreg:$0x0] =	wrdreg $0x0  }
0xa8: {  	s5 =	sshll.u32 s28, $0x1;
	[dreg:$0x2] =	wrdreg s3  }
0xa9: {  	[dreg:$0x3] =	wrdreg s5  }
0xaa: {  	[dreg:$0x4] =	wrdreg $0xC0  }
0xab: {  	_ =	task [dreg:s7], $0x5FFFF  }
0xac: {  	[dreg:$0x1] =	wrdreg $0xFFFFFFFF  }
0xad: {  	[dreg:$0x0] =	wrdreg $0x60  }
0xae: {  	[dreg:$0x2] =	wrdreg s24  }
0xaf: {  	[dreg:$0x3] =	wrdreg s2  }
0xb0: {  	[dreg:$0x4] =	wrdreg $0xC6200  }
0xb1: {  	[dreg:$0x5] =	wrdreg $0x9  }
0xb2: {  	_ =	task.clear_ibuf [dreg:s7], $0x6FFFF;
	_ =	strace $0x90000049  }
0xb3: {  	s29 =	simm.s32 $0x9;
	_ =	strace $0x8000004B  }
0xb4: {  	_ =	swait.ge [sflag:s29], $0x1  }
0xb5: {  	[sflag:s29] =	ssyncadd.s32 $0xFFFFFFFF  }
0xb6: {  	_ =	strace $0x9000004B  }
0xb7: {  	_ =	sfence  }
0xb8: {  	s30 =	sld [smem:$0x0];
	_ =	sdelay $0x2  }
0xb9: {  	s31 =	sshll.u32 s1, $0xD;
	s1 =	sshrl.u32 s1, $0x2  }
0xba: {  	s3 =	sand.u32 $0x4000, s31;
	s1 =	sadd.s32 s1, s30  }
0xbb: {  	s0 =	sor.u32 s3, s0;
	s1 =	sshll.u32 s1, $0x11  }
0xbc: {  	s0 =	sor.u32 s1, s0  }
0xbd: {  	s0 =	sadd.s32 $0x8F2B, s0  }
0xbe: {  	[sflag:s0] =	ssyncadd.remote.s32 $0x1  }
0xbf: {  	_ =	sfence.sel $0xFFFF  }
0xc0: {  	[dreg:$0x0] =	wrdreg $0xFFFFFFFF;
	(pc) =	sbr.abs _section_cstart, $3  }
0xc1: {  	[dreg:$0x1] =	wrdreg $0xFFFFFFFF  }
0xc2: {  	_ =	task.clear_ibuf [dreg:s7], $0x2FFFF;
	_ =	strace $0x9FFFFFFF  }
0xc3: {  	(tm) =	ssettm $0x7FFFFFFF  }
tec
execute0_lowered:
.L_overlay_start_1:
0x0: {  	(tag) =	ssettag $0x1  }
0x1: {  	s0 =	rddreg [dreg:$0x0];
	s1 =	srdreg.scid  }
0x2: {  	s11 =	stileid.u32;
	s2 =	rddreg [dreg:$0x1]  }
0x3: {  	s3 =	rddreg [dreg:$0x2];
	s16 =	simm.s32 $0xE;
	s17 =	simm.s32 $0x28  }
0x4: {  	s18 =	simm.s32 $0x4E20;
	s19 =	simm.s32 $0x6220;
	s21 =	simm.s32 $0x7620  }
0x5: {  	s29 =	simm.s32 $0xB220;
	s30 =	simm.s32 $0x1;
	s31 =	simm.s32 $0x2  }
0x6: {  	s15 =	simm.s32 $0x5;
	s20 =	simm.s32 $0x6;
	s22 =	simm.s32 $0x7  }
0x7: {  	s28 =	simm.s32 $0x9;
	s1 =	sand.u32 $0x1, s1;
	s6 =	smul.u32 $0x4E000, s11  }
0x8: {  	s4 =	sshll.u32 s11, $0x1;
	s9 =	smul.u32 $0x13800, s11;
	s12 =	sadd.s32 $0x124800, s3  }
0x9: {  	p0 =	seq.s32 s11, $0xF;
	s5 =	sor.u32 s1, s4;
	s4 =	simm.s32 $0x0  }
0xa: {  	s8 =	smul.u32 $0x138800, s1;
	s1 =	ssub.s32 $0x2, s1;
	s12 =	sshrl.u32 @p0 s12, $0x3  }
0xb: {  	s5 =	smul.u32 $0x4E2, s5;
	[smem:$0x7FF] =	sst s4;
	s10 =	sshrl.u32 s1, $0x1  }
0xc: {  	s6 =	sshrl.u32 s6, $0x2;
	_ =	strace $0x8000004A;
	s1 =	ssub.s32 s1, s10  }
0xd: {  	s6 =	sadd.s32 s6, s3;
	s23 =	sadd.s32 s9, s8;
	s25 =	sshrl.u32 s8, $0x3  }
0xe: {  	s8 =	sadd.s32 s9, s3;
	s9 =	simm.s32 $0xF;
	s7 =	sadd.s32 s5, s0  }
0xf: {  	s5 =	sadd.s32 $0x17800, s0;
	s0 =	sadd.s32 $0x1A000, s0;
	s10 =	sshrl.u32 s23, $0x3  }
0x10: {  	s26 =	smax.u32 s1, $0x1;
	s23 =	simm.s32 $0x8A20;
	s1 =	simm.s32 $0x3  }
0x11: {  	s13 =	sadd.s32 $0x3C00, s7;
	s7 =	sadd.s32 $0xDA00, s7;
	[dreg:$0x8] =	wrdreg s26  }
0x12: {  	s24 =	sadd.s32 s0, s10;
	s0 =	sadd.s32 s0, s25;
	[dreg:$0x4] =	wrdreg s13  }
0x13: {  	s25 =	sshrl.u32 @!p0 s8, $0x3;
	s26 =	simm.s32 $0x9E20;
	[dreg:$0x5] =	wrdreg s7  }
0x14: {  	s8 =	simm.s32 $0xC;
	[dreg:$0x6] =	wrdreg s24;
	s0 =	sadd.s32 $0x24900, s0  }
0x15: {  	s10 =	simm.s32 $0x0;
	[dreg:$0x7] =	wrdreg s0;
	s0 =	sshll.u32 @!p0 s11, $0x6  }
0x16: {  	s24 =	simm.s32 $0x8;
	[dreg:$0x9] =	wrdreg s0;
	s0 =	sor.u32 @!p0 $0x1C0D, s0  }
0x17: {  	s7 =	simm.s32 $0xB;
	[dreg:$0xa] =	wrdreg s0;
	s0 =	sshrl.u32 @!p0 s6, $0x3  }
0x18: {  	s6 =	simm.s32 $0xA;
	[dreg:$0xb] =	wrdreg s0;
	s0 =	simm.s32 $0x4  }
.LBB2_1:
0x19: {  	s13 =	simm.s32 @p0 $0x1FCD  }
0x1a: {  	[spmem:s12], [sflag:s13] =	dma.local @p0 [hbm:s5], $0x2800  }
0x1b: {  	s11 =	rddreg [dreg:$0xa]  }
0x1c: {  	s13 =	rddreg [dreg:$0xb]  }
0x1d: {  	[spmem:s13], [sflag:s11] =	dma.local @!p0 [hbm:s5], $0x2700  }
0x1e: {  	s11 =	rddreg [dreg:$0x4]  }
0x1f: {  	[tilespmem:s4], [sflag:$0xE] =	stream.linear.gather [hbm4b:s11+s4], $0x2710, $0x38;
	[tilespmem:$0x1FEA0] =	vst v63  }
0x20: {  	s14 =	simm.s32 $0x2710;
	s13 =	rddreg [dreg:$0x5]  }
0x21: {  	[tilespmem:s14], [sflag:$0xE] =	stream.linear.gather [hbm4b:s13+s4], $0x2710, $0x38;
	[tilespmem:$0x1FEA0] =	vst v63  }
0x22: {  	_ =	swait.ge [sflag:s16], $0x2710  }
0x23: {  	[sflag:s16] =	ssyncset.done $0x0  }
0x24: {  	[sflag:s16] =	ssyncadd.s32 $0xFFFFD8F0  }
0x25: {  	_ =	swait.ge [sflag:s16], $0x2710  }
0x26: {  	[sflag:s16] =	ssyncset.done $0x0  }
0x27: {  	[sflag:s16] =	ssyncadd.s32 $0xFFFFD8F0  }
0x28: {  	[tilespmem:s18], [sflag:$0x1] =	stream.indirect.gather [hbm4b:s2+s17], $0x80, s4, s17, $0xb8;
	[tilespmem:$0x1FEA0] =	vst v63  }
0x29: {  	_ = 	snop  }
0x2a: {  	[tilespmem:s19], [sflag:$0x2] =	stream.indirect.gather [hbm4b:s2+s17], $0x80, s17, s17, $0xb8;
	[tilespmem:$0x1FEA0] =	vst v63  }
0x2b: {  	s14 =	simm.s32 $0x50  }
0x2c: {  	[tilespmem:s21], [sflag:$0x3] =	stream.indirect.gather [hbm4b:s2+s17], $0x80, s14, s17, $0xb8;
	[tilespmem:$0x1FEA0] =	vst v63  }
0x2d: {  	s13 =	simm.s32 $0x78  }
0x2e: {  	[tilespmem:s23], [sflag:$0x4] =	stream.indirect.gather [hbm4b:s2+s17], $0x80, s13, s17, $0xb8;
	[tilespmem:$0x1FEA0] =	vst v63  }
0x2f: {  	s14 =	simm.s32 $0xA0  }
0x30: {  	[tilespmem:s26], [sflag:$0x5] =	stream.indirect.gather [hbm4b:s2+s17], $0x80, s14, s17, $0xb8;
	[tilespmem:$0x1FEA0] =	vst v63  }
0x31: {  	s13 =	simm.s32 $0xC8  }
0x32: {  	[tilespmem:s29], [sflag:$0x6] =	stream.indirect.gather [hbm4b:s2+s17], $0x80, s13, s17, $0xb8;
	[tilespmem:$0x1FEA0] =	vst v63  }
0x33: {  	s13 =	simm.s32 @p0 $0xD  }
0x34: {  	_ =	swait.ge @p0 [sflag:s13], $0x2800  }
0x35: {  	[sflag:s13] =	ssyncset.done @p0 $0x0  }
0x36: {  	[sflag:s13] =	ssyncadd.s32 @p0 $0xFFFFD800;
	s13 =	simm.s32 @!p0 $0xD  }
0x37: {  	_ =	swait.ge @!p0 [sflag:s13], $0x2700  }
0x38: {  	[sflag:s13] =	ssyncset.done @!p0 $0x0  }
0x39: {  	[sflag:s13] =	ssyncadd.s32 @!p0 $0xFFFFD900  }
0x3a: {  	[bflag:$0x0] =	sbarrier.arrive $0xFFFF  }
0x3b: {  	_ =	swait.ge [sflag:s30], $0x1400  }
0x3c: {  	[sflag:s30] =	ssyncset.done $0x0  }
0x3d: {  	s14 =	simm.s32 $0x2710;
	[sflag:s30] =	ssyncadd.s32 $0xFFFFEC00  }
0x3e: {  	[spmem:s3] =	stream.indirect.scatter.add.f32 [tilespmem:s18], [sflag:$0x7], $0x80, s14, s17, $0xb8;
	[tilespmem:$0x1FEA0] =	vst v63  }
0x3f: {  	_ =	swait.ge [sflag:s31], $0x1400  }
0x40: {  	[sflag:s31] =	ssyncset.done $0x0  }
0x41: {  	s11 =	simm.s32 $0x2738;
	[sflag:s31] =	ssyncadd.s32 $0xFFFFEC00  }
0x42: {  	[spmem:s3] =	stream.indirect.scatter.add.f32 [tilespmem:s19], [sflag:$0x8], $0x80, s11, s17, $0xb8;
	[tilespmem:$0x1FEA0] =	vst v63  }
0x43: {  	_ =	swait.ge [sflag:s1], $0x1400  }
0x44: {  	[sflag:s1] =	ssyncset.done $0x0  }
0x45: {  	s14 =	simm.s32 $0x2760;
	[sflag:s1] =	ssyncadd.s32 $0xFFFFEC00  }
0x46: {  	[spmem:s3] =	stream.indirect.scatter.add.f32 [tilespmem:s21], [sflag:$0x9], $0x80, s14, s17, $0xb8;
	[tilespmem:$0x1FEA0] =	vst v63  }
0x47: {  	_ =	swait.ge [sflag:s0], $0x1400  }
0x48: {  	[sflag:s0] =	ssyncset.done $0x0  }
0x49: {  	s11 =	simm.s32 $0x2788;
	[sflag:s0] =	ssyncadd.s32 $0xFFFFEC00  }
0x4a: {  	[spmem:s3] =	stream.indirect.scatter.add.f32 [tilespmem:s23], [sflag:$0xA], $0x80, s11, s17, $0xb8;
	[tilespmem:$0x1FEA0] =	vst v63  }
0x4b: {  	_ =	swait.ge [sflag:s15], $0x1400  }
0x4c: {  	[sflag:s15] =	ssyncset.done $0x0  }
0x4d: {  	s14 =	simm.s32 $0x27B0;
	[sflag:s15] =	ssyncadd.s32 $0xFFFFEC00  }
0x4e: {  	[spmem:s3] =	stream.indirect.scatter.add.f32 [tilespmem:s26], [sflag:$0xB], $0x80, s14, s17, $0xb8;
	[tilespmem:$0x1FEA0] =	vst v63  }
0x4f: {  	_ =	swait.ge [sflag:s20], $0x1400  }
0x50: {  	[sflag:s20] =	ssyncset.done $0x0  }
0x51: {  	s11 =	simm.s32 $0x27D8;
	[sflag:s20] =	ssyncadd.s32 $0xFFFFEC00  }
0x52: {  	[spmem:s3] =	stream.indirect.scatter.add.f32 [tilespmem:s29], [sflag:$0xC], $0x80, s11, s17, $0xb8;
	[tilespmem:$0x1FEA0] =	vst v63  }
0x53: {  	_ =	swait.ge [sflag:s22], $0x1400  }
0x54: {  	[sflag:s22] =	ssyncset.done $0x0  }
0x55: {  	s14 =	simm.s32 $0xF0;
	[sflag:s22] =	ssyncadd.s32 $0xFFFFEC00  }
0x56: {  	[tilespmem:s18], [sflag:$0x1] =	stream.indirect.gather [hbm4b:s2+s17], $0x80, s14, s17, $0xb8;
	[tilespmem:$0x1FEA0] =	vst v63  }
0x57: {  	_ =	swait.ge [sflag:s24], $0x1400  }
0x58: {  	[sflag:s24] =	ssyncset.done $0x0  }
0x59: {  	s11 =	simm.s32 $0x118;
	[sflag:s24] =	ssyncadd.s32 $0xFFFFEC00  }
0x5a: {  	[tilespmem:s19], [sflag:$0x2] =	stream.indirect.gather [hbm4b:s2+s17], $0x80, s11, s17, $0xb8;
	[tilespmem:$0x1FEA0] =	vst v63  }
0x5b: {  	_ =	swait.ge [sflag:s28], $0x1400  }
0x5c: {  	[sflag:s28] =	ssyncset.done $0x0  }
0x5d: {  	s14 =	simm.s32 $0x140;
	[sflag:s28] =	ssyncadd.s32 $0xFFFFEC00  }
0x5e: {  	[tilespmem:s21], [sflag:$0x3] =	stream.indirect.gather [hbm4b:s2+s17], $0x80, s14, s17, $0xb8;
	[tilespmem:$0x1FEA0] =	vst v63  }
0x5f: {  	_ =	swait.ge [sflag:s6], $0x1400  }
0x60: {  	[sflag:s6] =	ssyncset.done $0x0  }
0x61: {  	s11 =	simm.s32 $0x168;
	[sflag:s6] =	ssyncadd.s32 $0xFFFFEC00  }
0x62: {  	[tilespmem:s23], [sflag:$0x4] =	stream.indirect.gather [hbm4b:s2+s17], $0x80, s11, s17, $0xb8;
	[tilespmem:$0x1FEA0] =	vst v63  }
0x63: {  	_ =	swait.ge [sflag:s7], $0x1400  }
0x64: {  	[sflag:s7] =	ssyncset.done $0x0  }
0x65: {  	s14 =	simm.s32 $0x190;
	[sflag:s7] =	ssyncadd.s32 $0xFFFFEC00  }
0x66: {  	[tilespmem:s26], [sflag:$0x5] =	stream.indirect.gather [hbm4b:s2+s17], $0x80, s14, s17, $0xb8;
	[tilespmem:$0x1FEA0] =	vst v63  }
0x67: {  	_ =	swait.ge [sflag:s8], $0x1400  }
0x68: {  	[sflag:s8] =	ssyncset.done $0x0  }
0x69: {  	s13 =	simm.s32 $0x3C0;
	s14 =	simm.s32 $0x1B8;
	[sflag:s8] =	ssyncadd.s32 $0xFFFFEC00  }
.LBB2_2:
0x6a: {  	[tilespmem:s29], [sflag:$0x6] =	stream.indirect.gather [hbm4b:s2+s17], $0x80, s14, s17, $0xb8;
	[tilespmem:$0x1FEA0] =	vst v63  }
0x6b: {  	s14 =	smov.u32 s13  }
0x6c: {  	p1 =	sne.s32 s13, $0x9240;
	s13 =	sadd.s32 $0x3C0, s13;
	_ =	swait.ge [sflag:s30], $0x1400  }
0x6d: {  	s14 =	sshra.s32 s14, $0x2;
	[sflag:s30] =	ssyncset.done $0x0  }
0x6e: {  	s11 =	sadd.s32 $0x2710, s14;
	[sflag:s30] =	ssyncadd.s32 $0xFFFFEC00  }
0x6f: {  	[spmem:s3] =	stream.indirect.scatter.add.f32 [tilespmem:s18], [sflag:$0x7], $0x80, s11, s17, $0xb8;
	[tilespmem:$0x1FEA0] =	vst v63  }
0x70: {  	_ =	swait.ge [sflag:s31], $0x1400  }
0x71: {  	[sflag:s31] =	ssyncset.done $0x0  }
0x72: {  	s11 =	sadd.s32 $0x2738, s14;
	[sflag:s31] =	ssyncadd.s32 $0xFFFFEC00  }
0x73: {  	[spmem:s3] =	stream.indirect.scatter.add.f32 [tilespmem:s19], [sflag:$0x8], $0x80, s11, s17, $0xb8;
	[tilespmem:$0x1FEA0] =	vst v63  }
0x74: {  	_ =	swait.ge [sflag:s1], $0x1400  }
0x75: {  	[sflag:s1] =	ssyncset.done $0x0  }
0x76: {  	s11 =	sadd.s32 $0x2760, s14;
	[sflag:s1] =	ssyncadd.s32 $0xFFFFEC00  }
0x77: {  	[spmem:s3] =	stream.indirect.scatter.add.f32 [tilespmem:s21], [sflag:$0x9], $0x80, s11, s17, $0xb8;
	[tilespmem:$0x1FEA0] =	vst v63  }
0x78: {  	_ =	swait.ge [sflag:s0], $0x1400  }
0x79: {  	[sflag:s0] =	ssyncset.done $0x0  }
0x7a: {  	s11 =	sadd.s32 $0x2788, s14;
	[sflag:s0] =	ssyncadd.s32 $0xFFFFEC00  }
0x7b: {  	[spmem:s3] =	stream.indirect.scatter.add.f32 [tilespmem:s23], [sflag:$0xA], $0x80, s11, s17, $0xb8;
	[tilespmem:$0x1FEA0] =	vst v63  }
0x7c: {  	_ =	swait.ge [sflag:s15], $0x1400  }
0x7d: {  	[sflag:s15] =	ssyncset.done $0x0  }
0x7e: {  	s11 =	sadd.s32 $0x27B0, s14;
	[sflag:s15] =	ssyncadd.s32 $0xFFFFEC00  }
0x7f: {  	[spmem:s3] =	stream.indirect.scatter.add.f32 [tilespmem:s26], [sflag:$0xB], $0x80, s11, s17, $0xb8;
	[tilespmem:$0x1FEA0] =	vst v63  }
0x80: {  	_ =	swait.ge [sflag:s20], $0x1400  }
0x81: {  	[sflag:s20] =	ssyncset.done $0x0  }
0x82: {  	s11 =	sadd.s32 $0x27D8, s14;
	[sflag:s20] =	ssyncadd.s32 $0xFFFFEC00  }
0x83: {  	[spmem:s3] =	stream.indirect.scatter.add.f32 [tilespmem:s29], [sflag:$0xC], $0x80, s11, s17, $0xb8;
	[tilespmem:$0x1FEA0] =	vst v63  }
0x84: {  	_ =	swait.ge [sflag:s22], $0x1400  }
0x85: {  	[sflag:s22] =	ssyncset.done $0x0  }
0x86: {  	s11 =	sadd.s32 $0xF0, s14;
	[sflag:s22] =	ssyncadd.s32 $0xFFFFEC00  }
0x87: {  	[tilespmem:s18], [sflag:$0x1] =	stream.indirect.gather [hbm4b:s2+s17], $0x80, s11, s17, $0xb8;
	[tilespmem:$0x1FEA0] =	vst v63  }
0x88: {  	_ =	swait.ge [sflag:s24], $0x1400  }
0x89: {  	[sflag:s24] =	ssyncset.done $0x0  }
0x8a: {  	s11 =	sadd.s32 $0x118, s14;
	[sflag:s24] =	ssyncadd.s32 $0xFFFFEC00  }
0x8b: {  	[tilespmem:s19], [sflag:$0x2] =	stream.indirect.gather [hbm4b:s2+s17], $0x80, s11, s17, $0xb8;
	[tilespmem:$0x1FEA0] =	vst v63  }
0x8c: {  	_ =	swait.ge [sflag:s28], $0x1400  }
0x8d: {  	[sflag:s28] =	ssyncset.done $0x0  }
0x8e: {  	s11 =	sadd.s32 $0x140, s14;
	[sflag:s28] =	ssyncadd.s32 $0xFFFFEC00  }
0x8f: {  	[tilespmem:s21], [sflag:$0x3] =	stream.indirect.gather [hbm4b:s2+s17], $0x80, s11, s17, $0xb8;
	[tilespmem:$0x1FEA0] =	vst v63  }
0x90: {  	_ =	swait.ge [sflag:s6], $0x1400  }
0x91: {  	[sflag:s6] =	ssyncset.done $0x0  }
0x92: {  	s11 =	sadd.s32 $0x168, s14;
	[sflag:s6] =	ssyncadd.s32 $0xFFFFEC00  }
0x93: {  	[tilespmem:s23], [sflag:$0x4] =	stream.indirect.gather [hbm4b:s2+s17], $0x80, s11, s17, $0xb8;
	[tilespmem:$0x1FEA0] =	vst v63  }
0x94: {  	_ =	swait.ge [sflag:s7], $0x1400  }
0x95: {  	[sflag:s7] =	ssyncset.done $0x0  }
.Ltmp0:
0x96: {  	s11 =	sadd.s32 $0x190, s14;
	[sflag:s7] =	ssyncadd.s32 $0xFFFFEC00;
	(pc) =	sbr.rel @p1 .LBB2_2-.Ltmp0, $4  }
0x97: {  	[tilespmem:s26], [sflag:$0x5] =	stream.indirect.gather [hbm4b:s2+s17], $0x80, s11, s17, $0xb8;
	[tilespmem:$0x1FEA0] =	vst v63  }
0x98: {  	_ =	swait.ge [sflag:s8], $0x1400  }
0x99: {  	[sflag:s8] =	ssyncset.done $0x0  }
0x9a: {  	s14 =	sadd.s32 $0x1B8, s14;
	[sflag:s8] =	ssyncadd.s32 $0xFFFFEC00  }
0x9b: {  	[tilespmem:s29], [sflag:$0x6] =	stream.indirect.gather [hbm4b:s2+s17], $0x80, s14, s17, $0xb8;
	[tilespmem:$0x1FEA0] =	vst v63  }
0x9c: {  	_ =	swait.ge [sflag:s30], $0x1400  }
0x9d: {  	[sflag:s30] =	ssyncset.done $0x0  }
0x9e: {  	s11 =	simm.s32 $0x4C90;
	[sflag:s30] =	ssyncadd.s32 $0xFFFFEC00  }
0x9f: {  	[spmem:s3] =	stream.indirect.scatter.add.f32 [tilespmem:s18], [sflag:$0x7], $0x80, s11, s17, $0xb8;
	[tilespmem:$0x1FEA0] =	vst v63  }
0xa0: {  	_ =	swait.ge [sflag:s31], $0x1400  }
0xa1: {  	[sflag:s31] =	ssyncset.done $0x0  }
0xa2: {  	s13 =	simm.s32 $0x4CB8;
	[sflag:s31] =	ssyncadd.s32 $0xFFFFEC00  }
0xa3: {  	[spmem:s3] =	stream.indirect.scatter.add.f32 [tilespmem:s19], [sflag:$0x8], $0x80, s13, s17, $0xb8;
	[tilespmem:$0x1FEA0] =	vst v63  }
0xa4: {  	_ =	swait.ge [sflag:s1], $0x1400  }
0xa5: {  	[sflag:s1] =	ssyncset.done $0x0  }
0xa6: {  	s14 =	simm.s32 $0x4CE0;
	[sflag:s1] =	ssyncadd.s32 $0xFFFFEC00  }
0xa7: {  	[spmem:s3] =	stream.indirect.scatter.add.f32 [tilespmem:s21], [sflag:$0x9], $0x80, s14, s17, $0xb8;
	[tilespmem:$0x1FEA0] =	vst v63  }
0xa8: {  	_ =	swait.ge [sflag:s0], $0x1400  }
0xa9: {  	[sflag:s0] =	ssyncset.done $0x0  }
0xaa: {  	s13 =	simm.s32 $0x4D08;
	[sflag:s0] =	ssyncadd.s32 $0xFFFFEC00  }
0xab: {  	[spmem:s3] =	stream.indirect.scatter.add.f32 [tilespmem:s23], [sflag:$0xA], $0x80, s13, s17, $0xb8;
	[tilespmem:$0x1FEA0] =	vst v63  }
0xac: {  	_ =	swait.ge [sflag:s15], $0x1400  }
0xad: {  	[sflag:s15] =	ssyncset.done $0x0  }
0xae: {  	s14 =	simm.s32 $0x4D30;
	[sflag:s15] =	ssyncadd.s32 $0xFFFFEC00  }
0xaf: {  	[spmem:s3] =	stream.indirect.scatter.add.f32 [tilespmem:s26], [sflag:$0xB], $0x80, s14, s17, $0xb8;
	[tilespmem:$0x1FEA0] =	vst v63  }
0xb0: {  	_ =	swait.ge [sflag:s20], $0x1400  }
0xb1: {  	[sflag:s20] =	ssyncset.done $0x0  }
0xb2: {  	s13 =	simm.s32 $0x4D58;
	[sflag:s20] =	ssyncadd.s32 $0xFFFFEC00  }
0xb3: {  	[spmem:s3] =	stream.indirect.scatter.add.f32 [tilespmem:s29], [sflag:$0xC], $0x80, s13, s17, $0xb8;
	[tilespmem:$0x1FEA0] =	vst v63  }
0xb4: {  	_ =	swait.ge [sflag:s22], $0x1400  }
0xb5: {  	[sflag:s22] =	ssyncset.done $0x0  }
0xb6: {  	s14 =	simm.s32 $0x2670;
	[sflag:s22] =	ssyncadd.s32 $0xFFFFEC00  }
0xb7: {  	[tilespmem:s18], [sflag:$0x1] =	stream.indirect.gather [hbm4b:s2+s17], $0x80, s14, s17, $0xb8;
	[tilespmem:$0x1FEA0] =	vst v63  }
0xb8: {  	_ =	swait.ge [sflag:s24], $0x1400  }
0xb9: {  	[sflag:s24] =	ssyncset.done $0x0  }
0xba: {  	s13 =	simm.s32 $0x2698;
	[sflag:s24] =	ssyncadd.s32 $0xFFFFEC00  }
0xbb: {  	[tilespmem:s19], [sflag:$0x2] =	stream.indirect.gather [hbm4b:s2+s17], $0x80, s13, s17, $0xb8;
	[tilespmem:$0x1FEA0] =	vst v63  }
0xbc: {  	_ =	swait.ge [sflag:s28], $0x1400  }
0xbd: {  	[sflag:s28] =	ssyncset.done $0x0  }
0xbe: {  	s14 =	simm.s32 $0x26C0;
	[sflag:s28] =	ssyncadd.s32 $0xFFFFEC00  }
0xbf: {  	[tilespmem:s21], [sflag:$0x3] =	stream.indirect.gather [hbm4b:s2+s17], $0x80, s14, s17, $0xb8;
	[tilespmem:$0x1FEA0] =	vst v63  }
0xc0: {  	_ =	swait.ge [sflag:s6], $0x1400  }
0xc1: {  	[sflag:s6] =	ssyncset.done $0x0  }
0xc2: {  	s13 =	simm.s32 $0x26E8;
	[sflag:s6] =	ssyncadd.s32 $0xFFFFEC00  }
0xc3: {  	[tilespmem:s23], [sflag:$0x4] =	stream.indirect.gather [hbm4b:s2+s17], $0x80, s13, s17, $0xb8;
	[tilespmem:$0x1FEA0] =	vst v63  }
0xc4: {  	_ =	swait.ge [sflag:s7], $0x1400  }
0xc5: {  	[sflag:s7] =	ssyncset.done $0x0  }
0xc6: {  	[sflag:s7] =	ssyncadd.s32 $0xFFFFEC00  }
0xc7: {  	_ =	swait.ge [sflag:s8], $0x1400  }
0xc8: {  	[sflag:s8] =	ssyncset.done $0x0  }
0xc9: {  	[sflag:s8] =	ssyncadd.s32 $0xFFFFEC00  }
0xca: {  	_ =	swait.ge [sflag:s30], $0x1400  }
0xcb: {  	[sflag:s30] =	ssyncset.done $0x0  }
0xcc: {  	s14 =	simm.s32 $0x4D80;
	[sflag:s30] =	ssyncadd.s32 $0xFFFFEC00  }
0xcd: {  	[spmem:s3] =	stream.indirect.scatter.add.f32 [tilespmem:s18], [sflag:$0xF], $0x80, s14, s17, $0xb8;
	[tilespmem:$0x1FEA0] =	vst v63  }
0xce: {  	_ =	swait.ge [sflag:s9], $0x1400  }
0xcf: {  	[sflag:s9] =	ssyncset.done $0x0  }
0xd0: {  	[sflag:s9] =	ssyncadd.s32 $0xFFFFEC00  }
0xd1: {  	_ =	swait.ge [sflag:s31], $0x1400  }
0xd2: {  	[sflag:s31] =	ssyncset.done $0x0  }
0xd3: {  	s13 =	simm.s32 $0x4DA8;
	[sflag:s31] =	ssyncadd.s32 $0xFFFFEC00  }
0xd4: {  	[spmem:s3] =	stream.indirect.scatter.add.f32 [tilespmem:s19], [sflag:$0xF], $0x80, s13, s17, $0xb8;
	[tilespmem:$0x1FEA0] =	vst v63  }
0xd5: {  	_ =	swait.ge [sflag:s9], $0x1400  }
0xd6: {  	[sflag:s9] =	ssyncset.done $0x0  }
0xd7: {  	[sflag:s9] =	ssyncadd.s32 $0xFFFFEC00  }
0xd8: {  	_ =	swait.ge [sflag:s1], $0x1400  }
0xd9: {  	[sflag:s1] =	ssyncset.done $0x0  }
0xda: {  	s14 =	simm.s32 $0x4DD0;
	[sflag:s1] =	ssyncadd.s32 $0xFFFFEC00  }
0xdb: {  	[spmem:s3] =	stream.indirect.scatter.add.f32 [tilespmem:s21], [sflag:$0xF], $0x80, s14, s17, $0xb8;
	[tilespmem:$0x1FEA0] =	vst v63  }
0xdc: {  	_ =	swait.ge [sflag:s9], $0x1400  }
0xdd: {  	[sflag:s9] =	ssyncset.done $0x0  }
0xde: {  	[sflag:s9] =	ssyncadd.s32 $0xFFFFEC00  }
0xdf: {  	_ =	swait.ge [sflag:s0], $0x1400  }
0xe0: {  	[sflag:s0] =	ssyncset.done $0x0  }
0xe1: {  	s13 =	simm.s32 $0x4DF8;
	[sflag:s0] =	ssyncadd.s32 $0xFFFFEC00  }
0xe2: {  	[spmem:s3] =	stream.indirect.scatter.add.f32 [tilespmem:s23], [sflag:$0xF], $0x80, s13, s17, $0xb8;
	[tilespmem:$0x1FEA0] =	vst v63  }
0xe3: {  	_ =	swait.ge [sflag:s9], $0x1400  }
0xe4: {  	[sflag:s9] =	ssyncset.done $0x0  }
0xe5: {  	[sflag:s9] =	ssyncadd.s32 $0xFFFFEC00  }
0xe6: {  	[bflag:$0x0] =	sbarrier.arrive $0xFFFF  }
0xe7: {  	s11 =	simm.s32 @p0 $0x1FCF;
	s13 =	rddreg [dreg:$0x7]  }
0xe8: {  	[hbm:s13], [sflag:s11] =	dma.local @p0 [spmem:s12], $0x2800  }
0xe9: {  	s11 =	simm.s32 @p0 $0xF  }
0xea: {  	_ =	swait.ge @p0 [sflag:s11], $0x2800  }
0xeb: {  	[sflag:s11] =	ssyncset.done @p0 $0x0  }
0xec: {  	[sflag:s11] =	ssyncadd.s32 @p0 $0xFFFFD800;
	s11 =	rddreg [dreg:$0x9]  }
0xed: {  	s13 =	rddreg [dreg:$0x6];
	s11 =	sor.u32 @!p0 $0x1C0F, s11  }
0xee: {  	[hbm:s13], [sflag:s11] =	dma.local @!p0 [spmem:s25], $0x2700  }
0xef: {  	s11 =	simm.s32 @!p0 $0xF  }
0xf0: {  	_ =	swait.ge @!p0 [sflag:s11], $0x2700  }
0xf1: {  	s10 =	sadd.s32 $0x1, s10;
	s14 =	rddreg [dreg:$0x8]  }
0xf2: {  	p1 =	sne.s32 s10, s14  }
.Ltmp1:
0xf3: {  	_ = 	snop;
	(pc) =	sbr.rel @p1 .LBB2_1-.Ltmp1, $3  }
0xf4: {  	_ =	sdelay $0x1  }
0xf5: {  	[sflag:s11] =	ssyncset.done @!p0 $0x0  }
0xf6: {  	[sflag:s11] =	ssyncadd.s32 @!p0 $0xFFFFD900  }
0xf7: {  	_ =	sfence.sel $0x180000  }
0xf8: {  	[bflag:$0x0] =	sbarrier.arrive $0xFFFF  }
0xf9: {  	_ =	strace $0x9000004A  }
0xfa: {  	s0 =	stileid.u32;
	[bflag:$0x2] =	sbarrier.arrive $0xFFFF  }
0xfb: {  	p0 =	sne.s32 s0, $0x0;
	s0 =	rddreg [dreg:$0x3]  }
0xfc: {  	s0 =	sadd.s32 @!p0 $0x100000, s0  }
0xfd: {  	[sflag:s0] =	ssyncadd.tile.s32 @!p0 $0x1;
	_ =	shalt  }
.Lfunc_end2:
_tile_overlayer_lowered:
.L_overlay_start_2:
0xfe: {  	(tag) =	ssettag $0x2  }
0xff: {  	s0 =	rddreg [dreg:$0x0];
	s2 =	stileid.u32  }
0x100: {  	s1 =	rddreg [dreg:$0x1];
	p0 =	sne.s32 s2, $0x0  }
0x101: {  	s3 =	rddreg [dreg:$0x2];
	[bflag:$0x3] =	sbarrier.arrive $0xFFFF;
	s2 =	simm.s32 @!p0 $0x1C0F  }
0x102: {  	[timem:s3], [sflag:s2] =	dma.local @!p0 [hbm:s0], s1  }
0x103: {  	s0 =	simm.s32 @!p0 $0xF  }
0x104: {  	_ =	swait.ge @!p0 [sflag:s0], s1  }
0x105: {  	s1 =	ssub.s32 @!p0 $0x0, s1;
	[sflag:s0] =	ssyncset.done @!p0 $0x0  }
0x106: {  	[sflag:s0] =	ssyncadd.s32 @!p0 s1  }
0x107: {  	[bflag:$0x3] =	sbarrier.arrive $0xFFFF  }
0x108: {  	_ =	shalt  }

// kernel: kernel.14.cloned.1.call-start
scs
__scs_entry_jumppad:
0x0: {  	(pc) =	sbr.rel $0x88, $3  }
0x1: {  	(tag) =	ssettag $0x0;
	lr =	simm.s32 $0x1  }
0x2: {  	[smem:$0x3F94] =	sst lr;
	_ =	strace $0xD0000000  }
0x3: {  	_ = 	snop  }
0x4: {  	_ = 	snop  }
0x5: {  	_ = 	snop  }
0x6: {  	_ = 	snop  }
0x7: {  	_ = 	snop  }
__scs_overlays_trampoline_lowered:
0x8: {  	[smem:$0x3FA3] =	sst s0  }
0x9: {  	[smem:$0x3FA4] =	sst s1  }
0xa: {  	[smem:$0x3FA5] =	sst s2  }
0xb: {  	[smem:$0x3FA6] =	sst s3  }
0xc: {  	[smem:$0x3FA7] =	sst s4  }
0xd: {  	[smem:$0x3FA8] =	sst s5  }
0xe: {  	[smem:$0x3FA9] =	sst s6  }
0xf: {  	[smem:$0x3FAA] =	sst s7  }
0x10: {  	[smem:$0x3FAB] =	sst s8  }
0x11: {  	[smem:$0x3FAC] =	sst s9;
	s0 =	simm.s32 @!p0 $0x0  }
0x12: {  	s1 =	sld [smem:$0x3F92];
	s0 =	simm.s32 @p0 $0x1  }
0x13: {  	[smem:$0x3FAD] =	sst s0;
	s0 =	simm.s32 @!p1 $0x0  }
0x14: {  	s2 =	sld [smem:$0x3F91];
	s0 =	simm.s32 @p1 $0x1  }
0x15: {  	[smem:$0x3FAE] =	sst s0;
	s0 =	simm.s32 @!p2 $0x0  }
0x16: {  	s3 =	sld [smem:$0x3FDB];
	s0 =	simm.s32 @p2 $0x1  }
0x17: {  	s4 =	simm.s32 $0x1BF5;
	[smem:$0x3FB0] =	sst s0  }
0x18: {  	s0 =	sld [smem:$0x3F93];
	_ =	swait.ge [sflag:s4], $0x0  }
0x19: {  	s7 =	sld [smem:$0x3F94]  }
0x1a: {  	s8 =	sadd.s32 $0xFFFFE003, lr  }
0x1b: {  	s9 =	sadd.s32 $0xFFFFFEF7, lr;
	s5 =	simm.s32 $0xFFFFFFFF;
	p2 =	slt.u32 s8, $0xFFFFF086  }
0x1c: {  	p1 =	slt.u32 s9, $0xF7A;
	s5 =	simm.s32 @!p2 $0x0  }
0x1d: {  	s5 =	simm.s32 @p1 $0x1;
	p0 =	seq.s32 s7, s2  }
0x1e: {  	s7 =	smul.u32 @!p0 $0xF7A, s2;
	p2 =	seq.s32 @!p0 s5, $0x0  }
0x1f: {  	s9 =	smul.u32 $0xF7A, s1;
	s8 =	simm.s32 @!p0 $0x1BF5;
	p2 =	por !p2, p0  }
0x20: {  	[sflag:s8] =	ssyncset.s32 @!p0 $0xFFFFF086;
	s6 =	sadd.s32 @!p0 s3, s7;
	s7 =	simm.s32 @!p0 $0x108  }
0x21: {  	s3 =	sadd.s32 s3, s9;
	s6 =	sadd.s32 @!p0 $0x88, s6;
	s7 =	simm.s32 @p2 $0x1082  }
0x22: {  	[simem:s7], [sflag:s8] =	dma.local @!p0 [hbm:s6], $0xF7A  }
0x23: {  	s9 =	sor.u32 $0xD0000000, s2;
	s6 =	simm.s32 $0x108;
	_ =	swait.ge @!p0 [sflag:s8], $0x0  }
0x24: {  	s3 =	sadd.s32 $0x88, s3;
	s6 =	simm.s32 @!p1 $0x1082;
	[sflag:s4] =	ssyncset.s32 $0xFFFFF086  }
0x25: {  	[simem:s6], [sflag:s4] =	dma.local [hbm:s3], $0xF7A  }
0x26: {  	[smem:$0x3F94] =	sst s1;
	(tag) =	ssettag s2;
	_ =	strace s9  }
0x27: {  	s1 =	sld [smem:$0x3FA4]  }
0x28: {  	s2 =	sld [smem:$0x3FA5]  }
0x29: {  	s4 =	sld [smem:$0x3FA7]  }
0x2a: {  	p0 =	seq.s32 s5, $0x0;
	s5 =	sld [smem:$0x3FA8]  }
0x2b: {  	s6 =	sld [smem:$0x3FA9]  }
0x2c: {  	s7 =	sld [smem:$0x3FAA]  }
0x2d: {  	s3 =	simm.s32 $0x108;
	s8 =	sld [smem:$0x3FAB]  }
0x2e: {  	s3 =	simm.s32 @!p0 $0x1082;
	s9 =	sld [smem:$0x3FAC]  }
0x2f: {  	lr =	sadd.s32 s0, s3;
	s0 =	sld [smem:$0x3FA3]  }
0x30: {  	s3 =	sld [smem:$0x3FA6]  }
0x31: {  	[smem:$0x3FAF] =	sst s10  }
0x32: {  	s10 =	sld [smem:$0x3FAD];
	_ =	sdelay $0x3  }
0x33: {  	p0 =	seq.s32 s10, $0x1;
	s10 =	sld [smem:$0x3FAF];
	_ =	sdelay $0x3  }
0x34: {  	[smem:$0x3FAF] =	sst s10  }
0x35: {  	s10 =	sld [smem:$0x3FAE];
	_ =	sdelay $0x3  }
0x36: {  	p1 =	seq.s32 s10, $0x1;
	s10 =	sld [smem:$0x3FAF];
	_ =	sdelay $0x3  }
0x37: {  	[smem:$0x3FAF] =	sst s10  }
0x38: {  	s10 =	sld [smem:$0x3FB0]  }
0x39: {  	_ = 	snop;
	(pc) =	sbr.ind lr, $3  }
0x3a: {  	_ = 	snop  }
0x3b: {  	_ = 	snop  }
0x3c: {  	p2 =	seq.s32 s10, $0x1;
	s10 =	sld [smem:$0x3FAF]  }
0x3d: {  	_ =	shalt  }
0x3e: {  	_ =	shalt  }
0x3f: {  	_ =	shalt  }
0x40: {  	_ =	shalt  }
0x41: {  	_ =	shalt  }
0x42: {  	_ =	shalt  }
0x43: {  	_ =	shalt  }
0x44: {  	_ =	shalt  }
0x45: {  	_ =	shalt  }
0x46: {  	_ =	shalt  }
0x47: {  	_ =	shalt  }
0x48: {  	_ =	shalt  }
0x49: {  	_ =	shalt  }
0x4a: {  	_ =	shalt  }
0x4b: {  	_ =	shalt  }
0x4c: {  	_ =	shalt  }
0x4d: {  	_ =	shalt  }
0x4e: {  	_ =	shalt  }
0x4f: {  	_ =	shalt  }
0x50: {  	_ =	shalt  }
0x51: {  	_ =	shalt  }
0x52: {  	_ =	shalt  }
0x53: {  	_ =	shalt  }
0x54: {  	_ =	shalt  }
0x55: {  	_ =	shalt  }
0x56: {  	_ =	shalt  }
0x57: {  	_ =	shalt  }
0x58: {  	_ =	shalt  }
0x59: {  	_ =	shalt  }
0x5a: {  	_ =	shalt  }
0x5b: {  	_ =	shalt  }
0x5c: {  	_ =	shalt  }
0x5d: {  	_ =	shalt  }
0x5e: {  	_ =	shalt  }
0x5f: {  	_ =	shalt  }
0x60: {  	_ =	shalt  }
0x61: {  	_ =	shalt  }
0x62: {  	_ =	shalt  }
0x63: {  	_ =	shalt  }
0x64: {  	_ =	shalt  }
0x65: {  	_ =	shalt  }
0x66: {  	_ =	shalt  }
0x67: {  	_ =	shalt  }
0x68: {  	_ =	shalt  }
0x69: {  	_ =	shalt  }
0x6a: {  	_ =	shalt  }
0x6b: {  	_ =	shalt  }
0x6c: {  	_ =	shalt  }
0x6d: {  	_ =	shalt  }
0x6e: {  	_ =	shalt  }
0x6f: {  	_ =	shalt  }
0x70: {  	_ =	shalt  }
0x71: {  	_ =	shalt  }
0x72: {  	_ =	shalt  }
0x73: {  	_ =	shalt  }
0x74: {  	_ =	shalt  }
0x75: {  	_ =	shalt  }
0x76: {  	_ =	shalt  }
0x77: {  	_ =	shalt  }
0x78: {  	_ =	shalt  }
0x79: {  	_ =	shalt  }
0x7a: {  	_ =	shalt  }
0x7b: {  	_ =	shalt  }
0x7c: {  	_ =	shalt  }
0x7d: {  	_ =	shalt  }
0x7e: {  	_ =	shalt  }
0x7f: {  	_ =	shalt  }
0x80: {  	_ =	shalt  }
0x81: {  	_ =	shalt  }
0x82: {  	_ =	shalt  }
0x83: {  	_ =	shalt  }
0x84: {  	_ =	shalt  }
0x85: {  	_ =	shalt  }
0x86: {  	_ =	shalt  }
0x87: {  	_ =	shalt  }
.Lfunc_end0:
.L_simem_size_0:
called_computation.2_lowered:
.L_overlay_start_0:
0x88: {  	s2 =	sld [smem:$0x3FD9]  }
0x89: {  	s3 =	sld [smem:$0x3FFE];
	_ =	sdelay $0x1  }
0x8a: {  	s1 =	srdreg.scid  }
0x8b: {  	s0 =	sand.u32 $0x1, s1  }
0x8c: {  	s17 =	sshll.u32 s0, $0xA;
	s2 =	sadd.s32 s3, s2  }
0x8d: {  	s2 =	sadd.s32 s2, s17  }
0x8e: {  	[smem:$0x3FBB] =	sst s2  }
0x8f: {  	_ = 	snop  }
0x90: {  	s2 =	sld [smem:$0x3FD0];
	(tm) =	ssettm $0x1  }
0x91: {  	s18 =	sld [smem:$0x3FFB];
	_ =	sdelay $0x3  }
0x92: {  	_ =	strace s18  }
0x93: {  	s3 =	sld [smem:$0x3FFC];
	_ =	sdelay $0x3  }
0x94: {  	_ =	strace s3  }
0x95: {  	s3 =	sld [smem:$0x3FFD];
	_ =	sdelay $0x3  }
0x96: {  	_ =	strace s3  }
0x97: {  	_ =	strace $0x8FFFFFFF  }
0x98: {  	s19 =	sld [smem:$0x3FDB];
	_ =	sdelay $0x1  }
0x99: {  	s4 =	simm.s32 $_scs_section_size  }
0x9a: {  	s5 =	simm.s32 $_size__tile_overlayer_lowered;
	s6 =	simm.s32 $_tile_overlayer_lowered  }
0x9b: {  	s22 =	simm.s32 $0x1BFF;
	s21 =	sshll.u32 s6, $0x1;
	s3 =	sadd.s32 s4, s19  }
0x9c: {  	s7 =	simm.s32 $0x0;
	s20 =	sshll.u32 s5, $0x1;
	s5 =	sadd.s32 s21, s3  }
0x9d: {  	[timem:s7], [sflag:s22] =	dma.local [hbm:s5], s20  }
0x9e: {  	_ =	swait.ge [sflag:s22], s20  }
0x9f: {  	s4 =	ssub.s32 $0x0, s20;
	[sflag:s22] =	ssyncset.done $0x0  }
0xa0: {  	[sflag:s22] =	ssyncadd.s32 s4;
	_ =	sdelay $0x1  }
0xa1: {  	s23 =	simm.s32 $0x1B8B  }
0xa2: {  	_ =	swait.ge [sflag:s23], $0x1  }
0xa3: {  	[sflag:s23] =	ssyncset.done $0x0  }
0xa4: {  	s25 =	simm.s32 $0x1B8E;
	s24 =	sld [smem:$0x3FFE];
	[sflag:s23] =	ssyncadd.s32 $0xFFFFFFFF  }
0xa5: {  	s26 =	simm.s32 $execute0_lowered;
	[smem:$0x3FD2] =	sst s25  }
0xa6: {  	s5 =	sshll.u32 s26, $0x1;
	_ =	strace $0x8000004C;
	[dreg:$0x1] =	wrdreg $0xFFFFFFFF  }
0xa7: {  	s28 =	simm.s32 $_size_execute0_lowered;
	s3 =	sadd.s32 s3, s5;
	[dreg:$0x0] =	wrdreg $0x0  }
0xa8: {  	s5 =	sshll.u32 s28, $0x1;
	[dreg:$0x2] =	wrdreg s3  }
0xa9: {  	[dreg:$0x3] =	wrdreg s5  }
0xaa: {  	[dreg:$0x4] =	wrdreg $0xC0  }
0xab: {  	_ =	task [dreg:s7], $0x5FFFF  }
0xac: {  	[dreg:$0x1] =	wrdreg $0xFFFFFFFF  }
0xad: {  	[dreg:$0x0] =	wrdreg $0x60  }
0xae: {  	[dreg:$0x2] =	wrdreg s24  }
0xaf: {  	[dreg:$0x3] =	wrdreg s2  }
0xb0: {  	[dreg:$0x4] =	wrdreg $0xC6200  }
0xb1: {  	[dreg:$0x5] =	wrdreg $0x9  }
0xb2: {  	_ =	task.clear_ibuf [dreg:s7], $0x6FFFF;
	_ =	strace $0x9000004C  }
0xb3: {  	s29 =	simm.s32 $0x9;
	_ =	strace $0x8000004E  }
0xb4: {  	_ =	swait.ge [sflag:s29], $0x1  }
0xb5: {  	[sflag:s29] =	ssyncadd.s32 $0xFFFFFFFF  }
0xb6: {  	_ =	strace $0x9000004E  }
0xb7: {  	_ =	sfence  }
0xb8: {  	s30 =	sld [smem:$0x0];
	_ =	sdelay $0x2  }
0xb9: {  	s31 =	sshll.u32 s1, $0xD;
	s1 =	sshrl.u32 s1, $0x2  }
0xba: {  	s3 =	sand.u32 $0x4000, s31;
	s1 =	sadd.s32 s1, s30  }
0xbb: {  	s0 =	sor.u32 s3, s0;
	s1 =	sshll.u32 s1, $0x11  }
0xbc: {  	s0 =	sor.u32 s1, s0  }
0xbd: {  	s0 =	sadd.s32 $0x8F2B, s0  }
0xbe: {  	[sflag:s0] =	ssyncadd.remote.s32 $0x1  }
0xbf: {  	_ =	sfence.sel $0xFFFF  }
0xc0: {  	[dreg:$0x0] =	wrdreg $0xFFFFFFFF;
	(pc) =	sbr.abs _section_cstart, $3  }
0xc1: {  	[dreg:$0x1] =	wrdreg $0xFFFFFFFF  }
0xc2: {  	_ =	task.clear_ibuf [dreg:s7], $0x2FFFF;
	_ =	strace $0x9FFFFFFF  }
0xc3: {  	(tm) =	ssettm $0x7FFFFFFF  }
tec
execute0_lowered:
.L_overlay_start_1:
0x0: {  	(tag) =	ssettag $0x1  }
0x1: {  	s0 =	rddreg [dreg:$0x0];
	s1 =	srdreg.scid  }
0x2: {  	s11 =	stileid.u32;
	s2 =	rddreg [dreg:$0x1]  }
0x3: {  	s3 =	rddreg [dreg:$0x2];
	s16 =	simm.s32 $0xE;
	s17 =	simm.s32 $0x28  }
0x4: {  	s18 =	simm.s32 $0x4E20;
	s19 =	simm.s32 $0x6220;
	s21 =	simm.s32 $0x7620  }
0x5: {  	s29 =	simm.s32 $0xB220;
	s30 =	simm.s32 $0x1;
	s31 =	simm.s32 $0x2  }
0x6: {  	s15 =	simm.s32 $0x5;
	s20 =	simm.s32 $0x6;
	s22 =	simm.s32 $0x7  }
0x7: {  	s28 =	simm.s32 $0x9;
	s1 =	sand.u32 $0x1, s1;
	s6 =	smul.u32 $0x4E000, s11  }
0x8: {  	s4 =	sshll.u32 s11, $0x1;
	s9 =	smul.u32 $0x13800, s11;
	s12 =	sadd.s32 $0x124800, s3  }
0x9: {  	p0 =	seq.s32 s11, $0xF;
	s5 =	sor.u32 s1, s4;
	s4 =	simm.s32 $0x0  }
0xa: {  	s8 =	smul.u32 $0x138800, s1;
	s1 =	ssub.s32 $0x2, s1;
	s12 =	sshrl.u32 @p0 s12, $0x3  }
0xb: {  	s5 =	smul.u32 $0x4E2, s5;
	[smem:$0x7FF] =	sst s4;
	s10 =	sshrl.u32 s1, $0x1  }
0xc: {  	s6 =	sshrl.u32 s6, $0x2;
	_ =	strace $0x8000004D;
	s1 =	ssub.s32 s1, s10  }
0xd: {  	s6 =	sadd.s32 s6, s3;
	s23 =	sadd.s32 s9, s8;
	s25 =	sshrl.u32 s8, $0x3  }
0xe: {  	s8 =	sadd.s32 s9, s3;
	s9 =	simm.s32 $0xF;
	s7 =	sadd.s32 s5, s0  }
0xf: {  	s5 =	sadd.s32 $0x17800, s0;
	s0 =	sadd.s32 $0x1A000, s0;
	s10 =	sshrl.u32 s23, $0x3  }
0x10: {  	s26 =	smax.u32 s1, $0x1;
	s23 =	simm.s32 $0x8A20;
	s1 =	simm.s32 $0x3  }
0x11: {  	s13 =	sadd.s32 $0x3C00, s7;
	s7 =	sadd.s32 $0xDA00, s7;
	[dreg:$0x8] =	wrdreg s26  }
0x12: {  	s24 =	sadd.s32 s0, s10;
	s0 =	sadd.s32 s0, s25;
	[dreg:$0x4] =	wrdreg s13  }
0x13: {  	s25 =	sshrl.u32 @!p0 s8, $0x3;
	s26 =	simm.s32 $0x9E20;
	[dreg:$0x5] =	wrdreg s7  }
0x14: {  	s8 =	simm.s32 $0xC;
	[dreg:$0x6] =	wrdreg s24;
	s0 =	sadd.s32 $0x24900, s0  }
0x15: {  	s10 =	simm.s32 $0x0;
	[dreg:$0x7] =	wrdreg s0;
	s0 =	sshll.u32 @!p0 s11, $0x6  }
0x16: {  	s24 =	simm.s32 $0x8;
	[dreg:$0x9] =	wrdreg s0;
	s0 =	sor.u32 @!p0 $0x1C0D, s0  }
0x17: {  	s7 =	simm.s32 $0xB;
	[dreg:$0xa] =	wrdreg s0;
	s0 =	sshrl.u32 @!p0 s6, $0x3  }
0x18: {  	s6 =	simm.s32 $0xA;
	[dreg:$0xb] =	wrdreg s0;
	s0 =	simm.s32 $0x4  }
.LBB2_1:
0x19: {  	s13 =	simm.s32 @p0 $0x1FCD  }
0x1a: {  	[spmem:s12], [sflag:s13] =	dma.local @p0 [hbm:s5], $0x2800  }
0x1b: {  	s11 =	rddreg [dreg:$0xa]  }
0x1c: {  	s13 =	rddreg [dreg:$0xb]  }
0x1d: {  	[spmem:s13], [sflag:s11] =	dma.local @!p0 [hbm:s5], $0x2700  }
0x1e: {  	s11 =	rddreg [dreg:$0x4]  }
0x1f: {  	[tilespmem:s4], [sflag:$0xE] =	stream.linear.gather [hbm4b:s11+s4], $0x2710, $0x38;
	[tilespmem:$0x1FEA0] =	vst v63  }
0x20: {  	s14 =	simm.s32 $0x2710;
	s13 =	rddreg [dreg:$0x5]  }
0x21: {  	[tilespmem:s14], [sflag:$0xE] =	stream.linear.gather [hbm4b:s13+s4], $0x2710, $0x38;
	[tilespmem:$0x1FEA0] =	vst v63  }
0x22: {  	_ =	swait.ge [sflag:s16], $0x2710  }
0x23: {  	[sflag:s16] =	ssyncset.done $0x0  }
0x24: {  	[sflag:s16] =	ssyncadd.s32 $0xFFFFD8F0  }
0x25: {  	_ =	swait.ge [sflag:s16], $0x2710  }
0x26: {  	[sflag:s16] =	ssyncset.done $0x0  }
0x27: {  	[sflag:s16] =	ssyncadd.s32 $0xFFFFD8F0  }
0x28: {  	[tilespmem:s18], [sflag:$0x1] =	stream.indirect.gather [hbm4b:s2+s17], $0x80, s4, s17, $0xb8;
	[tilespmem:$0x1FEA0] =	vst v63  }
0x29: {  	_ = 	snop  }
0x2a: {  	[tilespmem:s19], [sflag:$0x2] =	stream.indirect.gather [hbm4b:s2+s17], $0x80, s17, s17, $0xb8;
	[tilespmem:$0x1FEA0] =	vst v63  }
0x2b: {  	s14 =	simm.s32 $0x50  }
0x2c: {  	[tilespmem:s21], [sflag:$0x3] =	stream.indirect.gather [hbm4b:s2+s17], $0x80, s14, s17, $0xb8;
	[tilespmem:$0x1FEA0] =	vst v63  }
0x2d: {  	s13 =	simm.s32 $0x78  }
0x2e: {  	[tilespmem:s23], [sflag:$0x4] =	stream.indirect.gather [hbm4b:s2+s17], $0x80, s13, s17, $0xb8;
	[tilespmem:$0x1FEA0] =	vst v63  }
0x2f: {  	s14 =	simm.s32 $0xA0  }
0x30: {  	[tilespmem:s26], [sflag:$0x5] =	stream.indirect.gather [hbm4b:s2+s17], $0x80, s14, s17, $0xb8;
	[tilespmem:$0x1FEA0] =	vst v63  }
0x31: {  	s13 =	simm.s32 $0xC8  }
0x32: {  	[tilespmem:s29], [sflag:$0x6] =	stream.indirect.gather [hbm4b:s2+s17], $0x80, s13, s17, $0xb8;
	[tilespmem:$0x1FEA0] =	vst v63  }
0x33: {  	s13 =	simm.s32 @p0 $0xD  }
0x34: {  	_ =	swait.ge @p0 [sflag:s13], $0x2800  }
0x35: {  	[sflag:s13] =	ssyncset.done @p0 $0x0  }
0x36: {  	[sflag:s13] =	ssyncadd.s32 @p0 $0xFFFFD800;
	s13 =	simm.s32 @!p0 $0xD  }
0x37: {  	_ =	swait.ge @!p0 [sflag:s13], $0x2700  }
0x38: {  	[sflag:s13] =	ssyncset.done @!p0 $0x0  }
0x39: {  	[sflag:s13] =	ssyncadd.s32 @!p0 $0xFFFFD900  }
0x3a: {  	[bflag:$0x0] =	sbarrier.arrive $0xFFFF  }
0x3b: {  	_ =	swait.ge [sflag:s30], $0x1400  }
0x3c: {  	[sflag:s30] =	ssyncset.done $0x0  }
0x3d: {  	s14 =	simm.s32 $0x2710;
	[sflag:s30] =	ssyncadd.s32 $0xFFFFEC00  }
0x3e: {  	[spmem:s3] =	stream.indirect.scatter.add.f32 [tilespmem:s18], [sflag:$0x7], $0x80, s14, s17, $0xb8;
	[tilespmem:$0x1FEA0] =	vst v63  }
0x3f: {  	_ =	swait.ge [sflag:s31], $0x1400  }
0x40: {  	[sflag:s31] =	ssyncset.done $0x0  }
0x41: {  	s11 =	simm.s32 $0x2738;
	[sflag:s31] =	ssyncadd.s32 $0xFFFFEC00  }
0x42: {  	[spmem:s3] =	stream.indirect.scatter.add.f32 [tilespmem:s19], [sflag:$0x8], $0x80, s11, s17, $0xb8;
	[tilespmem:$0x1FEA0] =	vst v63  }
0x43: {  	_ =	swait.ge [sflag:s1], $0x1400  }
0x44: {  	[sflag:s1] =	ssyncset.done $0x0  }
0x45: {  	s14 =	simm.s32 $0x2760;
	[sflag:s1] =	ssyncadd.s32 $0xFFFFEC00  }
0x46: {  	[spmem:s3] =	stream.indirect.scatter.add.f32 [tilespmem:s21], [sflag:$0x9], $0x80, s14, s17, $0xb8;
	[tilespmem:$0x1FEA0] =	vst v63  }
0x47: {  	_ =	swait.ge [sflag:s0], $0x1400  }
0x48: {  	[sflag:s0] =	ssyncset.done $0x0  }
0x49: {  	s11 =	simm.s32 $0x2788;
	[sflag:s0] =	ssyncadd.s32 $0xFFFFEC00  }
0x4a: {  	[spmem:s3] =	stream.indirect.scatter.add.f32 [tilespmem:s23], [sflag:$0xA], $0x80, s11, s17, $0xb8;
	[tilespmem:$0x1FEA0] =	vst v63  }
0x4b: {  	_ =	swait.ge [sflag:s15], $0x1400  }
0x4c: {  	[sflag:s15] =	ssyncset.done $0x0  }
0x4d: {  	s14 =	simm.s32 $0x27B0;
	[sflag:s15] =	ssyncadd.s32 $0xFFFFEC00  }
0x4e: {  	[spmem:s3] =	stream.indirect.scatter.add.f32 [tilespmem:s26], [sflag:$0xB], $0x80, s14, s17, $0xb8;
	[tilespmem:$0x1FEA0] =	vst v63  }
0x4f: {  	_ =	swait.ge [sflag:s20], $0x1400  }
0x50: {  	[sflag:s20] =	ssyncset.done $0x0  }
0x51: {  	s11 =	simm.s32 $0x27D8;
	[sflag:s20] =	ssyncadd.s32 $0xFFFFEC00  }
0x52: {  	[spmem:s3] =	stream.indirect.scatter.add.f32 [tilespmem:s29], [sflag:$0xC], $0x80, s11, s17, $0xb8;
	[tilespmem:$0x1FEA0] =	vst v63  }
0x53: {  	_ =	swait.ge [sflag:s22], $0x1400  }
0x54: {  	[sflag:s22] =	ssyncset.done $0x0  }
0x55: {  	s14 =	simm.s32 $0xF0;
	[sflag:s22] =	ssyncadd.s32 $0xFFFFEC00  }
0x56: {  	[tilespmem:s18], [sflag:$0x1] =	stream.indirect.gather [hbm4b:s2+s17], $0x80, s14, s17, $0xb8;
	[tilespmem:$0x1FEA0] =	vst v63  }
0x57: {  	_ =	swait.ge [sflag:s24], $0x1400  }
0x58: {  	[sflag:s24] =	ssyncset.done $0x0  }
0x59: {  	s11 =	simm.s32 $0x118;
	[sflag:s24] =	ssyncadd.s32 $0xFFFFEC00  }
0x5a: {  	[tilespmem:s19], [sflag:$0x2] =	stream.indirect.gather [hbm4b:s2+s17], $0x80, s11, s17, $0xb8;
	[tilespmem:$0x1FEA0] =	vst v63  }
0x5b: {  	_ =	swait.ge [sflag:s28], $0x1400  }
0x5c: {  	[sflag:s28] =	ssyncset.done $0x0  }
0x5d: {  	s14 =	simm.s32 $0x140;
	[sflag:s28] =	ssyncadd.s32 $0xFFFFEC00  }
0x5e: {  	[tilespmem:s21], [sflag:$0x3] =	stream.indirect.gather [hbm4b:s2+s17], $0x80, s14, s17, $0xb8;
	[tilespmem:$0x1FEA0] =	vst v63  }
0x5f: {  	_ =	swait.ge [sflag:s6], $0x1400  }
0x60: {  	[sflag:s6] =	ssyncset.done $0x0  }
0x61: {  	s11 =	simm.s32 $0x168;
	[sflag:s6] =	ssyncadd.s32 $0xFFFFEC00  }
0x62: {  	[tilespmem:s23], [sflag:$0x4] =	stream.indirect.gather [hbm4b:s2+s17], $0x80, s11, s17, $0xb8;
	[tilespmem:$0x1FEA0] =	vst v63  }
0x63: {  	_ =	swait.ge [sflag:s7], $0x1400  }
0x64: {  	[sflag:s7] =	ssyncset.done $0x0  }
0x65: {  	s14 =	simm.s32 $0x190;
	[sflag:s7] =	ssyncadd.s32 $0xFFFFEC00  }
0x66: {  	[tilespmem:s26], [sflag:$0x5] =	stream.indirect.gather [hbm4b:s2+s17], $0x80, s14, s17, $0xb8;
	[tilespmem:$0x1FEA0] =	vst v63  }
0x67: {  	_ =	swait.ge [sflag:s8], $0x1400  }
0x68: {  	[sflag:s8] =	ssyncset.done $0x0  }
0x69: {  	s13 =	simm.s32 $0x3C0;
	s14 =	simm.s32 $0x1B8;
	[sflag:s8] =	ssyncadd.s32 $0xFFFFEC00  }
.LBB2_2:
0x6a: {  	[tilespmem:s29], [sflag:$0x6] =	stream.indirect.gather [hbm4b:s2+s17], $0x80, s14, s17, $0xb8;
	[tilespmem:$0x1FEA0] =	vst v63  }
0x6b: {  	s14 =	smov.u32 s13  }
0x6c: {  	p1 =	sne.s32 s13, $0x9240;
	s13 =	sadd.s32 $0x3C0, s13;
	_ =	swait.ge [sflag:s30], $0x1400  }
0x6d: {  	s14 =	sshra.s32 s14, $0x2;
	[sflag:s30] =	ssyncset.done $0x0  }
0x6e: {  	s11 =	sadd.s32 $0x2710, s14;
	[sflag:s30] =	ssyncadd.s32 $0xFFFFEC00  }
0x6f: {  	[spmem:s3] =	stream.indirect.scatter.add.f32 [tilespmem:s18], [sflag:$0x7], $0x80, s11, s17, $0xb8;
	[tilespmem:$0x1FEA0] =	vst v63  }
0x70: {  	_ =	swait.ge [sflag:s31], $0x1400  }
0x71: {  	[sflag:s31] =	ssyncset.done $0x0  }
0x72: {  	s11 =	sadd.s32 $0x2738, s14;
	[sflag:s31] =	ssyncadd.s32 $0xFFFFEC00  }
0x73: {  	[spmem:s3] =	stream.indirect.scatter.add.f32 [tilespmem:s19], [sflag:$0x8], $0x80, s11, s17, $0xb8;
	[tilespmem:$0x1FEA0] =	vst v63  }
0x74: {  	_ =	swait.ge [sflag:s1], $0x1400  }
0x75: {  	[sflag:s1] =	ssyncset.done $0x0  }
0x76: {  	s11 =	sadd.s32 $0x2760, s14;
	[sflag:s1] =	ssyncadd.s32 $0xFFFFEC00  }
0x77: {  	[spmem:s3] =	stream.indirect.scatter.add.f32 [tilespmem:s21], [sflag:$0x9], $0x80, s11, s17, $0xb8;
	[tilespmem:$0x1FEA0] =	vst v63  }
0x78: {  	_ =	swait.ge [sflag:s0], $0x1400  }
0x79: {  	[sflag:s0] =	ssyncset.done $0x0  }
0x7a: {  	s11 =	sadd.s32 $0x2788, s14;
	[sflag:s0] =	ssyncadd.s32 $0xFFFFEC00  }
0x7b: {  	[spmem:s3] =	stream.indirect.scatter.add.f32 [tilespmem:s23], [sflag:$0xA], $0x80, s11, s17, $0xb8;
	[tilespmem:$0x1FEA0] =	vst v63  }
0x7c: {  	_ =	swait.ge [sflag:s15], $0x1400  }
0x7d: {  	[sflag:s15] =	ssyncset.done $0x0  }
0x7e: {  	s11 =	sadd.s32 $0x27B0, s14;
	[sflag:s15] =	ssyncadd.s32 $0xFFFFEC00  }
0x7f: {  	[spmem:s3] =	stream.indirect.scatter.add.f32 [tilespmem:s26], [sflag:$0xB], $0x80, s11, s17, $0xb8;
	[tilespmem:$0x1FEA0] =	vst v63  }
0x80: {  	_ =	swait.ge [sflag:s20], $0x1400  }
0x81: {  	[sflag:s20] =	ssyncset.done $0x0  }
0x82: {  	s11 =	sadd.s32 $0x27D8, s14;
	[sflag:s20] =	ssyncadd.s32 $0xFFFFEC00  }
0x83: {  	[spmem:s3] =	stream.indirect.scatter.add.f32 [tilespmem:s29], [sflag:$0xC], $0x80, s11, s17, $0xb8;
	[tilespmem:$0x1FEA0] =	vst v63  }
0x84: {  	_ =	swait.ge [sflag:s22], $0x1400  }
0x85: {  	[sflag:s22] =	ssyncset.done $0x0  }
0x86: {  	s11 =	sadd.s32 $0xF0, s14;
	[sflag:s22] =	ssyncadd.s32 $0xFFFFEC00  }
0x87: {  	[tilespmem:s18], [sflag:$0x1] =	stream.indirect.gather [hbm4b:s2+s17], $0x80, s11, s17, $0xb8;
	[tilespmem:$0x1FEA0] =	vst v63  }
0x88: {  	_ =	swait.ge [sflag:s24], $0x1400  }
0x89: {  	[sflag:s24] =	ssyncset.done $0x0  }
0x8a: {  	s11 =	sadd.s32 $0x118, s14;
	[sflag:s24] =	ssyncadd.s32 $0xFFFFEC00  }
0x8b: {  	[tilespmem:s19], [sflag:$0x2] =	stream.indirect.gather [hbm4b:s2+s17], $0x80, s11, s17, $0xb8;
	[tilespmem:$0x1FEA0] =	vst v63  }
0x8c: {  	_ =	swait.ge [sflag:s28], $0x1400  }
0x8d: {  	[sflag:s28] =	ssyncset.done $0x0  }
0x8e: {  	s11 =	sadd.s32 $0x140, s14;
	[sflag:s28] =	ssyncadd.s32 $0xFFFFEC00  }
0x8f: {  	[tilespmem:s21], [sflag:$0x3] =	stream.indirect.gather [hbm4b:s2+s17], $0x80, s11, s17, $0xb8;
	[tilespmem:$0x1FEA0] =	vst v63  }
0x90: {  	_ =	swait.ge [sflag:s6], $0x1400  }
0x91: {  	[sflag:s6] =	ssyncset.done $0x0  }
0x92: {  	s11 =	sadd.s32 $0x168, s14;
	[sflag:s6] =	ssyncadd.s32 $0xFFFFEC00  }
0x93: {  	[tilespmem:s23], [sflag:$0x4] =	stream.indirect.gather [hbm4b:s2+s17], $0x80, s11, s17, $0xb8;
	[tilespmem:$0x1FEA0] =	vst v63  }
0x94: {  	_ =	swait.ge [sflag:s7], $0x1400  }
0x95: {  	[sflag:s7] =	ssyncset.done $0x0  }
.Ltmp0:
0x96: {  	s11 =	sadd.s32 $0x190, s14;
	[sflag:s7] =	ssyncadd.s32 $0xFFFFEC00;
	(pc) =	sbr.rel @p1 .LBB2_2-.Ltmp0, $4  }
0x97: {  	[tilespmem:s26], [sflag:$0x5] =	stream.indirect.gather [hbm4b:s2+s17], $0x80, s11, s17, $0xb8;
	[tilespmem:$0x1FEA0] =	vst v63  }
0x98: {  	_ =	swait.ge [sflag:s8], $0x1400  }
0x99: {  	[sflag:s8] =	ssyncset.done $0x0  }
0x9a: {  	s14 =	sadd.s32 $0x1B8, s14;
	[sflag:s8] =	ssyncadd.s32 $0xFFFFEC00  }
0x9b: {  	[tilespmem:s29], [sflag:$0x6] =	stream.indirect.gather [hbm4b:s2+s17], $0x80, s14, s17, $0xb8;
	[tilespmem:$0x1FEA0] =	vst v63  }
0x9c: {  	_ =	swait.ge [sflag:s30], $0x1400  }
0x9d: {  	[sflag:s30] =	ssyncset.done $0x0  }
0x9e: {  	s11 =	simm.s32 $0x4C90;
	[sflag:s30] =	ssyncadd.s32 $0xFFFFEC00  }
0x9f: {  	[spmem:s3] =	stream.indirect.scatter.add.f32 [tilespmem:s18], [sflag:$0x7], $0x80, s11, s17, $0xb8;
	[tilespmem:$0x1FEA0] =	vst v63  }
0xa0: {  	_ =	swait.ge [sflag:s31], $0x1400  }
0xa1: {  	[sflag:s31] =	ssyncset.done $0x0  }
0xa2: {  	s13 =	simm.s32 $0x4CB8;
	[sflag:s31] =	ssyncadd.s32 $0xFFFFEC00  }
0xa3: {  	[spmem:s3] =	stream.indirect.scatter.add.f32 [tilespmem:s19], [sflag:$0x8], $0x80, s13, s17, $0xb8;
	[tilespmem:$0x1FEA0] =	vst v63  }
0xa4: {  	_ =	swait.ge [sflag:s1], $0x1400  }
0xa5: {  	[sflag:s1] =	ssyncset.done $0x0  }
0xa6: {  	s14 =	simm.s32 $0x4CE0;
	[sflag:s1] =	ssyncadd.s32 $0xFFFFEC00  }
0xa7: {  	[spmem:s3] =	stream.indirect.scatter.add.f32 [tilespmem:s21], [sflag:$0x9], $0x80, s14, s17, $0xb8;
	[tilespmem:$0x1FEA0] =	vst v63  }
0xa8: {  	_ =	swait.ge [sflag:s0], $0x1400  }
0xa9: {  	[sflag:s0] =	ssyncset.done $0x0  }
0xaa: {  	s13 =	simm.s32 $0x4D08;
	[sflag:s0] =	ssyncadd.s32 $0xFFFFEC00  }
0xab: {  	[spmem:s3] =	stream.indirect.scatter.add.f32 [tilespmem:s23], [sflag:$0xA], $0x80, s13, s17, $0xb8;
	[tilespmem:$0x1FEA0] =	vst v63  }
0xac: {  	_ =	swait.ge [sflag:s15], $0x1400  }
0xad: {  	[sflag:s15] =	ssyncset.done $0x0  }
0xae: {  	s14 =	simm.s32 $0x4D30;
	[sflag:s15] =	ssyncadd.s32 $0xFFFFEC00  }
0xaf: {  	[spmem:s3] =	stream.indirect.scatter.add.f32 [tilespmem:s26], [sflag:$0xB], $0x80, s14, s17, $0xb8;
	[tilespmem:$0x1FEA0] =	vst v63  }
0xb0: {  	_ =	swait.ge [sflag:s20], $0x1400  }
0xb1: {  	[sflag:s20] =	ssyncset.done $0x0  }
0xb2: {  	s13 =	simm.s32 $0x4D58;
	[sflag:s20] =	ssyncadd.s32 $0xFFFFEC00  }
0xb3: {  	[spmem:s3] =	stream.indirect.scatter.add.f32 [tilespmem:s29], [sflag:$0xC], $0x80, s13, s17, $0xb8;
	[tilespmem:$0x1FEA0] =	vst v63  }
0xb4: {  	_ =	swait.ge [sflag:s22], $0x1400  }
0xb5: {  	[sflag:s22] =	ssyncset.done $0x0  }
0xb6: {  	s14 =	simm.s32 $0x2670;
	[sflag:s22] =	ssyncadd.s32 $0xFFFFEC00  }
0xb7: {  	[tilespmem:s18], [sflag:$0x1] =	stream.indirect.gather [hbm4b:s2+s17], $0x80, s14, s17, $0xb8;
	[tilespmem:$0x1FEA0] =	vst v63  }
0xb8: {  	_ =	swait.ge [sflag:s24], $0x1400  }
0xb9: {  	[sflag:s24] =	ssyncset.done $0x0  }
0xba: {  	s13 =	simm.s32 $0x2698;
	[sflag:s24] =	ssyncadd.s32 $0xFFFFEC00  }
0xbb: {  	[tilespmem:s19], [sflag:$0x2] =	stream.indirect.gather [hbm4b:s2+s17], $0x80, s13, s17, $0xb8;
	[tilespmem:$0x1FEA0] =	vst v63  }
0xbc: {  	_ =	swait.ge [sflag:s28], $0x1400  }
0xbd: {  	[sflag:s28] =	ssyncset.done $0x0  }
0xbe: {  	s14 =	simm.s32 $0x26C0;
	[sflag:s28] =	ssyncadd.s32 $0xFFFFEC00  }
0xbf: {  	[tilespmem:s21], [sflag:$0x3] =	stream.indirect.gather [hbm4b:s2+s17], $0x80, s14, s17, $0xb8;
	[tilespmem:$0x1FEA0] =	vst v63  }
0xc0: {  	_ =	swait.ge [sflag:s6], $0x1400  }
0xc1: {  	[sflag:s6] =	ssyncset.done $0x0  }
0xc2: {  	s13 =	simm.s32 $0x26E8;
	[sflag:s6] =	ssyncadd.s32 $0xFFFFEC00  }
0xc3: {  	[tilespmem:s23], [sflag:$0x4] =	stream.indirect.gather [hbm4b:s2+s17], $0x80, s13, s17, $0xb8;
	[tilespmem:$0x1FEA0] =	vst v63  }
0xc4: {  	_ =	swait.ge [sflag:s7], $0x1400  }
0xc5: {  	[sflag:s7] =	ssyncset.done $0x0  }
0xc6: {  	[sflag:s7] =	ssyncadd.s32 $0xFFFFEC00  }
0xc7: {  	_ =	swait.ge [sflag:s8], $0x1400  }
0xc8: {  	[sflag:s8] =	ssyncset.done $0x0  }
0xc9: {  	[sflag:s8] =	ssyncadd.s32 $0xFFFFEC00  }
0xca: {  	_ =	swait.ge [sflag:s30], $0x1400  }
0xcb: {  	[sflag:s30] =	ssyncset.done $0x0  }
0xcc: {  	s14 =	simm.s32 $0x4D80;
	[sflag:s30] =	ssyncadd.s32 $0xFFFFEC00  }
0xcd: {  	[spmem:s3] =	stream.indirect.scatter.add.f32 [tilespmem:s18], [sflag:$0xF], $0x80, s14, s17, $0xb8;
	[tilespmem:$0x1FEA0] =	vst v63  }
0xce: {  	_ =	swait.ge [sflag:s9], $0x1400  }
0xcf: {  	[sflag:s9] =	ssyncset.done $0x0  }
0xd0: {  	[sflag:s9] =	ssyncadd.s32 $0xFFFFEC00  }
0xd1: {  	_ =	swait.ge [sflag:s31], $0x1400  }
0xd2: {  	[sflag:s31] =	ssyncset.done $0x0  }
0xd3: {  	s13 =	simm.s32 $0x4DA8;
	[sflag:s31] =	ssyncadd.s32 $0xFFFFEC00  }
0xd4: {  	[spmem:s3] =	stream.indirect.scatter.add.f32 [tilespmem:s19], [sflag:$0xF], $0x80, s13, s17, $0xb8;
	[tilespmem:$0x1FEA0] =	vst v63  }
0xd5: {  	_ =	swait.ge [sflag:s9], $0x1400  }
0xd6: {  	[sflag:s9] =	ssyncset.done $0x0  }
0xd7: {  	[sflag:s9] =	ssyncadd.s32 $0xFFFFEC00  }
0xd8: {  	_ =	swait.ge [sflag:s1], $0x1400  }
0xd9: {  	[sflag:s1] =	ssyncset.done $0x0  }
0xda: {  	s14 =	simm.s32 $0x4DD0;
	[sflag:s1] =	ssyncadd.s32 $0xFFFFEC00  }
0xdb: {  	[spmem:s3] =	stream.indirect.scatter.add.f32 [tilespmem:s21], [sflag:$0xF], $0x80, s14, s17, $0xb8;
	[tilespmem:$0x1FEA0] =	vst v63  }
0xdc: {  	_ =	swait.ge [sflag:s9], $0x1400  }
0xdd: {  	[sflag:s9] =	ssyncset.done $0x0  }
0xde: {  	[sflag:s9] =	ssyncadd.s32 $0xFFFFEC00  }
0xdf: {  	_ =	swait.ge [sflag:s0], $0x1400  }
0xe0: {  	[sflag:s0] =	ssyncset.done $0x0  }
0xe1: {  	s13 =	simm.s32 $0x4DF8;
	[sflag:s0] =	ssyncadd.s32 $0xFFFFEC00  }
0xe2: {  	[spmem:s3] =	stream.indirect.scatter.add.f32 [tilespmem:s23], [sflag:$0xF], $0x80, s13, s17, $0xb8;
	[tilespmem:$0x1FEA0] =	vst v63  }
0xe3: {  	_ =	swait.ge [sflag:s9], $0x1400  }
0xe4: {  	[sflag:s9] =	ssyncset.done $0x0  }
0xe5: {  	[sflag:s9] =	ssyncadd.s32 $0xFFFFEC00  }
0xe6: {  	[bflag:$0x0] =	sbarrier.arrive $0xFFFF  }
0xe7: {  	s11 =	simm.s32 @p0 $0x1FCF;
	s13 =	rddreg [dreg:$0x7]  }
0xe8: {  	[hbm:s13], [sflag:s11] =	dma.local @p0 [spmem:s12], $0x2800  }
0xe9: {  	s11 =	simm.s32 @p0 $0xF  }
0xea: {  	_ =	swait.ge @p0 [sflag:s11], $0x2800  }
0xeb: {  	[sflag:s11] =	ssyncset.done @p0 $0x0  }
0xec: {  	[sflag:s11] =	ssyncadd.s32 @p0 $0xFFFFD800;
	s11 =	rddreg [dreg:$0x9]  }
0xed: {  	s13 =	rddreg [dreg:$0x6];
	s11 =	sor.u32 @!p0 $0x1C0F, s11  }
0xee: {  	[hbm:s13], [sflag:s11] =	dma.local @!p0 [spmem:s25], $0x2700  }
0xef: {  	s11 =	simm.s32 @!p0 $0xF  }
0xf0: {  	_ =	swait.ge @!p0 [sflag:s11], $0x2700  }
0xf1: {  	s10 =	sadd.s32 $0x1, s10;
	s14 =	rddreg [dreg:$0x8]  }
0xf2: {  	p1 =	sne.s32 s10, s14  }
.Ltmp1:
0xf3: {  	_ = 	snop;
	(pc) =	sbr.rel @p1 .LBB2_1-.Ltmp1, $3  }
0xf4: {  	_ =	sdelay $0x1  }
0xf5: {  	[sflag:s11] =	ssyncset.done @!p0 $0x0  }
0xf6: {  	[sflag:s11] =	ssyncadd.s32 @!p0 $0xFFFFD900  }
0xf7: {  	_ =	sfence.sel $0x180000  }
0xf8: {  	[bflag:$0x0] =	sbarrier.arrive $0xFFFF  }
0xf9: {  	_ =	strace $0x9000004D  }
0xfa: {  	s0 =	stileid.u32;
	[bflag:$0x2] =	sbarrier.arrive $0xFFFF  }
0xfb: {  	p0 =	sne.s32 s0, $0x0;
	s0 =	rddreg [dreg:$0x3]  }
0xfc: {  	s0 =	sadd.s32 @!p0 $0x100000, s0  }
0xfd: {  	[sflag:s0] =	ssyncadd.tile.s32 @!p0 $0x1;
	_ =	shalt  }
.Lfunc_end2:
_tile_overlayer_lowered:
.L_overlay_start_2:
0xfe: {  	(tag) =	ssettag $0x2  }
0xff: {  	s0 =	rddreg [dreg:$0x0];
	s2 =	stileid.u32  }
0x100: {  	s1 =	rddreg [dreg:$0x1];
	p0 =	sne.s32 s2, $0x0  }
0x101: {  	s3 =	rddreg [dreg:$0x2];
	[bflag:$0x3] =	sbarrier.arrive $0xFFFF;
	s2 =	simm.s32 @!p0 $0x1C0F  }
0x102: {  	[timem:s3], [sflag:s2] =	dma.local @!p0 [hbm:s0], s1  }
0x103: {  	s0 =	simm.s32 @!p0 $0xF  }
0x104: {  	_ =	swait.ge @!p0 [sflag:s0], s1  }
0x105: {  	s1 =	ssub.s32 @!p0 $0x0, s1;
	[sflag:s0] =	ssyncset.done @!p0 $0x0  }
0x106: {  	[sflag:s0] =	ssyncadd.s32 @!p0 s1  }
0x107: {  	[bflag:$0x3] =	sbarrier.arrive $0xFFFF  }
0x108: {  	_ =	shalt  }

// kernel: kernel.8.cloned.1.call-start
scs
__scs_entry_jumppad:
0x0: {  	(pc) =	sbr.rel $0x88, $3  }
0x1: {  	(tag) =	ssettag $0x0;
	lr =	simm.s32 $0x1  }
0x2: {  	[smem:$0x3F94] =	sst lr;
	_ =	strace $0xD0000000  }
0x3: {  	_ = 	snop  }
0x4: {  	_ = 	snop  }
0x5: {  	_ = 	snop  }
0x6: {  	_ = 	snop  }
0x7: {  	_ = 	snop  }
__scs_overlays_trampoline_lowered:
0x8: {  	[smem:$0x3FA3] =	sst s0  }
0x9: {  	[smem:$0x3FA4] =	sst s1  }
0xa: {  	[smem:$0x3FA5] =	sst s2  }
0xb: {  	[smem:$0x3FA6] =	sst s3  }
0xc: {  	[smem:$0x3FA7] =	sst s4  }
0xd: {  	[smem:$0x3FA8] =	sst s5  }
0xe: {  	[smem:$0x3FA9] =	sst s6  }
0xf: {  	[smem:$0x3FAA] =	sst s7  }
0x10: {  	[smem:$0x3FAB] =	sst s8  }
0x11: {  	[smem:$0x3FAC] =	sst s9;
	s0 =	simm.s32 @!p0 $0x0  }
0x12: {  	s1 =	sld [smem:$0x3F92];
	s0 =	simm.s32 @p0 $0x1  }
0x13: {  	[smem:$0x3FAD] =	sst s0;
	s0 =	simm.s32 @!p1 $0x0  }
0x14: {  	s2 =	sld [smem:$0x3F91];
	s0 =	simm.s32 @p1 $0x1  }
0x15: {  	[smem:$0x3FAE] =	sst s0;
	s0 =	simm.s32 @!p2 $0x0  }
0x16: {  	s3 =	sld [smem:$0x3FDB];
	s0 =	simm.s32 @p2 $0x1  }
0x17: {  	s4 =	simm.s32 $0x1BF5;
	[smem:$0x3FB0] =	sst s0  }
0x18: {  	s0 =	sld [smem:$0x3F93];
	_ =	swait.ge [sflag:s4], $0x0  }
0x19: {  	s7 =	sld [smem:$0x3F94]  }
0x1a: {  	s8 =	sadd.s32 $0xFFFFE003, lr  }
0x1b: {  	s9 =	sadd.s32 $0xFFFFFEF7, lr;
	s5 =	simm.s32 $0xFFFFFFFF;
	p2 =	slt.u32 s8, $0xFFFFF086  }
0x1c: {  	p1 =	slt.u32 s9, $0xF7A;
	s5 =	simm.s32 @!p2 $0x0  }
0x1d: {  	s5 =	simm.s32 @p1 $0x1;
	p0 =	seq.s32 s7, s2  }
0x1e: {  	s7 =	smul.u32 @!p0 $0xF7A, s2;
	p2 =	seq.s32 @!p0 s5, $0x0  }
0x1f: {  	s9 =	smul.u32 $0xF7A, s1;
	s8 =	simm.s32 @!p0 $0x1BF5;
	p2 =	por !p2, p0  }
0x20: {  	[sflag:s8] =	ssyncset.s32 @!p0 $0xFFFFF086;
	s6 =	sadd.s32 @!p0 s3, s7;
	s7 =	simm.s32 @!p0 $0x108  }
0x21: {  	s3 =	sadd.s32 s3, s9;
	s6 =	sadd.s32 @!p0 $0x88, s6;
	s7 =	simm.s32 @p2 $0x1082  }
0x22: {  	[simem:s7], [sflag:s8] =	dma.local @!p0 [hbm:s6], $0xF7A  }
0x23: {  	s9 =	sor.u32 $0xD0000000, s2;
	s6 =	simm.s32 $0x108;
	_ =	swait.ge @!p0 [sflag:s8], $0x0  }
0x24: {  	s3 =	sadd.s32 $0x88, s3;
	s6 =	simm.s32 @!p1 $0x1082;
	[sflag:s4] =	ssyncset.s32 $0xFFFFF086  }
0x25: {  	[simem:s6], [sflag:s4] =	dma.local [hbm:s3], $0xF7A  }
0x26: {  	[smem:$0x3F94] =	sst s1;
	(tag) =	ssettag s2;
	_ =	strace s9  }
0x27: {  	s1 =	sld [smem:$0x3FA4]  }
0x28: {  	s2 =	sld [smem:$0x3FA5]  }
0x29: {  	s4 =	sld [smem:$0x3FA7]  }
0x2a: {  	p0 =	seq.s32 s5, $0x0;
	s5 =	sld [smem:$0x3FA8]  }
0x2b: {  	s6 =	sld [smem:$0x3FA9]  }
0x2c: {  	s7 =	sld [smem:$0x3FAA]  }
0x2d: {  	s3 =	simm.s32 $0x108;
	s8 =	sld [smem:$0x3FAB]  }
0x2e: {  	s3 =	simm.s32 @!p0 $0x1082;
	s9 =	sld [smem:$0x3FAC]  }
0x2f: {  	lr =	sadd.s32 s0, s3;
	s0 =	sld [smem:$0x3FA3]  }
0x30: {  	s3 =	sld [smem:$0x3FA6]  }
0x31: {  	[smem:$0x3FAF] =	sst s10  }
0x32: {  	s10 =	sld [smem:$0x3FAD];
	_ =	sdelay $0x3  }
0x33: {  	p0 =	seq.s32 s10, $0x1;
	s10 =	sld [smem:$0x3FAF];
	_ =	sdelay $0x3  }
0x34: {  	[smem:$0x3FAF] =	sst s10  }
0x35: {  	s10 =	sld [smem:$0x3FAE];
	_ =	sdelay $0x3  }
0x36: {  	p1 =	seq.s32 s10, $0x1;
	s10 =	sld [smem:$0x3FAF];
	_ =	sdelay $0x3  }
0x37: {  	[smem:$0x3FAF] =	sst s10  }
0x38: {  	s10 =	sld [smem:$0x3FB0]  }
0x39: {  	_ = 	snop;
	(pc) =	sbr.ind lr, $3  }
0x3a: {  	_ = 	snop  }
0x3b: {  	_ = 	snop  }
0x3c: {  	p2 =	seq.s32 s10, $0x1;
	s10 =	sld [smem:$0x3FAF]  }
0x3d: {  	_ =	shalt  }
0x3e: {  	_ =	shalt  }
0x3f: {  	_ =	shalt  }
0x40: {  	_ =	shalt  }
0x41: {  	_ =	shalt  }
0x42: {  	_ =	shalt  }
0x43: {  	_ =	shalt  }
0x44: {  	_ =	shalt  }
0x45: {  	_ =	shalt  }
0x46: {  	_ =	shalt  }
0x47: {  	_ =	shalt  }
0x48: {  	_ =	shalt  }
0x49: {  	_ =	shalt  }
0x4a: {  	_ =	shalt  }
0x4b: {  	_ =	shalt  }
0x4c: {  	_ =	shalt  }
0x4d: {  	_ =	shalt  }
0x4e: {  	_ =	shalt  }
0x4f: {  	_ =	shalt  }
0x50: {  	_ =	shalt  }
0x51: {  	_ =	shalt  }
0x52: {  	_ =	shalt  }
0x53: {  	_ =	shalt  }
0x54: {  	_ =	shalt  }
0x55: {  	_ =	shalt  }
0x56: {  	_ =	shalt  }
0x57: {  	_ =	shalt  }
0x58: {  	_ =	shalt  }
0x59: {  	_ =	shalt  }
0x5a: {  	_ =	shalt  }
0x5b: {  	_ =	shalt  }
0x5c: {  	_ =	shalt  }
0x5d: {  	_ =	shalt  }
0x5e: {  	_ =	shalt  }
0x5f: {  	_ =	shalt  }
0x60: {  	_ =	shalt  }
0x61: {  	_ =	shalt  }
0x62: {  	_ =	shalt  }
0x63: {  	_ =	shalt  }
0x64: {  	_ =	shalt  }
0x65: {  	_ =	shalt  }
0x66: {  	_ =	shalt  }
0x67: {  	_ =	shalt  }
0x68: {  	_ =	shalt  }
0x69: {  	_ =	shalt  }
0x6a: {  	_ =	shalt  }
0x6b: {  	_ =	shalt  }
0x6c: {  	_ =	shalt  }
0x6d: {  	_ =	shalt  }
0x6e: {  	_ =	shalt  }
0x6f: {  	_ =	shalt  }
0x70: {  	_ =	shalt  }
0x71: {  	_ =	shalt  }
0x72: {  	_ =	shalt  }
0x73: {  	_ =	shalt  }
0x74: {  	_ =	shalt  }
0x75: {  	_ =	shalt  }
0x76: {  	_ =	shalt  }
0x77: {  	_ =	shalt  }
0x78: {  	_ =	shalt  }
0x79: {  	_ =	shalt  }
0x7a: {  	_ =	shalt  }
0x7b: {  	_ =	shalt  }
0x7c: {  	_ =	shalt  }
0x7d: {  	_ =	shalt  }
0x7e: {  	_ =	shalt  }
0x7f: {  	_ =	shalt  }
0x80: {  	_ =	shalt  }
0x81: {  	_ =	shalt  }
0x82: {  	_ =	shalt  }
0x83: {  	_ =	shalt  }
0x84: {  	_ =	shalt  }
0x85: {  	_ =	shalt  }
0x86: {  	_ =	shalt  }
0x87: {  	_ =	shalt  }
.Lfunc_end0:
.L_simem_size_0:
called_computation_lowered:
.L_overlay_start_0:
0x88: {  	s2 =	sld [smem:$0x3FD9]  }
0x89: {  	s3 =	sld [smem:$0x3FFE];
	_ =	sdelay $0x1  }
0x8a: {  	s1 =	srdreg.scid  }
0x8b: {  	s0 =	sand.u32 $0x1, s1  }
0x8c: {  	s17 =	sshll.u32 s0, $0xA;
	s2 =	sadd.s32 s3, s2  }
0x8d: {  	s2 =	sadd.s32 s2, s17  }
0x8e: {  	[smem:$0x3FBB] =	sst s2  }
0x8f: {  	_ = 	snop  }
0x90: {  	s2 =	sld [smem:$0x3FC9];
	(tm) =	ssettm $0x1  }
0x91: {  	s18 =	sld [smem:$0x3FFB];
	_ =	sdelay $0x3  }
0x92: {  	_ =	strace s18  }
0x93: {  	s3 =	sld [smem:$0x3FFC];
	_ =	sdelay $0x3  }
0x94: {  	_ =	strace s3  }
0x95: {  	s3 =	sld [smem:$0x3FFD];
	_ =	sdelay $0x3  }
0x96: {  	_ =	strace s3  }
0x97: {  	_ =	strace $0x8FFFFFFF  }
0x98: {  	s19 =	sld [smem:$0x3FDB];
	_ =	sdelay $0x1  }
0x99: {  	s4 =	simm.s32 $_scs_section_size  }
0x9a: {  	s5 =	simm.s32 $_size__tile_overlayer_lowered;
	s6 =	simm.s32 $_tile_overlayer_lowered  }
0x9b: {  	s22 =	simm.s32 $0x1BFF;
	s21 =	sshll.u32 s6, $0x1;
	s3 =	sadd.s32 s4, s19  }
0x9c: {  	s7 =	simm.s32 $0x0;
	s20 =	sshll.u32 s5, $0x1;
	s5 =	sadd.s32 s21, s3  }
0x9d: {  	[timem:s7], [sflag:s22] =	dma.local [hbm:s5], s20  }
0x9e: {  	_ =	swait.ge [sflag:s22], s20  }
0x9f: {  	s4 =	ssub.s32 $0x0, s20;
	[sflag:s22] =	ssyncset.done $0x0  }
0xa0: {  	[sflag:s22] =	ssyncadd.s32 s4;
	_ =	sdelay $0x1  }
0xa1: {  	s23 =	simm.s32 $0x1B8B  }
0xa2: {  	_ =	swait.ge [sflag:s23], $0x1  }
0xa3: {  	[sflag:s23] =	ssyncset.done $0x0  }
0xa4: {  	s25 =	simm.s32 $0x1B8E;
	s24 =	sld [smem:$0x3FFE];
	[sflag:s23] =	ssyncadd.s32 $0xFFFFFFFF  }
0xa5: {  	s26 =	simm.s32 $execute0_lowered;
	[smem:$0x3FD2] =	sst s25  }
0xa6: {  	s5 =	sshll.u32 s26, $0x1;
	_ =	strace $0x80000046;
	[dreg:$0x1] =	wrdreg $0xFFFFFFFF  }
0xa7: {  	s28 =	simm.s32 $_size_execute0_lowered;
	s3 =	sadd.s32 s3, s5;
	[dreg:$0x0] =	wrdreg $0x0  }
0xa8: {  	s5 =	sshll.u32 s28, $0x1;
	[dreg:$0x2] =	wrdreg s3  }
0xa9: {  	[dreg:$0x3] =	wrdreg s5  }
0xaa: {  	[dreg:$0x4] =	wrdreg $0xC0  }
0xab: {  	_ =	task [dreg:s7], $0x5FFFF  }
0xac: {  	[dreg:$0x1] =	wrdreg $0xFFFFFFFF  }
0xad: {  	[dreg:$0x0] =	wrdreg $0x60  }
0xae: {  	[dreg:$0x2] =	wrdreg s24  }
0xaf: {  	[dreg:$0x3] =	wrdreg s2  }
0xb0: {  	[dreg:$0x4] =	wrdreg $0xC6200  }
0xb1: {  	[dreg:$0x5] =	wrdreg $0x9  }
0xb2: {  	_ =	task.clear_ibuf [dreg:s7], $0x6FFFF;
	_ =	strace $0x90000046  }
0xb3: {  	s29 =	simm.s32 $0x9;
	_ =	strace $0x80000048  }
0xb4: {  	_ =	swait.ge [sflag:s29], $0x1  }
0xb5: {  	[sflag:s29] =	ssyncadd.s32 $0xFFFFFFFF  }
0xb6: {  	_ =	strace $0x90000048  }
0xb7: {  	_ =	sfence  }
0xb8: {  	s30 =	sld [smem:$0x0];
	_ =	sdelay $0x2  }
0xb9: {  	s31 =	sshll.u32 s1, $0xD;
	s1 =	sshrl.u32 s1, $0x2  }
0xba: {  	s3 =	sand.u32 $0x4000, s31;
	s1 =	sadd.s32 s1, s30  }
0xbb: {  	s0 =	sor.u32 s3, s0;
	s1 =	sshll.u32 s1, $0x11  }
0xbc: {  	s0 =	sor.u32 s1, s0  }
0xbd: {  	s0 =	sadd.s32 $0x8F2B, s0  }
0xbe: {  	[sflag:s0] =	ssyncadd.remote.s32 $0x1  }
0xbf: {  	_ =	sfence.sel $0xFFFF  }
0xc0: {  	[dreg:$0x0] =	wrdreg $0xFFFFFFFF;
	(pc) =	sbr.abs _section_cstart, $3  }
0xc1: {  	[dreg:$0x1] =	wrdreg $0xFFFFFFFF  }
0xc2: {  	_ =	task.clear_ibuf [dreg:s7], $0x2FFFF;
	_ =	strace $0x9FFFFFFF  }
0xc3: {  	(tm) =	ssettm $0x7FFFFFFF  }
tec
execute0_lowered:
.L_overlay_start_1:
0x0: {  	(tag) =	ssettag $0x1  }
0x1: {  	s0 =	rddreg [dreg:$0x0];
	s1 =	srdreg.scid  }
0x2: {  	s11 =	stileid.u32;
	s2 =	rddreg [dreg:$0x1]  }
0x3: {  	s3 =	rddreg [dreg:$0x2];
	s16 =	simm.s32 $0xE;
	s17 =	simm.s32 $0x28  }
0x4: {  	s18 =	simm.s32 $0x4E20;
	s19 =	simm.s32 $0x6220;
	s21 =	simm.s32 $0x7620  }
0x5: {  	s29 =	simm.s32 $0xB220;
	s30 =	simm.s32 $0x1;
	s31 =	simm.s32 $0x2  }
0x6: {  	s15 =	simm.s32 $0x5;
	s20 =	simm.s32 $0x6;
	s22 =	simm.s32 $0x7  }
0x7: {  	s28 =	simm.s32 $0x9;
	s1 =	sand.u32 $0x1, s1;
	s6 =	smul.u32 $0x4E000, s11  }
0x8: {  	s4 =	sshll.u32 s11, $0x1;
	s9 =	smul.u32 $0x13800, s11;
	s12 =	sadd.s32 $0x124800, s3  }
0x9: {  	p0 =	seq.s32 s11, $0xF;
	s5 =	sor.u32 s1, s4;
	s4 =	simm.s32 $0x0  }
0xa: {  	s8 =	smul.u32 $0x138800, s1;
	s1 =	ssub.s32 $0x2, s1;
	s12 =	sshrl.u32 @p0 s12, $0x3  }
0xb: {  	s5 =	smul.u32 $0x4E2, s5;
	[smem:$0x7FF] =	sst s4;
	s10 =	sshrl.u32 s1, $0x1  }
0xc: {  	s6 =	sshrl.u32 s6, $0x2;
	_ =	strace $0x80000047;
	s1 =	ssub.s32 s1, s10  }
0xd: {  	s6 =	sadd.s32 s6, s3;
	s23 =	sadd.s32 s9, s8;
	s25 =	sshrl.u32 s8, $0x3  }
0xe: {  	s8 =	sadd.s32 s9, s3;
	s9 =	simm.s32 $0xF;
	s7 =	sadd.s32 s5, s0  }
0xf: {  	s5 =	sadd.s32 $0x17800, s0;
	s0 =	sadd.s32 $0x1A000, s0;
	s10 =	sshrl.u32 s23, $0x3  }
0x10: {  	s26 =	smax.u32 s1, $0x1;
	s23 =	simm.s32 $0x8A20;
	s1 =	simm.s32 $0x3  }
0x11: {  	s13 =	sadd.s32 $0x3C00, s7;
	s7 =	sadd.s32 $0xDA00, s7;
	[dreg:$0x8] =	wrdreg s26  }
0x12: {  	s24 =	sadd.s32 s0, s10;
	s0 =	sadd.s32 s0, s25;
	[dreg:$0x4] =	wrdreg s13  }
0x13: {  	s25 =	sshrl.u32 @!p0 s8, $0x3;
	s26 =	simm.s32 $0x9E20;
	[dreg:$0x5] =	wrdreg s7  }
0x14: {  	s8 =	simm.s32 $0xC;
	[dreg:$0x6] =	wrdreg s24;
	s0 =	sadd.s32 $0x24900, s0  }
0x15: {  	s10 =	simm.s32 $0x0;
	[dreg:$0x7] =	wrdreg s0;
	s0 =	sshll.u32 @!p0 s11, $0x6  }
0x16: {  	s24 =	simm.s32 $0x8;
	[dreg:$0x9] =	wrdreg s0;
	s0 =	sor.u32 @!p0 $0x1C0D, s0  }
0x17: {  	s7 =	simm.s32 $0xB;
	[dreg:$0xa] =	wrdreg s0;
	s0 =	sshrl.u32 @!p0 s6, $0x3  }
0x18: {  	s6 =	simm.s32 $0xA;
	[dreg:$0xb] =	wrdreg s0;
	s0 =	simm.s32 $0x4  }
.LBB2_1:
0x19: {  	s13 =	simm.s32 @p0 $0x1FCD  }
0x1a: {  	[spmem:s12], [sflag:s13] =	dma.local @p0 [hbm:s5], $0x2800  }
0x1b: {  	s11 =	rddreg [dreg:$0xa]  }
0x1c: {  	s13 =	rddreg [dreg:$0xb]  }
0x1d: {  	[spmem:s13], [sflag:s11] =	dma.local @!p0 [hbm:s5], $0x2700  }
0x1e: {  	s11 =	rddreg [dreg:$0x4]  }
0x1f: {  	[tilespmem:s4], [sflag:$0xE] =	stream.linear.gather [hbm4b:s11+s4], $0x2710, $0x38;
	[tilespmem:$0x1FEA0] =	vst v63  }
0x20: {  	s14 =	simm.s32 $0x2710;
	s13 =	rddreg [dreg:$0x5]  }
0x21: {  	[tilespmem:s14], [sflag:$0xE] =	stream.linear.gather [hbm4b:s13+s4], $0x2710, $0x38;
	[tilespmem:$0x1FEA0] =	vst v63  }
0x22: {  	_ =	swait.ge [sflag:s16], $0x2710  }
0x23: {  	[sflag:s16] =	ssyncset.done $0x0  }
0x24: {  	[sflag:s16] =	ssyncadd.s32 $0xFFFFD8F0  }
0x25: {  	_ =	swait.ge [sflag:s16], $0x2710  }
0x26: {  	[sflag:s16] =	ssyncset.done $0x0  }
0x27: {  	[sflag:s16] =	ssyncadd.s32 $0xFFFFD8F0  }
0x28: {  	[tilespmem:s18], [sflag:$0x1] =	stream.indirect.gather [hbm4b:s2+s17], $0x80, s4, s17, $0xb8;
	[tilespmem:$0x1FEA0] =	vst v63  }
0x29: {  	_ = 	snop  }
0x2a: {  	[tilespmem:s19], [sflag:$0x2] =	stream.indirect.gather [hbm4b:s2+s17], $0x80, s17, s17, $0xb8;
	[tilespmem:$0x1FEA0] =	vst v63  }
0x2b: {  	s14 =	simm.s32 $0x50  }
0x2c: {  	[tilespmem:s21], [sflag:$0x3] =	stream.indirect.gather [hbm4b:s2+s17], $0x80, s14, s17, $0xb8;
	[tilespmem:$0x1FEA0] =	vst v63  }
0x2d: {  	s13 =	simm.s32 $0x78  }
0x2e: {  	[tilespmem:s23], [sflag:$0x4] =	stream.indirect.gather [hbm4b:s2+s17], $0x80, s13, s17, $0xb8;
	[tilespmem:$0x1FEA0] =	vst v63  }
0x2f: {  	s14 =	simm.s32 $0xA0  }
0x30: {  	[tilespmem:s26], [sflag:$0x5] =	stream.indirect.gather [hbm4b:s2+s17], $0x80, s14, s17, $0xb8;
	[tilespmem:$0x1FEA0] =	vst v63  }
0x31: {  	s13 =	simm.s32 $0xC8  }
0x32: {  	[tilespmem:s29], [sflag:$0x6] =	stream.indirect.gather [hbm4b:s2+s17], $0x80, s13, s17, $0xb8;
	[tilespmem:$0x1FEA0] =	vst v63  }
0x33: {  	s13 =	simm.s32 @p0 $0xD  }
0x34: {  	_ =	swait.ge @p0 [sflag:s13], $0x2800  }
0x35: {  	[sflag:s13] =	ssyncset.done @p0 $0x0  }
0x36: {  	[sflag:s13] =	ssyncadd.s32 @p0 $0xFFFFD800;
	s13 =	simm.s32 @!p0 $0xD  }
0x37: {  	_ =	swait.ge @!p0 [sflag:s13], $0x2700  }
0x38: {  	[sflag:s13] =	ssyncset.done @!p0 $0x0  }
0x39: {  	[sflag:s13] =	ssyncadd.s32 @!p0 $0xFFFFD900  }
0x3a: {  	[bflag:$0x0] =	sbarrier.arrive $0xFFFF  }
0x3b: {  	_ =	swait.ge [sflag:s30], $0x1400  }
0x3c: {  	[sflag:s30] =	ssyncset.done $0x0  }
0x3d: {  	s14 =	simm.s32 $0x2710;
	[sflag:s30] =	ssyncadd.s32 $0xFFFFEC00  }
0x3e: {  	[spmem:s3] =	stream.indirect.scatter.add.f32 [tilespmem:s18], [sflag:$0x7], $0x80, s14, s17, $0xb8;
	[tilespmem:$0x1FEA0] =	vst v63  }
0x3f: {  	_ =	swait.ge [sflag:s31], $0x1400  }
0x40: {  	[sflag:s31] =	ssyncset.done $0x0  }
0x41: {  	s11 =	simm.s32 $0x2738;
	[sflag:s31] =	ssyncadd.s32 $0xFFFFEC00  }
0x42: {  	[spmem:s3] =	stream.indirect.scatter.add.f32 [tilespmem:s19], [sflag:$0x8], $0x80, s11, s17, $0xb8;
	[tilespmem:$0x1FEA0] =	vst v63  }
0x43: {  	_ =	swait.ge [sflag:s1], $0x1400  }
0x44: {  	[sflag:s1] =	ssyncset.done $0x0  }
0x45: {  	s14 =	simm.s32 $0x2760;
	[sflag:s1] =	ssyncadd.s32 $0xFFFFEC00  }
0x46: {  	[spmem:s3] =	stream.indirect.scatter.add.f32 [tilespmem:s21], [sflag:$0x9], $0x80, s14, s17, $0xb8;
	[tilespmem:$0x1FEA0] =	vst v63  }
0x47: {  	_ =	swait.ge [sflag:s0], $0x1400  }
0x48: {  	[sflag:s0] =	ssyncset.done $0x0  }
0x49: {  	s11 =	simm.s32 $0x2788;
	[sflag:s0] =	ssyncadd.s32 $0xFFFFEC00  }
0x4a: {  	[spmem:s3] =	stream.indirect.scatter.add.f32 [tilespmem:s23], [sflag:$0xA], $0x80, s11, s17, $0xb8;
	[tilespmem:$0x1FEA0] =	vst v63  }
0x4b: {  	_ =	swait.ge [sflag:s15], $0x1400  }
0x4c: {  	[sflag:s15] =	ssyncset.done $0x0  }
0x4d: {  	s14 =	simm.s32 $0x27B0;
	[sflag:s15] =	ssyncadd.s32 $0xFFFFEC00  }
0x4e: {  	[spmem:s3] =	stream.indirect.scatter.add.f32 [tilespmem:s26], [sflag:$0xB], $0x80, s14, s17, $0xb8;
	[tilespmem:$0x1FEA0] =	vst v63  }
0x4f: {  	_ =	swait.ge [sflag:s20], $0x1400  }
0x50: {  	[sflag:s20] =	ssyncset.done $0x0  }
0x51: {  	s11 =	simm.s32 $0x27D8;
	[sflag:s20] =	ssyncadd.s32 $0xFFFFEC00  }
0x52: {  	[spmem:s3] =	stream.indirect.scatter.add.f32 [tilespmem:s29], [sflag:$0xC], $0x80, s11, s17, $0xb8;
	[tilespmem:$0x1FEA0] =	vst v63  }
0x53: {  	_ =	swait.ge [sflag:s22], $0x1400  }
0x54: {  	[sflag:s22] =	ssyncset.done $0x0  }
0x55: {  	s14 =	simm.s32 $0xF0;
	[sflag:s22] =	ssyncadd.s32 $0xFFFFEC00  }
0x56: {  	[tilespmem:s18], [sflag:$0x1] =	stream.indirect.gather [hbm4b:s2+s17], $0x80, s14, s17, $0xb8;
	[tilespmem:$0x1FEA0] =	vst v63  }
0x57: {  	_ =	swait.ge [sflag:s24], $0x1400  }
0x58: {  	[sflag:s24] =	ssyncset.done $0x0  }
0x59: {  	s11 =	simm.s32 $0x118;
	[sflag:s24] =	ssyncadd.s32 $0xFFFFEC00  }
0x5a: {  	[tilespmem:s19], [sflag:$0x2] =	stream.indirect.gather [hbm4b:s2+s17], $0x80, s11, s17, $0xb8;
	[tilespmem:$0x1FEA0] =	vst v63  }
0x5b: {  	_ =	swait.ge [sflag:s28], $0x1400  }
0x5c: {  	[sflag:s28] =	ssyncset.done $0x0  }
0x5d: {  	s14 =	simm.s32 $0x140;
	[sflag:s28] =	ssyncadd.s32 $0xFFFFEC00  }
0x5e: {  	[tilespmem:s21], [sflag:$0x3] =	stream.indirect.gather [hbm4b:s2+s17], $0x80, s14, s17, $0xb8;
	[tilespmem:$0x1FEA0] =	vst v63  }
0x5f: {  	_ =	swait.ge [sflag:s6], $0x1400  }
0x60: {  	[sflag:s6] =	ssyncset.done $0x0  }
0x61: {  	s11 =	simm.s32 $0x168;
	[sflag:s6] =	ssyncadd.s32 $0xFFFFEC00  }
0x62: {  	[tilespmem:s23], [sflag:$0x4] =	stream.indirect.gather [hbm4b:s2+s17], $0x80, s11, s17, $0xb8;
	[tilespmem:$0x1FEA0] =	vst v63  }
0x63: {  	_ =	swait.ge [sflag:s7], $0x1400  }
0x64: {  	[sflag:s7] =	ssyncset.done $0x0  }
0x65: {  	s14 =	simm.s32 $0x190;
	[sflag:s7] =	ssyncadd.s32 $0xFFFFEC00  }
0x66: {  	[tilespmem:s26], [sflag:$0x5] =	stream.indirect.gather [hbm4b:s2+s17], $0x80, s14, s17, $0xb8;
	[tilespmem:$0x1FEA0] =	vst v63  }
0x67: {  	_ =	swait.ge [sflag:s8], $0x1400  }
0x68: {  	[sflag:s8] =	ssyncset.done $0x0  }
0x69: {  	s13 =	simm.s32 $0x3C0;
	s14 =	simm.s32 $0x1B8;
	[sflag:s8] =	ssyncadd.s32 $0xFFFFEC00  }
.LBB2_2:
0x6a: {  	[tilespmem:s29], [sflag:$0x6] =	stream.indirect.gather [hbm4b:s2+s17], $0x80, s14, s17, $0xb8;
	[tilespmem:$0x1FEA0] =	vst v63  }
0x6b: {  	s14 =	smov.u32 s13  }
0x6c: {  	p1 =	sne.s32 s13, $0x9240;
	s13 =	sadd.s32 $0x3C0, s13;
	_ =	swait.ge [sflag:s30], $0x1400  }
0x6d: {  	s14 =	sshra.s32 s14, $0x2;
	[sflag:s30] =	ssyncset.done $0x0  }
0x6e: {  	s11 =	sadd.s32 $0x2710, s14;
	[sflag:s30] =	ssyncadd.s32 $0xFFFFEC00  }
0x6f: {  	[spmem:s3] =	stream.indirect.scatter.add.f32 [tilespmem:s18], [sflag:$0x7], $0x80, s11, s17, $0xb8;
	[tilespmem:$0x1FEA0] =	vst v63  }
0x70: {  	_ =	swait.ge [sflag:s31], $0x1400  }
0x71: {  	[sflag:s31] =	ssyncset.done $0x0  }
0x72: {  	s11 =	sadd.s32 $0x2738, s14;
	[sflag:s31] =	ssyncadd.s32 $0xFFFFEC00  }
0x73: {  	[spmem:s3] =	stream.indirect.scatter.add.f32 [tilespmem:s19], [sflag:$0x8], $0x80, s11, s17, $0xb8;
	[tilespmem:$0x1FEA0] =	vst v63  }
0x74: {  	_ =	swait.ge [sflag:s1], $0x1400  }
0x75: {  	[sflag:s1] =	ssyncset.done $0x0  }
0x76: {  	s11 =	sadd.s32 $0x2760, s14;
	[sflag:s1] =	ssyncadd.s32 $0xFFFFEC00  }
0x77: {  	[spmem:s3] =	stream.indirect.scatter.add.f32 [tilespmem:s21], [sflag:$0x9], $0x80, s11, s17, $0xb8;
	[tilespmem:$0x1FEA0] =	vst v63  }
0x78: {  	_ =	swait.ge [sflag:s0], $0x1400  }
0x79: {  	[sflag:s0] =	ssyncset.done $0x0  }
0x7a: {  	s11 =	sadd.s32 $0x2788, s14;
	[sflag:s0] =	ssyncadd.s32 $0xFFFFEC00  }
0x7b: {  	[spmem:s3] =	stream.indirect.scatter.add.f32 [tilespmem:s23], [sflag:$0xA], $0x80, s11, s17, $0xb8;
	[tilespmem:$0x1FEA0] =	vst v63  }
0x7c: {  	_ =	swait.ge [sflag:s15], $0x1400  }
0x7d: {  	[sflag:s15] =	ssyncset.done $0x0  }
0x7e: {  	s11 =	sadd.s32 $0x27B0, s14;
	[sflag:s15] =	ssyncadd.s32 $0xFFFFEC00  }
0x7f: {  	[spmem:s3] =	stream.indirect.scatter.add.f32 [tilespmem:s26], [sflag:$0xB], $0x80, s11, s17, $0xb8;
	[tilespmem:$0x1FEA0] =	vst v63  }
0x80: {  	_ =	swait.ge [sflag:s20], $0x1400  }
0x81: {  	[sflag:s20] =	ssyncset.done $0x0  }
0x82: {  	s11 =	sadd.s32 $0x27D8, s14;
	[sflag:s20] =	ssyncadd.s32 $0xFFFFEC00  }
0x83: {  	[spmem:s3] =	stream.indirect.scatter.add.f32 [tilespmem:s29], [sflag:$0xC], $0x80, s11, s17, $0xb8;
	[tilespmem:$0x1FEA0] =	vst v63  }
0x84: {  	_ =	swait.ge [sflag:s22], $0x1400  }
0x85: {  	[sflag:s22] =	ssyncset.done $0x0  }
0x86: {  	s11 =	sadd.s32 $0xF0, s14;
	[sflag:s22] =	ssyncadd.s32 $0xFFFFEC00  }
0x87: {  	[tilespmem:s18], [sflag:$0x1] =	stream.indirect.gather [hbm4b:s2+s17], $0x80, s11, s17, $0xb8;
	[tilespmem:$0x1FEA0] =	vst v63  }
0x88: {  	_ =	swait.ge [sflag:s24], $0x1400  }
0x89: {  	[sflag:s24] =	ssyncset.done $0x0  }
0x8a: {  	s11 =	sadd.s32 $0x118, s14;
	[sflag:s24] =	ssyncadd.s32 $0xFFFFEC00  }
0x8b: {  	[tilespmem:s19], [sflag:$0x2] =	stream.indirect.gather [hbm4b:s2+s17], $0x80, s11, s17, $0xb8;
	[tilespmem:$0x1FEA0] =	vst v63  }
0x8c: {  	_ =	swait.ge [sflag:s28], $0x1400  }
0x8d: {  	[sflag:s28] =	ssyncset.done $0x0  }
0x8e: {  	s11 =	sadd.s32 $0x140, s14;
	[sflag:s28] =	ssyncadd.s32 $0xFFFFEC00  }
0x8f: {  	[tilespmem:s21], [sflag:$0x3] =	stream.indirect.gather [hbm4b:s2+s17], $0x80, s11, s17, $0xb8;
	[tilespmem:$0x1FEA0] =	vst v63  }
0x90: {  	_ =	swait.ge [sflag:s6], $0x1400  }
0x91: {  	[sflag:s6] =	ssyncset.done $0x0  }
0x92: {  	s11 =	sadd.s32 $0x168, s14;
	[sflag:s6] =	ssyncadd.s32 $0xFFFFEC00  }
0x93: {  	[tilespmem:s23], [sflag:$0x4] =	stream.indirect.gather [hbm4b:s2+s17], $0x80, s11, s17, $0xb8;
	[tilespmem:$0x1FEA0] =	vst v63  }
0x94: {  	_ =	swait.ge [sflag:s7], $0x1400  }
0x95: {  	[sflag:s7] =	ssyncset.done $0x0  }
.Ltmp0:
0x96: {  	s11 =	sadd.s32 $0x190, s14;
	[sflag:s7] =	ssyncadd.s32 $0xFFFFEC00;
	(pc) =	sbr.rel @p1 .LBB2_2-.Ltmp0, $4  }
0x97: {  	[tilespmem:s26], [sflag:$0x5] =	stream.indirect.gather [hbm4b:s2+s17], $0x80, s11, s17, $0xb8;
	[tilespmem:$0x1FEA0] =	vst v63  }
0x98: {  	_ =	swait.ge [sflag:s8], $0x1400  }
0x99: {  	[sflag:s8] =	ssyncset.done $0x0  }
0x9a: {  	s14 =	sadd.s32 $0x1B8, s14;
	[sflag:s8] =	ssyncadd.s32 $0xFFFFEC00  }
0x9b: {  	[tilespmem:s29], [sflag:$0x6] =	stream.indirect.gather [hbm4b:s2+s17], $0x80, s14, s17, $0xb8;
	[tilespmem:$0x1FEA0] =	vst v63  }
0x9c: {  	_ =	swait.ge [sflag:s30], $0x1400  }
0x9d: {  	[sflag:s30] =	ssyncset.done $0x0  }
0x9e: {  	s11 =	simm.s32 $0x4C90;
	[sflag:s30] =	ssyncadd.s32 $0xFFFFEC00  }
0x9f: {  	[spmem:s3] =	stream.indirect.scatter.add.f32 [tilespmem:s18], [sflag:$0x7], $0x80, s11, s17, $0xb8;
	[tilespmem:$0x1FEA0] =	vst v63  }
0xa0: {  	_ =	swait.ge [sflag:s31], $0x1400  }
0xa1: {  	[sflag:s31] =	ssyncset.done $0x0  }
0xa2: {  	s13 =	simm.s32 $0x4CB8;
	[sflag:s31] =	ssyncadd.s32 $0xFFFFEC00  }
0xa3: {  	[spmem:s3] =	stream.indirect.scatter.add.f32 [tilespmem:s19], [sflag:$0x8], $0x80, s13, s17, $0xb8;
	[tilespmem:$0x1FEA0] =	vst v63  }
0xa4: {  	_ =	swait.ge [sflag:s1], $0x1400  }
0xa5: {  	[sflag:s1] =	ssyncset.done $0x0  }
0xa6: {  	s14 =	simm.s32 $0x4CE0;
	[sflag:s1] =	ssyncadd.s32 $0xFFFFEC00  }
0xa7: {  	[spmem:s3] =	stream.indirect.scatter.add.f32 [tilespmem:s21], [sflag:$0x9], $0x80, s14, s17, $0xb8;
	[tilespmem:$0x1FEA0] =	vst v63  }
0xa8: {  	_ =	swait.ge [sflag:s0], $0x1400  }
0xa9: {  	[sflag:s0] =	ssyncset.done $0x0  }
0xaa: {  	s13 =	simm.s32 $0x4D08;
	[sflag:s0] =	ssyncadd.s32 $0xFFFFEC00  }
0xab: {  	[spmem:s3] =	stream.indirect.scatter.add.f32 [tilespmem:s23], [sflag:$0xA], $0x80, s13, s17, $0xb8;
	[tilespmem:$0x1FEA0] =	vst v63  }
0xac: {  	_ =	swait.ge [sflag:s15], $0x1400  }
0xad: {  	[sflag:s15] =	ssyncset.done $0x0  }
0xae: {  	s14 =	simm.s32 $0x4D30;
	[sflag:s15] =	ssyncadd.s32 $0xFFFFEC00  }
0xaf: {  	[spmem:s3] =	stream.indirect.scatter.add.f32 [tilespmem:s26], [sflag:$0xB], $0x80, s14, s17, $0xb8;
	[tilespmem:$0x1FEA0] =	vst v63  }
0xb0: {  	_ =	swait.ge [sflag:s20], $0x1400  }
0xb1: {  	[sflag:s20] =	ssyncset.done $0x0  }
0xb2: {  	s13 =	simm.s32 $0x4D58;
	[sflag:s20] =	ssyncadd.s32 $0xFFFFEC00  }
0xb3: {  	[spmem:s3] =	stream.indirect.scatter.add.f32 [tilespmem:s29], [sflag:$0xC], $0x80, s13, s17, $0xb8;
	[tilespmem:$0x1FEA0] =	vst v63  }
0xb4: {  	_ =	swait.ge [sflag:s22], $0x1400  }
0xb5: {  	[sflag:s22] =	ssyncset.done $0x0  }
0xb6: {  	s14 =	simm.s32 $0x2670;
	[sflag:s22] =	ssyncadd.s32 $0xFFFFEC00  }
0xb7: {  	[tilespmem:s18], [sflag:$0x1] =	stream.indirect.gather [hbm4b:s2+s17], $0x80, s14, s17, $0xb8;
	[tilespmem:$0x1FEA0] =	vst v63  }
0xb8: {  	_ =	swait.ge [sflag:s24], $0x1400  }
0xb9: {  	[sflag:s24] =	ssyncset.done $0x0  }
0xba: {  	s13 =	simm.s32 $0x2698;
	[sflag:s24] =	ssyncadd.s32 $0xFFFFEC00  }
0xbb: {  	[tilespmem:s19], [sflag:$0x2] =	stream.indirect.gather [hbm4b:s2+s17], $0x80, s13, s17, $0xb8;
	[tilespmem:$0x1FEA0] =	vst v63  }
0xbc: {  	_ =	swait.ge [sflag:s28], $0x1400  }
0xbd: {  	[sflag:s28] =	ssyncset.done $0x0  }
0xbe: {  	s14 =	simm.s32 $0x26C0;
	[sflag:s28] =	ssyncadd.s32 $0xFFFFEC00  }
0xbf: {  	[tilespmem:s21], [sflag:$0x3] =	stream.indirect.gather [hbm4b:s2+s17], $0x80, s14, s17, $0xb8;
	[tilespmem:$0x1FEA0] =	vst v63  }
0xc0: {  	_ =	swait.ge [sflag:s6], $0x1400  }
0xc1: {  	[sflag:s6] =	ssyncset.done $0x0  }
0xc2: {  	s13 =	simm.s32 $0x26E8;
	[sflag:s6] =	ssyncadd.s32 $0xFFFFEC00  }
0xc3: {  	[tilespmem:s23], [sflag:$0x4] =	stream.indirect.gather [hbm4b:s2+s17], $0x80, s13, s17, $0xb8;
	[tilespmem:$0x1FEA0] =	vst v63  }
0xc4: {  	_ =	swait.ge [sflag:s7], $0x1400  }
0xc5: {  	[sflag:s7] =	ssyncset.done $0x0  }
0xc6: {  	[sflag:s7] =	ssyncadd.s32 $0xFFFFEC00  }
0xc7: {  	_ =	swait.ge [sflag:s8], $0x1400  }
0xc8: {  	[sflag:s8] =	ssyncset.done $0x0  }
0xc9: {  	[sflag:s8] =	ssyncadd.s32 $0xFFFFEC00  }
0xca: {  	_ =	swait.ge [sflag:s30], $0x1400  }
0xcb: {  	[sflag:s30] =	ssyncset.done $0x0  }
0xcc: {  	s14 =	simm.s32 $0x4D80;
	[sflag:s30] =	ssyncadd.s32 $0xFFFFEC00  }
0xcd: {  	[spmem:s3] =	stream.indirect.scatter.add.f32 [tilespmem:s18], [sflag:$0xF], $0x80, s14, s17, $0xb8;
	[tilespmem:$0x1FEA0] =	vst v63  }
0xce: {  	_ =	swait.ge [sflag:s9], $0x1400  }
0xcf: {  	[sflag:s9] =	ssyncset.done $0x0  }
0xd0: {  	[sflag:s9] =	ssyncadd.s32 $0xFFFFEC00  }
0xd1: {  	_ =	swait.ge [sflag:s31], $0x1400  }
0xd2: {  	[sflag:s31] =	ssyncset.done $0x0  }
0xd3: {  	s13 =	simm.s32 $0x4DA8;
	[sflag:s31] =	ssyncadd.s32 $0xFFFFEC00  }
0xd4: {  	[spmem:s3] =	stream.indirect.scatter.add.f32 [tilespmem:s19], [sflag:$0xF], $0x80, s13, s17, $0xb8;
	[tilespmem:$0x1FEA0] =	vst v63  }
0xd5: {  	_ =	swait.ge [sflag:s9], $0x1400  }
0xd6: {  	[sflag:s9] =	ssyncset.done $0x0  }
0xd7: {  	[sflag:s9] =	ssyncadd.s32 $0xFFFFEC00  }
0xd8: {  	_ =	swait.ge [sflag:s1], $0x1400  }
0xd9: {  	[sflag:s1] =	ssyncset.done $0x0  }
0xda: {  	s14 =	simm.s32 $0x4DD0;
	[sflag:s1] =	ssyncadd.s32 $0xFFFFEC00  }
0xdb: {  	[spmem:s3] =	stream.indirect.scatter.add.f32 [tilespmem:s21], [sflag:$0xF], $0x80, s14, s17, $0xb8;
	[tilespmem:$0x1FEA0] =	vst v63  }
0xdc: {  	_ =	swait.ge [sflag:s9], $0x1400  }
0xdd: {  	[sflag:s9] =	ssyncset.done $0x0  }
0xde: {  	[sflag:s9] =	ssyncadd.s32 $0xFFFFEC00  }
0xdf: {  	_ =	swait.ge [sflag:s0], $0x1400  }
0xe0: {  	[sflag:s0] =	ssyncset.done $0x0  }
0xe1: {  	s13 =	simm.s32 $0x4DF8;
	[sflag:s0] =	ssyncadd.s32 $0xFFFFEC00  }
0xe2: {  	[spmem:s3] =	stream.indirect.scatter.add.f32 [tilespmem:s23], [sflag:$0xF], $0x80, s13, s17, $0xb8;
	[tilespmem:$0x1FEA0] =	vst v63  }
0xe3: {  	_ =	swait.ge [sflag:s9], $0x1400  }
0xe4: {  	[sflag:s9] =	ssyncset.done $0x0  }
0xe5: {  	[sflag:s9] =	ssyncadd.s32 $0xFFFFEC00  }
0xe6: {  	[bflag:$0x0] =	sbarrier.arrive $0xFFFF  }
0xe7: {  	s11 =	simm.s32 @p0 $0x1FCF;
	s13 =	rddreg [dreg:$0x7]  }
0xe8: {  	[hbm:s13], [sflag:s11] =	dma.local @p0 [spmem:s12], $0x2800  }
0xe9: {  	s11 =	simm.s32 @p0 $0xF  }
0xea: {  	_ =	swait.ge @p0 [sflag:s11], $0x2800  }
0xeb: {  	[sflag:s11] =	ssyncset.done @p0 $0x0  }
0xec: {  	[sflag:s11] =	ssyncadd.s32 @p0 $0xFFFFD800;
	s11 =	rddreg [dreg:$0x9]  }
0xed: {  	s13 =	rddreg [dreg:$0x6];
	s11 =	sor.u32 @!p0 $0x1C0F, s11  }
0xee: {  	[hbm:s13], [sflag:s11] =	dma.local @!p0 [spmem:s25], $0x2700  }
0xef: {  	s11 =	simm.s32 @!p0 $0xF  }
0xf0: {  	_ =	swait.ge @!p0 [sflag:s11], $0x2700  }
0xf1: {  	s10 =	sadd.s32 $0x1, s10;
	s14 =	rddreg [dreg:$0x8]  }
0xf2: {  	p1 =	sne.s32 s10, s14  }
.Ltmp1:
0xf3: {  	_ = 	snop;
	(pc) =	sbr.rel @p1 .LBB2_1-.Ltmp1, $3  }
0xf4: {  	_ =	sdelay $0x1  }
0xf5: {  	[sflag:s11] =	ssyncset.done @!p0 $0x0  }
0xf6: {  	[sflag:s11] =	ssyncadd.s32 @!p0 $0xFFFFD900  }
0xf7: {  	_ =	sfence.sel $0x180000  }
0xf8: {  	[bflag:$0x0] =	sbarrier.arrive $0xFFFF  }
0xf9: {  	_ =	strace $0x90000047  }
0xfa: {  	s0 =	stileid.u32;
	[bflag:$0x2] =	sbarrier.arrive $0xFFFF  }
0xfb: {  	p0 =	sne.s32 s0, $0x0;
	s0 =	rddreg [dreg:$0x3]  }
0xfc: {  	s0 =	sadd.s32 @!p0 $0x100000, s0  }
0xfd: {  	[sflag:s0] =	ssyncadd.tile.s32 @!p0 $0x1;
	_ =	shalt  }
.Lfunc_end2:
_tile_overlayer_lowered:
.L_overlay_start_2:
0xfe: {  	(tag) =	ssettag $0x2  }
0xff: {  	s0 =	rddreg [dreg:$0x0];
	s2 =	stileid.u32  }
0x100: {  	s1 =	rddreg [dreg:$0x1];
	p0 =	sne.s32 s2, $0x0  }
0x101: {  	s3 =	rddreg [dreg:$0x2];
	[bflag:$0x3] =	sbarrier.arrive $0xFFFF;
	s2 =	simm.s32 @!p0 $0x1C0F  }
0x102: {  	[timem:s3], [sflag:s2] =	dma.local @!p0 [hbm:s0], s1  }
0x103: {  	s0 =	simm.s32 @!p0 $0xF  }
0x104: {  	_ =	swait.ge @!p0 [sflag:s0], s1  }
0x105: {  	s1 =	ssub.s32 @!p0 $0x0, s1;
	[sflag:s0] =	ssyncset.done @!p0 $0x0  }
0x106: {  	[sflag:s0] =	ssyncadd.s32 @!p0 s1  }
0x107: {  	[bflag:$0x3] =	sbarrier.arrive $0xFFFF  }
0x108: {  	_ =	shalt  }

</sc_bundles>
